<compile_context>
chip_gen: v7x
topology: tpu7x:2x2x1
jax: 0.10.2.dev20260603
libtpu: 0.0.44.dev20260713+nightly
codegen_flags: <defaults>
</compile_context>

<pallas_src>
import jax
import jax.numpy as jnp
from jax import lax
from jax.experimental import pallas as pl
from jax.experimental.pallas import tpu as pltpu
from jax.experimental.pallas import tpu_sc as plsc

_FIELD0 = 1000000
_B = 16384
_D = 16
_NC, _NS = 2, 16
_NW = _NC * _NS
_BPW = _B // _NW
_NG = _BPW // _D
_EPW = _BPW * 2 * _D
_CH = 128
_GE = 2 * _D * _D
_NQ = 4
_GPQ = _NG // _NQ
_QE = _GPQ * _GE
_SLAB = 8 * _FIELD0 * 2


def _body(xf_hbm, tflat_hbm, out_hbm, xi0_v, xi1_v, idx_v, dat_v, out_v,
          s0, s1, s2, s3):
  sems = (s0, s1, s2, s3)
  wid = lax.axis_index("s") * _NC + lax.axis_index("c")
  base = wid * _BPW

  for k in range(_BPW // _CH):
    xb = (wid * 4 + k) * 2 * _CH
    pltpu.async_copy(xf_hbm.at[pl.ds(xb, _CH)],
                     xi0_v.at[pl.ds(k * _CH, _CH)], s0)
    pltpu.async_copy(xf_hbm.at[pl.ds(xb + _CH, _CH)],
                     xi1_v.at[pl.ds(k * _CH, _CH)], s0)
  pltpu.make_async_copy(xf_hbm.at[pl.ds(0, _BPW)], xi0_v, s0).wait()
  pltpu.make_async_copy(xf_hbm.at[pl.ds(0, _BPW)], xi1_v, s0).wait()

  def build_and_fire(g, sem):
    row = pl.ds(g * _D, _D)
    for f, ref, off in ((0, xi0_v, 0), (1, xi1_v, _FIELD0)):
      iv = ref[row] + off
      ebase = (lax.shift_right_logical(iv, 7) << 10) + (iv & 127)
      for j in range(_D):
        s = f * _D + j
        jo = (j >> 3) * _SLAB + (j & 7) * _CH
        idx_v[pl.ds((g * 2 * _D + s) * _D, _D)] = ebase + jo
    for c in range(4):
      sl = pl.ds(g * _GE + c * _CH, _CH)
      pltpu.async_copy(tflat_hbm.at[idx_v.at[sl]], dat_v.at[sl], sem)

  def dot(g, carry):
    eb = g * _GE
    acc = jnp.zeros((_D,), jnp.float32)
    for j in range(_D):
      a = dat_v[pl.ds(eb + j * _D, _D)]
      b = dat_v[pl.ds(eb + (_D + j) * _D, _D)]
      acc = acc + a * b
    e = jnp.exp(-jnp.abs(acc))
    out_v[pl.ds(g * _D, _D)] = jnp.where(acc >= 0.0, 1.0 / (1.0 + e),
                                         e / (1.0 + e))
    return carry

  for q in range(_NQ):
    def bf(g, carry, _sem=sems[q], _q=q):
      build_and_fire(_q * _GPQ + g, _sem)
      return carry
    lax.fori_loop(0, _GPQ, bf, 0)
  for q in range(_NQ):
    pltpu.make_async_copy(tflat_hbm.at[pl.ds(0, _QE)],
                          dat_v.at[pl.ds(q * _QE, _QE)], sems[q]).wait()
    lax.fori_loop(q * _GPQ, (q + 1) * _GPQ, dot, 0)

  pltpu.sync_copy(out_v, out_hbm.at[pl.ds(base, _BPW)])


@jax.jit
def _run(xf, tflat):
  mesh = plsc.VectorSubcoreMesh(core_axis_name="c", subcore_axis_name="s",
                                num_cores=_NC, num_subcores=_NS)
  return pl.kernel(
      _body,
      out_type=jax.ShapeDtypeStruct((_B,), jnp.float32),
      mesh=mesh,
      compiler_params=pltpu.CompilerParams(needs_layout_passes=False,
                                           use_tc_tiling_on_sc=False),
      scratch_types=[
          pltpu.VMEM((_BPW,), jnp.int32),
          pltpu.VMEM((_BPW,), jnp.int32),
          pltpu.VMEM((_EPW,), jnp.int32),
          pltpu.VMEM((_EPW,), jnp.float32),
          pltpu.VMEM((_BPW,), jnp.float32),
          pltpu.SemaphoreType.DMA,
          pltpu.SemaphoreType.DMA,
          pltpu.SemaphoreType.DMA,
          pltpu.SemaphoreType.DMA,
      ],
  )(xf, tflat)


def kernel(x, table):
  n, b = table.shape[0], x.shape[0]
  xf = (jnp.asarray(x, jnp.int32).T.reshape(2, b // 128, 128)
        .transpose(1, 0, 2).reshape(2 * b))
  tflat = (table.T.reshape(2, 8, n // 128, 128)
           .transpose(0, 2, 1, 3).reshape(n * _D))
  return _run(xf, tflat).reshape(b, 1)

# --- scband reference (transcript-rebuilt; emitter-appended) ---
"""Pipeline reference for scband-latent-factor-model-62843961475133 (READ-ONLY COPY).

The authoritative reference and input builder live on the scoring server;
editing this copy changes nothing except your own understanding.
"""

import jax, jax.numpy as jnp
import numpy as np

FIELD_DIMS = (1000000, 1000000)
EMBED_DIM = 16
BATCH = 16384


def setup_inputs(seed: int = 0) -> dict:
    key = jax.random.key(seed)
    k_x, k_tab = jax.random.split(key)
    x = jax.random.randint(k_x, (BATCH, len(FIELD_DIMS)), 0, FIELD_DIMS[0], dtype=jnp.int64 if jax.config.jax_enable_x64 else jnp.int32)
    table = jax.random.normal(k_tab, (sum(FIELD_DIMS), EMBED_DIM), dtype=jnp.float32) * 0.01
    return {"x": x, "table": table}


def reference(x, table):
    # FeaturesEmbedding: add per-field offsets, then gather from the fused table
    offsets = jnp.asarray(np.array((0, *np.cumsum(FIELD_DIMS)[:-1])), dtype=x.dtype)
    idx = x + offsets[None, :]            # [B, 2]
    emb = jnp.take(table, idx, axis=0)    # [B, 2, D]
    # LatentFactorModel: dot product of the two field embeddings
    dot = jnp.sum(emb[:, 0] * emb[:, 1], axis=1, keepdims=True)  # [B, 1]
    return jax.nn.sigmoid(dot)

if __name__ == "__main__":
    import jax
    _d = setup_inputs()
    print(jax.jit(kernel)(*tuple(_d.values())))

</pallas_src>

<mosaic_0001>
#map = affine_map<(d0, d1) -> (0)>
module attributes {stable_mosaic.version = 14 : i64} {
  func.func @_body(%arg0: i32, %arg1: i32, %arg2: memref<32768xi32, #tpu.memory_space<hbm>>, %arg3: memref<32000000xf32, #tpu.memory_space<hbm>>, %arg4: memref<16384xf32, #tpu.memory_space<hbm>>, %arg5: memref<512xi32, #tpu.memory_space<vmem>>, %arg6: memref<512xi32, #tpu.memory_space<vmem>>, %arg7: memref<16384xi32, #tpu.memory_space<vmem>>, %arg8: memref<16384xf32, #tpu.memory_space<vmem>>, %arg9: memref<512xf32, #tpu.memory_space<vmem>>, %arg10: memref<!tpu.dma_semaphore, #tpu.memory_space<semaphore_mem>>, %arg11: memref<!tpu.dma_semaphore, #tpu.memory_space<semaphore_mem>>, %arg12: memref<!tpu.dma_semaphore, #tpu.memory_space<semaphore_mem>>, %arg13: memref<!tpu.dma_semaphore, #tpu.memory_space<semaphore_mem>>) attributes {dimension_semantics = [#tpu.dimension_semantics<core_parallel>, #tpu.dimension_semantics<subcore_parallel>], iteration_bounds = array<i64: 2, 16>, scalar_prefetch = 0 : i64, scratch_operands = 9 : i64, tpu.core_type = #tpu.core_type<sc_vector_subcore>, window_params = [{transform_indices = #map}, {transform_indices = #map}, {transform_indices = #map}]} {
    %mul3A = arith.constant 2 : i32
    %mul3A_0 = arith.muli %arg1, %mul3A : i32
    %add3A = arith.addi %mul3A_0, %arg0 : i32
    %mul3A_1 = arith.constant 512 : i32
    %mul3A_2 = arith.muli %add3A, %mul3A_1 : i32
    %mul3A_3 = arith.constant 4 : i32
    %mul3A_4 = arith.muli %add3A, %mul3A_3 : i32
    %add3A_5 = arith.constant 0 : i32
    %add3A_6 = arith.addi %mul3A_4, %add3A_5 : i32
    %mul3A_7 = arith.constant 2 : i32
    %mul3A_8 = arith.muli %add3A_6, %mul3A_7 : i32
    %mul3A_9 = arith.constant 128 : i32
    %mul3A_10 = arith.muli %mul3A_8, %mul3A_9 : i32
    %dma_start3A = arith.constant 0 : i32
    %dma_start3A_11 = tpu.memref_slice %arg5[%dma_start3A] : memref<512xi32, #tpu.memory_space<vmem>> -> memref<128xi32, #tpu.memory_space<vmem>>
    %dma_start3A_12 = tpu.memref_slice %arg2[%mul3A_10] : memref<32768xi32, #tpu.memory_space<hbm>> -> memref<128xi32, #tpu.memory_space<hbm>>
    %dma_start3A_13 = arith.constant 0 : i32
    %dma_start3A_14 = tpu.memref_slice %arg5[%dma_start3A_13] : memref<512xi32, #tpu.memory_space<vmem>> -> memref<128xi32, #tpu.memory_space<vmem>>
    %dma_start3A_15 = tpu.memref_slice %arg2[%mul3A_10] : memref<32768xi32, #tpu.memory_space<hbm>> -> memref<128xi32, #tpu.memory_space<hbm>>
    tpu.enqueue_dma source(%dma_start3A_15 : memref<128xi32, #tpu.memory_space<hbm>>) target(%dma_start3A_14 : memref<128xi32, #tpu.memory_space<vmem>>) target_semaphore(%arg10 : memref<!tpu.dma_semaphore, #tpu.memory_space<semaphore_mem>>)
    %add3A_16 = arith.constant 128 : i32
    %add3A_17 = arith.addi %mul3A_10, %add3A_16 : i32
    %dma_start3A_18 = arith.constant 0 : i32
    %dma_start3A_19 = tpu.memref_slice %arg6[%dma_start3A_18] : memref<512xi32, #tpu.memory_space<vmem>> -> memref<128xi32, #tpu.memory_space<vmem>>
    %dma_start3A_20 = tpu.memref_slice %arg2[%add3A_17] : memref<32768xi32, #tpu.memory_space<hbm>> -> memref<128xi32, #tpu.memory_space<hbm>>
    %dma_start3A_21 = arith.constant 0 : i32
    %dma_start3A_22 = tpu.memref_slice %arg6[%dma_start3A_21] : memref<512xi32, #tpu.memory_space<vmem>> -> memref<128xi32, #tpu.memory_space<vmem>>
    %dma_start3A_23 = tpu.memref_slice %arg2[%add3A_17] : memref<32768xi32, #tpu.memory_space<hbm>> -> memref<128xi32, #tpu.memory_space<hbm>>
    tpu.enqueue_dma source(%dma_start3A_23 : memref<128xi32, #tpu.memory_space<hbm>>) target(%dma_start3A_22 : memref<128xi32, #tpu.memory_space<vmem>>) target_semaphore(%arg10 : memref<!tpu.dma_semaphore, #tpu.memory_space<semaphore_mem>>)
    %mul3A_24 = arith.constant 4 : i32
    %mul3A_25 = arith.muli %add3A, %mul3A_24 : i32
    %add3A_26 = arith.constant 1 : i32
    %add3A_27 = arith.addi %mul3A_25, %add3A_26 : i32
    %mul3A_28 = arith.constant 2 : i32
    %mul3A_29 = arith.muli %add3A_27, %mul3A_28 : i32
    %mul3A_30 = arith.constant 128 : i32
    %mul3A_31 = arith.muli %mul3A_29, %mul3A_30 : i32
    %dma_start3A_32 = arith.constant 128 : i32
    %dma_start3A_33 = tpu.memref_slice %arg5[%dma_start3A_32] : memref<512xi32, #tpu.memory_space<vmem>> -> memref<128xi32, #tpu.memory_space<vmem>>
    %dma_start3A_34 = tpu.memref_slice %arg2[%mul3A_31] : memref<32768xi32, #tpu.memory_space<hbm>> -> memref<128xi32, #tpu.memory_space<hbm>>
    %dma_start3A_35 = arith.constant 128 : i32
    %dma_start3A_36 = tpu.memref_slice %arg5[%dma_start3A_35] : memref<512xi32, #tpu.memory_space<vmem>> -> memref<128xi32, #tpu.memory_space<vmem>>
    %dma_start3A_37 = tpu.memref_slice %arg2[%mul3A_31] : memref<32768xi32, #tpu.memory_space<hbm>> -> memref<128xi32, #tpu.memory_space<hbm>>
    tpu.enqueue_dma source(%dma_start3A_37 : memref<128xi32, #tpu.memory_space<hbm>>) target(%dma_start3A_36 : memref<128xi32, #tpu.memory_space<vmem>>) target_semaphore(%arg10 : memref<!tpu.dma_semaphore, #tpu.memory_space<semaphore_mem>>)
    %add3A_38 = arith.constant 128 : i32
    %add3A_39 = arith.addi %mul3A_31, %add3A_38 : i32
    %dma_start3A_40 = arith.constant 128 : i32
    %dma_start3A_41 = tpu.memref_slice %arg6[%dma_start3A_40] : memref<512xi32, #tpu.memory_space<vmem>> -> memref<128xi32, #tpu.memory_space<vmem>>
    %dma_start3A_42 = tpu.memref_slice %arg2[%add3A_39] : memref<32768xi32, #tpu.memory_space<hbm>> -> memref<128xi32, #tpu.memory_space<hbm>>
    %dma_start3A_43 = arith.constant 128 : i32
    %dma_start3A_44 = tpu.memref_slice %arg6[%dma_start3A_43] : memref<512xi32, #tpu.memory_space<vmem>> -> memref<128xi32, #tpu.memory_space<vmem>>
    %dma_start3A_45 = tpu.memref_slice %arg2[%add3A_39] : memref<32768xi32, #tpu.memory_space<hbm>> -> memref<128xi32, #tpu.memory_space<hbm>>
    tpu.enqueue_dma source(%dma_start3A_45 : memref<128xi32, #tpu.memory_space<hbm>>) target(%dma_start3A_44 : memref<128xi32, #tpu.memory_space<vmem>>) target_semaphore(%arg10 : memref<!tpu.dma_semaphore, #tpu.memory_space<semaphore_mem>>)
    %mul3A_46 = arith.constant 4 : i32
    %mul3A_47 = arith.muli %add3A, %mul3A_46 : i32
    %add3A_48 = arith.constant 2 : i32
    %add3A_49 = arith.addi %mul3A_47, %add3A_48 : i32
    %mul3A_50 = arith.constant 2 : i32
    %mul3A_51 = arith.muli %add3A_49, %mul3A_50 : i32
    %mul3A_52 = arith.constant 128 : i32
    %mul3A_53 = arith.muli %mul3A_51, %mul3A_52 : i32
    %dma_start3A_54 = arith.constant 256 : i32
    %dma_start3A_55 = tpu.memref_slice %arg5[%dma_start3A_54] : memref<512xi32, #tpu.memory_space<vmem>> -> memref<128xi32, #tpu.memory_space<vmem>>
    %dma_start3A_56 = tpu.memref_slice %arg2[%mul3A_53] : memref<32768xi32, #tpu.memory_space<hbm>> -> memref<128xi32, #tpu.memory_space<hbm>>
    %dma_start3A_57 = arith.constant 256 : i32
    %dma_start3A_58 = tpu.memref_slice %arg5[%dma_start3A_57] : memref<512xi32, #tpu.memory_space<vmem>> -> memref<128xi32, #tpu.memory_space<vmem>>
    %dma_start3A_59 = tpu.memref_slice %arg2[%mul3A_53] : memref<32768xi32, #tpu.memory_space<hbm>> -> memref<128xi32, #tpu.memory_space<hbm>>
    tpu.enqueue_dma source(%dma_start3A_59 : memref<128xi32, #tpu.memory_space<hbm>>) target(%dma_start3A_58 : memref<128xi32, #tpu.memory_space<vmem>>) target_semaphore(%arg10 : memref<!tpu.dma_semaphore, #tpu.memory_space<semaphore_mem>>)
    %add3A_60 = arith.constant 128 : i32
    %add3A_61 = arith.addi %mul3A_53, %add3A_60 : i32
    %dma_start3A_62 = arith.constant 256 : i32
    %dma_start3A_63 = tpu.memref_slice %arg6[%dma_start3A_62] : memref<512xi32, #tpu.memory_space<vmem>> -> memref<128xi32, #tpu.memory_space<vmem>>
    %dma_start3A_64 = tpu.memref_slice %arg2[%add3A_61] : memref<32768xi32, #tpu.memory_space<hbm>> -> memref<128xi32, #tpu.memory_space<hbm>>
    %dma_start3A_65 = arith.constant 256 : i32
    %dma_start3A_66 = tpu.memref_slice %arg6[%dma_start3A_65] : memref<512xi32, #tpu.memory_space<vmem>> -> memref<128xi32, #tpu.memory_space<vmem>>
    %dma_start3A_67 = tpu.memref_slice %arg2[%add3A_61] : memref<32768xi32, #tpu.memory_space<hbm>> -> memref<128xi32, #tpu.memory_space<hbm>>
    tpu.enqueue_dma source(%dma_start3A_67 : memref<128xi32, #tpu.memory_space<hbm>>) target(%dma_start3A_66 : memref<128xi32, #tpu.memory_space<vmem>>) target_semaphore(%arg10 : memref<!tpu.dma_semaphore, #tpu.memory_space<semaphore_mem>>)
    %mul3A_68 = arith.constant 4 : i32
    %mul3A_69 = arith.muli %add3A, %mul3A_68 : i32
    %add3A_70 = arith.constant 3 : i32
    %add3A_71 = arith.addi %mul3A_69, %add3A_70 : i32
    %mul3A_72 = arith.constant 2 : i32
    %mul3A_73 = arith.muli %add3A_71, %mul3A_72 : i32
    %mul3A_74 = arith.constant 128 : i32
    %mul3A_75 = arith.muli %mul3A_73, %mul3A_74 : i32
    %dma_start3A_76 = arith.constant 384 : i32
    %dma_start3A_77 = tpu.memref_slice %arg5[%dma_start3A_76] : memref<512xi32, #tpu.memory_space<vmem>> -> memref<128xi32, #tpu.memory_space<vmem>>
    %dma_start3A_78 = tpu.memref_slice %arg2[%mul3A_75] : memref<32768xi32, #tpu.memory_space<hbm>> -> memref<128xi32, #tpu.memory_space<hbm>>
    %dma_start3A_79 = arith.constant 384 : i32
    %dma_start3A_80 = tpu.memref_slice %arg5[%dma_start3A_79] : memref<512xi32, #tpu.memory_space<vmem>> -> memref<128xi32, #tpu.memory_space<vmem>>
    %dma_start3A_81 = tpu.memref_slice %arg2[%mul3A_75] : memref<32768xi32, #tpu.memory_space<hbm>> -> memref<128xi32, #tpu.memory_space<hbm>>
    tpu.enqueue_dma source(%dma_start3A_81 : memref<128xi32, #tpu.memory_space<hbm>>) target(%dma_start3A_80 : memref<128xi32, #tpu.memory_space<vmem>>) target_semaphore(%arg10 : memref<!tpu.dma_semaphore, #tpu.memory_space<semaphore_mem>>)
    %add3A_82 = arith.constant 128 : i32
    %add3A_83 = arith.addi %mul3A_75, %add3A_82 : i32
    %dma_start3A_84 = arith.constant 384 : i32
    %dma_start3A_85 = tpu.memref_slice %arg6[%dma_start3A_84] : memref<512xi32, #tpu.memory_space<vmem>> -> memref<128xi32, #tpu.memory_space<vmem>>
    %dma_start3A_86 = tpu.memref_slice %arg2[%add3A_83] : memref<32768xi32, #tpu.memory_space<hbm>> -> memref<128xi32, #tpu.memory_space<hbm>>
    %dma_start3A_87 = arith.constant 384 : i32
    %dma_start3A_88 = tpu.memref_slice %arg6[%dma_start3A_87] : memref<512xi32, #tpu.memory_space<vmem>> -> memref<128xi32, #tpu.memory_space<vmem>>
    %dma_start3A_89 = tpu.memref_slice %arg2[%add3A_83] : memref<32768xi32, #tpu.memory_space<hbm>> -> memref<128xi32, #tpu.memory_space<hbm>>
    tpu.enqueue_dma source(%dma_start3A_89 : memref<128xi32, #tpu.memory_space<hbm>>) target(%dma_start3A_88 : memref<128xi32, #tpu.memory_space<vmem>>) target_semaphore(%arg10 : memref<!tpu.dma_semaphore, #tpu.memory_space<semaphore_mem>>)
    %dma_wait3A = arith.constant 0 : i32
    %dma_wait3A_90 = tpu.memref_slice %arg2[%dma_wait3A] : memref<32768xi32, #tpu.memory_space<hbm>> -> memref<512xi32, #tpu.memory_space<hbm>>
    %dma_wait3A_91 = arith.constant 0 : i32
    %dma_wait3A_92 = tpu.memref_slice %arg2[%dma_wait3A_91] : memref<32768xi32, #tpu.memory_space<hbm>> -> memref<512xi32, #tpu.memory_space<hbm>>
    tpu.wait_dma2 semaphore(%arg10 : memref<!tpu.dma_semaphore, #tpu.memory_space<semaphore_mem>>) src(%dma_wait3A_92 : memref<512xi32, #tpu.memory_space<hbm>>) dst(%arg5 : memref<512xi32, #tpu.memory_space<vmem>>)
    %dma_wait3A_93 = arith.constant 0 : i32
    %dma_wait3A_94 = tpu.memref_slice %arg2[%dma_wait3A_93] : memref<32768xi32, #tpu.memory_space<hbm>> -> memref<512xi32, #tpu.memory_space<hbm>>
    %dma_wait3A_95 = arith.constant 0 : i32
    %dma_wait3A_96 = tpu.memref_slice %arg2[%dma_wait3A_95] : memref<32768xi32, #tpu.memory_space<hbm>> -> memref<512xi32, #tpu.memory_space<hbm>>
    tpu.wait_dma2 semaphore(%arg10 : memref<!tpu.dma_semaphore, #tpu.memory_space<semaphore_mem>>) src(%dma_wait3A_96 : memref<512xi32, #tpu.memory_space<hbm>>) dst(%arg6 : memref<512xi32, #tpu.memory_space<vmem>>)
    %scan3A = arith.constant 0 : i32
    %scan3A_97 = arith.constant 0 : i32
    %scan3A_98 = arith.constant 8 : i32
    %scan3A_99 = arith.addi %scan3A_97, %scan3A_98 : i32
    %scan3A_100 = arith.constant 1 : i32
    scf.for %scan3A_176 = %scan3A_97 to %scan3A_99 step %scan3A_100  : i32 {
      %add3A_177 = arith.constant 0 : i32
      %add3A_178 = arith.addi %add3A_177, %scan3A_176 : i32
      %mul3A_179 = arith.constant 16 : i32
      %mul3A_180 = arith.muli %add3A_178, %mul3A_179 : i32
      %get3A = arith.index_cast %mul3A_180 : i32 to index
      %get3A_181 = tpu.vector_load %arg5[%get3A] {strides = array<i32>} : memref<512xi32, #tpu.memory_space<vmem>>, vector<16xi32>,
      %add3A_182 = arith.constant 0 : i32
      %add3A_183 = vector.broadcast %add3A_182 : i32 to vector<16xi32>
      %add3A_184 = arith.addi %get3A_181, %add3A_183 : vector<16xi32>
      %shift_right_logical3A = arith.constant 7 : i32
      %shift_right_logical3A_185 = vector.broadcast %shift_right_logical3A : i32 to vector<16xi32>
      %shift_right_logical3A_186 = arith.shrui %add3A_184, %shift_right_logical3A_185 : vector<16xi32>
      %shift_left3A = arith.constant 10 : i32
      %shift_left3A_187 = vector.broadcast %shift_left3A : i32 to vector<16xi32>
      %shift_left3A_188 = arith.shli %shift_right_logical3A_186, %shift_left3A_187 : vector<16xi32>
      %and3A = arith.constant 127 : i32
      %and3A_189 = vector.broadcast %and3A : i32 to vector<16xi32>
      %and3A_190 = arith.andi %add3A_184, %and3A_189 : vector<16xi32>
      %add3A_191 = arith.addi %shift_left3A_188, %and3A_190 : vector<16xi32>
      %add3A_192 = arith.constant 0 : i32
      %add3A_193 = vector.broadcast %add3A_192 : i32 to vector<16xi32>
      %add3A_194 = arith.addi %add3A_191, %add3A_193 : vector<16xi32>
      %mul3A_195 = arith.constant 2 : i32
      %mul3A_196 = arith.muli %add3A_178, %mul3A_195 : i32
      %mul3A_197 = arith.constant 16 : i32
      %mul3A_198 = arith.muli %mul3A_196, %mul3A_197 : i32
      %add3A_199 = arith.constant 0 : i32
      %add3A_200 = arith.addi %mul3A_198, %add3A_199 : i32
      %mul3A_201 = arith.constant 16 : i32
      %mul3A_202 = arith.muli %add3A_200, %mul3A_201 : i32
      %swap3A = arith.index_cast %mul3A_202 : i32 to index
      %swap3A_203 = tpu.vector_load %arg7[%swap3A] {strides = array<i32>} : memref<16384xi32, #tpu.memory_space<vmem>>, vector<16xi32>,
      tpu.vector_store %arg7[%swap3A], %add3A_194 {strides = array<i32>} : memref<16384xi32, #tpu.memory_space<vmem>>, vector<16xi32>,
      %add3A_204 = arith.constant 128 : i32
      %add3A_205 = vector.broadcast %add3A_204 : i32 to vector<16xi32>
      %add3A_206 = arith.addi %add3A_191, %add3A_205 : vector<16xi32>
      %mul3A_207 = arith.constant 2 : i32
      %mul3A_208 = arith.muli %add3A_178, %mul3A_207 : i32
      %mul3A_209 = arith.constant 16 : i32
      %mul3A_210 = arith.muli %mul3A_208, %mul3A_209 : i32
      %add3A_211 = arith.constant 1 : i32
      %add3A_212 = arith.addi %mul3A_210, %add3A_211 : i32
      %mul3A_213 = arith.constant 16 : i32
      %mul3A_214 = arith.muli %add3A_212, %mul3A_213 : i32
      %swap3A_215 = arith.index_cast %mul3A_214 : i32 to index
      %swap3A_216 = tpu.vector_load %arg7[%swap3A_215] {strides = array<i32>} : memref<16384xi32, #tpu.memory_space<vmem>>, vector<16xi32>,
      tpu.vector_store %arg7[%swap3A_215], %add3A_206 {strides = array<i32>} : memref<16384xi32, #tpu.memory_space<vmem>>, vector<16xi32>,
      %add3A_217 = arith.constant 256 : i32
      %add3A_218 = vector.broadcast %add3A_217 : i32 to vector<16xi32>
      %add3A_219 = arith.addi %add3A_191, %add3A_218 : vector<16xi32>
      %mul3A_220 = arith.constant 2 : i32
      %mul3A_221 = arith.muli %add3A_178, %mul3A_220 : i32
      %mul3A_222 = arith.constant 16 : i32
      %mul3A_223 = arith.muli %mul3A_221, %mul3A_222 : i32
      %add3A_224 = arith.constant 2 : i32
      %add3A_225 = arith.addi %mul3A_223, %add3A_224 : i32
      %mul3A_226 = arith.constant 16 : i32
      %mul3A_227 = arith.muli %add3A_225, %mul3A_226 : i32
      %swap3A_228 = arith.index_cast %mul3A_227 : i32 to index
      %swap3A_229 = tpu.vector_load %arg7[%swap3A_228] {strides = array<i32>} : memref<16384xi32, #tpu.memory_space<vmem>>, vector<16xi32>,
      tpu.vector_store %arg7[%swap3A_228], %add3A_219 {strides = array<i32>} : memref<16384xi32, #tpu.memory_space<vmem>>, vector<16xi32>,
      %add3A_230 = arith.constant 384 : i32
      %add3A_231 = vector.broadcast %add3A_230 : i32 to vector<16xi32>
      %add3A_232 = arith.addi %add3A_191, %add3A_231 : vector<16xi32>
      %mul3A_233 = arith.constant 2 : i32
      %mul3A_234 = arith.muli %add3A_178, %mul3A_233 : i32
      %mul3A_235 = arith.constant 16 : i32
      %mul3A_236 = arith.muli %mul3A_234, %mul3A_235 : i32
      %add3A_237 = arith.constant 3 : i32
      %add3A_238 = arith.addi %mul3A_236, %add3A_237 : i32
      %mul3A_239 = arith.constant 16 : i32
      %mul3A_240 = arith.muli %add3A_238, %mul3A_239 : i32
      %swap3A_241 = arith.index_cast %mul3A_240 : i32 to index
      %swap3A_242 = tpu.vector_load %arg7[%swap3A_241] {strides = array<i32>} : memref<16384xi32, #tpu.memory_space<vmem>>, vector<16xi32>,
      tpu.vector_store %arg7[%swap3A_241], %add3A_232 {strides = array<i32>} : memref<16384xi32, #tpu.memory_space<vmem>>, vector<16xi32>,
      %add3A_243 = arith.constant 512 : i32
      %add3A_244 = vector.broadcast %add3A_243 : i32 to vector<16xi32>
      %add3A_245 = arith.addi %add3A_191, %add3A_244 : vector<16xi32>
      %mul3A_246 = arith.constant 2 : i32
      %mul3A_247 = arith.muli %add3A_178, %mul3A_246 : i32
      %mul3A_248 = arith.constant 16 : i32
      %mul3A_249 = arith.muli %mul3A_247, %mul3A_248 : i32
      %add3A_250 = arith.constant 4 : i32
      %add3A_251 = arith.addi %mul3A_249, %add3A_250 : i32
      %mul3A_252 = arith.constant 16 : i32
      %mul3A_253 = arith.muli %add3A_251, %mul3A_252 : i32
      %swap3A_254 = arith.index_cast %mul3A_253 : i32 to index
      %swap3A_255 = tpu.vector_load %arg7[%swap3A_254] {strides = array<i32>} : memref<16384xi32, #tpu.memory_space<vmem>>, vector<16xi32>,
      tpu.vector_store %arg7[%swap3A_254], %add3A_245 {strides = array<i32>} : memref<16384xi32, #tpu.memory_space<vmem>>, vector<16xi32>,
      %add3A_256 = arith.constant 640 : i32
      %add3A_257 = vector.broadcast %add3A_256 : i32 to vector<16xi32>
      %add3A_258 = arith.addi %add3A_191, %add3A_257 : vector<16xi32>
      %mul3A_259 = arith.constant 2 : i32
      %mul3A_260 = arith.muli %add3A_178, %mul3A_259 : i32
      %mul3A_261 = arith.constant 16 : i32
      %mul3A_262 = arith.muli %mul3A_260, %mul3A_261 : i32
      %add3A_263 = arith.constant 5 : i32
      %add3A_264 = arith.addi %mul3A_262, %add3A_263 : i32
      %mul3A_265 = arith.constant 16 : i32
      %mul3A_266 = arith.muli %add3A_264, %mul3A_265 : i32
      %swap3A_267 = arith.index_cast %mul3A_266 : i32 to index
      %swap3A_268 = tpu.vector_load %arg7[%swap3A_267] {strides = array<i32>} : memref<16384xi32, #tpu.memory_space<vmem>>, vector<16xi32>,
      tpu.vector_store %arg7[%swap3A_267], %add3A_258 {strides = array<i32>} : memref<16384xi32, #tpu.memory_space<vmem>>, vector<16xi32>,
      %add3A_269 = arith.constant 768 : i32
      %add3A_270 = vector.broadcast %add3A_269 : i32 to vector<16xi32>
      %add3A_271 = arith.addi %add3A_191, %add3A_270 : vector<16xi32>
      %mul3A_272 = arith.constant 2 : i32
      %mul3A_273 = arith.muli %add3A_178, %mul3A_272 : i32
      %mul3A_274 = arith.constant 16 : i32
      %mul3A_275 = arith.muli %mul3A_273, %mul3A_274 : i32
      %add3A_276 = arith.constant 6 : i32
      %add3A_277 = arith.addi %mul3A_275, %add3A_276 : i32
      %mul3A_278 = arith.constant 16 : i32
      %mul3A_279 = arith.muli %add3A_277, %mul3A_278 : i32
      %swap3A_280 = arith.index_cast %mul3A_279 : i32 to index
      %swap3A_281 = tpu.vector_load %arg7[%swap3A_280] {strides = array<i32>} : memref<16384xi32, #tpu.memory_space<vmem>>, vector<16xi32>,
      tpu.vector_store %arg7[%swap3A_280], %add3A_271 {strides = array<i32>} : memref<16384xi32, #tpu.memory_space<vmem>>, vector<16xi32>,
      %add3A_282 = arith.constant 896 : i32
      %add3A_283 = vector.broadcast %add3A_282 : i32 to vector<16xi32>
      %add3A_284 = arith.addi %add3A_191, %add3A_283 : vector<16xi32>
      %mul3A_285 = arith.constant 2 : i32
      %mul3A_286 = arith.muli %add3A_178, %mul3A_285 : i32
      %mul3A_287 = arith.constant 16 : i32
      %mul3A_288 = arith.muli %mul3A_286, %mul3A_287 : i32
      %add3A_289 = arith.constant 7 : i32
      %add3A_290 = arith.addi %mul3A_288, %add3A_289 : i32
      %mul3A_291 = arith.constant 16 : i32
      %mul3A_292 = arith.muli %add3A_290, %mul3A_291 : i32
      %swap3A_293 = arith.index_cast %mul3A_292 : i32 to index
      %swap3A_294 = tpu.vector_load %arg7[%swap3A_293] {strides = array<i32>} : memref<16384xi32, #tpu.memory_space<vmem>>, vector<16xi32>,
      tpu.vector_store %arg7[%swap3A_293], %add3A_284 {strides = array<i32>} : memref<16384xi32, #tpu.memory_space<vmem>>, vector<16xi32>,
      %add3A_295 = arith.constant 16000000 : i32
      %add3A_296 = vector.broadcast %add3A_295 : i32 to vector<16xi32>
      %add3A_297 = arith.addi %add3A_191, %add3A_296 : vector<16xi32>
      %mul3A_298 = arith.constant 2 : i32
      %mul3A_299 = arith.muli %add3A_178, %mul3A_298 : i32
      %mul3A_300 = arith.constant 16 : i32
      %mul3A_301 = arith.muli %mul3A_299, %mul3A_300 : i32
      %add3A_302 = arith.constant 8 : i32
      %add3A_303 = arith.addi %mul3A_301, %add3A_302 : i32
      %mul3A_304 = arith.constant 16 : i32
      %mul3A_305 = arith.muli %add3A_303, %mul3A_304 : i32
      %swap3A_306 = arith.index_cast %mul3A_305 : i32 to index
      %swap3A_307 = tpu.vector_load %arg7[%swap3A_306] {strides = array<i32>} : memref<16384xi32, #tpu.memory_space<vmem>>, vector<16xi32>,
      tpu.vector_store %arg7[%swap3A_306], %add3A_297 {strides = array<i32>} : memref<16384xi32, #tpu.memory_space<vmem>>, vector<16xi32>,
      %add3A_308 = arith.constant 16000128 : i32
      %add3A_309 = vector.broadcast %add3A_308 : i32 to vector<16xi32>
      %add3A_310 = arith.addi %add3A_191, %add3A_309 : vector<16xi32>
      %mul3A_311 = arith.constant 2 : i32
      %mul3A_312 = arith.muli %add3A_178, %mul3A_311 : i32
      %mul3A_313 = arith.constant 16 : i32
      %mul3A_314 = arith.muli %mul3A_312, %mul3A_313 : i32
      %add3A_315 = arith.constant 9 : i32
      %add3A_316 = arith.addi %mul3A_314, %add3A_315 : i32
      %mul3A_317 = arith.constant 16 : i32
      %mul3A_318 = arith.muli %add3A_316, %mul3A_317 : i32
      %swap3A_319 = arith.index_cast %mul3A_318 : i32 to index
      %swap3A_320 = tpu.vector_load %arg7[%swap3A_319] {strides = array<i32>} : memref<16384xi32, #tpu.memory_space<vmem>>, vector<16xi32>,
      tpu.vector_store %arg7[%swap3A_319], %add3A_310 {strides = array<i32>} : memref<16384xi32, #tpu.memory_space<vmem>>, vector<16xi32>,
      %add3A_321 = arith.constant 16000256 : i32
      %add3A_322 = vector.broadcast %add3A_321 : i32 to vector<16xi32>
      %add3A_323 = arith.addi %add3A_191, %add3A_322 : vector<16xi32>
      %mul3A_324 = arith.constant 2 : i32
      %mul3A_325 = arith.muli %add3A_178, %mul3A_324 : i32
      %mul3A_326 = arith.constant 16 : i32
      %mul3A_327 = arith.muli %mul3A_325, %mul3A_326 : i32
      %add3A_328 = arith.constant 10 : i32
      %add3A_329 = arith.addi %mul3A_327, %add3A_328 : i32
      %mul3A_330 = arith.constant 16 : i32
      %mul3A_331 = arith.muli %add3A_329, %mul3A_330 : i32
      %swap3A_332 = arith.index_cast %mul3A_331 : i32 to index
      %swap3A_333 = tpu.vector_load %arg7[%swap3A_332] {strides = array<i32>} : memref<16384xi32, #tpu.memory_space<vmem>>, vector<16xi32>,
      tpu.vector_store %arg7[%swap3A_332], %add3A_323 {strides = array<i32>} : memref<16384xi32, #tpu.memory_space<vmem>>, vector<16xi32>,
      %add3A_334 = arith.constant 16000384 : i32
      %add3A_335 = vector.broadcast %add3A_334 : i32 to vector<16xi32>
      %add3A_336 = arith.addi %add3A_191, %add3A_335 : vector<16xi32>
      %mul3A_337 = arith.constant 2 : i32
      %mul3A_338 = arith.muli %add3A_178, %mul3A_337 : i32
      %mul3A_339 = arith.constant 16 : i32
      %mul3A_340 = arith.muli %mul3A_338, %mul3A_339 : i32
      %add3A_341 = arith.constant 11 : i32
      %add3A_342 = arith.addi %mul3A_340, %add3A_341 : i32
      %mul3A_343 = arith.constant 16 : i32
      %mul3A_344 = arith.muli %add3A_342, %mul3A_343 : i32
      %swap3A_345 = arith.index_cast %mul3A_344 : i32 to index
      %swap3A_346 = tpu.vector_load %arg7[%swap3A_345] {strides = array<i32>} : memref<16384xi32, #tpu.memory_space<vmem>>, vector<16xi32>,
      tpu.vector_store %arg7[%swap3A_345], %add3A_336 {strides = array<i32>} : memref<16384xi32, #tpu.memory_space<vmem>>, vector<16xi32>,
      %add3A_347 = arith.constant 16000512 : i32
      %add3A_348 = vector.broadcast %add3A_347 : i32 to vector<16xi32>
      %add3A_349 = arith.addi %add3A_191, %add3A_348 : vector<16xi32>
      %mul3A_350 = arith.constant 2 : i32
      %mul3A_351 = arith.muli %add3A_178, %mul3A_350 : i32
      %mul3A_352 = arith.constant 16 : i32
      %mul3A_353 = arith.muli %mul3A_351, %mul3A_352 : i32
      %add3A_354 = arith.constant 12 : i32
      %add3A_355 = arith.addi %mul3A_353, %add3A_354 : i32
      %mul3A_356 = arith.constant 16 : i32
      %mul3A_357 = arith.muli %add3A_355, %mul3A_356 : i32
      %swap3A_358 = arith.index_cast %mul3A_357 : i32 to index
      %swap3A_359 = tpu.vector_load %arg7[%swap3A_358] {strides = array<i32>} : memref<16384xi32, #tpu.memory_space<vmem>>, vector<16xi32>,
      tpu.vector_store %arg7[%swap3A_358], %add3A_349 {strides = array<i32>} : memref<16384xi32, #tpu.memory_space<vmem>>, vector<16xi32>,
      %add3A_360 = arith.constant 16000640 : i32
      %add3A_361 = vector.broadcast %add3A_360 : i32 to vector<16xi32>
      %add3A_362 = arith.addi %add3A_191, %add3A_361 : vector<16xi32>
      %mul3A_363 = arith.constant 2 : i32
      %mul3A_364 = arith.muli %add3A_178, %mul3A_363 : i32
      %mul3A_365 = arith.constant 16 : i32
      %mul3A_366 = arith.muli %mul3A_364, %mul3A_365 : i32
      %add3A_367 = arith.constant 13 : i32
      %add3A_368 = arith.addi %mul3A_366, %add3A_367 : i32
      %mul3A_369 = arith.constant 16 : i32
      %mul3A_370 = arith.muli %add3A_368, %mul3A_369 : i32
      %swap3A_371 = arith.index_cast %mul3A_370 : i32 to index
      %swap3A_372 = tpu.vector_load %arg7[%swap3A_371] {strides = array<i32>} : memref<16384xi32, #tpu.memory_space<vmem>>, vector<16xi32>,
      tpu.vector_store %arg7[%swap3A_371], %add3A_362 {strides = array<i32>} : memref<16384xi32, #tpu.memory_space<vmem>>, vector<16xi32>,
      %add3A_373 = arith.constant 16000768 : i32
      %add3A_374 = vector.broadcast %add3A_373 : i32 to vector<16xi32>
      %add3A_375 = arith.addi %add3A_191, %add3A_374 : vector<16xi32>
      %mul3A_376 = arith.constant 2 : i32
      %mul3A_377 = arith.muli %add3A_178, %mul3A_376 : i32
      %mul3A_378 = arith.constant 16 : i32
      %mul3A_379 = arith.muli %mul3A_377, %mul3A_378 : i32
      %add3A_380 = arith.constant 14 : i32
      %add3A_381 = arith.addi %mul3A_379, %add3A_380 : i32
      %mul3A_382 = arith.constant 16 : i32
      %mul3A_383 = arith.muli %add3A_381, %mul3A_382 : i32
      %swap3A_384 = arith.index_cast %mul3A_383 : i32 to index
      %swap3A_385 = tpu.vector_load %arg7[%swap3A_384] {strides = array<i32>} : memref<16384xi32, #tpu.memory_space<vmem>>, vector<16xi32>,
      tpu.vector_store %arg7[%swap3A_384], %add3A_375 {strides = array<i32>} : memref<16384xi32, #tpu.memory_space<vmem>>, vector<16xi32>,
      %add3A_386 = arith.constant 16000896 : i32
      %add3A_387 = vector.broadcast %add3A_386 : i32 to vector<16xi32>
      %add3A_388 = arith.addi %add3A_191, %add3A_387 : vector<16xi32>
      %mul3A_389 = arith.constant 2 : i32
      %mul3A_390 = arith.muli %add3A_178, %mul3A_389 : i32
      %mul3A_391 = arith.constant 16 : i32
      %mul3A_392 = arith.muli %mul3A_390, %mul3A_391 : i32
      %add3A_393 = arith.constant 15 : i32
      %add3A_394 = arith.addi %mul3A_392, %add3A_393 : i32
      %mul3A_395 = arith.constant 16 : i32
      %mul3A_396 = arith.muli %add3A_394, %mul3A_395 : i32
      %swap3A_397 = arith.index_cast %mul3A_396 : i32 to index
      %swap3A_398 = tpu.vector_load %arg7[%swap3A_397] {strides = array<i32>} : memref<16384xi32, #tpu.memory_space<vmem>>, vector<16xi32>,
      tpu.vector_store %arg7[%swap3A_397], %add3A_388 {strides = array<i32>} : memref<16384xi32, #tpu.memory_space<vmem>>, vector<16xi32>,
      %get3A_399 = arith.index_cast %mul3A_180 : i32 to index
      %get3A_400 = tpu.vector_load %arg6[%get3A_399] {strides = array<i32>} : memref<512xi32, #tpu.memory_space<vmem>>, vector<16xi32>,
      %add3A_401 = arith.constant 1000000 : i32
      %add3A_402 = vector.broadcast %add3A_401 : i32 to vector<16xi32>
      %add3A_403 = arith.addi %get3A_400, %add3A_402 : vector<16xi32>
      %shift_right_logical3A_404 = arith.constant 7 : i32
      %shift_right_logical3A_405 = vector.broadcast %shift_right_logical3A_404 : i32 to vector<16xi32>
      %shift_right_logical3A_406 = arith.shrui %add3A_403, %shift_right_logical3A_405 : vector<16xi32>
      %shift_left3A_407 = arith.constant 10 : i32
      %shift_left3A_408 = vector.broadcast %shift_left3A_407 : i32 to vector<16xi32>
      %shift_left3A_409 = arith.shli %shift_right_logical3A_406, %shift_left3A_408 : vector<16xi32>
      %and3A_410 = arith.constant 127 : i32
      %and3A_411 = vector.broadcast %and3A_410 : i32 to vector<16xi32>
      %and3A_412 = arith.andi %add3A_403, %and3A_411 : vector<16xi32>
      %add3A_413 = arith.addi %shift_left3A_409, %and3A_412 : vector<16xi32>
      %add3A_414 = arith.constant 0 : i32
      %add3A_415 = vector.broadcast %add3A_414 : i32 to vector<16xi32>
      %add3A_416 = arith.addi %add3A_413, %add3A_415 : vector<16xi32>
      %mul3A_417 = arith.constant 2 : i32
      %mul3A_418 = arith.muli %add3A_178, %mul3A_417 : i32
      %mul3A_419 = arith.constant 16 : i32
      %mul3A_420 = arith.muli %mul3A_418, %mul3A_419 : i32
      %add3A_421 = arith.constant 16 : i32
      %add3A_422 = arith.addi %mul3A_420, %add3A_421 : i32
      %mul3A_423 = arith.constant 16 : i32
      %mul3A_424 = arith.muli %add3A_422, %mul3A_423 : i32
      %swap3A_425 = arith.index_cast %mul3A_424 : i32 to index
      %swap3A_426 = tpu.vector_load %arg7[%swap3A_425] {strides = array<i32>} : memref<16384xi32, #tpu.memory_space<vmem>>, vector<16xi32>,
      tpu.vector_store %arg7[%swap3A_425], %add3A_416 {strides = array<i32>} : memref<16384xi32, #tpu.memory_space<vmem>>, vector<16xi32>,
      %add3A_427 = arith.constant 128 : i32
      %add3A_428 = vector.broadcast %add3A_427 : i32 to vector<16xi32>
      %add3A_429 = arith.addi %add3A_413, %add3A_428 : vector<16xi32>
      %mul3A_430 = arith.constant 2 : i32
      %mul3A_431 = arith.muli %add3A_178, %mul3A_430 : i32
      %mul3A_432 = arith.constant 16 : i32
      %mul3A_433 = arith.muli %mul3A_431, %mul3A_432 : i32
      %add3A_434 = arith.constant 17 : i32
      %add3A_435 = arith.addi %mul3A_433, %add3A_434 : i32
      %mul3A_436 = arith.constant 16 : i32
      %mul3A_437 = arith.muli %add3A_435, %mul3A_436 : i32
      %swap3A_438 = arith.index_cast %mul3A_437 : i32 to index
      %swap3A_439 = tpu.vector_load %arg7[%swap3A_438] {strides = array<i32>} : memref<16384xi32, #tpu.memory_space<vmem>>, vector<16xi32>,
      tpu.vector_store %arg7[%swap3A_438], %add3A_429 {strides = array<i32>} : memref<16384xi32, #tpu.memory_space<vmem>>, vector<16xi32>,
      %add3A_440 = arith.constant 256 : i32
      %add3A_441 = vector.broadcast %add3A_440 : i32 to vector<16xi32>
      %add3A_442 = arith.addi %add3A_413, %add3A_441 : vector<16xi32>
      %mul3A_443 = arith.constant 2 : i32
      %mul3A_444 = arith.muli %add3A_178, %mul3A_443 : i32
      %mul3A_445 = arith.constant 16 : i32
      %mul3A_446 = arith.muli %mul3A_444, %mul3A_445 : i32
      %add3A_447 = arith.constant 18 : i32
      %add3A_448 = arith.addi %mul3A_446, %add3A_447 : i32
      %mul3A_449 = arith.constant 16 : i32
      %mul3A_450 = arith.muli %add3A_448, %mul3A_449 : i32
      %swap3A_451 = arith.index_cast %mul3A_450 : i32 to index
      %swap3A_452 = tpu.vector_load %arg7[%swap3A_451] {strides = array<i32>} : memref<16384xi32, #tpu.memory_space<vmem>>, vector<16xi32>,
      tpu.vector_store %arg7[%swap3A_451], %add3A_442 {strides = array<i32>} : memref<16384xi32, #tpu.memory_space<vmem>>, vector<16xi32>,
      %add3A_453 = arith.constant 384 : i32
      %add3A_454 = vector.broadcast %add3A_453 : i32 to vector<16xi32>
      %add3A_455 = arith.addi %add3A_413, %add3A_454 : vector<16xi32>
      %mul3A_456 = arith.constant 2 : i32
      %mul3A_457 = arith.muli %add3A_178, %mul3A_456 : i32
      %mul3A_458 = arith.constant 16 : i32
      %mul3A_459 = arith.muli %mul3A_457, %mul3A_458 : i32
      %add3A_460 = arith.constant 19 : i32
      %add3A_461 = arith.addi %mul3A_459, %add3A_460 : i32
      %mul3A_462 = arith.constant 16 : i32
      %mul3A_463 = arith.muli %add3A_461, %mul3A_462 : i32
      %swap3A_464 = arith.index_cast %mul3A_463 : i32 to index
      %swap3A_465 = tpu.vector_load %arg7[%swap3A_464] {strides = array<i32>} : memref<16384xi32, #tpu.memory_space<vmem>>, vector<16xi32>,
      tpu.vector_store %arg7[%swap3A_464], %add3A_455 {strides = array<i32>} : memref<16384xi32, #tpu.memory_space<vmem>>, vector<16xi32>,
      %add3A_466 = arith.constant 512 : i32
      %add3A_467 = vector.broadcast %add3A_466 : i32 to vector<16xi32>
      %add3A_468 = arith.addi %add3A_413, %add3A_467 : vector<16xi32>
      %mul3A_469 = arith.constant 2 : i32
      %mul3A_470 = arith.muli %add3A_178, %mul3A_469 : i32
      %mul3A_471 = arith.constant 16 : i32
      %mul3A_472 = arith.muli %mul3A_470, %mul3A_471 : i32
      %add3A_473 = arith.constant 20 : i32
      %add3A_474 = arith.addi %mul3A_472, %add3A_473 : i32
      %mul3A_475 = arith.constant 16 : i32
      %mul3A_476 = arith.muli %add3A_474, %mul3A_475 : i32
      %swap3A_477 = arith.index_cast %mul3A_476 : i32 to index
      %swap3A_478 = tpu.vector_load %arg7[%swap3A_477] {strides = array<i32>} : memref<16384xi32, #tpu.memory_space<vmem>>, vector<16xi32>,
      tpu.vector_store %arg7[%swap3A_477], %add3A_468 {strides = array<i32>} : memref<16384xi32, #tpu.memory_space<vmem>>, vector<16xi32>,
      %add3A_479 = arith.constant 640 : i32
      %add3A_480 = vector.broadcast %add3A_479 : i32 to vector<16xi32>
      %add3A_481 = arith.addi %add3A_413, %add3A_480 : vector<16xi32>
      %mul3A_482 = arith.constant 2 : i32
      %mul3A_483 = arith.muli %add3A_178, %mul3A_482 : i32
      %mul3A_484 = arith.constant 16 : i32
      %mul3A_485 = arith.muli %mul3A_483, %mul3A_484 : i32
      %add3A_486 = arith.constant 21 : i32
      %add3A_487 = arith.addi %mul3A_485, %add3A_486 : i32
      %mul3A_488 = arith.constant 16 : i32
      %mul3A_489 = arith.muli %add3A_487, %mul3A_488 : i32
      %swap3A_490 = arith.index_cast %mul3A_489 : i32 to index
      %swap3A_491 = tpu.vector_load %arg7[%swap3A_490] {strides = array<i32>} : memref<16384xi32, #tpu.memory_space<vmem>>, vector<16xi32>,
      tpu.vector_store %arg7[%swap3A_490], %add3A_481 {strides = array<i32>} : memref<16384xi32, #tpu.memory_space<vmem>>, vector<16xi32>,
      %add3A_492 = arith.constant 768 : i32
      %add3A_493 = vector.broadcast %add3A_492 : i32 to vector<16xi32>
      %add3A_494 = arith.addi %add3A_413, %add3A_493 : vector<16xi32>
      %mul3A_495 = arith.constant 2 : i32
      %mul3A_496 = arith.muli %add3A_178, %mul3A_495 : i32
      %mul3A_497 = arith.constant 16 : i32
      %mul3A_498 = arith.muli %mul3A_496, %mul3A_497 : i32
      %add3A_499 = arith.constant 22 : i32
      %add3A_500 = arith.addi %mul3A_498, %add3A_499 : i32
      %mul3A_501 = arith.constant 16 : i32
      %mul3A_502 = arith.muli %add3A_500, %mul3A_501 : i32
      %swap3A_503 = arith.index_cast %mul3A_502 : i32 to index
      %swap3A_504 = tpu.vector_load %arg7[%swap3A_503] {strides = array<i32>} : memref<16384xi32, #tpu.memory_space<vmem>>, vector<16xi32>,
      tpu.vector_store %arg7[%swap3A_503], %add3A_494 {strides = array<i32>} : memref<16384xi32, #tpu.memory_space<vmem>>, vector<16xi32>,
      %add3A_505 = arith.constant 896 : i32
      %add3A_506 = vector.broadcast %add3A_505 : i32 to vector<16xi32>
      %add3A_507 = arith.addi %add3A_413, %add3A_506 : vector<16xi32>
      %mul3A_508 = arith.constant 2 : i32
      %mul3A_509 = arith.muli %add3A_178, %mul3A_508 : i32
      %mul3A_510 = arith.constant 16 : i32
      %mul3A_511 = arith.muli %mul3A_509, %mul3A_510 : i32
      %add3A_512 = arith.constant 23 : i32
      %add3A_513 = arith.addi %mul3A_511, %add3A_512 : i32
      %mul3A_514 = arith.constant 16 : i32
      %mul3A_515 = arith.muli %add3A_513, %mul3A_514 : i32
      %swap3A_516 = arith.index_cast %mul3A_515 : i32 to index
      %swap3A_517 = tpu.vector_load %arg7[%swap3A_516] {strides = array<i32>} : memref<16384xi32, #tpu.memory_space<vmem>>, vector<16xi32>,
      tpu.vector_store %arg7[%swap3A_516], %add3A_507 {strides = array<i32>} : memref<16384xi32, #tpu.memory_space<vmem>>, vector<16xi32>,
      %add3A_518 = arith.constant 16000000 : i32
      %add3A_519 = vector.broadcast %add3A_518 : i32 to vector<16xi32>
      %add3A_520 = arith.addi %add3A_413, %add3A_519 : vector<16xi32>
      %mul3A_521 = arith.constant 2 : i32
      %mul3A_522 = arith.muli %add3A_178, %mul3A_521 : i32
      %mul3A_523 = arith.constant 16 : i32
      %mul3A_524 = arith.muli %mul3A_522, %mul3A_523 : i32
      %add3A_525 = arith.constant 24 : i32
      %add3A_526 = arith.addi %mul3A_524, %add3A_525 : i32
      %mul3A_527 = arith.constant 16 : i32
      %mul3A_528 = arith.muli %add3A_526, %mul3A_527 : i32
      %swap3A_529 = arith.index_cast %mul3A_528 : i32 to index
      %swap3A_530 = tpu.vector_load %arg7[%swap3A_529] {strides = array<i32>} : memref<16384xi32, #tpu.memory_space<vmem>>, vector<16xi32>,
      tpu.vector_store %arg7[%swap3A_529], %add3A_520 {strides = array<i32>} : memref<16384xi32, #tpu.memory_space<vmem>>, vector<16xi32>,
      %add3A_531 = arith.constant 16000128 : i32
      %add3A_532 = vector.broadcast %add3A_531 : i32 to vector<16xi32>
      %add3A_533 = arith.addi %add3A_413, %add3A_532 : vector<16xi32>
      %mul3A_534 = arith.constant 2 : i32
      %mul3A_535 = arith.muli %add3A_178, %mul3A_534 : i32
      %mul3A_536 = arith.constant 16 : i32
      %mul3A_537 = arith.muli %mul3A_535, %mul3A_536 : i32
      %add3A_538 = arith.constant 25 : i32
      %add3A_539 = arith.addi %mul3A_537, %add3A_538 : i32
      %mul3A_540 = arith.constant 16 : i32
      %mul3A_541 = arith.muli %add3A_539, %mul3A_540 : i32
      %swap3A_542 = arith.index_cast %mul3A_541 : i32 to index
      %swap3A_543 = tpu.vector_load %arg7[%swap3A_542] {strides = array<i32>} : memref<16384xi32, #tpu.memory_space<vmem>>, vector<16xi32>,
      tpu.vector_store %arg7[%swap3A_542], %add3A_533 {strides = array<i32>} : memref<16384xi32, #tpu.memory_space<vmem>>, vector<16xi32>,
      %add3A_544 = arith.constant 16000256 : i32
      %add3A_545 = vector.broadcast %add3A_544 : i32 to vector<16xi32>
      %add3A_546 = arith.addi %add3A_413, %add3A_545 : vector<16xi32>
      %mul3A_547 = arith.constant 2 : i32
      %mul3A_548 = arith.muli %add3A_178, %mul3A_547 : i32
      %mul3A_549 = arith.constant 16 : i32
      %mul3A_550 = arith.muli %mul3A_548, %mul3A_549 : i32
      %add3A_551 = arith.constant 26 : i32
      %add3A_552 = arith.addi %mul3A_550, %add3A_551 : i32
      %mul3A_553 = arith.constant 16 : i32
      %mul3A_554 = arith.muli %add3A_552, %mul3A_553 : i32
      %swap3A_555 = arith.index_cast %mul3A_554 : i32 to index
      %swap3A_556 = tpu.vector_load %arg7[%swap3A_555] {strides = array<i32>} : memref<16384xi32, #tpu.memory_space<vmem>>, vector<16xi32>,
      tpu.vector_store %arg7[%swap3A_555], %add3A_546 {strides = array<i32>} : memref<16384xi32, #tpu.memory_space<vmem>>, vector<16xi32>,
      %add3A_557 = arith.constant 16000384 : i32
      %add3A_558 = vector.broadcast %add3A_557 : i32 to vector<16xi32>
      %add3A_559 = arith.addi %add3A_413, %add3A_558 : vector<16xi32>
      %mul3A_560 = arith.constant 2 : i32
      %mul3A_561 = arith.muli %add3A_178, %mul3A_560 : i32
      %mul3A_562 = arith.constant 16 : i32
      %mul3A_563 = arith.muli %mul3A_561, %mul3A_562 : i32
      %add3A_564 = arith.constant 27 : i32
      %add3A_565 = arith.addi %mul3A_563, %add3A_564 : i32
      %mul3A_566 = arith.constant 16 : i32
      %mul3A_567 = arith.muli %add3A_565, %mul3A_566 : i32
      %swap3A_568 = arith.index_cast %mul3A_567 : i32 to index
      %swap3A_569 = tpu.vector_load %arg7[%swap3A_568] {strides = array<i32>} : memref<16384xi32, #tpu.memory_space<vmem>>, vector<16xi32>,
      tpu.vector_store %arg7[%swap3A_568], %add3A_559 {strides = array<i32>} : memref<16384xi32, #tpu.memory_space<vmem>>, vector<16xi32>,
      %add3A_570 = arith.constant 16000512 : i32
      %add3A_571 = vector.broadcast %add3A_570 : i32 to vector<16xi32>
      %add3A_572 = arith.addi %add3A_413, %add3A_571 : vector<16xi32>
      %mul3A_573 = arith.constant 2 : i32
      %mul3A_574 = arith.muli %add3A_178, %mul3A_573 : i32
      %mul3A_575 = arith.constant 16 : i32
      %mul3A_576 = arith.muli %mul3A_574, %mul3A_575 : i32
      %add3A_577 = arith.constant 28 : i32
      %add3A_578 = arith.addi %mul3A_576, %add3A_577 : i32
      %mul3A_579 = arith.constant 16 : i32
      %mul3A_580 = arith.muli %add3A_578, %mul3A_579 : i32
      %swap3A_581 = arith.index_cast %mul3A_580 : i32 to index
      %swap3A_582 = tpu.vector_load %arg7[%swap3A_581] {strides = array<i32>} : memref<16384xi32, #tpu.memory_space<vmem>>, vector<16xi32>,
      tpu.vector_store %arg7[%swap3A_581], %add3A_572 {strides = array<i32>} : memref<16384xi32, #tpu.memory_space<vmem>>, vector<16xi32>,
      %add3A_583 = arith.constant 16000640 : i32
      %add3A_584 = vector.broadcast %add3A_583 : i32 to vector<16xi32>
      %add3A_585 = arith.addi %add3A_413, %add3A_584 : vector<16xi32>
      %mul3A_586 = arith.constant 2 : i32
      %mul3A_587 = arith.muli %add3A_178, %mul3A_586 : i32
      %mul3A_588 = arith.constant 16 : i32
      %mul3A_589 = arith.muli %mul3A_587, %mul3A_588 : i32
      %add3A_590 = arith.constant 29 : i32
      %add3A_591 = arith.addi %mul3A_589, %add3A_590 : i32
      %mul3A_592 = arith.constant 16 : i32
      %mul3A_593 = arith.muli %add3A_591, %mul3A_592 : i32
      %swap3A_594 = arith.index_cast %mul3A_593 : i32 to index
      %swap3A_595 = tpu.vector_load %arg7[%swap3A_594] {strides = array<i32>} : memref<16384xi32, #tpu.memory_space<vmem>>, vector<16xi32>,
      tpu.vector_store %arg7[%swap3A_594], %add3A_585 {strides = array<i32>} : memref<16384xi32, #tpu.memory_space<vmem>>, vector<16xi32>,
      %add3A_596 = arith.constant 16000768 : i32
      %add3A_597 = vector.broadcast %add3A_596 : i32 to vector<16xi32>
      %add3A_598 = arith.addi %add3A_413, %add3A_597 : vector<16xi32>
      %mul3A_599 = arith.constant 2 : i32
      %mul3A_600 = arith.muli %add3A_178, %mul3A_599 : i32
      %mul3A_601 = arith.constant 16 : i32
      %mul3A_602 = arith.muli %mul3A_600, %mul3A_601 : i32
      %add3A_603 = arith.constant 30 : i32
      %add3A_604 = arith.addi %mul3A_602, %add3A_603 : i32
      %mul3A_605 = arith.constant 16 : i32
      %mul3A_606 = arith.muli %add3A_604, %mul3A_605 : i32
      %swap3A_607 = arith.index_cast %mul3A_606 : i32 to index
      %swap3A_608 = tpu.vector_load %arg7[%swap3A_607] {strides = array<i32>} : memref<16384xi32, #tpu.memory_space<vmem>>, vector<16xi32>,
      tpu.vector_store %arg7[%swap3A_607], %add3A_598 {strides = array<i32>} : memref<16384xi32, #tpu.memory_space<vmem>>, vector<16xi32>,
      %add3A_609 = arith.constant 16000896 : i32
      %add3A_610 = vector.broadcast %add3A_609 : i32 to vector<16xi32>
      %add3A_611 = arith.addi %add3A_413, %add3A_610 : vector<16xi32>
      %mul3A_612 = arith.constant 2 : i32
      %mul3A_613 = arith.muli %add3A_178, %mul3A_612 : i32
      %mul3A_614 = arith.constant 16 : i32
      %mul3A_615 = arith.muli %mul3A_613, %mul3A_614 : i32
      %add3A_616 = arith.constant 31 : i32
      %add3A_617 = arith.addi %mul3A_615, %add3A_616 : i32
      %mul3A_618 = arith.constant 16 : i32
      %mul3A_619 = arith.muli %add3A_617, %mul3A_618 : i32
      %swap3A_620 = arith.index_cast %mul3A_619 : i32 to index
      %swap3A_621 = tpu.vector_load %arg7[%swap3A_620] {strides = array<i32>} : memref<16384xi32, #tpu.memory_space<vmem>>, vector<16xi32>,
      tpu.vector_store %arg7[%swap3A_620], %add3A_611 {strides = array<i32>} : memref<16384xi32, #tpu.memory_space<vmem>>, vector<16xi32>,
      %mul3A_622 = arith.constant 512 : i32
      %mul3A_623 = arith.muli %add3A_178, %mul3A_622 : i32
      %add3A_624 = arith.constant 0 : i32
      %add3A_625 = arith.addi %mul3A_623, %add3A_624 : i32
      %dma_start3A_626 = tpu.memref_slice %arg8[%add3A_625] : memref<16384xf32, #tpu.memory_space<vmem>> -> memref<128xf32, #tpu.memory_space<vmem>>
      %dma_start3A_627 = tpu.memref_slice %arg7[%add3A_625] : memref<16384xi32, #tpu.memory_space<vmem>> -> memref<128xi32, #tpu.memory_space<vmem>>
      %dma_start3A_628 = arith.constant 0 : i32
      %dma_start3A_629 = tpu.memref_slice %arg3[%dma_start3A_628] : memref<32000000xf32, #tpu.memory_space<hbm>> -> memref<32000000xf32, #tpu.memory_space<hbm>>
      tpu.enqueue_indirect_dma source(%dma_start3A_629 : memref<32000000xf32, #tpu.memory_space<hbm>>) target(%dma_start3A_626 : memref<128xf32, #tpu.memory_space<vmem>>) offsets(%dma_start3A_627 : memref<128xi32, #tpu.memory_space<vmem>>) semaphore(%arg10 : memref<!tpu.dma_semaphore, #tpu.memory_space<semaphore_mem>>)
      %mul3A_630 = arith.constant 512 : i32
      %mul3A_631 = arith.muli %add3A_178, %mul3A_630 : i32
      %add3A_632 = arith.constant 128 : i32
      %add3A_633 = arith.addi %mul3A_631, %add3A_632 : i32
      %dma_start3A_634 = tpu.memref_slice %arg8[%add3A_633] : memref<16384xf32, #tpu.memory_space<vmem>> -> memref<128xf32, #tpu.memory_space<vmem>>
      %dma_start3A_635 = tpu.memref_slice %arg7[%add3A_633] : memref<16384xi32, #tpu.memory_space<vmem>> -> memref<128xi32, #tpu.memory_space<vmem>>
      %dma_start3A_636 = arith.constant 0 : i32
      %dma_start3A_637 = tpu.memref_slice %arg3[%dma_start3A_636] : memref<32000000xf32, #tpu.memory_space<hbm>> -> memref<32000000xf32, #tpu.memory_space<hbm>>
      tpu.enqueue_indirect_dma source(%dma_start3A_637 : memref<32000000xf32, #tpu.memory_space<hbm>>) target(%dma_start3A_634 : memref<128xf32, #tpu.memory_space<vmem>>) offsets(%dma_start3A_635 : memref<128xi32, #tpu.memory_space<vmem>>) semaphore(%arg10 : memref<!tpu.dma_semaphore, #tpu.memory_space<semaphore_mem>>)
      %mul3A_638 = arith.constant 512 : i32
      %mul3A_639 = arith.muli %add3A_178, %mul3A_638 : i32
      %add3A_640 = arith.constant 256 : i32
      %add3A_641 = arith.addi %mul3A_639, %add3A_640 : i32
      %dma_start3A_642 = tpu.memref_slice %arg8[%add3A_641] : memref<16384xf32, #tpu.memory_space<vmem>> -> memref<128xf32, #tpu.memory_space<vmem>>
      %dma_start3A_643 = tpu.memref_slice %arg7[%add3A_641] : memref<16384xi32, #tpu.memory_space<vmem>> -> memref<128xi32, #tpu.memory_space<vmem>>
      %dma_start3A_644 = arith.constant 0 : i32
      %dma_start3A_645 = tpu.memref_slice %arg3[%dma_start3A_644] : memref<32000000xf32, #tpu.memory_space<hbm>> -> memref<32000000xf32, #tpu.memory_space<hbm>>
      tpu.enqueue_indirect_dma source(%dma_start3A_645 : memref<32000000xf32, #tpu.memory_space<hbm>>) target(%dma_start3A_642 : memref<128xf32, #tpu.memory_space<vmem>>) offsets(%dma_start3A_643 : memref<128xi32, #tpu.memory_space<vmem>>) semaphore(%arg10 : memref<!tpu.dma_semaphore, #tpu.memory_space<semaphore_mem>>)
      %mul3A_646 = arith.constant 512 : i32
      %mul3A_647 = arith.muli %add3A_178, %mul3A_646 : i32
      %add3A_648 = arith.constant 384 : i32
      %add3A_649 = arith.addi %mul3A_647, %add3A_648 : i32
      %dma_start3A_650 = tpu.memref_slice %arg8[%add3A_649] : memref<16384xf32, #tpu.memory_space<vmem>> -> memref<128xf32, #tpu.memory_space<vmem>>
      %dma_start3A_651 = tpu.memref_slice %arg7[%add3A_649] : memref<16384xi32, #tpu.memory_space<vmem>> -> memref<128xi32, #tpu.memory_space<vmem>>
      %dma_start3A_652 = arith.constant 0 : i32
      %dma_start3A_653 = tpu.memref_slice %arg3[%dma_start3A_652] : memref<32000000xf32, #tpu.memory_space<hbm>> -> memref<32000000xf32, #tpu.memory_space<hbm>>
      tpu.enqueue_indirect_dma source(%dma_start3A_653 : memref<32000000xf32, #tpu.memory_space<hbm>>) target(%dma_start3A_650 : memref<128xf32, #tpu.memory_space<vmem>>) offsets(%dma_start3A_651 : memref<128xi32, #tpu.memory_space<vmem>>) semaphore(%arg10 : memref<!tpu.dma_semaphore, #tpu.memory_space<semaphore_mem>>)
    }
    %scan3A_101 = arith.constant 8 : i32
    %scan3A_102 = arith.constant 0 : i32
    %scan3A_103 = arith.constant 0 : i32
    %scan3A_104 = arith.constant 8 : i32
    %scan3A_105 = arith.addi %scan3A_103, %scan3A_104 : i32
    %scan3A_106 = arith.constant 1 : i32
    scf.for %scan3A_176 = %scan3A_103 to %scan3A_105 step %scan3A_106  : i32 {
      %add3A_177 = arith.constant 8 : i32
      %add3A_178 = arith.addi %add3A_177, %scan3A_176 : i32
      %mul3A_179 = arith.constant 16 : i32
      %mul3A_180 = arith.muli %add3A_178, %mul3A_179 : i32
      %get3A = arith.index_cast %mul3A_180 : i32 to index
      %get3A_181 = tpu.vector_load %arg5[%get3A] {strides = array<i32>} : memref<512xi32, #tpu.memory_space<vmem>>, vector<16xi32>,
      %add3A_182 = arith.constant 0 : i32
      %add3A_183 = vector.broadcast %add3A_182 : i32 to vector<16xi32>
      %add3A_184 = arith.addi %get3A_181, %add3A_183 : vector<16xi32>
      %shift_right_logical3A = arith.constant 7 : i32
      %shift_right_logical3A_185 = vector.broadcast %shift_right_logical3A : i32 to vector<16xi32>
      %shift_right_logical3A_186 = arith.shrui %add3A_184, %shift_right_logical3A_185 : vector<16xi32>
      %shift_left3A = arith.constant 10 : i32
      %shift_left3A_187 = vector.broadcast %shift_left3A : i32 to vector<16xi32>
      %shift_left3A_188 = arith.shli %shift_right_logical3A_186, %shift_left3A_187 : vector<16xi32>
      %and3A = arith.constant 127 : i32
      %and3A_189 = vector.broadcast %and3A : i32 to vector<16xi32>
      %and3A_190 = arith.andi %add3A_184, %and3A_189 : vector<16xi32>
      %add3A_191 = arith.addi %shift_left3A_188, %and3A_190 : vector<16xi32>
      %add3A_192 = arith.constant 0 : i32
      %add3A_193 = vector.broadcast %add3A_192 : i32 to vector<16xi32>
      %add3A_194 = arith.addi %add3A_191, %add3A_193 : vector<16xi32>
      %mul3A_195 = arith.constant 2 : i32
      %mul3A_196 = arith.muli %add3A_178, %mul3A_195 : i32
      %mul3A_197 = arith.constant 16 : i32
      %mul3A_198 = arith.muli %mul3A_196, %mul3A_197 : i32
      %add3A_199 = arith.constant 0 : i32
      %add3A_200 = arith.addi %mul3A_198, %add3A_199 : i32
      %mul3A_201 = arith.constant 16 : i32
      %mul3A_202 = arith.muli %add3A_200, %mul3A_201 : i32
      %swap3A = arith.index_cast %mul3A_202 : i32 to index
      %swap3A_203 = tpu.vector_load %arg7[%swap3A] {strides = array<i32>} : memref<16384xi32, #tpu.memory_space<vmem>>, vector<16xi32>,
      tpu.vector_store %arg7[%swap3A], %add3A_194 {strides = array<i32>} : memref<16384xi32, #tpu.memory_space<vmem>>, vector<16xi32>,
      %add3A_204 = arith.constant 128 : i32
      %add3A_205 = vector.broadcast %add3A_204 : i32 to vector<16xi32>
      %add3A_206 = arith.addi %add3A_191, %add3A_205 : vector<16xi32>
      %mul3A_207 = arith.constant 2 : i32
      %mul3A_208 = arith.muli %add3A_178, %mul3A_207 : i32
      %mul3A_209 = arith.constant 16 : i32
      %mul3A_210 = arith.muli %mul3A_208, %mul3A_209 : i32
      %add3A_211 = arith.constant 1 : i32
      %add3A_212 = arith.addi %mul3A_210, %add3A_211 : i32
      %mul3A_213 = arith.constant 16 : i32
      %mul3A_214 = arith.muli %add3A_212, %mul3A_213 : i32
      %swap3A_215 = arith.index_cast %mul3A_214 : i32 to index
      %swap3A_216 = tpu.vector_load %arg7[%swap3A_215] {strides = array<i32>} : memref<16384xi32, #tpu.memory_space<vmem>>, vector<16xi32>,
      tpu.vector_store %arg7[%swap3A_215], %add3A_206 {strides = array<i32>} : memref<16384xi32, #tpu.memory_space<vmem>>, vector<16xi32>,
      %add3A_217 = arith.constant 256 : i32
      %add3A_218 = vector.broadcast %add3A_217 : i32 to vector<16xi32>
      %add3A_219 = arith.addi %add3A_191, %add3A_218 : vector<16xi32>
      %mul3A_220 = arith.constant 2 : i32
      %mul3A_221 = arith.muli %add3A_178, %mul3A_220 : i32
      %mul3A_222 = arith.constant 16 : i32
      %mul3A_223 = arith.muli %mul3A_221, %mul3A_222 : i32
      %add3A_224 = arith.constant 2 : i32
      %add3A_225 = arith.addi %mul3A_223, %add3A_224 : i32
      %mul3A_226 = arith.constant 16 : i32
      %mul3A_227 = arith.muli %add3A_225, %mul3A_226 : i32
      %swap3A_228 = arith.index_cast %mul3A_227 : i32 to index
      %swap3A_229 = tpu.vector_load %arg7[%swap3A_228] {strides = array<i32>} : memref<16384xi32, #tpu.memory_space<vmem>>, vector<16xi32>,
      tpu.vector_store %arg7[%swap3A_228], %add3A_219 {strides = array<i32>} : memref<16384xi32, #tpu.memory_space<vmem>>, vector<16xi32>,
      %add3A_230 = arith.constant 384 : i32
      %add3A_231 = vector.broadcast %add3A_230 : i32 to vector<16xi32>
      %add3A_232 = arith.addi %add3A_191, %add3A_231 : vector<16xi32>
      %mul3A_233 = arith.constant 2 : i32
      %mul3A_234 = arith.muli %add3A_178, %mul3A_233 : i32
      %mul3A_235 = arith.constant 16 : i32
      %mul3A_236 = arith.muli %mul3A_234, %mul3A_235 : i32
      %add3A_237 = arith.constant 3 : i32
      %add3A_238 = arith.addi %mul3A_236, %add3A_237 : i32
      %mul3A_239 = arith.constant 16 : i32
      %mul3A_240 = arith.muli %add3A_238, %mul3A_239 : i32
      %swap3A_241 = arith.index_cast %mul3A_240 : i32 to index
      %swap3A_242 = tpu.vector_load %arg7[%swap3A_241] {strides = array<i32>} : memref<16384xi32, #tpu.memory_space<vmem>>, vector<16xi32>,
      tpu.vector_store %arg7[%swap3A_241], %add3A_232 {strides = array<i32>} : memref<16384xi32, #tpu.memory_space<vmem>>, vector<16xi32>,
      %add3A_243 = arith.constant 512 : i32
      %add3A_244 = vector.broadcast %add3A_243 : i32 to vector<16xi32>
      %add3A_245 = arith.addi %add3A_191, %add3A_244 : vector<16xi32>
      %mul3A_246 = arith.constant 2 : i32
      %mul3A_247 = arith.muli %add3A_178, %mul3A_246 : i32
      %mul3A_248 = arith.constant 16 : i32
      %mul3A_249 = arith.muli %mul3A_247, %mul3A_248 : i32
      %add3A_250 = arith.constant 4 : i32
      %add3A_251 = arith.addi %mul3A_249, %add3A_250 : i32
      %mul3A_252 = arith.constant 16 : i32
      %mul3A_253 = arith.muli %add3A_251, %mul3A_252 : i32
      %swap3A_254 = arith.index_cast %mul3A_253 : i32 to index
      %swap3A_255 = tpu.vector_load %arg7[%swap3A_254] {strides = array<i32>} : memref<16384xi32, #tpu.memory_space<vmem>>, vector<16xi32>,
      tpu.vector_store %arg7[%swap3A_254], %add3A_245 {strides = array<i32>} : memref<16384xi32, #tpu.memory_space<vmem>>, vector<16xi32>,
      %add3A_256 = arith.constant 640 : i32
      %add3A_257 = vector.broadcast %add3A_256 : i32 to vector<16xi32>
      %add3A_258 = arith.addi %add3A_191, %add3A_257 : vector<16xi32>
      %mul3A_259 = arith.constant 2 : i32
      %mul3A_260 = arith.muli %add3A_178, %mul3A_259 : i32
      %mul3A_261 = arith.constant 16 : i32
      %mul3A_262 = arith.muli %mul3A_260, %mul3A_261 : i32
      %add3A_263 = arith.constant 5 : i32
      %add3A_264 = arith.addi %mul3A_262, %add3A_263 : i32
      %mul3A_265 = arith.constant 16 : i32
      %mul3A_266 = arith.muli %add3A_264, %mul3A_265 : i32
      %swap3A_267 = arith.index_cast %mul3A_266 : i32 to index
      %swap3A_268 = tpu.vector_load %arg7[%swap3A_267] {strides = array<i32>} : memref<16384xi32, #tpu.memory_space<vmem>>, vector<16xi32>,
      tpu.vector_store %arg7[%swap3A_267], %add3A_258 {strides = array<i32>} : memref<16384xi32, #tpu.memory_space<vmem>>, vector<16xi32>,
      %add3A_269 = arith.constant 768 : i32
      %add3A_270 = vector.broadcast %add3A_269 : i32 to vector<16xi32>
      %add3A_271 = arith.addi %add3A_191, %add3A_270 : vector<16xi32>
      %mul3A_272 = arith.constant 2 : i32
      %mul3A_273 = arith.muli %add3A_178, %mul3A_272 : i32
      %mul3A_274 = arith.constant 16 : i32
      %mul3A_275 = arith.muli %mul3A_273, %mul3A_274 : i32
      %add3A_276 = arith.constant 6 : i32
      %add3A_277 = arith.addi %mul3A_275, %add3A_276 : i32
      %mul3A_278 = arith.constant 16 : i32
      %mul3A_279 = arith.muli %add3A_277, %mul3A_278 : i32
      %swap3A_280 = arith.index_cast %mul3A_279 : i32 to index
      %swap3A_281 = tpu.vector_load %arg7[%swap3A_280] {strides = array<i32>} : memref<16384xi32, #tpu.memory_space<vmem>>, vector<16xi32>,
      tpu.vector_store %arg7[%swap3A_280], %add3A_271 {strides = array<i32>} : memref<16384xi32, #tpu.memory_space<vmem>>, vector<16xi32>,
      %add3A_282 = arith.constant 896 : i32
      %add3A_283 = vector.broadcast %add3A_282 : i32 to vector<16xi32>
      %add3A_284 = arith.addi %add3A_191, %add3A_283 : vector<16xi32>
      %mul3A_285 = arith.constant 2 : i32
      %mul3A_286 = arith.muli %add3A_178, %mul3A_285 : i32
      %mul3A_287 = arith.constant 16 : i32
      %mul3A_288 = arith.muli %mul3A_286, %mul3A_287 : i32
      %add3A_289 = arith.constant 7 : i32
      %add3A_290 = arith.addi %mul3A_288, %add3A_289 : i32
      %mul3A_291 = arith.constant 16 : i32
      %mul3A_292 = arith.muli %add3A_290, %mul3A_291 : i32
      %swap3A_293 = arith.index_cast %mul3A_292 : i32 to index
      %swap3A_294 = tpu.vector_load %arg7[%swap3A_293] {strides = array<i32>} : memref<16384xi32, #tpu.memory_space<vmem>>, vector<16xi32>,
      tpu.vector_store %arg7[%swap3A_293], %add3A_284 {strides = array<i32>} : memref<16384xi32, #tpu.memory_space<vmem>>, vector<16xi32>,
      %add3A_295 = arith.constant 16000000 : i32
      %add3A_296 = vector.broadcast %add3A_295 : i32 to vector<16xi32>
      %add3A_297 = arith.addi %add3A_191, %add3A_296 : vector<16xi32>
      %mul3A_298 = arith.constant 2 : i32
      %mul3A_299 = arith.muli %add3A_178, %mul3A_298 : i32
      %mul3A_300 = arith.constant 16 : i32
      %mul3A_301 = arith.muli %mul3A_299, %mul3A_300 : i32
      %add3A_302 = arith.constant 8 : i32
      %add3A_303 = arith.addi %mul3A_301, %add3A_302 : i32
      %mul3A_304 = arith.constant 16 : i32
      %mul3A_305 = arith.muli %add3A_303, %mul3A_304 : i32
      %swap3A_306 = arith.index_cast %mul3A_305 : i32 to index
      %swap3A_307 = tpu.vector_load %arg7[%swap3A_306] {strides = array<i32>} : memref<16384xi32, #tpu.memory_space<vmem>>, vector<16xi32>,
      tpu.vector_store %arg7[%swap3A_306], %add3A_297 {strides = array<i32>} : memref<16384xi32, #tpu.memory_space<vmem>>, vector<16xi32>,
      %add3A_308 = arith.constant 16000128 : i32
      %add3A_309 = vector.broadcast %add3A_308 : i32 to vector<16xi32>
      %add3A_310 = arith.addi %add3A_191, %add3A_309 : vector<16xi32>
      %mul3A_311 = arith.constant 2 : i32
      %mul3A_312 = arith.muli %add3A_178, %mul3A_311 : i32
      %mul3A_313 = arith.constant 16 : i32
      %mul3A_314 = arith.muli %mul3A_312, %mul3A_313 : i32
      %add3A_315 = arith.constant 9 : i32
      %add3A_316 = arith.addi %mul3A_314, %add3A_315 : i32
      %mul3A_317 = arith.constant 16 : i32
      %mul3A_318 = arith.muli %add3A_316, %mul3A_317 : i32
      %swap3A_319 = arith.index_cast %mul3A_318 : i32 to index
      %swap3A_320 = tpu.vector_load %arg7[%swap3A_319] {strides = array<i32>} : memref<16384xi32, #tpu.memory_space<vmem>>, vector<16xi32>,
      tpu.vector_store %arg7[%swap3A_319], %add3A_310 {strides = array<i32>} : memref<16384xi32, #tpu.memory_space<vmem>>, vector<16xi32>,
      %add3A_321 = arith.constant 16000256 : i32
      %add3A_322 = vector.broadcast %add3A_321 : i32 to vector<16xi32>
      %add3A_323 = arith.addi %add3A_191, %add3A_322 : vector<16xi32>
      %mul3A_324 = arith.constant 2 : i32
      %mul3A_325 = arith.muli %add3A_178, %mul3A_324 : i32
      %mul3A_326 = arith.constant 16 : i32
      %mul3A_327 = arith.muli %mul3A_325, %mul3A_326 : i32
      %add3A_328 = arith.constant 10 : i32
      %add3A_329 = arith.addi %mul3A_327, %add3A_328 : i32
      %mul3A_330 = arith.constant 16 : i32
      %mul3A_331 = arith.muli %add3A_329, %mul3A_330 : i32
      %swap3A_332 = arith.index_cast %mul3A_331 : i32 to index
      %swap3A_333 = tpu.vector_load %arg7[%swap3A_332] {strides = array<i32>} : memref<16384xi32, #tpu.memory_space<vmem>>, vector<16xi32>,
      tpu.vector_store %arg7[%swap3A_332], %add3A_323 {strides = array<i32>} : memref<16384xi32, #tpu.memory_space<vmem>>, vector<16xi32>,
      %add3A_334 = arith.constant 16000384 : i32
      %add3A_335 = vector.broadcast %add3A_334 : i32 to vector<16xi32>
      %add3A_336 = arith.addi %add3A_191, %add3A_335 : vector<16xi32>
      %mul3A_337 = arith.constant 2 : i32
      %mul3A_338 = arith.muli %add3A_178, %mul3A_337 : i32
      %mul3A_339 = arith.constant 16 : i32
      %mul3A_340 = arith.muli %mul3A_338, %mul3A_339 : i32
      %add3A_341 = arith.constant 11 : i32
      %add3A_342 = arith.addi %mul3A_340, %add3A_341 : i32
      %mul3A_343 = arith.constant 16 : i32
      %mul3A_344 = arith.muli %add3A_342, %mul3A_343 : i32
      %swap3A_345 = arith.index_cast %mul3A_344 : i32 to index
      %swap3A_346 = tpu.vector_load %arg7[%swap3A_345] {strides = array<i32>} : memref<16384xi32, #tpu.memory_space<vmem>>, vector<16xi32>,
      tpu.vector_store %arg7[%swap3A_345], %add3A_336 {strides = array<i32>} : memref<16384xi32, #tpu.memory_space<vmem>>, vector<16xi32>,
      %add3A_347 = arith.constant 16000512 : i32
      %add3A_348 = vector.broadcast %add3A_347 : i32 to vector<16xi32>
      %add3A_349 = arith.addi %add3A_191, %add3A_348 : vector<16xi32>
      %mul3A_350 = arith.constant 2 : i32
      %mul3A_351 = arith.muli %add3A_178, %mul3A_350 : i32
      %mul3A_352 = arith.constant 16 : i32
      %mul3A_353 = arith.muli %mul3A_351, %mul3A_352 : i32
      %add3A_354 = arith.constant 12 : i32
      %add3A_355 = arith.addi %mul3A_353, %add3A_354 : i32
      %mul3A_356 = arith.constant 16 : i32
      %mul3A_357 = arith.muli %add3A_355, %mul3A_356 : i32
      %swap3A_358 = arith.index_cast %mul3A_357 : i32 to index
      %swap3A_359 = tpu.vector_load %arg7[%swap3A_358] {strides = array<i32>} : memref<16384xi32, #tpu.memory_space<vmem>>, vector<16xi32>,
      tpu.vector_store %arg7[%swap3A_358], %add3A_349 {strides = array<i32>} : memref<16384xi32, #tpu.memory_space<vmem>>, vector<16xi32>,
      %add3A_360 = arith.constant 16000640 : i32
      %add3A_361 = vector.broadcast %add3A_360 : i32 to vector<16xi32>
      %add3A_362 = arith.addi %add3A_191, %add3A_361 : vector<16xi32>
      %mul3A_363 = arith.constant 2 : i32
      %mul3A_364 = arith.muli %add3A_178, %mul3A_363 : i32
      %mul3A_365 = arith.constant 16 : i32
      %mul3A_366 = arith.muli %mul3A_364, %mul3A_365 : i32
      %add3A_367 = arith.constant 13 : i32
      %add3A_368 = arith.addi %mul3A_366, %add3A_367 : i32
      %mul3A_369 = arith.constant 16 : i32
      %mul3A_370 = arith.muli %add3A_368, %mul3A_369 : i32
      %swap3A_371 = arith.index_cast %mul3A_370 : i32 to index
      %swap3A_372 = tpu.vector_load %arg7[%swap3A_371] {strides = array<i32>} : memref<16384xi32, #tpu.memory_space<vmem>>, vector<16xi32>,
      tpu.vector_store %arg7[%swap3A_371], %add3A_362 {strides = array<i32>} : memref<16384xi32, #tpu.memory_space<vmem>>, vector<16xi32>,
      %add3A_373 = arith.constant 16000768 : i32
      %add3A_374 = vector.broadcast %add3A_373 : i32 to vector<16xi32>
      %add3A_375 = arith.addi %add3A_191, %add3A_374 : vector<16xi32>
      %mul3A_376 = arith.constant 2 : i32
      %mul3A_377 = arith.muli %add3A_178, %mul3A_376 : i32
      %mul3A_378 = arith.constant 16 : i32
      %mul3A_379 = arith.muli %mul3A_377, %mul3A_378 : i32
      %add3A_380 = arith.constant 14 : i32
      %add3A_381 = arith.addi %mul3A_379, %add3A_380 : i32
      %mul3A_382 = arith.constant 16 : i32
      %mul3A_383 = arith.muli %add3A_381, %mul3A_382 : i32
      %swap3A_384 = arith.index_cast %mul3A_383 : i32 to index
      %swap3A_385 = tpu.vector_load %arg7[%swap3A_384] {strides = array<i32>} : memref<16384xi32, #tpu.memory_space<vmem>>, vector<16xi32>,
      tpu.vector_store %arg7[%swap3A_384], %add3A_375 {strides = array<i32>} : memref<16384xi32, #tpu.memory_space<vmem>>, vector<16xi32>,
      %add3A_386 = arith.constant 16000896 : i32
      %add3A_387 = vector.broadcast %add3A_386 : i32 to vector<16xi32>
      %add3A_388 = arith.addi %add3A_191, %add3A_387 : vector<16xi32>
      %mul3A_389 = arith.constant 2 : i32
      %mul3A_390 = arith.muli %add3A_178, %mul3A_389 : i32
      %mul3A_391 = arith.constant 16 : i32
      %mul3A_392 = arith.muli %mul3A_390, %mul3A_391 : i32
      %add3A_393 = arith.constant 15 : i32
      %add3A_394 = arith.addi %mul3A_392, %add3A_393 : i32
      %mul3A_395 = arith.constant 16 : i32
      %mul3A_396 = arith.muli %add3A_394, %mul3A_395 : i32
      %swap3A_397 = arith.index_cast %mul3A_396 : i32 to index
      %swap3A_398 = tpu.vector_load %arg7[%swap3A_397] {strides = array<i32>} : memref<16384xi32, #tpu.memory_space<vmem>>, vector<16xi32>,
      tpu.vector_store %arg7[%swap3A_397], %add3A_388 {strides = array<i32>} : memref<16384xi32, #tpu.memory_space<vmem>>, vector<16xi32>,
      %get3A_399 = arith.index_cast %mul3A_180 : i32 to index
      %get3A_400 = tpu.vector_load %arg6[%get3A_399] {strides = array<i32>} : memref<512xi32, #tpu.memory_space<vmem>>, vector<16xi32>,
      %add3A_401 = arith.constant 1000000 : i32
      %add3A_402 = vector.broadcast %add3A_401 : i32 to vector<16xi32>
      %add3A_403 = arith.addi %get3A_400, %add3A_402 : vector<16xi32>
      %shift_right_logical3A_404 = arith.constant 7 : i32
      %shift_right_logical3A_405 = vector.broadcast %shift_right_logical3A_404 : i32 to vector<16xi32>
      %shift_right_logical3A_406 = arith.shrui %add3A_403, %shift_right_logical3A_405 : vector<16xi32>
      %shift_left3A_407 = arith.constant 10 : i32
      %shift_left3A_408 = vector.broadcast %shift_left3A_407 : i32 to vector<16xi32>
      %shift_left3A_409 = arith.shli %shift_right_logical3A_406, %shift_left3A_408 : vector<16xi32>
      %and3A_410 = arith.constant 127 : i32
      %and3A_411 = vector.broadcast %and3A_410 : i32 to vector<16xi32>
      %and3A_412 = arith.andi %add3A_403, %and3A_411 : vector<16xi32>
      %add3A_413 = arith.addi %shift_left3A_409, %and3A_412 : vector<16xi32>
      %add3A_414 = arith.constant 0 : i32
      %add3A_415 = vector.broadcast %add3A_414 : i32 to vector<16xi32>
      %add3A_416 = arith.addi %add3A_413, %add3A_415 : vector<16xi32>
      %mul3A_417 = arith.constant 2 : i32
      %mul3A_418 = arith.muli %add3A_178, %mul3A_417 : i32
      %mul3A_419 = arith.constant 16 : i32
      %mul3A_420 = arith.muli %mul3A_418, %mul3A_419 : i32
      %add3A_421 = arith.constant 16 : i32
      %add3A_422 = arith.addi %mul3A_420, %add3A_421 : i32
      %mul3A_423 = arith.constant 16 : i32
      %mul3A_424 = arith.muli %add3A_422, %mul3A_423 : i32
      %swap3A_425 = arith.index_cast %mul3A_424 : i32 to index
      %swap3A_426 = tpu.vector_load %arg7[%swap3A_425] {strides = array<i32>} : memref<16384xi32, #tpu.memory_space<vmem>>, vector<16xi32>,
      tpu.vector_store %arg7[%swap3A_425], %add3A_416 {strides = array<i32>} : memref<16384xi32, #tpu.memory_space<vmem>>, vector<16xi32>,
      %add3A_427 = arith.constant 128 : i32
      %add3A_428 = vector.broadcast %add3A_427 : i32 to vector<16xi32>
      %add3A_429 = arith.addi %add3A_413, %add3A_428 : vector<16xi32>
      %mul3A_430 = arith.constant 2 : i32
      %mul3A_431 = arith.muli %add3A_178, %mul3A_430 : i32
      %mul3A_432 = arith.constant 16 : i32
      %mul3A_433 = arith.muli %mul3A_431, %mul3A_432 : i32
      %add3A_434 = arith.constant 17 : i32
      %add3A_435 = arith.addi %mul3A_433, %add3A_434 : i32
      %mul3A_436 = arith.constant 16 : i32
      %mul3A_437 = arith.muli %add3A_435, %mul3A_436 : i32
      %swap3A_438 = arith.index_cast %mul3A_437 : i32 to index
      %swap3A_439 = tpu.vector_load %arg7[%swap3A_438] {strides = array<i32>} : memref<16384xi32, #tpu.memory_space<vmem>>, vector<16xi32>,
      tpu.vector_store %arg7[%swap3A_438], %add3A_429 {strides = array<i32>} : memref<16384xi32, #tpu.memory_space<vmem>>, vector<16xi32>,
      %add3A_440 = arith.constant 256 : i32
      %add3A_441 = vector.broadcast %add3A_440 : i32 to vector<16xi32>
      %add3A_442 = arith.addi %add3A_413, %add3A_441 : vector<16xi32>
      %mul3A_443 = arith.constant 2 : i32
      %mul3A_444 = arith.muli %add3A_178, %mul3A_443 : i32
      %mul3A_445 = arith.constant 16 : i32
      %mul3A_446 = arith.muli %mul3A_444, %mul3A_445 : i32
      %add3A_447 = arith.constant 18 : i32
      %add3A_448 = arith.addi %mul3A_446, %add3A_447 : i32
      %mul3A_449 = arith.constant 16 : i32
      %mul3A_450 = arith.muli %add3A_448, %mul3A_449 : i32
      %swap3A_451 = arith.index_cast %mul3A_450 : i32 to index
      %swap3A_452 = tpu.vector_load %arg7[%swap3A_451] {strides = array<i32>} : memref<16384xi32, #tpu.memory_space<vmem>>, vector<16xi32>,
      tpu.vector_store %arg7[%swap3A_451], %add3A_442 {strides = array<i32>} : memref<16384xi32, #tpu.memory_space<vmem>>, vector<16xi32>,
      %add3A_453 = arith.constant 384 : i32
      %add3A_454 = vector.broadcast %add3A_453 : i32 to vector<16xi32>
      %add3A_455 = arith.addi %add3A_413, %add3A_454 : vector<16xi32>
      %mul3A_456 = arith.constant 2 : i32
      %mul3A_457 = arith.muli %add3A_178, %mul3A_456 : i32
      %mul3A_458 = arith.constant 16 : i32
      %mul3A_459 = arith.muli %mul3A_457, %mul3A_458 : i32
      %add3A_460 = arith.constant 19 : i32
      %add3A_461 = arith.addi %mul3A_459, %add3A_460 : i32
      %mul3A_462 = arith.constant 16 : i32
      %mul3A_463 = arith.muli %add3A_461, %mul3A_462 : i32
      %swap3A_464 = arith.index_cast %mul3A_463 : i32 to index
      %swap3A_465 = tpu.vector_load %arg7[%swap3A_464] {strides = array<i32>} : memref<16384xi32, #tpu.memory_space<vmem>>, vector<16xi32>,
      tpu.vector_store %arg7[%swap3A_464], %add3A_455 {strides = array<i32>} : memref<16384xi32, #tpu.memory_space<vmem>>, vector<16xi32>,
      %add3A_466 = arith.constant 512 : i32
      %add3A_467 = vector.broadcast %add3A_466 : i32 to vector<16xi32>
      %add3A_468 = arith.addi %add3A_413, %add3A_467 : vector<16xi32>
      %mul3A_469 = arith.constant 2 : i32
      %mul3A_470 = arith.muli %add3A_178, %mul3A_469 : i32
      %mul3A_471 = arith.constant 16 : i32
      %mul3A_472 = arith.muli %mul3A_470, %mul3A_471 : i32
      %add3A_473 = arith.constant 20 : i32
      %add3A_474 = arith.addi %mul3A_472, %add3A_473 : i32
      %mul3A_475 = arith.constant 16 : i32
      %mul3A_476 = arith.muli %add3A_474, %mul3A_475 : i32
      %swap3A_477 = arith.index_cast %mul3A_476 : i32 to index
      %swap3A_478 = tpu.vector_load %arg7[%swap3A_477] {strides = array<i32>} : memref<16384xi32, #tpu.memory_space<vmem>>, vector<16xi32>,
      tpu.vector_store %arg7[%swap3A_477], %add3A_468 {strides = array<i32>} : memref<16384xi32, #tpu.memory_space<vmem>>, vector<16xi32>,
      %add3A_479 = arith.constant 640 : i32
      %add3A_480 = vector.broadcast %add3A_479 : i32 to vector<16xi32>
      %add3A_481 = arith.addi %add3A_413, %add3A_480 : vector<16xi32>
      %mul3A_482 = arith.constant 2 : i32
      %mul3A_483 = arith.muli %add3A_178, %mul3A_482 : i32
      %mul3A_484 = arith.constant 16 : i32
      %mul3A_485 = arith.muli %mul3A_483, %mul3A_484 : i32
      %add3A_486 = arith.constant 21 : i32
      %add3A_487 = arith.addi %mul3A_485, %add3A_486 : i32
      %mul3A_488 = arith.constant 16 : i32
      %mul3A_489 = arith.muli %add3A_487, %mul3A_488 : i32
      %swap3A_490 = arith.index_cast %mul3A_489 : i32 to index
      %swap3A_491 = tpu.vector_load %arg7[%swap3A_490] {strides = array<i32>} : memref<16384xi32, #tpu.memory_space<vmem>>, vector<16xi32>,
      tpu.vector_store %arg7[%swap3A_490], %add3A_481 {strides = array<i32>} : memref<16384xi32, #tpu.memory_space<vmem>>, vector<16xi32>,
      %add3A_492 = arith.constant 768 : i32
      %add3A_493 = vector.broadcast %add3A_492 : i32 to vector<16xi32>
      %add3A_494 = arith.addi %add3A_413, %add3A_493 : vector<16xi32>
      %mul3A_495 = arith.constant 2 : i32
      %mul3A_496 = arith.muli %add3A_178, %mul3A_495 : i32
      %mul3A_497 = arith.constant 16 : i32
      %mul3A_498 = arith.muli %mul3A_496, %mul3A_497 : i32
      %add3A_499 = arith.constant 22 : i32
      %add3A_500 = arith.addi %mul3A_498, %add3A_499 : i32
      %mul3A_501 = arith.constant 16 : i32
      %mul3A_502 = arith.muli %add3A_500, %mul3A_501 : i32
      %swap3A_503 = arith.index_cast %mul3A_502 : i32 to index
      %swap3A_504 = tpu.vector_load %arg7[%swap3A_503] {strides = array<i32>} : memref<16384xi32, #tpu.memory_space<vmem>>, vector<16xi32>,
      tpu.vector_store %arg7[%swap3A_503], %add3A_494 {strides = array<i32>} : memref<16384xi32, #tpu.memory_space<vmem>>, vector<16xi32>,
      %add3A_505 = arith.constant 896 : i32
      %add3A_506 = vector.broadcast %add3A_505 : i32 to vector<16xi32>
      %add3A_507 = arith.addi %add3A_413, %add3A_506 : vector<16xi32>
      %mul3A_508 = arith.constant 2 : i32
      %mul3A_509 = arith.muli %add3A_178, %mul3A_508 : i32
      %mul3A_510 = arith.constant 16 : i32
      %mul3A_511 = arith.muli %mul3A_509, %mul3A_510 : i32
      %add3A_512 = arith.constant 23 : i32
      %add3A_513 = arith.addi %mul3A_511, %add3A_512 : i32
      %mul3A_514 = arith.constant 16 : i32
      %mul3A_515 = arith.muli %add3A_513, %mul3A_514 : i32
      %swap3A_516 = arith.index_cast %mul3A_515 : i32 to index
      %swap3A_517 = tpu.vector_load %arg7[%swap3A_516] {strides = array<i32>} : memref<16384xi32, #tpu.memory_space<vmem>>, vector<16xi32>,
      tpu.vector_store %arg7[%swap3A_516], %add3A_507 {strides = array<i32>} : memref<16384xi32, #tpu.memory_space<vmem>>, vector<16xi32>,
      %add3A_518 = arith.constant 16000000 : i32
      %add3A_519 = vector.broadcast %add3A_518 : i32 to vector<16xi32>
      %add3A_520 = arith.addi %add3A_413, %add3A_519 : vector<16xi32>
      %mul3A_521 = arith.constant 2 : i32
      %mul3A_522 = arith.muli %add3A_178, %mul3A_521 : i32
      %mul3A_523 = arith.constant 16 : i32
      %mul3A_524 = arith.muli %mul3A_522, %mul3A_523 : i32
      %add3A_525 = arith.constant 24 : i32
      %add3A_526 = arith.addi %mul3A_524, %add3A_525 : i32
      %mul3A_527 = arith.constant 16 : i32
      %mul3A_528 = arith.muli %add3A_526, %mul3A_527 : i32
      %swap3A_529 = arith.index_cast %mul3A_528 : i32 to index
      %swap3A_530 = tpu.vector_load %arg7[%swap3A_529] {strides = array<i32>} : memref<16384xi32, #tpu.memory_space<vmem>>, vector<16xi32>,
      tpu.vector_store %arg7[%swap3A_529], %add3A_520 {strides = array<i32>} : memref<16384xi32, #tpu.memory_space<vmem>>, vector<16xi32>,
      %add3A_531 = arith.constant 16000128 : i32
      %add3A_532 = vector.broadcast %add3A_531 : i32 to vector<16xi32>
      %add3A_533 = arith.addi %add3A_413, %add3A_532 : vector<16xi32>
      %mul3A_534 = arith.constant 2 : i32
      %mul3A_535 = arith.muli %add3A_178, %mul3A_534 : i32
      %mul3A_536 = arith.constant 16 : i32
      %mul3A_537 = arith.muli %mul3A_535, %mul3A_536 : i32
      %add3A_538 = arith.constant 25 : i32
      %add3A_539 = arith.addi %mul3A_537, %add3A_538 : i32
      %mul3A_540 = arith.constant 16 : i32
      %mul3A_541 = arith.muli %add3A_539, %mul3A_540 : i32
      %swap3A_542 = arith.index_cast %mul3A_541 : i32 to index
      %swap3A_543 = tpu.vector_load %arg7[%swap3A_542] {strides = array<i32>} : memref<16384xi32, #tpu.memory_space<vmem>>, vector<16xi32>,
      tpu.vector_store %arg7[%swap3A_542], %add3A_533 {strides = array<i32>} : memref<16384xi32, #tpu.memory_space<vmem>>, vector<16xi32>,
      %add3A_544 = arith.constant 16000256 : i32
      %add3A_545 = vector.broadcast %add3A_544 : i32 to vector<16xi32>
      %add3A_546 = arith.addi %add3A_413, %add3A_545 : vector<16xi32>
      %mul3A_547 = arith.constant 2 : i32
      %mul3A_548 = arith.muli %add3A_178, %mul3A_547 : i32
      %mul3A_549 = arith.constant 16 : i32
      %mul3A_550 = arith.muli %mul3A_548, %mul3A_549 : i32
      %add3A_551 = arith.constant 26 : i32
      %add3A_552 = arith.addi %mul3A_550, %add3A_551 : i32
      %mul3A_553 = arith.constant 16 : i32
      %mul3A_554 = arith.muli %add3A_552, %mul3A_553 : i32
      %swap3A_555 = arith.index_cast %mul3A_554 : i32 to index
      %swap3A_556 = tpu.vector_load %arg7[%swap3A_555] {strides = array<i32>} : memref<16384xi32, #tpu.memory_space<vmem>>, vector<16xi32>,
      tpu.vector_store %arg7[%swap3A_555], %add3A_546 {strides = array<i32>} : memref<16384xi32, #tpu.memory_space<vmem>>, vector<16xi32>,
      %add3A_557 = arith.constant 16000384 : i32
      %add3A_558 = vector.broadcast %add3A_557 : i32 to vector<16xi32>
      %add3A_559 = arith.addi %add3A_413, %add3A_558 : vector<16xi32>
      %mul3A_560 = arith.constant 2 : i32
      %mul3A_561 = arith.muli %add3A_178, %mul3A_560 : i32
      %mul3A_562 = arith.constant 16 : i32
      %mul3A_563 = arith.muli %mul3A_561, %mul3A_562 : i32
      %add3A_564 = arith.constant 27 : i32
      %add3A_565 = arith.addi %mul3A_563, %add3A_564 : i32
      %mul3A_566 = arith.constant 16 : i32
      %mul3A_567 = arith.muli %add3A_565, %mul3A_566 : i32
      %swap3A_568 = arith.index_cast %mul3A_567 : i32 to index
      %swap3A_569 = tpu.vector_load %arg7[%swap3A_568] {strides = array<i32>} : memref<16384xi32, #tpu.memory_space<vmem>>, vector<16xi32>,
      tpu.vector_store %arg7[%swap3A_568], %add3A_559 {strides = array<i32>} : memref<16384xi32, #tpu.memory_space<vmem>>, vector<16xi32>,
      %add3A_570 = arith.constant 16000512 : i32
      %add3A_571 = vector.broadcast %add3A_570 : i32 to vector<16xi32>
      %add3A_572 = arith.addi %add3A_413, %add3A_571 : vector<16xi32>
      %mul3A_573 = arith.constant 2 : i32
      %mul3A_574 = arith.muli %add3A_178, %mul3A_573 : i32
      %mul3A_575 = arith.constant 16 : i32
      %mul3A_576 = arith.muli %mul3A_574, %mul3A_575 : i32
      %add3A_577 = arith.constant 28 : i32
      %add3A_578 = arith.addi %mul3A_576, %add3A_577 : i32
      %mul3A_579 = arith.constant 16 : i32
      %mul3A_580 = arith.muli %add3A_578, %mul3A_579 : i32
      %swap3A_581 = arith.index_cast %mul3A_580 : i32 to index
      %swap3A_582 = tpu.vector_load %arg7[%swap3A_581] {strides = array<i32>} : memref<16384xi32, #tpu.memory_space<vmem>>, vector<16xi32>,
      tpu.vector_store %arg7[%swap3A_581], %add3A_572 {strides = array<i32>} : memref<16384xi32, #tpu.memory_space<vmem>>, vector<16xi32>,
      %add3A_583 = arith.constant 16000640 : i32
      %add3A_584 = vector.broadcast %add3A_583 : i32 to vector<16xi32>
      %add3A_585 = arith.addi %add3A_413, %add3A_584 : vector<16xi32>
      %mul3A_586 = arith.constant 2 : i32
      %mul3A_587 = arith.muli %add3A_178, %mul3A_586 : i32
      %mul3A_588 = arith.constant 16 : i32
      %mul3A_589 = arith.muli %mul3A_587, %mul3A_588 : i32
      %add3A_590 = arith.constant 29 : i32
      %add3A_591 = arith.addi %mul3A_589, %add3A_590 : i32
      %mul3A_592 = arith.constant 16 : i32
      %mul3A_593 = arith.muli %add3A_591, %mul3A_592 : i32
      %swap3A_594 = arith.index_cast %mul3A_593 : i32 to index
      %swap3A_595 = tpu.vector_load %arg7[%swap3A_594] {strides = array<i32>} : memref<16384xi32, #tpu.memory_space<vmem>>, vector<16xi32>,
      tpu.vector_store %arg7[%swap3A_594], %add3A_585 {strides = array<i32>} : memref<16384xi32, #tpu.memory_space<vmem>>, vector<16xi32>,
      %add3A_596 = arith.constant 16000768 : i32
      %add3A_597 = vector.broadcast %add3A_596 : i32 to vector<16xi32>
      %add3A_598 = arith.addi %add3A_413, %add3A_597 : vector<16xi32>
      %mul3A_599 = arith.constant 2 : i32
      %mul3A_600 = arith.muli %add3A_178, %mul3A_599 : i32
      %mul3A_601 = arith.constant 16 : i32
      %mul3A_602 = arith.muli %mul3A_600, %mul3A_601 : i32
      %add3A_603 = arith.constant 30 : i32
      %add3A_604 = arith.addi %mul3A_602, %add3A_603 : i32
      %mul3A_605 = arith.constant 16 : i32
      %mul3A_606 = arith.muli %add3A_604, %mul3A_605 : i32
      %swap3A_607 = arith.index_cast %mul3A_606 : i32 to index
      %swap3A_608 = tpu.vector_load %arg7[%swap3A_607] {strides = array<i32>} : memref<16384xi32, #tpu.memory_space<vmem>>, vector<16xi32>,
      tpu.vector_store %arg7[%swap3A_607], %add3A_598 {strides = array<i32>} : memref<16384xi32, #tpu.memory_space<vmem>>, vector<16xi32>,
      %add3A_609 = arith.constant 16000896 : i32
      %add3A_610 = vector.broadcast %add3A_609 : i32 to vector<16xi32>
      %add3A_611 = arith.addi %add3A_413, %add3A_610 : vector<16xi32>
      %mul3A_612 = arith.constant 2 : i32
      %mul3A_613 = arith.muli %add3A_178, %mul3A_612 : i32
      %mul3A_614 = arith.constant 16 : i32
      %mul3A_615 = arith.muli %mul3A_613, %mul3A_614 : i32
      %add3A_616 = arith.constant 31 : i32
      %add3A_617 = arith.addi %mul3A_615, %add3A_616 : i32
      %mul3A_618 = arith.constant 16 : i32
      %mul3A_619 = arith.muli %add3A_617, %mul3A_618 : i32
      %swap3A_620 = arith.index_cast %mul3A_619 : i32 to index
      %swap3A_621 = tpu.vector_load %arg7[%swap3A_620] {strides = array<i32>} : memref<16384xi32, #tpu.memory_space<vmem>>, vector<16xi32>,
      tpu.vector_store %arg7[%swap3A_620], %add3A_611 {strides = array<i32>} : memref<16384xi32, #tpu.memory_space<vmem>>, vector<16xi32>,
      %mul3A_622 = arith.constant 512 : i32
      %mul3A_623 = arith.muli %add3A_178, %mul3A_622 : i32
      %add3A_624 = arith.constant 0 : i32
      %add3A_625 = arith.addi %mul3A_623, %add3A_624 : i32
      %dma_start3A_626 = tpu.memref_slice %arg8[%add3A_625] : memref<16384xf32, #tpu.memory_space<vmem>> -> memref<128xf32, #tpu.memory_space<vmem>>
      %dma_start3A_627 = tpu.memref_slice %arg7[%add3A_625] : memref<16384xi32, #tpu.memory_space<vmem>> -> memref<128xi32, #tpu.memory_space<vmem>>
      %dma_start3A_628 = arith.constant 0 : i32
      %dma_start3A_629 = tpu.memref_slice %arg3[%dma_start3A_628] : memref<32000000xf32, #tpu.memory_space<hbm>> -> memref<32000000xf32, #tpu.memory_space<hbm>>
      tpu.enqueue_indirect_dma source(%dma_start3A_629 : memref<32000000xf32, #tpu.memory_space<hbm>>) target(%dma_start3A_626 : memref<128xf32, #tpu.memory_space<vmem>>) offsets(%dma_start3A_627 : memref<128xi32, #tpu.memory_space<vmem>>) semaphore(%arg11 : memref<!tpu.dma_semaphore, #tpu.memory_space<semaphore_mem>>)
      %mul3A_630 = arith.constant 512 : i32
      %mul3A_631 = arith.muli %add3A_178, %mul3A_630 : i32
      %add3A_632 = arith.constant 128 : i32
      %add3A_633 = arith.addi %mul3A_631, %add3A_632 : i32
      %dma_start3A_634 = tpu.memref_slice %arg8[%add3A_633] : memref<16384xf32, #tpu.memory_space<vmem>> -> memref<128xf32, #tpu.memory_space<vmem>>
      %dma_start3A_635 = tpu.memref_slice %arg7[%add3A_633] : memref<16384xi32, #tpu.memory_space<vmem>> -> memref<128xi32, #tpu.memory_space<vmem>>
      %dma_start3A_636 = arith.constant 0 : i32
      %dma_start3A_637 = tpu.memref_slice %arg3[%dma_start3A_636] : memref<32000000xf32, #tpu.memory_space<hbm>> -> memref<32000000xf32, #tpu.memory_space<hbm>>
      tpu.enqueue_indirect_dma source(%dma_start3A_637 : memref<32000000xf32, #tpu.memory_space<hbm>>) target(%dma_start3A_634 : memref<128xf32, #tpu.memory_space<vmem>>) offsets(%dma_start3A_635 : memref<128xi32, #tpu.memory_space<vmem>>) semaphore(%arg11 : memref<!tpu.dma_semaphore, #tpu.memory_space<semaphore_mem>>)
      %mul3A_638 = arith.constant 512 : i32
      %mul3A_639 = arith.muli %add3A_178, %mul3A_638 : i32
      %add3A_640 = arith.constant 256 : i32
      %add3A_641 = arith.addi %mul3A_639, %add3A_640 : i32
      %dma_start3A_642 = tpu.memref_slice %arg8[%add3A_641] : memref<16384xf32, #tpu.memory_space<vmem>> -> memref<128xf32, #tpu.memory_space<vmem>>
      %dma_start3A_643 = tpu.memref_slice %arg7[%add3A_641] : memref<16384xi32, #tpu.memory_space<vmem>> -> memref<128xi32, #tpu.memory_space<vmem>>
      %dma_start3A_644 = arith.constant 0 : i32
      %dma_start3A_645 = tpu.memref_slice %arg3[%dma_start3A_644] : memref<32000000xf32, #tpu.memory_space<hbm>> -> memref<32000000xf32, #tpu.memory_space<hbm>>
      tpu.enqueue_indirect_dma source(%dma_start3A_645 : memref<32000000xf32, #tpu.memory_space<hbm>>) target(%dma_start3A_642 : memref<128xf32, #tpu.memory_space<vmem>>) offsets(%dma_start3A_643 : memref<128xi32, #tpu.memory_space<vmem>>) semaphore(%arg11 : memref<!tpu.dma_semaphore, #tpu.memory_space<semaphore_mem>>)
      %mul3A_646 = arith.constant 512 : i32
      %mul3A_647 = arith.muli %add3A_178, %mul3A_646 : i32
      %add3A_648 = arith.constant 384 : i32
      %add3A_649 = arith.addi %mul3A_647, %add3A_648 : i32
      %dma_start3A_650 = tpu.memref_slice %arg8[%add3A_649] : memref<16384xf32, #tpu.memory_space<vmem>> -> memref<128xf32, #tpu.memory_space<vmem>>
      %dma_start3A_651 = tpu.memref_slice %arg7[%add3A_649] : memref<16384xi32, #tpu.memory_space<vmem>> -> memref<128xi32, #tpu.memory_space<vmem>>
      %dma_start3A_652 = arith.constant 0 : i32
      %dma_start3A_653 = tpu.memref_slice %arg3[%dma_start3A_652] : memref<32000000xf32, #tpu.memory_space<hbm>> -> memref<32000000xf32, #tpu.memory_space<hbm>>
      tpu.enqueue_indirect_dma source(%dma_start3A_653 : memref<32000000xf32, #tpu.memory_space<hbm>>) target(%dma_start3A_650 : memref<128xf32, #tpu.memory_space<vmem>>) offsets(%dma_start3A_651 : memref<128xi32, #tpu.memory_space<vmem>>) semaphore(%arg11 : memref<!tpu.dma_semaphore, #tpu.memory_space<semaphore_mem>>)
    }
    %scan3A_107 = arith.constant 8 : i32
    %scan3A_108 = arith.constant 0 : i32
    %scan3A_109 = arith.constant 0 : i32
    %scan3A_110 = arith.constant 8 : i32
    %scan3A_111 = arith.addi %scan3A_109, %scan3A_110 : i32
    %scan3A_112 = arith.constant 1 : i32
    scf.for %scan3A_176 = %scan3A_109 to %scan3A_111 step %scan3A_112  : i32 {
      %add3A_177 = arith.constant 16 : i32
      %add3A_178 = arith.addi %add3A_177, %scan3A_176 : i32
      %mul3A_179 = arith.constant 16 : i32
      %mul3A_180 = arith.muli %add3A_178, %mul3A_179 : i32
      %get3A = arith.index_cast %mul3A_180 : i32 to index
      %get3A_181 = tpu.vector_load %arg5[%get3A] {strides = array<i32>} : memref<512xi32, #tpu.memory_space<vmem>>, vector<16xi32>,
      %add3A_182 = arith.constant 0 : i32
      %add3A_183 = vector.broadcast %add3A_182 : i32 to vector<16xi32>
      %add3A_184 = arith.addi %get3A_181, %add3A_183 : vector<16xi32>
      %shift_right_logical3A = arith.constant 7 : i32
      %shift_right_logical3A_185 = vector.broadcast %shift_right_logical3A : i32 to vector<16xi32>
      %shift_right_logical3A_186 = arith.shrui %add3A_184, %shift_right_logical3A_185 : vector<16xi32>
      %shift_left3A = arith.constant 10 : i32
      %shift_left3A_187 = vector.broadcast %shift_left3A : i32 to vector<16xi32>
      %shift_left3A_188 = arith.shli %shift_right_logical3A_186, %shift_left3A_187 : vector<16xi32>
      %and3A = arith.constant 127 : i32
      %and3A_189 = vector.broadcast %and3A : i32 to vector<16xi32>
      %and3A_190 = arith.andi %add3A_184, %and3A_189 : vector<16xi32>
      %add3A_191 = arith.addi %shift_left3A_188, %and3A_190 : vector<16xi32>
      %add3A_192 = arith.constant 0 : i32
      %add3A_193 = vector.broadcast %add3A_192 : i32 to vector<16xi32>
      %add3A_194 = arith.addi %add3A_191, %add3A_193 : vector<16xi32>
      %mul3A_195 = arith.constant 2 : i32
      %mul3A_196 = arith.muli %add3A_178, %mul3A_195 : i32
      %mul3A_197 = arith.constant 16 : i32
      %mul3A_198 = arith.muli %mul3A_196, %mul3A_197 : i32
      %add3A_199 = arith.constant 0 : i32
      %add3A_200 = arith.addi %mul3A_198, %add3A_199 : i32
      %mul3A_201 = arith.constant 16 : i32
      %mul3A_202 = arith.muli %add3A_200, %mul3A_201 : i32
      %swap3A = arith.index_cast %mul3A_202 : i32 to index
      %swap3A_203 = tpu.vector_load %arg7[%swap3A] {strides = array<i32>} : memref<16384xi32, #tpu.memory_space<vmem>>, vector<16xi32>,
      tpu.vector_store %arg7[%swap3A], %add3A_194 {strides = array<i32>} : memref<16384xi32, #tpu.memory_space<vmem>>, vector<16xi32>,
      %add3A_204 = arith.constant 128 : i32
      %add3A_205 = vector.broadcast %add3A_204 : i32 to vector<16xi32>
      %add3A_206 = arith.addi %add3A_191, %add3A_205 : vector<16xi32>
      %mul3A_207 = arith.constant 2 : i32
      %mul3A_208 = arith.muli %add3A_178, %mul3A_207 : i32
      %mul3A_209 = arith.constant 16 : i32
      %mul3A_210 = arith.muli %mul3A_208, %mul3A_209 : i32
      %add3A_211 = arith.constant 1 : i32
      %add3A_212 = arith.addi %mul3A_210, %add3A_211 : i32
      %mul3A_213 = arith.constant 16 : i32
      %mul3A_214 = arith.muli %add3A_212, %mul3A_213 : i32
      %swap3A_215 = arith.index_cast %mul3A_214 : i32 to index
      %swap3A_216 = tpu.vector_load %arg7[%swap3A_215] {strides = array<i32>} : memref<16384xi32, #tpu.memory_space<vmem>>, vector<16xi32>,
      tpu.vector_store %arg7[%swap3A_215], %add3A_206 {strides = array<i32>} : memref<16384xi32, #tpu.memory_space<vmem>>, vector<16xi32>,
      %add3A_217 = arith.constant 256 : i32
      %add3A_218 = vector.broadcast %add3A_217 : i32 to vector<16xi32>
      %add3A_219 = arith.addi %add3A_191, %add3A_218 : vector<16xi32>
      %mul3A_220 = arith.constant 2 : i32
      %mul3A_221 = arith.muli %add3A_178, %mul3A_220 : i32
      %mul3A_222 = arith.constant 16 : i32
      %mul3A_223 = arith.muli %mul3A_221, %mul3A_222 : i32
      %add3A_224 = arith.constant 2 : i32
      %add3A_225 = arith.addi %mul3A_223, %add3A_224 : i32
      %mul3A_226 = arith.constant 16 : i32
      %mul3A_227 = arith.muli %add3A_225, %mul3A_226 : i32
      %swap3A_228 = arith.index_cast %mul3A_227 : i32 to index
      %swap3A_229 = tpu.vector_load %arg7[%swap3A_228] {strides = array<i32>} : memref<16384xi32, #tpu.memory_space<vmem>>, vector<16xi32>,
      tpu.vector_store %arg7[%swap3A_228], %add3A_219 {strides = array<i32>} : memref<16384xi32, #tpu.memory_space<vmem>>, vector<16xi32>,
      %add3A_230 = arith.constant 384 : i32
      %add3A_231 = vector.broadcast %add3A_230 : i32 to vector<16xi32>
      %add3A_232 = arith.addi %add3A_191, %add3A_231 : vector<16xi32>
      %mul3A_233 = arith.constant 2 : i32
      %mul3A_234 = arith.muli %add3A_178, %mul3A_233 : i32
      %mul3A_235 = arith.constant 16 : i32
      %mul3A_236 = arith.muli %mul3A_234, %mul3A_235 : i32
      %add3A_237 = arith.constant 3 : i32
      %add3A_238 = arith.addi %mul3A_236, %add3A_237 : i32
      %mul3A_239 = arith.constant 16 : i32
      %mul3A_240 = arith.muli %add3A_238, %mul3A_239 : i32
      %swap3A_241 = arith.index_cast %mul3A_240 : i32 to index
      %swap3A_242 = tpu.vector_load %arg7[%swap3A_241] {strides = array<i32>} : memref<16384xi32, #tpu.memory_space<vmem>>, vector<16xi32>,
      tpu.vector_store %arg7[%swap3A_241], %add3A_232 {strides = array<i32>} : memref<16384xi32, #tpu.memory_space<vmem>>, vector<16xi32>,
      %add3A_243 = arith.constant 512 : i32
      %add3A_244 = vector.broadcast %add3A_243 : i32 to vector<16xi32>
      %add3A_245 = arith.addi %add3A_191, %add3A_244 : vector<16xi32>
      %mul3A_246 = arith.constant 2 : i32
      %mul3A_247 = arith.muli %add3A_178, %mul3A_246 : i32
      %mul3A_248 = arith.constant 16 : i32
      %mul3A_249 = arith.muli %mul3A_247, %mul3A_248 : i32
      %add3A_250 = arith.constant 4 : i32
      %add3A_251 = arith.addi %mul3A_249, %add3A_250 : i32
      %mul3A_252 = arith.constant 16 : i32
      %mul3A_253 = arith.muli %add3A_251, %mul3A_252 : i32
      %swap3A_254 = arith.index_cast %mul3A_253 : i32 to index
      %swap3A_255 = tpu.vector_load %arg7[%swap3A_254] {strides = array<i32>} : memref<16384xi32, #tpu.memory_space<vmem>>, vector<16xi32>,
      tpu.vector_store %arg7[%swap3A_254], %add3A_245 {strides = array<i32>} : memref<16384xi32, #tpu.memory_space<vmem>>, vector<16xi32>,
      %add3A_256 = arith.constant 640 : i32
      %add3A_257 = vector.broadcast %add3A_256 : i32 to vector<16xi32>
      %add3A_258 = arith.addi %add3A_191, %add3A_257 : vector<16xi32>
      %mul3A_259 = arith.constant 2 : i32
      %mul3A_260 = arith.muli %add3A_178, %mul3A_259 : i32
      %mul3A_261 = arith.constant 16 : i32
      %mul3A_262 = arith.muli %mul3A_260, %mul3A_261 : i32
      %add3A_263 = arith.constant 5 : i32
      %add3A_264 = arith.addi %mul3A_262, %add3A_263 : i32
      %mul3A_265 = arith.constant 16 : i32
      %mul3A_266 = arith.muli %add3A_264, %mul3A_265 : i32
      %swap3A_267 = arith.index_cast %mul3A_266 : i32 to index
      %swap3A_268 = tpu.vector_load %arg7[%swap3A_267] {strides = array<i32>} : memref<16384xi32, #tpu.memory_space<vmem>>, vector<16xi32>,
      tpu.vector_store %arg7[%swap3A_267], %add3A_258 {strides = array<i32>} : memref<16384xi32, #tpu.memory_space<vmem>>, vector<16xi32>,
      %add3A_269 = arith.constant 768 : i32
      %add3A_270 = vector.broadcast %add3A_269 : i32 to vector<16xi32>
      %add3A_271 = arith.addi %add3A_191, %add3A_270 : vector<16xi32>
      %mul3A_272 = arith.constant 2 : i32
      %mul3A_273 = arith.muli %add3A_178, %mul3A_272 : i32
      %mul3A_274 = arith.constant 16 : i32
      %mul3A_275 = arith.muli %mul3A_273, %mul3A_274 : i32
      %add3A_276 = arith.constant 6 : i32
      %add3A_277 = arith.addi %mul3A_275, %add3A_276 : i32
      %mul3A_278 = arith.constant 16 : i32
      %mul3A_279 = arith.muli %add3A_277, %mul3A_278 : i32
      %swap3A_280 = arith.index_cast %mul3A_279 : i32 to index
      %swap3A_281 = tpu.vector_load %arg7[%swap3A_280] {strides = array<i32>} : memref<16384xi32, #tpu.memory_space<vmem>>, vector<16xi32>,
      tpu.vector_store %arg7[%swap3A_280], %add3A_271 {strides = array<i32>} : memref<16384xi32, #tpu.memory_space<vmem>>, vector<16xi32>,
      %add3A_282 = arith.constant 896 : i32
      %add3A_283 = vector.broadcast %add3A_282 : i32 to vector<16xi32>
      %add3A_284 = arith.addi %add3A_191, %add3A_283 : vector<16xi32>
      %mul3A_285 = arith.constant 2 : i32
      %mul3A_286 = arith.muli %add3A_178, %mul3A_285 : i32
      %mul3A_287 = arith.constant 16 : i32
      %mul3A_288 = arith.muli %mul3A_286, %mul3A_287 : i32
      %add3A_289 = arith.constant 7 : i32
      %add3A_290 = arith.addi %mul3A_288, %add3A_289 : i32
      %mul3A_291 = arith.constant 16 : i32
      %mul3A_292 = arith.muli %add3A_290, %mul3A_291 : i32
      %swap3A_293 = arith.index_cast %mul3A_292 : i32 to index
      %swap3A_294 = tpu.vector_load %arg7[%swap3A_293] {strides = array<i32>} : memref<16384xi32, #tpu.memory_space<vmem>>, vector<16xi32>,
      tpu.vector_store %arg7[%swap3A_293], %add3A_284 {strides = array<i32>} : memref<16384xi32, #tpu.memory_space<vmem>>, vector<16xi32>,
      %add3A_295 = arith.constant 16000000 : i32
      %add3A_296 = vector.broadcast %add3A_295 : i32 to vector<16xi32>
      %add3A_297 = arith.addi %add3A_191, %add3A_296 : vector<16xi32>
      %mul3A_298 = arith.constant 2 : i32
      %mul3A_299 = arith.muli %add3A_178, %mul3A_298 : i32
      %mul3A_300 = arith.constant 16 : i32
      %mul3A_301 = arith.muli %mul3A_299, %mul3A_300 : i32
      %add3A_302 = arith.constant 8 : i32
      %add3A_303 = arith.addi %mul3A_301, %add3A_302 : i32
      %mul3A_304 = arith.constant 16 : i32
      %mul3A_305 = arith.muli %add3A_303, %mul3A_304 : i32
      %swap3A_306 = arith.index_cast %mul3A_305 : i32 to index
      %swap3A_307 = tpu.vector_load %arg7[%swap3A_306] {strides = array<i32>} : memref<16384xi32, #tpu.memory_space<vmem>>, vector<16xi32>,
      tpu.vector_store %arg7[%swap3A_306], %add3A_297 {strides = array<i32>} : memref<16384xi32, #tpu.memory_space<vmem>>, vector<16xi32>,
      %add3A_308 = arith.constant 16000128 : i32
      %add3A_309 = vector.broadcast %add3A_308 : i32 to vector<16xi32>
      %add3A_310 = arith.addi %add3A_191, %add3A_309 : vector<16xi32>
      %mul3A_311 = arith.constant 2 : i32
      %mul3A_312 = arith.muli %add3A_178, %mul3A_311 : i32
      %mul3A_313 = arith.constant 16 : i32
      %mul3A_314 = arith.muli %mul3A_312, %mul3A_313 : i32
      %add3A_315 = arith.constant 9 : i32
      %add3A_316 = arith.addi %mul3A_314, %add3A_315 : i32
      %mul3A_317 = arith.constant 16 : i32
      %mul3A_318 = arith.muli %add3A_316, %mul3A_317 : i32
      %swap3A_319 = arith.index_cast %mul3A_318 : i32 to index
      %swap3A_320 = tpu.vector_load %arg7[%swap3A_319] {strides = array<i32>} : memref<16384xi32, #tpu.memory_space<vmem>>, vector<16xi32>,
      tpu.vector_store %arg7[%swap3A_319], %add3A_310 {strides = array<i32>} : memref<16384xi32, #tpu.memory_space<vmem>>, vector<16xi32>,
      %add3A_321 = arith.constant 16000256 : i32
      %add3A_322 = vector.broadcast %add3A_321 : i32 to vector<16xi32>
      %add3A_323 = arith.addi %add3A_191, %add3A_322 : vector<16xi32>
      %mul3A_324 = arith.constant 2 : i32
      %mul3A_325 = arith.muli %add3A_178, %mul3A_324 : i32
      %mul3A_326 = arith.constant 16 : i32
      %mul3A_327 = arith.muli %mul3A_325, %mul3A_326 : i32
      %add3A_328 = arith.constant 10 : i32
      %add3A_329 = arith.addi %mul3A_327, %add3A_328 : i32
      %mul3A_330 = arith.constant 16 : i32
      %mul3A_331 = arith.muli %add3A_329, %mul3A_330 : i32
      %swap3A_332 = arith.index_cast %mul3A_331 : i32 to index
      %swap3A_333 = tpu.vector_load %arg7[%swap3A_332] {strides = array<i32>} : memref<16384xi32, #tpu.memory_space<vmem>>, vector<16xi32>,
      tpu.vector_store %arg7[%swap3A_332], %add3A_323 {strides = array<i32>} : memref<16384xi32, #tpu.memory_space<vmem>>, vector<16xi32>,
      %add3A_334 = arith.constant 16000384 : i32
      %add3A_335 = vector.broadcast %add3A_334 : i32 to vector<16xi32>
      %add3A_336 = arith.addi %add3A_191, %add3A_335 : vector<16xi32>
      %mul3A_337 = arith.constant 2 : i32
      %mul3A_338 = arith.muli %add3A_178, %mul3A_337 : i32
      %mul3A_339 = arith.constant 16 : i32
      %mul3A_340 = arith.muli %mul3A_338, %mul3A_339 : i32
      %add3A_341 = arith.constant 11 : i32
      %add3A_342 = arith.addi %mul3A_340, %add3A_341 : i32
      %mul3A_343 = arith.constant 16 : i32
      %mul3A_344 = arith.muli %add3A_342, %mul3A_343 : i32
      %swap3A_345 = arith.index_cast %mul3A_344 : i32 to index
      %swap3A_346 = tpu.vector_load %arg7[%swap3A_345] {strides = array<i32>} : memref<16384xi32, #tpu.memory_space<vmem>>, vector<16xi32>,
      tpu.vector_store %arg7[%swap3A_345], %add3A_336 {strides = array<i32>} : memref<16384xi32, #tpu.memory_space<vmem>>, vector<16xi32>,
      %add3A_347 = arith.constant 16000512 : i32
      %add3A_348 = vector.broadcast %add3A_347 : i32 to vector<16xi32>
      %add3A_349 = arith.addi %add3A_191, %add3A_348 : vector<16xi32>
      %mul3A_350 = arith.constant 2 : i32
      %mul3A_351 = arith.muli %add3A_178, %mul3A_350 : i32
      %mul3A_352 = arith.constant 16 : i32
      %mul3A_353 = arith.muli %mul3A_351, %mul3A_352 : i32
      %add3A_354 = arith.constant 12 : i32
      %add3A_355 = arith.addi %mul3A_353, %add3A_354 : i32
      %mul3A_356 = arith.constant 16 : i32
      %mul3A_357 = arith.muli %add3A_355, %mul3A_356 : i32
      %swap3A_358 = arith.index_cast %mul3A_357 : i32 to index
      %swap3A_359 = tpu.vector_load %arg7[%swap3A_358] {strides = array<i32>} : memref<16384xi32, #tpu.memory_space<vmem>>, vector<16xi32>,
      tpu.vector_store %arg7[%swap3A_358], %add3A_349 {strides = array<i32>} : memref<16384xi32, #tpu.memory_space<vmem>>, vector<16xi32>,
      %add3A_360 = arith.constant 16000640 : i32
      %add3A_361 = vector.broadcast %add3A_360 : i32 to vector<16xi32>
      %add3A_362 = arith.addi %add3A_191, %add3A_361 : vector<16xi32>
      %mul3A_363 = arith.constant 2 : i32
      %mul3A_364 = arith.muli %add3A_178, %mul3A_363 : i32
      %mul3A_365 = arith.constant 16 : i32
      %mul3A_366 = arith.muli %mul3A_364, %mul3A_365 : i32
      %add3A_367 = arith.constant 13 : i32
      %add3A_368 = arith.addi %mul3A_366, %add3A_367 : i32
      %mul3A_369 = arith.constant 16 : i32
      %mul3A_370 = arith.muli %add3A_368, %mul3A_369 : i32
      %swap3A_371 = arith.index_cast %mul3A_370 : i32 to index
      %swap3A_372 = tpu.vector_load %arg7[%swap3A_371] {strides = array<i32>} : memref<16384xi32, #tpu.memory_space<vmem>>, vector<16xi32>,
      tpu.vector_store %arg7[%swap3A_371], %add3A_362 {strides = array<i32>} : memref<16384xi32, #tpu.memory_space<vmem>>, vector<16xi32>,
      %add3A_373 = arith.constant 16000768 : i32
      %add3A_374 = vector.broadcast %add3A_373 : i32 to vector<16xi32>
      %add3A_375 = arith.addi %add3A_191, %add3A_374 : vector<16xi32>
      %mul3A_376 = arith.constant 2 : i32
      %mul3A_377 = arith.muli %add3A_178, %mul3A_376 : i32
      %mul3A_378 = arith.constant 16 : i32
      %mul3A_379 = arith.muli %mul3A_377, %mul3A_378 : i32
      %add3A_380 = arith.constant 14 : i32
      %add3A_381 = arith.addi %mul3A_379, %add3A_380 : i32
      %mul3A_382 = arith.constant 16 : i32
      %mul3A_383 = arith.muli %add3A_381, %mul3A_382 : i32
      %swap3A_384 = arith.index_cast %mul3A_383 : i32 to index
      %swap3A_385 = tpu.vector_load %arg7[%swap3A_384] {strides = array<i32>} : memref<16384xi32, #tpu.memory_space<vmem>>, vector<16xi32>,
      tpu.vector_store %arg7[%swap3A_384], %add3A_375 {strides = array<i32>} : memref<16384xi32, #tpu.memory_space<vmem>>, vector<16xi32>,
      %add3A_386 = arith.constant 16000896 : i32
      %add3A_387 = vector.broadcast %add3A_386 : i32 to vector<16xi32>
      %add3A_388 = arith.addi %add3A_191, %add3A_387 : vector<16xi32>
      %mul3A_389 = arith.constant 2 : i32
      %mul3A_390 = arith.muli %add3A_178, %mul3A_389 : i32
      %mul3A_391 = arith.constant 16 : i32
      %mul3A_392 = arith.muli %mul3A_390, %mul3A_391 : i32
      %add3A_393 = arith.constant 15 : i32
      %add3A_394 = arith.addi %mul3A_392, %add3A_393 : i32
      %mul3A_395 = arith.constant 16 : i32
      %mul3A_396 = arith.muli %add3A_394, %mul3A_395 : i32
      %swap3A_397 = arith.index_cast %mul3A_396 : i32 to index
      %swap3A_398 = tpu.vector_load %arg7[%swap3A_397] {strides = array<i32>} : memref<16384xi32, #tpu.memory_space<vmem>>, vector<16xi32>,
      tpu.vector_store %arg7[%swap3A_397], %add3A_388 {strides = array<i32>} : memref<16384xi32, #tpu.memory_space<vmem>>, vector<16xi32>,
      %get3A_399 = arith.index_cast %mul3A_180 : i32 to index
      %get3A_400 = tpu.vector_load %arg6[%get3A_399] {strides = array<i32>} : memref<512xi32, #tpu.memory_space<vmem>>, vector<16xi32>,
      %add3A_401 = arith.constant 1000000 : i32
      %add3A_402 = vector.broadcast %add3A_401 : i32 to vector<16xi32>
      %add3A_403 = arith.addi %get3A_400, %add3A_402 : vector<16xi32>
      %shift_right_logical3A_404 = arith.constant 7 : i32
      %shift_right_logical3A_405 = vector.broadcast %shift_right_logical3A_404 : i32 to vector<16xi32>
      %shift_right_logical3A_406 = arith.shrui %add3A_403, %shift_right_logical3A_405 : vector<16xi32>
      %shift_left3A_407 = arith.constant 10 : i32
      %shift_left3A_408 = vector.broadcast %shift_left3A_407 : i32 to vector<16xi32>
      %shift_left3A_409 = arith.shli %shift_right_logical3A_406, %shift_left3A_408 : vector<16xi32>
      %and3A_410 = arith.constant 127 : i32
      %and3A_411 = vector.broadcast %and3A_410 : i32 to vector<16xi32>
      %and3A_412 = arith.andi %add3A_403, %and3A_411 : vector<16xi32>
      %add3A_413 = arith.addi %shift_left3A_409, %and3A_412 : vector<16xi32>
      %add3A_414 = arith.constant 0 : i32
      %add3A_415 = vector.broadcast %add3A_414 : i32 to vector<16xi32>
      %add3A_416 = arith.addi %add3A_413, %add3A_415 : vector<16xi32>
      %mul3A_417 = arith.constant 2 : i32
      %mul3A_418 = arith.muli %add3A_178, %mul3A_417 : i32
      %mul3A_419 = arith.constant 16 : i32
      %mul3A_420 = arith.muli %mul3A_418, %mul3A_419 : i32
      %add3A_421 = arith.constant 16 : i32
      %add3A_422 = arith.addi %mul3A_420, %add3A_421 : i32
      %mul3A_423 = arith.constant 16 : i32
      %mul3A_424 = arith.muli %add3A_422, %mul3A_423 : i32
      %swap3A_425 = arith.index_cast %mul3A_424 : i32 to index
      %swap3A_426 = tpu.vector_load %arg7[%swap3A_425] {strides = array<i32>} : memref<16384xi32, #tpu.memory_space<vmem>>, vector<16xi32>,
      tpu.vector_store %arg7[%swap3A_425], %add3A_416 {strides = array<i32>} : memref<16384xi32, #tpu.memory_space<vmem>>, vector<16xi32>,
      %add3A_427 = arith.constant 128 : i32
      %add3A_428 = vector.broadcast %add3A_427 : i32 to vector<16xi32>
      %add3A_429 = arith.addi %add3A_413, %add3A_428 : vector<16xi32>
      %mul3A_430 = arith.constant 2 : i32
      %mul3A_431 = arith.muli %add3A_178, %mul3A_430 : i32
      %mul3A_432 = arith.constant 16 : i32
      %mul3A_433 = arith.muli %mul3A_431, %mul3A_432 : i32
      %add3A_434 = arith.constant 17 : i32
      %add3A_435 = arith.addi %mul3A_433, %add3A_434 : i32
      %mul3A_436 = arith.constant 16 : i32
      %mul3A_437 = arith.muli %add3A_435, %mul3A_436 : i32
      %swap3A_438 = arith.index_cast %mul3A_437 : i32 to index
      %swap3A_439 = tpu.vector_load %arg7[%swap3A_438] {strides = array<i32>} : memref<16384xi32, #tpu.memory_space<vmem>>, vector<16xi32>,
      tpu.vector_store %arg7[%swap3A_438], %add3A_429 {strides = array<i32>} : memref<16384xi32, #tpu.memory_space<vmem>>, vector<16xi32>,
      %add3A_440 = arith.constant 256 : i32
      %add3A_441 = vector.broadcast %add3A_440 : i32 to vector<16xi32>
      %add3A_442 = arith.addi %add3A_413, %add3A_441 : vector<16xi32>
      %mul3A_443 = arith.constant 2 : i32
      %mul3A_444 = arith.muli %add3A_178, %mul3A_443 : i32
      %mul3A_445 = arith.constant 16 : i32
      %mul3A_446 = arith.muli %mul3A_444, %mul3A_445 : i32
      %add3A_447 = arith.constant 18 : i32
      %add3A_448 = arith.addi %mul3A_446, %add3A_447 : i32
      %mul3A_449 = arith.constant 16 : i32
      %mul3A_450 = arith.muli %add3A_448, %mul3A_449 : i32
      %swap3A_451 = arith.index_cast %mul3A_450 : i32 to index
      %swap3A_452 = tpu.vector_load %arg7[%swap3A_451] {strides = array<i32>} : memref<16384xi32, #tpu.memory_space<vmem>>, vector<16xi32>,
      tpu.vector_store %arg7[%swap3A_451], %add3A_442 {strides = array<i32>} : memref<16384xi32, #tpu.memory_space<vmem>>, vector<16xi32>,
      %add3A_453 = arith.constant 384 : i32
      %add3A_454 = vector.broadcast %add3A_453 : i32 to vector<16xi32>
      %add3A_455 = arith.addi %add3A_413, %add3A_454 : vector<16xi32>
      %mul3A_456 = arith.constant 2 : i32
      %mul3A_457 = arith.muli %add3A_178, %mul3A_456 : i32
      %mul3A_458 = arith.constant 16 : i32
      %mul3A_459 = arith.muli %mul3A_457, %mul3A_458 : i32
      %add3A_460 = arith.constant 19 : i32
      %add3A_461 = arith.addi %mul3A_459, %add3A_460 : i32
      %mul3A_462 = arith.constant 16 : i32
      %mul3A_463 = arith.muli %add3A_461, %mul3A_462 : i32
      %swap3A_464 = arith.index_cast %mul3A_463 : i32 to index
      %swap3A_465 = tpu.vector_load %arg7[%swap3A_464] {strides = array<i32>} : memref<16384xi32, #tpu.memory_space<vmem>>, vector<16xi32>,
      tpu.vector_store %arg7[%swap3A_464], %add3A_455 {strides = array<i32>} : memref<16384xi32, #tpu.memory_space<vmem>>, vector<16xi32>,
      %add3A_466 = arith.constant 512 : i32
      %add3A_467 = vector.broadcast %add3A_466 : i32 to vector<16xi32>
      %add3A_468 = arith.addi %add3A_413, %add3A_467 : vector<16xi32>
      %mul3A_469 = arith.constant 2 : i32
      %mul3A_470 = arith.muli %add3A_178, %mul3A_469 : i32
      %mul3A_471 = arith.constant 16 : i32
      %mul3A_472 = arith.muli %mul3A_470, %mul3A_471 : i32
      %add3A_473 = arith.constant 20 : i32
      %add3A_474 = arith.addi %mul3A_472, %add3A_473 : i32
      %mul3A_475 = arith.constant 16 : i32
      %mul3A_476 = arith.muli %add3A_474, %mul3A_475 : i32
      %swap3A_477 = arith.index_cast %mul3A_476 : i32 to index
      %swap3A_478 = tpu.vector_load %arg7[%swap3A_477] {strides = array<i32>} : memref<16384xi32, #tpu.memory_space<vmem>>, vector<16xi32>,
      tpu.vector_store %arg7[%swap3A_477], %add3A_468 {strides = array<i32>} : memref<16384xi32, #tpu.memory_space<vmem>>, vector<16xi32>,
      %add3A_479 = arith.constant 640 : i32
      %add3A_480 = vector.broadcast %add3A_479 : i32 to vector<16xi32>
      %add3A_481 = arith.addi %add3A_413, %add3A_480 : vector<16xi32>
      %mul3A_482 = arith.constant 2 : i32
      %mul3A_483 = arith.muli %add3A_178, %mul3A_482 : i32
      %mul3A_484 = arith.constant 16 : i32
      %mul3A_485 = arith.muli %mul3A_483, %mul3A_484 : i32
      %add3A_486 = arith.constant 21 : i32
      %add3A_487 = arith.addi %mul3A_485, %add3A_486 : i32
      %mul3A_488 = arith.constant 16 : i32
      %mul3A_489 = arith.muli %add3A_487, %mul3A_488 : i32
      %swap3A_490 = arith.index_cast %mul3A_489 : i32 to index
      %swap3A_491 = tpu.vector_load %arg7[%swap3A_490] {strides = array<i32>} : memref<16384xi32, #tpu.memory_space<vmem>>, vector<16xi32>,
      tpu.vector_store %arg7[%swap3A_490], %add3A_481 {strides = array<i32>} : memref<16384xi32, #tpu.memory_space<vmem>>, vector<16xi32>,
      %add3A_492 = arith.constant 768 : i32
      %add3A_493 = vector.broadcast %add3A_492 : i32 to vector<16xi32>
      %add3A_494 = arith.addi %add3A_413, %add3A_493 : vector<16xi32>
      %mul3A_495 = arith.constant 2 : i32
      %mul3A_496 = arith.muli %add3A_178, %mul3A_495 : i32
      %mul3A_497 = arith.constant 16 : i32
      %mul3A_498 = arith.muli %mul3A_496, %mul3A_497 : i32
      %add3A_499 = arith.constant 22 : i32
      %add3A_500 = arith.addi %mul3A_498, %add3A_499 : i32
      %mul3A_501 = arith.constant 16 : i32
      %mul3A_502 = arith.muli %add3A_500, %mul3A_501 : i32
      %swap3A_503 = arith.index_cast %mul3A_502 : i32 to index
      %swap3A_504 = tpu.vector_load %arg7[%swap3A_503] {strides = array<i32>} : memref<16384xi32, #tpu.memory_space<vmem>>, vector<16xi32>,
      tpu.vector_store %arg7[%swap3A_503], %add3A_494 {strides = array<i32>} : memref<16384xi32, #tpu.memory_space<vmem>>, vector<16xi32>,
      %add3A_505 = arith.constant 896 : i32
      %add3A_506 = vector.broadcast %add3A_505 : i32 to vector<16xi32>
      %add3A_507 = arith.addi %add3A_413, %add3A_506 : vector<16xi32>
      %mul3A_508 = arith.constant 2 : i32
      %mul3A_509 = arith.muli %add3A_178, %mul3A_508 : i32
      %mul3A_510 = arith.constant 16 : i32
      %mul3A_511 = arith.muli %mul3A_509, %mul3A_510 : i32
      %add3A_512 = arith.constant 23 : i32
      %add3A_513 = arith.addi %mul3A_511, %add3A_512 : i32
      %mul3A_514 = arith.constant 16 : i32
      %mul3A_515 = arith.muli %add3A_513, %mul3A_514 : i32
      %swap3A_516 = arith.index_cast %mul3A_515 : i32 to index
      %swap3A_517 = tpu.vector_load %arg7[%swap3A_516] {strides = array<i32>} : memref<16384xi32, #tpu.memory_space<vmem>>, vector<16xi32>,
      tpu.vector_store %arg7[%swap3A_516], %add3A_507 {strides = array<i32>} : memref<16384xi32, #tpu.memory_space<vmem>>, vector<16xi32>,
      %add3A_518 = arith.constant 16000000 : i32
      %add3A_519 = vector.broadcast %add3A_518 : i32 to vector<16xi32>
      %add3A_520 = arith.addi %add3A_413, %add3A_519 : vector<16xi32>
      %mul3A_521 = arith.constant 2 : i32
      %mul3A_522 = arith.muli %add3A_178, %mul3A_521 : i32
      %mul3A_523 = arith.constant 16 : i32
      %mul3A_524 = arith.muli %mul3A_522, %mul3A_523 : i32
      %add3A_525 = arith.constant 24 : i32
      %add3A_526 = arith.addi %mul3A_524, %add3A_525 : i32
      %mul3A_527 = arith.constant 16 : i32
      %mul3A_528 = arith.muli %add3A_526, %mul3A_527 : i32
      %swap3A_529 = arith.index_cast %mul3A_528 : i32 to index
      %swap3A_530 = tpu.vector_load %arg7[%swap3A_529] {strides = array<i32>} : memref<16384xi32, #tpu.memory_space<vmem>>, vector<16xi32>,
      tpu.vector_store %arg7[%swap3A_529], %add3A_520 {strides = array<i32>} : memref<16384xi32, #tpu.memory_space<vmem>>, vector<16xi32>,
      %add3A_531 = arith.constant 16000128 : i32
      %add3A_532 = vector.broadcast %add3A_531 : i32 to vector<16xi32>
      %add3A_533 = arith.addi %add3A_413, %add3A_532 : vector<16xi32>
      %mul3A_534 = arith.constant 2 : i32
      %mul3A_535 = arith.muli %add3A_178, %mul3A_534 : i32
      %mul3A_536 = arith.constant 16 : i32
      %mul3A_537 = arith.muli %mul3A_535, %mul3A_536 : i32
      %add3A_538 = arith.constant 25 : i32
      %add3A_539 = arith.addi %mul3A_537, %add3A_538 : i32
      %mul3A_540 = arith.constant 16 : i32
      %mul3A_541 = arith.muli %add3A_539, %mul3A_540 : i32
      %swap3A_542 = arith.index_cast %mul3A_541 : i32 to index
      %swap3A_543 = tpu.vector_load %arg7[%swap3A_542] {strides = array<i32>} : memref<16384xi32, #tpu.memory_space<vmem>>, vector<16xi32>,
      tpu.vector_store %arg7[%swap3A_542], %add3A_533 {strides = array<i32>} : memref<16384xi32, #tpu.memory_space<vmem>>, vector<16xi32>,
      %add3A_544 = arith.constant 16000256 : i32
      %add3A_545 = vector.broadcast %add3A_544 : i32 to vector<16xi32>
      %add3A_546 = arith.addi %add3A_413, %add3A_545 : vector<16xi32>
      %mul3A_547 = arith.constant 2 : i32
      %mul3A_548 = arith.muli %add3A_178, %mul3A_547 : i32
      %mul3A_549 = arith.constant 16 : i32
      %mul3A_550 = arith.muli %mul3A_548, %mul3A_549 : i32
      %add3A_551 = arith.constant 26 : i32
      %add3A_552 = arith.addi %mul3A_550, %add3A_551 : i32
      %mul3A_553 = arith.constant 16 : i32
      %mul3A_554 = arith.muli %add3A_552, %mul3A_553 : i32
      %swap3A_555 = arith.index_cast %mul3A_554 : i32 to index
      %swap3A_556 = tpu.vector_load %arg7[%swap3A_555] {strides = array<i32>} : memref<16384xi32, #tpu.memory_space<vmem>>, vector<16xi32>,
      tpu.vector_store %arg7[%swap3A_555], %add3A_546 {strides = array<i32>} : memref<16384xi32, #tpu.memory_space<vmem>>, vector<16xi32>,
      %add3A_557 = arith.constant 16000384 : i32
      %add3A_558 = vector.broadcast %add3A_557 : i32 to vector<16xi32>
      %add3A_559 = arith.addi %add3A_413, %add3A_558 : vector<16xi32>
      %mul3A_560 = arith.constant 2 : i32
      %mul3A_561 = arith.muli %add3A_178, %mul3A_560 : i32
      %mul3A_562 = arith.constant 16 : i32
      %mul3A_563 = arith.muli %mul3A_561, %mul3A_562 : i32
      %add3A_564 = arith.constant 27 : i32
      %add3A_565 = arith.addi %mul3A_563, %add3A_564 : i32
      %mul3A_566 = arith.constant 16 : i32
      %mul3A_567 = arith.muli %add3A_565, %mul3A_566 : i32
      %swap3A_568 = arith.index_cast %mul3A_567 : i32 to index
      %swap3A_569 = tpu.vector_load %arg7[%swap3A_568] {strides = array<i32>} : memref<16384xi32, #tpu.memory_space<vmem>>, vector<16xi32>,
      tpu.vector_store %arg7[%swap3A_568], %add3A_559 {strides = array<i32>} : memref<16384xi32, #tpu.memory_space<vmem>>, vector<16xi32>,
      %add3A_570 = arith.constant 16000512 : i32
      %add3A_571 = vector.broadcast %add3A_570 : i32 to vector<16xi32>
      %add3A_572 = arith.addi %add3A_413, %add3A_571 : vector<16xi32>
      %mul3A_573 = arith.constant 2 : i32
      %mul3A_574 = arith.muli %add3A_178, %mul3A_573 : i32
      %mul3A_575 = arith.constant 16 : i32
      %mul3A_576 = arith.muli %mul3A_574, %mul3A_575 : i32
      %add3A_577 = arith.constant 28 : i32
      %add3A_578 = arith.addi %mul3A_576, %add3A_577 : i32
      %mul3A_579 = arith.constant 16 : i32
      %mul3A_580 = arith.muli %add3A_578, %mul3A_579 : i32
      %swap3A_581 = arith.index_cast %mul3A_580 : i32 to index
      %swap3A_582 = tpu.vector_load %arg7[%swap3A_581] {strides = array<i32>} : memref<16384xi32, #tpu.memory_space<vmem>>, vector<16xi32>,
      tpu.vector_store %arg7[%swap3A_581], %add3A_572 {strides = array<i32>} : memref<16384xi32, #tpu.memory_space<vmem>>, vector<16xi32>,
      %add3A_583 = arith.constant 16000640 : i32
      %add3A_584 = vector.broadcast %add3A_583 : i32 to vector<16xi32>
      %add3A_585 = arith.addi %add3A_413, %add3A_584 : vector<16xi32>
      %mul3A_586 = arith.constant 2 : i32
      %mul3A_587 = arith.muli %add3A_178, %mul3A_586 : i32
      %mul3A_588 = arith.constant 16 : i32
      %mul3A_589 = arith.muli %mul3A_587, %mul3A_588 : i32
      %add3A_590 = arith.constant 29 : i32
      %add3A_591 = arith.addi %mul3A_589, %add3A_590 : i32
      %mul3A_592 = arith.constant 16 : i32
      %mul3A_593 = arith.muli %add3A_591, %mul3A_592 : i32
      %swap3A_594 = arith.index_cast %mul3A_593 : i32 to index
      %swap3A_595 = tpu.vector_load %arg7[%swap3A_594] {strides = array<i32>} : memref<16384xi32, #tpu.memory_space<vmem>>, vector<16xi32>,
      tpu.vector_store %arg7[%swap3A_594], %add3A_585 {strides = array<i32>} : memref<16384xi32, #tpu.memory_space<vmem>>, vector<16xi32>,
      %add3A_596 = arith.constant 16000768 : i32
      %add3A_597 = vector.broadcast %add3A_596 : i32 to vector<16xi32>
      %add3A_598 = arith.addi %add3A_413, %add3A_597 : vector<16xi32>
      %mul3A_599 = arith.constant 2 : i32
      %mul3A_600 = arith.muli %add3A_178, %mul3A_599 : i32
      %mul3A_601 = arith.constant 16 : i32
      %mul3A_602 = arith.muli %mul3A_600, %mul3A_601 : i32
      %add3A_603 = arith.constant 30 : i32
      %add3A_604 = arith.addi %mul3A_602, %add3A_603 : i32
      %mul3A_605 = arith.constant 16 : i32
      %mul3A_606 = arith.muli %add3A_604, %mul3A_605 : i32
      %swap3A_607 = arith.index_cast %mul3A_606 : i32 to index
      %swap3A_608 = tpu.vector_load %arg7[%swap3A_607] {strides = array<i32>} : memref<16384xi32, #tpu.memory_space<vmem>>, vector<16xi32>,
      tpu.vector_store %arg7[%swap3A_607], %add3A_598 {strides = array<i32>} : memref<16384xi32, #tpu.memory_space<vmem>>, vector<16xi32>,
      %add3A_609 = arith.constant 16000896 : i32
      %add3A_610 = vector.broadcast %add3A_609 : i32 to vector<16xi32>
      %add3A_611 = arith.addi %add3A_413, %add3A_610 : vector<16xi32>
      %mul3A_612 = arith.constant 2 : i32
      %mul3A_613 = arith.muli %add3A_178, %mul3A_612 : i32
      %mul3A_614 = arith.constant 16 : i32
      %mul3A_615 = arith.muli %mul3A_613, %mul3A_614 : i32
      %add3A_616 = arith.constant 31 : i32
      %add3A_617 = arith.addi %mul3A_615, %add3A_616 : i32
      %mul3A_618 = arith.constant 16 : i32
      %mul3A_619 = arith.muli %add3A_617, %mul3A_618 : i32
      %swap3A_620 = arith.index_cast %mul3A_619 : i32 to index
      %swap3A_621 = tpu.vector_load %arg7[%swap3A_620] {strides = array<i32>} : memref<16384xi32, #tpu.memory_space<vmem>>, vector<16xi32>,
      tpu.vector_store %arg7[%swap3A_620], %add3A_611 {strides = array<i32>} : memref<16384xi32, #tpu.memory_space<vmem>>, vector<16xi32>,
      %mul3A_622 = arith.constant 512 : i32
      %mul3A_623 = arith.muli %add3A_178, %mul3A_622 : i32
      %add3A_624 = arith.constant 0 : i32
      %add3A_625 = arith.addi %mul3A_623, %add3A_624 : i32
      %dma_start3A_626 = tpu.memref_slice %arg8[%add3A_625] : memref<16384xf32, #tpu.memory_space<vmem>> -> memref<128xf32, #tpu.memory_space<vmem>>
      %dma_start3A_627 = tpu.memref_slice %arg7[%add3A_625] : memref<16384xi32, #tpu.memory_space<vmem>> -> memref<128xi32, #tpu.memory_space<vmem>>
      %dma_start3A_628 = arith.constant 0 : i32
      %dma_start3A_629 = tpu.memref_slice %arg3[%dma_start3A_628] : memref<32000000xf32, #tpu.memory_space<hbm>> -> memref<32000000xf32, #tpu.memory_space<hbm>>
      tpu.enqueue_indirect_dma source(%dma_start3A_629 : memref<32000000xf32, #tpu.memory_space<hbm>>) target(%dma_start3A_626 : memref<128xf32, #tpu.memory_space<vmem>>) offsets(%dma_start3A_627 : memref<128xi32, #tpu.memory_space<vmem>>) semaphore(%arg12 : memref<!tpu.dma_semaphore, #tpu.memory_space<semaphore_mem>>)
      %mul3A_630 = arith.constant 512 : i32
      %mul3A_631 = arith.muli %add3A_178, %mul3A_630 : i32
      %add3A_632 = arith.constant 128 : i32
      %add3A_633 = arith.addi %mul3A_631, %add3A_632 : i32
      %dma_start3A_634 = tpu.memref_slice %arg8[%add3A_633] : memref<16384xf32, #tpu.memory_space<vmem>> -> memref<128xf32, #tpu.memory_space<vmem>>
      %dma_start3A_635 = tpu.memref_slice %arg7[%add3A_633] : memref<16384xi32, #tpu.memory_space<vmem>> -> memref<128xi32, #tpu.memory_space<vmem>>
      %dma_start3A_636 = arith.constant 0 : i32
      %dma_start3A_637 = tpu.memref_slice %arg3[%dma_start3A_636] : memref<32000000xf32, #tpu.memory_space<hbm>> -> memref<32000000xf32, #tpu.memory_space<hbm>>
      tpu.enqueue_indirect_dma source(%dma_start3A_637 : memref<32000000xf32, #tpu.memory_space<hbm>>) target(%dma_start3A_634 : memref<128xf32, #tpu.memory_space<vmem>>) offsets(%dma_start3A_635 : memref<128xi32, #tpu.memory_space<vmem>>) semaphore(%arg12 : memref<!tpu.dma_semaphore, #tpu.memory_space<semaphore_mem>>)
      %mul3A_638 = arith.constant 512 : i32
      %mul3A_639 = arith.muli %add3A_178, %mul3A_638 : i32
      %add3A_640 = arith.constant 256 : i32
      %add3A_641 = arith.addi %mul3A_639, %add3A_640 : i32
      %dma_start3A_642 = tpu.memref_slice %arg8[%add3A_641] : memref<16384xf32, #tpu.memory_space<vmem>> -> memref<128xf32, #tpu.memory_space<vmem>>
      %dma_start3A_643 = tpu.memref_slice %arg7[%add3A_641] : memref<16384xi32, #tpu.memory_space<vmem>> -> memref<128xi32, #tpu.memory_space<vmem>>
      %dma_start3A_644 = arith.constant 0 : i32
      %dma_start3A_645 = tpu.memref_slice %arg3[%dma_start3A_644] : memref<32000000xf32, #tpu.memory_space<hbm>> -> memref<32000000xf32, #tpu.memory_space<hbm>>
      tpu.enqueue_indirect_dma source(%dma_start3A_645 : memref<32000000xf32, #tpu.memory_space<hbm>>) target(%dma_start3A_642 : memref<128xf32, #tpu.memory_space<vmem>>) offsets(%dma_start3A_643 : memref<128xi32, #tpu.memory_space<vmem>>) semaphore(%arg12 : memref<!tpu.dma_semaphore, #tpu.memory_space<semaphore_mem>>)
      %mul3A_646 = arith.constant 512 : i32
      %mul3A_647 = arith.muli %add3A_178, %mul3A_646 : i32
      %add3A_648 = arith.constant 384 : i32
      %add3A_649 = arith.addi %mul3A_647, %add3A_648 : i32
      %dma_start3A_650 = tpu.memref_slice %arg8[%add3A_649] : memref<16384xf32, #tpu.memory_space<vmem>> -> memref<128xf32, #tpu.memory_space<vmem>>
      %dma_start3A_651 = tpu.memref_slice %arg7[%add3A_649] : memref<16384xi32, #tpu.memory_space<vmem>> -> memref<128xi32, #tpu.memory_space<vmem>>
      %dma_start3A_652 = arith.constant 0 : i32
      %dma_start3A_653 = tpu.memref_slice %arg3[%dma_start3A_652] : memref<32000000xf32, #tpu.memory_space<hbm>> -> memref<32000000xf32, #tpu.memory_space<hbm>>
      tpu.enqueue_indirect_dma source(%dma_start3A_653 : memref<32000000xf32, #tpu.memory_space<hbm>>) target(%dma_start3A_650 : memref<128xf32, #tpu.memory_space<vmem>>) offsets(%dma_start3A_651 : memref<128xi32, #tpu.memory_space<vmem>>) semaphore(%arg12 : memref<!tpu.dma_semaphore, #tpu.memory_space<semaphore_mem>>)
    }
    %scan3A_113 = arith.constant 8 : i32
    %scan3A_114 = arith.constant 0 : i32
    %scan3A_115 = arith.constant 0 : i32
    %scan3A_116 = arith.constant 8 : i32
    %scan3A_117 = arith.addi %scan3A_115, %scan3A_116 : i32
    %scan3A_118 = arith.constant 1 : i32
    scf.for %scan3A_176 = %scan3A_115 to %scan3A_117 step %scan3A_118  : i32 {
      %add3A_177 = arith.constant 24 : i32
      %add3A_178 = arith.addi %add3A_177, %scan3A_176 : i32
      %mul3A_179 = arith.constant 16 : i32
      %mul3A_180 = arith.muli %add3A_178, %mul3A_179 : i32
      %get3A = arith.index_cast %mul3A_180 : i32 to index
      %get3A_181 = tpu.vector_load %arg5[%get3A] {strides = array<i32>} : memref<512xi32, #tpu.memory_space<vmem>>, vector<16xi32>,
      %add3A_182 = arith.constant 0 : i32
      %add3A_183 = vector.broadcast %add3A_182 : i32 to vector<16xi32>
      %add3A_184 = arith.addi %get3A_181, %add3A_183 : vector<16xi32>
      %shift_right_logical3A = arith.constant 7 : i32
      %shift_right_logical3A_185 = vector.broadcast %shift_right_logical3A : i32 to vector<16xi32>
      %shift_right_logical3A_186 = arith.shrui %add3A_184, %shift_right_logical3A_185 : vector<16xi32>
      %shift_left3A = arith.constant 10 : i32
      %shift_left3A_187 = vector.broadcast %shift_left3A : i32 to vector<16xi32>
      %shift_left3A_188 = arith.shli %shift_right_logical3A_186, %shift_left3A_187 : vector<16xi32>
      %and3A = arith.constant 127 : i32
      %and3A_189 = vector.broadcast %and3A : i32 to vector<16xi32>
      %and3A_190 = arith.andi %add3A_184, %and3A_189 : vector<16xi32>
      %add3A_191 = arith.addi %shift_left3A_188, %and3A_190 : vector<16xi32>
      %add3A_192 = arith.constant 0 : i32
      %add3A_193 = vector.broadcast %add3A_192 : i32 to vector<16xi32>
      %add3A_194 = arith.addi %add3A_191, %add3A_193 : vector<16xi32>
      %mul3A_195 = arith.constant 2 : i32
      %mul3A_196 = arith.muli %add3A_178, %mul3A_195 : i32
      %mul3A_197 = arith.constant 16 : i32
      %mul3A_198 = arith.muli %mul3A_196, %mul3A_197 : i32
      %add3A_199 = arith.constant 0 : i32
      %add3A_200 = arith.addi %mul3A_198, %add3A_199 : i32
      %mul3A_201 = arith.constant 16 : i32
      %mul3A_202 = arith.muli %add3A_200, %mul3A_201 : i32
      %swap3A = arith.index_cast %mul3A_202 : i32 to index
      %swap3A_203 = tpu.vector_load %arg7[%swap3A] {strides = array<i32>} : memref<16384xi32, #tpu.memory_space<vmem>>, vector<16xi32>,
      tpu.vector_store %arg7[%swap3A], %add3A_194 {strides = array<i32>} : memref<16384xi32, #tpu.memory_space<vmem>>, vector<16xi32>,
      %add3A_204 = arith.constant 128 : i32
      %add3A_205 = vector.broadcast %add3A_204 : i32 to vector<16xi32>
      %add3A_206 = arith.addi %add3A_191, %add3A_205 : vector<16xi32>
      %mul3A_207 = arith.constant 2 : i32
      %mul3A_208 = arith.muli %add3A_178, %mul3A_207 : i32
      %mul3A_209 = arith.constant 16 : i32
      %mul3A_210 = arith.muli %mul3A_208, %mul3A_209 : i32
      %add3A_211 = arith.constant 1 : i32
      %add3A_212 = arith.addi %mul3A_210, %add3A_211 : i32
      %mul3A_213 = arith.constant 16 : i32
      %mul3A_214 = arith.muli %add3A_212, %mul3A_213 : i32
      %swap3A_215 = arith.index_cast %mul3A_214 : i32 to index
      %swap3A_216 = tpu.vector_load %arg7[%swap3A_215] {strides = array<i32>} : memref<16384xi32, #tpu.memory_space<vmem>>, vector<16xi32>,
      tpu.vector_store %arg7[%swap3A_215], %add3A_206 {strides = array<i32>} : memref<16384xi32, #tpu.memory_space<vmem>>, vector<16xi32>,
      %add3A_217 = arith.constant 256 : i32
      %add3A_218 = vector.broadcast %add3A_217 : i32 to vector<16xi32>
      %add3A_219 = arith.addi %add3A_191, %add3A_218 : vector<16xi32>
      %mul3A_220 = arith.constant 2 : i32
      %mul3A_221 = arith.muli %add3A_178, %mul3A_220 : i32
      %mul3A_222 = arith.constant 16 : i32
      %mul3A_223 = arith.muli %mul3A_221, %mul3A_222 : i32
      %add3A_224 = arith.constant 2 : i32
      %add3A_225 = arith.addi %mul3A_223, %add3A_224 : i32
      %mul3A_226 = arith.constant 16 : i32
      %mul3A_227 = arith.muli %add3A_225, %mul3A_226 : i32
      %swap3A_228 = arith.index_cast %mul3A_227 : i32 to index
      %swap3A_229 = tpu.vector_load %arg7[%swap3A_228] {strides = array<i32>} : memref<16384xi32, #tpu.memory_space<vmem>>, vector<16xi32>,
      tpu.vector_store %arg7[%swap3A_228], %add3A_219 {strides = array<i32>} : memref<16384xi32, #tpu.memory_space<vmem>>, vector<16xi32>,
      %add3A_230 = arith.constant 384 : i32
      %add3A_231 = vector.broadcast %add3A_230 : i32 to vector<16xi32>
      %add3A_232 = arith.addi %add3A_191, %add3A_231 : vector<16xi32>
      %mul3A_233 = arith.constant 2 : i32
      %mul3A_234 = arith.muli %add3A_178, %mul3A_233 : i32
      %mul3A_235 = arith.constant 16 : i32
      %mul3A_236 = arith.muli %mul3A_234, %mul3A_235 : i32
      %add3A_237 = arith.constant 3 : i32
      %add3A_238 = arith.addi %mul3A_236, %add3A_237 : i32
      %mul3A_239 = arith.constant 16 : i32
      %mul3A_240 = arith.muli %add3A_238, %mul3A_239 : i32
      %swap3A_241 = arith.index_cast %mul3A_240 : i32 to index
      %swap3A_242 = tpu.vector_load %arg7[%swap3A_241] {strides = array<i32>} : memref<16384xi32, #tpu.memory_space<vmem>>, vector<16xi32>,
      tpu.vector_store %arg7[%swap3A_241], %add3A_232 {strides = array<i32>} : memref<16384xi32, #tpu.memory_space<vmem>>, vector<16xi32>,
      %add3A_243 = arith.constant 512 : i32
      %add3A_244 = vector.broadcast %add3A_243 : i32 to vector<16xi32>
      %add3A_245 = arith.addi %add3A_191, %add3A_244 : vector<16xi32>
      %mul3A_246 = arith.constant 2 : i32
      %mul3A_247 = arith.muli %add3A_178, %mul3A_246 : i32
      %mul3A_248 = arith.constant 16 : i32
      %mul3A_249 = arith.muli %mul3A_247, %mul3A_248 : i32
      %add3A_250 = arith.constant 4 : i32
      %add3A_251 = arith.addi %mul3A_249, %add3A_250 : i32
      %mul3A_252 = arith.constant 16 : i32
      %mul3A_253 = arith.muli %add3A_251, %mul3A_252 : i32
      %swap3A_254 = arith.index_cast %mul3A_253 : i32 to index
      %swap3A_255 = tpu.vector_load %arg7[%swap3A_254] {strides = array<i32>} : memref<16384xi32, #tpu.memory_space<vmem>>, vector<16xi32>,
      tpu.vector_store %arg7[%swap3A_254], %add3A_245 {strides = array<i32>} : memref<16384xi32, #tpu.memory_space<vmem>>, vector<16xi32>,
      %add3A_256 = arith.constant 640 : i32
      %add3A_257 = vector.broadcast %add3A_256 : i32 to vector<16xi32>
      %add3A_258 = arith.addi %add3A_191, %add3A_257 : vector<16xi32>
      %mul3A_259 = arith.constant 2 : i32
      %mul3A_260 = arith.muli %add3A_178, %mul3A_259 : i32
      %mul3A_261 = arith.constant 16 : i32
      %mul3A_262 = arith.muli %mul3A_260, %mul3A_261 : i32
      %add3A_263 = arith.constant 5 : i32
      %add3A_264 = arith.addi %mul3A_262, %add3A_263 : i32
      %mul3A_265 = arith.constant 16 : i32
      %mul3A_266 = arith.muli %add3A_264, %mul3A_265 : i32
      %swap3A_267 = arith.index_cast %mul3A_266 : i32 to index
      %swap3A_268 = tpu.vector_load %arg7[%swap3A_267] {strides = array<i32>} : memref<16384xi32, #tpu.memory_space<vmem>>, vector<16xi32>,
      tpu.vector_store %arg7[%swap3A_267], %add3A_258 {strides = array<i32>} : memref<16384xi32, #tpu.memory_space<vmem>>, vector<16xi32>,
      %add3A_269 = arith.constant 768 : i32
      %add3A_270 = vector.broadcast %add3A_269 : i32 to vector<16xi32>
      %add3A_271 = arith.addi %add3A_191, %add3A_270 : vector<16xi32>
      %mul3A_272 = arith.constant 2 : i32
      %mul3A_273 = arith.muli %add3A_178, %mul3A_272 : i32
      %mul3A_274 = arith.constant 16 : i32
      %mul3A_275 = arith.muli %mul3A_273, %mul3A_274 : i32
      %add3A_276 = arith.constant 6 : i32
      %add3A_277 = arith.addi %mul3A_275, %add3A_276 : i32
      %mul3A_278 = arith.constant 16 : i32
      %mul3A_279 = arith.muli %add3A_277, %mul3A_278 : i32
      %swap3A_280 = arith.index_cast %mul3A_279 : i32 to index
      %swap3A_281 = tpu.vector_load %arg7[%swap3A_280] {strides = array<i32>} : memref<16384xi32, #tpu.memory_space<vmem>>, vector<16xi32>,
      tpu.vector_store %arg7[%swap3A_280], %add3A_271 {strides = array<i32>} : memref<16384xi32, #tpu.memory_space<vmem>>, vector<16xi32>,
      %add3A_282 = arith.constant 896 : i32
      %add3A_283 = vector.broadcast %add3A_282 : i32 to vector<16xi32>
      %add3A_284 = arith.addi %add3A_191, %add3A_283 : vector<16xi32>
      %mul3A_285 = arith.constant 2 : i32
      %mul3A_286 = arith.muli %add3A_178, %mul3A_285 : i32
      %mul3A_287 = arith.constant 16 : i32
      %mul3A_288 = arith.muli %mul3A_286, %mul3A_287 : i32
      %add3A_289 = arith.constant 7 : i32
      %add3A_290 = arith.addi %mul3A_288, %add3A_289 : i32
      %mul3A_291 = arith.constant 16 : i32
      %mul3A_292 = arith.muli %add3A_290, %mul3A_291 : i32
      %swap3A_293 = arith.index_cast %mul3A_292 : i32 to index
      %swap3A_294 = tpu.vector_load %arg7[%swap3A_293] {strides = array<i32>} : memref<16384xi32, #tpu.memory_space<vmem>>, vector<16xi32>,
      tpu.vector_store %arg7[%swap3A_293], %add3A_284 {strides = array<i32>} : memref<16384xi32, #tpu.memory_space<vmem>>, vector<16xi32>,
      %add3A_295 = arith.constant 16000000 : i32
      %add3A_296 = vector.broadcast %add3A_295 : i32 to vector<16xi32>
      %add3A_297 = arith.addi %add3A_191, %add3A_296 : vector<16xi32>
      %mul3A_298 = arith.constant 2 : i32
      %mul3A_299 = arith.muli %add3A_178, %mul3A_298 : i32
      %mul3A_300 = arith.constant 16 : i32
      %mul3A_301 = arith.muli %mul3A_299, %mul3A_300 : i32
      %add3A_302 = arith.constant 8 : i32
      %add3A_303 = arith.addi %mul3A_301, %add3A_302 : i32
      %mul3A_304 = arith.constant 16 : i32
      %mul3A_305 = arith.muli %add3A_303, %mul3A_304 : i32
      %swap3A_306 = arith.index_cast %mul3A_305 : i32 to index
      %swap3A_307 = tpu.vector_load %arg7[%swap3A_306] {strides = array<i32>} : memref<16384xi32, #tpu.memory_space<vmem>>, vector<16xi32>,
      tpu.vector_store %arg7[%swap3A_306], %add3A_297 {strides = array<i32>} : memref<16384xi32, #tpu.memory_space<vmem>>, vector<16xi32>,
      %add3A_308 = arith.constant 16000128 : i32
      %add3A_309 = vector.broadcast %add3A_308 : i32 to vector<16xi32>
      %add3A_310 = arith.addi %add3A_191, %add3A_309 : vector<16xi32>
      %mul3A_311 = arith.constant 2 : i32
      %mul3A_312 = arith.muli %add3A_178, %mul3A_311 : i32
      %mul3A_313 = arith.constant 16 : i32
      %mul3A_314 = arith.muli %mul3A_312, %mul3A_313 : i32
      %add3A_315 = arith.constant 9 : i32
      %add3A_316 = arith.addi %mul3A_314, %add3A_315 : i32
      %mul3A_317 = arith.constant 16 : i32
      %mul3A_318 = arith.muli %add3A_316, %mul3A_317 : i32
      %swap3A_319 = arith.index_cast %mul3A_318 : i32 to index
      %swap3A_320 = tpu.vector_load %arg7[%swap3A_319] {strides = array<i32>} : memref<16384xi32, #tpu.memory_space<vmem>>, vector<16xi32>,
      tpu.vector_store %arg7[%swap3A_319], %add3A_310 {strides = array<i32>} : memref<16384xi32, #tpu.memory_space<vmem>>, vector<16xi32>,
      %add3A_321 = arith.constant 16000256 : i32
      %add3A_322 = vector.broadcast %add3A_321 : i32 to vector<16xi32>
      %add3A_323 = arith.addi %add3A_191, %add3A_322 : vector<16xi32>
      %mul3A_324 = arith.constant 2 : i32
      %mul3A_325 = arith.muli %add3A_178, %mul3A_324 : i32
      %mul3A_326 = arith.constant 16 : i32
      %mul3A_327 = arith.muli %mul3A_325, %mul3A_326 : i32
      %add3A_328 = arith.constant 10 : i32
      %add3A_329 = arith.addi %mul3A_327, %add3A_328 : i32
      %mul3A_330 = arith.constant 16 : i32
      %mul3A_331 = arith.muli %add3A_329, %mul3A_330 : i32
      %swap3A_332 = arith.index_cast %mul3A_331 : i32 to index
      %swap3A_333 = tpu.vector_load %arg7[%swap3A_332] {strides = array<i32>} : memref<16384xi32, #tpu.memory_space<vmem>>, vector<16xi32>,
      tpu.vector_store %arg7[%swap3A_332], %add3A_323 {strides = array<i32>} : memref<16384xi32, #tpu.memory_space<vmem>>, vector<16xi32>,
      %add3A_334 = arith.constant 16000384 : i32
      %add3A_335 = vector.broadcast %add3A_334 : i32 to vector<16xi32>
      %add3A_336 = arith.addi %add3A_191, %add3A_335 : vector<16xi32>
      %mul3A_337 = arith.constant 2 : i32
      %mul3A_338 = arith.muli %add3A_178, %mul3A_337 : i32
      %mul3A_339 = arith.constant 16 : i32
      %mul3A_340 = arith.muli %mul3A_338, %mul3A_339 : i32
      %add3A_341 = arith.constant 11 : i32
      %add3A_342 = arith.addi %mul3A_340, %add3A_341 : i32
      %mul3A_343 = arith.constant 16 : i32
      %mul3A_344 = arith.muli %add3A_342, %mul3A_343 : i32
      %swap3A_345 = arith.index_cast %mul3A_344 : i32 to index
      %swap3A_346 = tpu.vector_load %arg7[%swap3A_345] {strides = array<i32>} : memref<16384xi32, #tpu.memory_space<vmem>>, vector<16xi32>,
      tpu.vector_store %arg7[%swap3A_345], %add3A_336 {strides = array<i32>} : memref<16384xi32, #tpu.memory_space<vmem>>, vector<16xi32>,
      %add3A_347 = arith.constant 16000512 : i32
      %add3A_348 = vector.broadcast %add3A_347 : i32 to vector<16xi32>
      %add3A_349 = arith.addi %add3A_191, %add3A_348 : vector<16xi32>
      %mul3A_350 = arith.constant 2 : i32
      %mul3A_351 = arith.muli %add3A_178, %mul3A_350 : i32
      %mul3A_352 = arith.constant 16 : i32
      %mul3A_353 = arith.muli %mul3A_351, %mul3A_352 : i32
      %add3A_354 = arith.constant 12 : i32
      %add3A_355 = arith.addi %mul3A_353, %add3A_354 : i32
      %mul3A_356 = arith.constant 16 : i32
      %mul3A_357 = arith.muli %add3A_355, %mul3A_356 : i32
      %swap3A_358 = arith.index_cast %mul3A_357 : i32 to index
      %swap3A_359 = tpu.vector_load %arg7[%swap3A_358] {strides = array<i32>} : memref<16384xi32, #tpu.memory_space<vmem>>, vector<16xi32>,
      tpu.vector_store %arg7[%swap3A_358], %add3A_349 {strides = array<i32>} : memref<16384xi32, #tpu.memory_space<vmem>>, vector<16xi32>,
      %add3A_360 = arith.constant 16000640 : i32
      %add3A_361 = vector.broadcast %add3A_360 : i32 to vector<16xi32>
      %add3A_362 = arith.addi %add3A_191, %add3A_361 : vector<16xi32>
      %mul3A_363 = arith.constant 2 : i32
      %mul3A_364 = arith.muli %add3A_178, %mul3A_363 : i32
      %mul3A_365 = arith.constant 16 : i32
      %mul3A_366 = arith.muli %mul3A_364, %mul3A_365 : i32
      %add3A_367 = arith.constant 13 : i32
      %add3A_368 = arith.addi %mul3A_366, %add3A_367 : i32
      %mul3A_369 = arith.constant 16 : i32
      %mul3A_370 = arith.muli %add3A_368, %mul3A_369 : i32
      %swap3A_371 = arith.index_cast %mul3A_370 : i32 to index
      %swap3A_372 = tpu.vector_load %arg7[%swap3A_371] {strides = array<i32>} : memref<16384xi32, #tpu.memory_space<vmem>>, vector<16xi32>,
      tpu.vector_store %arg7[%swap3A_371], %add3A_362 {strides = array<i32>} : memref<16384xi32, #tpu.memory_space<vmem>>, vector<16xi32>,
      %add3A_373 = arith.constant 16000768 : i32
      %add3A_374 = vector.broadcast %add3A_373 : i32 to vector<16xi32>
      %add3A_375 = arith.addi %add3A_191, %add3A_374 : vector<16xi32>
      %mul3A_376 = arith.constant 2 : i32
      %mul3A_377 = arith.muli %add3A_178, %mul3A_376 : i32
      %mul3A_378 = arith.constant 16 : i32
      %mul3A_379 = arith.muli %mul3A_377, %mul3A_378 : i32
      %add3A_380 = arith.constant 14 : i32
      %add3A_381 = arith.addi %mul3A_379, %add3A_380 : i32
      %mul3A_382 = arith.constant 16 : i32
      %mul3A_383 = arith.muli %add3A_381, %mul3A_382 : i32
      %swap3A_384 = arith.index_cast %mul3A_383 : i32 to index
      %swap3A_385 = tpu.vector_load %arg7[%swap3A_384] {strides = array<i32>} : memref<16384xi32, #tpu.memory_space<vmem>>, vector<16xi32>,
      tpu.vector_store %arg7[%swap3A_384], %add3A_375 {strides = array<i32>} : memref<16384xi32, #tpu.memory_space<vmem>>, vector<16xi32>,
      %add3A_386 = arith.constant 16000896 : i32
      %add3A_387 = vector.broadcast %add3A_386 : i32 to vector<16xi32>
      %add3A_388 = arith.addi %add3A_191, %add3A_387 : vector<16xi32>
      %mul3A_389 = arith.constant 2 : i32
      %mul3A_390 = arith.muli %add3A_178, %mul3A_389 : i32
      %mul3A_391 = arith.constant 16 : i32
      %mul3A_392 = arith.muli %mul3A_390, %mul3A_391 : i32
      %add3A_393 = arith.constant 15 : i32
      %add3A_394 = arith.addi %mul3A_392, %add3A_393 : i32
      %mul3A_395 = arith.constant 16 : i32
      %mul3A_396 = arith.muli %add3A_394, %mul3A_395 : i32
      %swap3A_397 = arith.index_cast %mul3A_396 : i32 to index
      %swap3A_398 = tpu.vector_load %arg7[%swap3A_397] {strides = array<i32>} : memref<16384xi32, #tpu.memory_space<vmem>>, vector<16xi32>,
      tpu.vector_store %arg7[%swap3A_397], %add3A_388 {strides = array<i32>} : memref<16384xi32, #tpu.memory_space<vmem>>, vector<16xi32>,
      %get3A_399 = arith.index_cast %mul3A_180 : i32 to index
      %get3A_400 = tpu.vector_load %arg6[%get3A_399] {strides = array<i32>} : memref<512xi32, #tpu.memory_space<vmem>>, vector<16xi32>,
      %add3A_401 = arith.constant 1000000 : i32
      %add3A_402 = vector.broadcast %add3A_401 : i32 to vector<16xi32>
      %add3A_403 = arith.addi %get3A_400, %add3A_402 : vector<16xi32>
      %shift_right_logical3A_404 = arith.constant 7 : i32
      %shift_right_logical3A_405 = vector.broadcast %shift_right_logical3A_404 : i32 to vector<16xi32>
      %shift_right_logical3A_406 = arith.shrui %add3A_403, %shift_right_logical3A_405 : vector<16xi32>
      %shift_left3A_407 = arith.constant 10 : i32
      %shift_left3A_408 = vector.broadcast %shift_left3A_407 : i32 to vector<16xi32>
      %shift_left3A_409 = arith.shli %shift_right_logical3A_406, %shift_left3A_408 : vector<16xi32>
      %and3A_410 = arith.constant 127 : i32
      %and3A_411 = vector.broadcast %and3A_410 : i32 to vector<16xi32>
      %and3A_412 = arith.andi %add3A_403, %and3A_411 : vector<16xi32>
      %add3A_413 = arith.addi %shift_left3A_409, %and3A_412 : vector<16xi32>
      %add3A_414 = arith.constant 0 : i32
      %add3A_415 = vector.broadcast %add3A_414 : i32 to vector<16xi32>
      %add3A_416 = arith.addi %add3A_413, %add3A_415 : vector<16xi32>
      %mul3A_417 = arith.constant 2 : i32
      %mul3A_418 = arith.muli %add3A_178, %mul3A_417 : i32
      %mul3A_419 = arith.constant 16 : i32
      %mul3A_420 = arith.muli %mul3A_418, %mul3A_419 : i32
      %add3A_421 = arith.constant 16 : i32
      %add3A_422 = arith.addi %mul3A_420, %add3A_421 : i32
      %mul3A_423 = arith.constant 16 : i32
      %mul3A_424 = arith.muli %add3A_422, %mul3A_423 : i32
      %swap3A_425 = arith.index_cast %mul3A_424 : i32 to index
      %swap3A_426 = tpu.vector_load %arg7[%swap3A_425] {strides = array<i32>} : memref<16384xi32, #tpu.memory_space<vmem>>, vector<16xi32>,
      tpu.vector_store %arg7[%swap3A_425], %add3A_416 {strides = array<i32>} : memref<16384xi32, #tpu.memory_space<vmem>>, vector<16xi32>,
      %add3A_427 = arith.constant 128 : i32
      %add3A_428 = vector.broadcast %add3A_427 : i32 to vector<16xi32>
      %add3A_429 = arith.addi %add3A_413, %add3A_428 : vector<16xi32>
      %mul3A_430 = arith.constant 2 : i32
      %mul3A_431 = arith.muli %add3A_178, %mul3A_430 : i32
      %mul3A_432 = arith.constant 16 : i32
      %mul3A_433 = arith.muli %mul3A_431, %mul3A_432 : i32
      %add3A_434 = arith.constant 17 : i32
      %add3A_435 = arith.addi %mul3A_433, %add3A_434 : i32
      %mul3A_436 = arith.constant 16 : i32
      %mul3A_437 = arith.muli %add3A_435, %mul3A_436 : i32
      %swap3A_438 = arith.index_cast %mul3A_437 : i32 to index
      %swap3A_439 = tpu.vector_load %arg7[%swap3A_438] {strides = array<i32>} : memref<16384xi32, #tpu.memory_space<vmem>>, vector<16xi32>,
      tpu.vector_store %arg7[%swap3A_438], %add3A_429 {strides = array<i32>} : memref<16384xi32, #tpu.memory_space<vmem>>, vector<16xi32>,
      %add3A_440 = arith.constant 256 : i32
      %add3A_441 = vector.broadcast %add3A_440 : i32 to vector<16xi32>
      %add3A_442 = arith.addi %add3A_413, %add3A_441 : vector<16xi32>
      %mul3A_443 = arith.constant 2 : i32
      %mul3A_444 = arith.muli %add3A_178, %mul3A_443 : i32
      %mul3A_445 = arith.constant 16 : i32
      %mul3A_446 = arith.muli %mul3A_444, %mul3A_445 : i32
      %add3A_447 = arith.constant 18 : i32
      %add3A_448 = arith.addi %mul3A_446, %add3A_447 : i32
      %mul3A_449 = arith.constant 16 : i32
      %mul3A_450 = arith.muli %add3A_448, %mul3A_449 : i32
      %swap3A_451 = arith.index_cast %mul3A_450 : i32 to index
      %swap3A_452 = tpu.vector_load %arg7[%swap3A_451] {strides = array<i32>} : memref<16384xi32, #tpu.memory_space<vmem>>, vector<16xi32>,
      tpu.vector_store %arg7[%swap3A_451], %add3A_442 {strides = array<i32>} : memref<16384xi32, #tpu.memory_space<vmem>>, vector<16xi32>,
      %add3A_453 = arith.constant 384 : i32
      %add3A_454 = vector.broadcast %add3A_453 : i32 to vector<16xi32>
      %add3A_455 = arith.addi %add3A_413, %add3A_454 : vector<16xi32>
      %mul3A_456 = arith.constant 2 : i32
      %mul3A_457 = arith.muli %add3A_178, %mul3A_456 : i32
      %mul3A_458 = arith.constant 16 : i32
      %mul3A_459 = arith.muli %mul3A_457, %mul3A_458 : i32
      %add3A_460 = arith.constant 19 : i32
      %add3A_461 = arith.addi %mul3A_459, %add3A_460 : i32
      %mul3A_462 = arith.constant 16 : i32
      %mul3A_463 = arith.muli %add3A_461, %mul3A_462 : i32
      %swap3A_464 = arith.index_cast %mul3A_463 : i32 to index
      %swap3A_465 = tpu.vector_load %arg7[%swap3A_464] {strides = array<i32>} : memref<16384xi32, #tpu.memory_space<vmem>>, vector<16xi32>,
      tpu.vector_store %arg7[%swap3A_464], %add3A_455 {strides = array<i32>} : memref<16384xi32, #tpu.memory_space<vmem>>, vector<16xi32>,
      %add3A_466 = arith.constant 512 : i32
      %add3A_467 = vector.broadcast %add3A_466 : i32 to vector<16xi32>
      %add3A_468 = arith.addi %add3A_413, %add3A_467 : vector<16xi32>
      %mul3A_469 = arith.constant 2 : i32
      %mul3A_470 = arith.muli %add3A_178, %mul3A_469 : i32
      %mul3A_471 = arith.constant 16 : i32
      %mul3A_472 = arith.muli %mul3A_470, %mul3A_471 : i32
      %add3A_473 = arith.constant 20 : i32
      %add3A_474 = arith.addi %mul3A_472, %add3A_473 : i32
      %mul3A_475 = arith.constant 16 : i32
      %mul3A_476 = arith.muli %add3A_474, %mul3A_475 : i32
      %swap3A_477 = arith.index_cast %mul3A_476 : i32 to index
      %swap3A_478 = tpu.vector_load %arg7[%swap3A_477] {strides = array<i32>} : memref<16384xi32, #tpu.memory_space<vmem>>, vector<16xi32>,
      tpu.vector_store %arg7[%swap3A_477], %add3A_468 {strides = array<i32>} : memref<16384xi32, #tpu.memory_space<vmem>>, vector<16xi32>,
      %add3A_479 = arith.constant 640 : i32
      %add3A_480 = vector.broadcast %add3A_479 : i32 to vector<16xi32>
      %add3A_481 = arith.addi %add3A_413, %add3A_480 : vector<16xi32>
      %mul3A_482 = arith.constant 2 : i32
      %mul3A_483 = arith.muli %add3A_178, %mul3A_482 : i32
      %mul3A_484 = arith.constant 16 : i32
      %mul3A_485 = arith.muli %mul3A_483, %mul3A_484 : i32
      %add3A_486 = arith.constant 21 : i32
      %add3A_487 = arith.addi %mul3A_485, %add3A_486 : i32
      %mul3A_488 = arith.constant 16 : i32
      %mul3A_489 = arith.muli %add3A_487, %mul3A_488 : i32
      %swap3A_490 = arith.index_cast %mul3A_489 : i32 to index
      %swap3A_491 = tpu.vector_load %arg7[%swap3A_490] {strides = array<i32>} : memref<16384xi32, #tpu.memory_space<vmem>>, vector<16xi32>,
      tpu.vector_store %arg7[%swap3A_490], %add3A_481 {strides = array<i32>} : memref<16384xi32, #tpu.memory_space<vmem>>, vector<16xi32>,
      %add3A_492 = arith.constant 768 : i32
      %add3A_493 = vector.broadcast %add3A_492 : i32 to vector<16xi32>
      %add3A_494 = arith.addi %add3A_413, %add3A_493 : vector<16xi32>
      %mul3A_495 = arith.constant 2 : i32
      %mul3A_496 = arith.muli %add3A_178, %mul3A_495 : i32
      %mul3A_497 = arith.constant 16 : i32
      %mul3A_498 = arith.muli %mul3A_496, %mul3A_497 : i32
      %add3A_499 = arith.constant 22 : i32
      %add3A_500 = arith.addi %mul3A_498, %add3A_499 : i32
      %mul3A_501 = arith.constant 16 : i32
      %mul3A_502 = arith.muli %add3A_500, %mul3A_501 : i32
      %swap3A_503 = arith.index_cast %mul3A_502 : i32 to index
      %swap3A_504 = tpu.vector_load %arg7[%swap3A_503] {strides = array<i32>} : memref<16384xi32, #tpu.memory_space<vmem>>, vector<16xi32>,
      tpu.vector_store %arg7[%swap3A_503], %add3A_494 {strides = array<i32>} : memref<16384xi32, #tpu.memory_space<vmem>>, vector<16xi32>,
      %add3A_505 = arith.constant 896 : i32
      %add3A_506 = vector.broadcast %add3A_505 : i32 to vector<16xi32>
      %add3A_507 = arith.addi %add3A_413, %add3A_506 : vector<16xi32>
      %mul3A_508 = arith.constant 2 : i32
      %mul3A_509 = arith.muli %add3A_178, %mul3A_508 : i32
      %mul3A_510 = arith.constant 16 : i32
      %mul3A_511 = arith.muli %mul3A_509, %mul3A_510 : i32
      %add3A_512 = arith.constant 23 : i32
      %add3A_513 = arith.addi %mul3A_511, %add3A_512 : i32
      %mul3A_514 = arith.constant 16 : i32
      %mul3A_515 = arith.muli %add3A_513, %mul3A_514 : i32
      %swap3A_516 = arith.index_cast %mul3A_515 : i32 to index
      %swap3A_517 = tpu.vector_load %arg7[%swap3A_516] {strides = array<i32>} : memref<16384xi32, #tpu.memory_space<vmem>>, vector<16xi32>,
      tpu.vector_store %arg7[%swap3A_516], %add3A_507 {strides = array<i32>} : memref<16384xi32, #tpu.memory_space<vmem>>, vector<16xi32>,
      %add3A_518 = arith.constant 16000000 : i32
      %add3A_519 = vector.broadcast %add3A_518 : i32 to vector<16xi32>
      %add3A_520 = arith.addi %add3A_413, %add3A_519 : vector<16xi32>
      %mul3A_521 = arith.constant 2 : i32
      %mul3A_522 = arith.muli %add3A_178, %mul3A_521 : i32
      %mul3A_523 = arith.constant 16 : i32
      %mul3A_524 = arith.muli %mul3A_522, %mul3A_523 : i32
      %add3A_525 = arith.constant 24 : i32
      %add3A_526 = arith.addi %mul3A_524, %add3A_525 : i32
      %mul3A_527 = arith.constant 16 : i32
      %mul3A_528 = arith.muli %add3A_526, %mul3A_527 : i32
      %swap3A_529 = arith.index_cast %mul3A_528 : i32 to index
      %swap3A_530 = tpu.vector_load %arg7[%swap3A_529] {strides = array<i32>} : memref<16384xi32, #tpu.memory_space<vmem>>, vector<16xi32>,
      tpu.vector_store %arg7[%swap3A_529], %add3A_520 {strides = array<i32>} : memref<16384xi32, #tpu.memory_space<vmem>>, vector<16xi32>,
      %add3A_531 = arith.constant 16000128 : i32
      %add3A_532 = vector.broadcast %add3A_531 : i32 to vector<16xi32>
      %add3A_533 = arith.addi %add3A_413, %add3A_532 : vector<16xi32>
      %mul3A_534 = arith.constant 2 : i32
      %mul3A_535 = arith.muli %add3A_178, %mul3A_534 : i32
      %mul3A_536 = arith.constant 16 : i32
      %mul3A_537 = arith.muli %mul3A_535, %mul3A_536 : i32
      %add3A_538 = arith.constant 25 : i32
      %add3A_539 = arith.addi %mul3A_537, %add3A_538 : i32
      %mul3A_540 = arith.constant 16 : i32
      %mul3A_541 = arith.muli %add3A_539, %mul3A_540 : i32
      %swap3A_542 = arith.index_cast %mul3A_541 : i32 to index
      %swap3A_543 = tpu.vector_load %arg7[%swap3A_542] {strides = array<i32>} : memref<16384xi32, #tpu.memory_space<vmem>>, vector<16xi32>,
      tpu.vector_store %arg7[%swap3A_542], %add3A_533 {strides = array<i32>} : memref<16384xi32, #tpu.memory_space<vmem>>, vector<16xi32>,
      %add3A_544 = arith.constant 16000256 : i32
      %add3A_545 = vector.broadcast %add3A_544 : i32 to vector<16xi32>
      %add3A_546 = arith.addi %add3A_413, %add3A_545 : vector<16xi32>
      %mul3A_547 = arith.constant 2 : i32
      %mul3A_548 = arith.muli %add3A_178, %mul3A_547 : i32
      %mul3A_549 = arith.constant 16 : i32
      %mul3A_550 = arith.muli %mul3A_548, %mul3A_549 : i32
      %add3A_551 = arith.constant 26 : i32
      %add3A_552 = arith.addi %mul3A_550, %add3A_551 : i32
      %mul3A_553 = arith.constant 16 : i32
      %mul3A_554 = arith.muli %add3A_552, %mul3A_553 : i32
      %swap3A_555 = arith.index_cast %mul3A_554 : i32 to index
      %swap3A_556 = tpu.vector_load %arg7[%swap3A_555] {strides = array<i32>} : memref<16384xi32, #tpu.memory_space<vmem>>, vector<16xi32>,
      tpu.vector_store %arg7[%swap3A_555], %add3A_546 {strides = array<i32>} : memref<16384xi32, #tpu.memory_space<vmem>>, vector<16xi32>,
      %add3A_557 = arith.constant 16000384 : i32
      %add3A_558 = vector.broadcast %add3A_557 : i32 to vector<16xi32>
      %add3A_559 = arith.addi %add3A_413, %add3A_558 : vector<16xi32>
      %mul3A_560 = arith.constant 2 : i32
      %mul3A_561 = arith.muli %add3A_178, %mul3A_560 : i32
      %mul3A_562 = arith.constant 16 : i32
      %mul3A_563 = arith.muli %mul3A_561, %mul3A_562 : i32
      %add3A_564 = arith.constant 27 : i32
      %add3A_565 = arith.addi %mul3A_563, %add3A_564 : i32
      %mul3A_566 = arith.constant 16 : i32
      %mul3A_567 = arith.muli %add3A_565, %mul3A_566 : i32
      %swap3A_568 = arith.index_cast %mul3A_567 : i32 to index
      %swap3A_569 = tpu.vector_load %arg7[%swap3A_568] {strides = array<i32>} : memref<16384xi32, #tpu.memory_space<vmem>>, vector<16xi32>,
      tpu.vector_store %arg7[%swap3A_568], %add3A_559 {strides = array<i32>} : memref<16384xi32, #tpu.memory_space<vmem>>, vector<16xi32>,
      %add3A_570 = arith.constant 16000512 : i32
      %add3A_571 = vector.broadcast %add3A_570 : i32 to vector<16xi32>
      %add3A_572 = arith.addi %add3A_413, %add3A_571 : vector<16xi32>
      %mul3A_573 = arith.constant 2 : i32
      %mul3A_574 = arith.muli %add3A_178, %mul3A_573 : i32
      %mul3A_575 = arith.constant 16 : i32
      %mul3A_576 = arith.muli %mul3A_574, %mul3A_575 : i32
      %add3A_577 = arith.constant 28 : i32
      %add3A_578 = arith.addi %mul3A_576, %add3A_577 : i32
      %mul3A_579 = arith.constant 16 : i32
      %mul3A_580 = arith.muli %add3A_578, %mul3A_579 : i32
      %swap3A_581 = arith.index_cast %mul3A_580 : i32 to index
      %swap3A_582 = tpu.vector_load %arg7[%swap3A_581] {strides = array<i32>} : memref<16384xi32, #tpu.memory_space<vmem>>, vector<16xi32>,
      tpu.vector_store %arg7[%swap3A_581], %add3A_572 {strides = array<i32>} : memref<16384xi32, #tpu.memory_space<vmem>>, vector<16xi32>,
      %add3A_583 = arith.constant 16000640 : i32
      %add3A_584 = vector.broadcast %add3A_583 : i32 to vector<16xi32>
      %add3A_585 = arith.addi %add3A_413, %add3A_584 : vector<16xi32>
      %mul3A_586 = arith.constant 2 : i32
      %mul3A_587 = arith.muli %add3A_178, %mul3A_586 : i32
      %mul3A_588 = arith.constant 16 : i32
      %mul3A_589 = arith.muli %mul3A_587, %mul3A_588 : i32
      %add3A_590 = arith.constant 29 : i32
      %add3A_591 = arith.addi %mul3A_589, %add3A_590 : i32
      %mul3A_592 = arith.constant 16 : i32
      %mul3A_593 = arith.muli %add3A_591, %mul3A_592 : i32
      %swap3A_594 = arith.index_cast %mul3A_593 : i32 to index
      %swap3A_595 = tpu.vector_load %arg7[%swap3A_594] {strides = array<i32>} : memref<16384xi32, #tpu.memory_space<vmem>>, vector<16xi32>,
      tpu.vector_store %arg7[%swap3A_594], %add3A_585 {strides = array<i32>} : memref<16384xi32, #tpu.memory_space<vmem>>, vector<16xi32>,
      %add3A_596 = arith.constant 16000768 : i32
      %add3A_597 = vector.broadcast %add3A_596 : i32 to vector<16xi32>
      %add3A_598 = arith.addi %add3A_413, %add3A_597 : vector<16xi32>
      %mul3A_599 = arith.constant 2 : i32
      %mul3A_600 = arith.muli %add3A_178, %mul3A_599 : i32
      %mul3A_601 = arith.constant 16 : i32
      %mul3A_602 = arith.muli %mul3A_600, %mul3A_601 : i32
      %add3A_603 = arith.constant 30 : i32
      %add3A_604 = arith.addi %mul3A_602, %add3A_603 : i32
      %mul3A_605 = arith.constant 16 : i32
      %mul3A_606 = arith.muli %add3A_604, %mul3A_605 : i32
      %swap3A_607 = arith.index_cast %mul3A_606 : i32 to index
      %swap3A_608 = tpu.vector_load %arg7[%swap3A_607] {strides = array<i32>} : memref<16384xi32, #tpu.memory_space<vmem>>, vector<16xi32>,
      tpu.vector_store %arg7[%swap3A_607], %add3A_598 {strides = array<i32>} : memref<16384xi32, #tpu.memory_space<vmem>>, vector<16xi32>,
      %add3A_609 = arith.constant 16000896 : i32
      %add3A_610 = vector.broadcast %add3A_609 : i32 to vector<16xi32>
      %add3A_611 = arith.addi %add3A_413, %add3A_610 : vector<16xi32>
      %mul3A_612 = arith.constant 2 : i32
      %mul3A_613 = arith.muli %add3A_178, %mul3A_612 : i32
      %mul3A_614 = arith.constant 16 : i32
      %mul3A_615 = arith.muli %mul3A_613, %mul3A_614 : i32
      %add3A_616 = arith.constant 31 : i32
      %add3A_617 = arith.addi %mul3A_615, %add3A_616 : i32
      %mul3A_618 = arith.constant 16 : i32
      %mul3A_619 = arith.muli %add3A_617, %mul3A_618 : i32
      %swap3A_620 = arith.index_cast %mul3A_619 : i32 to index
      %swap3A_621 = tpu.vector_load %arg7[%swap3A_620] {strides = array<i32>} : memref<16384xi32, #tpu.memory_space<vmem>>, vector<16xi32>,
      tpu.vector_store %arg7[%swap3A_620], %add3A_611 {strides = array<i32>} : memref<16384xi32, #tpu.memory_space<vmem>>, vector<16xi32>,
      %mul3A_622 = arith.constant 512 : i32
      %mul3A_623 = arith.muli %add3A_178, %mul3A_622 : i32
      %add3A_624 = arith.constant 0 : i32
      %add3A_625 = arith.addi %mul3A_623, %add3A_624 : i32
      %dma_start3A_626 = tpu.memref_slice %arg8[%add3A_625] : memref<16384xf32, #tpu.memory_space<vmem>> -> memref<128xf32, #tpu.memory_space<vmem>>
      %dma_start3A_627 = tpu.memref_slice %arg7[%add3A_625] : memref<16384xi32, #tpu.memory_space<vmem>> -> memref<128xi32, #tpu.memory_space<vmem>>
      %dma_start3A_628 = arith.constant 0 : i32
      %dma_start3A_629 = tpu.memref_slice %arg3[%dma_start3A_628] : memref<32000000xf32, #tpu.memory_space<hbm>> -> memref<32000000xf32, #tpu.memory_space<hbm>>
      tpu.enqueue_indirect_dma source(%dma_start3A_629 : memref<32000000xf32, #tpu.memory_space<hbm>>) target(%dma_start3A_626 : memref<128xf32, #tpu.memory_space<vmem>>) offsets(%dma_start3A_627 : memref<128xi32, #tpu.memory_space<vmem>>) semaphore(%arg13 : memref<!tpu.dma_semaphore, #tpu.memory_space<semaphore_mem>>)
      %mul3A_630 = arith.constant 512 : i32
      %mul3A_631 = arith.muli %add3A_178, %mul3A_630 : i32
      %add3A_632 = arith.constant 128 : i32
      %add3A_633 = arith.addi %mul3A_631, %add3A_632 : i32
      %dma_start3A_634 = tpu.memref_slice %arg8[%add3A_633] : memref<16384xf32, #tpu.memory_space<vmem>> -> memref<128xf32, #tpu.memory_space<vmem>>
      %dma_start3A_635 = tpu.memref_slice %arg7[%add3A_633] : memref<16384xi32, #tpu.memory_space<vmem>> -> memref<128xi32, #tpu.memory_space<vmem>>
      %dma_start3A_636 = arith.constant 0 : i32
      %dma_start3A_637 = tpu.memref_slice %arg3[%dma_start3A_636] : memref<32000000xf32, #tpu.memory_space<hbm>> -> memref<32000000xf32, #tpu.memory_space<hbm>>
      tpu.enqueue_indirect_dma source(%dma_start3A_637 : memref<32000000xf32, #tpu.memory_space<hbm>>) target(%dma_start3A_634 : memref<128xf32, #tpu.memory_space<vmem>>) offsets(%dma_start3A_635 : memref<128xi32, #tpu.memory_space<vmem>>) semaphore(%arg13 : memref<!tpu.dma_semaphore, #tpu.memory_space<semaphore_mem>>)
      %mul3A_638 = arith.constant 512 : i32
      %mul3A_639 = arith.muli %add3A_178, %mul3A_638 : i32
      %add3A_640 = arith.constant 256 : i32
      %add3A_641 = arith.addi %mul3A_639, %add3A_640 : i32
      %dma_start3A_642 = tpu.memref_slice %arg8[%add3A_641] : memref<16384xf32, #tpu.memory_space<vmem>> -> memref<128xf32, #tpu.memory_space<vmem>>
      %dma_start3A_643 = tpu.memref_slice %arg7[%add3A_641] : memref<16384xi32, #tpu.memory_space<vmem>> -> memref<128xi32, #tpu.memory_space<vmem>>
      %dma_start3A_644 = arith.constant 0 : i32
      %dma_start3A_645 = tpu.memref_slice %arg3[%dma_start3A_644] : memref<32000000xf32, #tpu.memory_space<hbm>> -> memref<32000000xf32, #tpu.memory_space<hbm>>
      tpu.enqueue_indirect_dma source(%dma_start3A_645 : memref<32000000xf32, #tpu.memory_space<hbm>>) target(%dma_start3A_642 : memref<128xf32, #tpu.memory_space<vmem>>) offsets(%dma_start3A_643 : memref<128xi32, #tpu.memory_space<vmem>>) semaphore(%arg13 : memref<!tpu.dma_semaphore, #tpu.memory_space<semaphore_mem>>)
      %mul3A_646 = arith.constant 512 : i32
      %mul3A_647 = arith.muli %add3A_178, %mul3A_646 : i32
      %add3A_648 = arith.constant 384 : i32
      %add3A_649 = arith.addi %mul3A_647, %add3A_648 : i32
      %dma_start3A_650 = tpu.memref_slice %arg8[%add3A_649] : memref<16384xf32, #tpu.memory_space<vmem>> -> memref<128xf32, #tpu.memory_space<vmem>>
      %dma_start3A_651 = tpu.memref_slice %arg7[%add3A_649] : memref<16384xi32, #tpu.memory_space<vmem>> -> memref<128xi32, #tpu.memory_space<vmem>>
      %dma_start3A_652 = arith.constant 0 : i32
      %dma_start3A_653 = tpu.memref_slice %arg3[%dma_start3A_652] : memref<32000000xf32, #tpu.memory_space<hbm>> -> memref<32000000xf32, #tpu.memory_space<hbm>>
      tpu.enqueue_indirect_dma source(%dma_start3A_653 : memref<32000000xf32, #tpu.memory_space<hbm>>) target(%dma_start3A_650 : memref<128xf32, #tpu.memory_space<vmem>>) offsets(%dma_start3A_651 : memref<128xi32, #tpu.memory_space<vmem>>) semaphore(%arg13 : memref<!tpu.dma_semaphore, #tpu.memory_space<semaphore_mem>>)
    }
    %scan3A_119 = arith.constant 8 : i32
    %dma_wait3A_120 = arith.constant 0 : i32
    %dma_wait3A_121 = tpu.memref_slice %arg8[%dma_wait3A_120] : memref<16384xf32, #tpu.memory_space<vmem>> -> memref<4096xf32, #tpu.memory_space<vmem>>
    %dma_wait3A_122 = arith.constant 0 : i32
    %dma_wait3A_123 = tpu.memref_slice %arg3[%dma_wait3A_122] : memref<32000000xf32, #tpu.memory_space<hbm>> -> memref<4096xf32, #tpu.memory_space<hbm>>
    %dma_wait3A_124 = arith.constant 0 : i32
    %dma_wait3A_125 = tpu.memref_slice %arg8[%dma_wait3A_124] : memref<16384xf32, #tpu.memory_space<vmem>> -> memref<4096xf32, #tpu.memory_space<vmem>>
    %dma_wait3A_126 = arith.constant 0 : i32
    %dma_wait3A_127 = tpu.memref_slice %arg3[%dma_wait3A_126] : memref<32000000xf32, #tpu.memory_space<hbm>> -> memref<4096xf32, #tpu.memory_space<hbm>>
    tpu.wait_dma2 semaphore(%arg10 : memref<!tpu.dma_semaphore, #tpu.memory_space<semaphore_mem>>) src(%dma_wait3A_127 : memref<4096xf32, #tpu.memory_space<hbm>>) dst(%dma_wait3A_125 : memref<4096xf32, #tpu.memory_space<vmem>>)
    %scan3A_128 = arith.constant 0 : i32
    %scan3A_129 = arith.constant 0 : i32
    %scan3A_130 = arith.constant 8 : i32
    %scan3A_131 = arith.addi %scan3A_129, %scan3A_130 : i32
    %scan3A_132 = arith.constant 1 : i32
    scf.for %scan3A_176 = %scan3A_129 to %scan3A_131 step %scan3A_132  : i32 {
      %mul3A_177 = arith.constant 512 : i32
      %mul3A_178 = arith.muli %scan3A_176, %mul3A_177 : i32
      %broadcast_in_dim3A = arith.constant 0.000000e+00 : f32
      %broadcast_in_dim3A_179 = vector.broadcast %broadcast_in_dim3A : f32 to vector<16xf32>
      %add3A_180 = arith.constant 0 : i32
      %add3A_181 = arith.addi %mul3A_178, %add3A_180 : i32
      %get3A = arith.index_cast %add3A_181 : i32 to index
      %get3A_182 = tpu.vector_load %arg8[%get3A] {strides = array<i32>} : memref<16384xf32, #tpu.memory_space<vmem>>, vector<16xf32>,
      %add3A_183 = arith.constant 256 : i32
      %add3A_184 = arith.addi %mul3A_178, %add3A_183 : i32
      %get3A_185 = arith.index_cast %add3A_184 : i32 to index
      %get3A_186 = tpu.vector_load %arg8[%get3A_185] {strides = array<i32>} : memref<16384xf32, #tpu.memory_space<vmem>>, vector<16xf32>,
      %mul3A_187 = arith.mulf %get3A_182, %get3A_186 : vector<16xf32>
      %add3A_188 = arith.addf %broadcast_in_dim3A_179, %mul3A_187 : vector<16xf32>
      %add3A_189 = arith.constant 16 : i32
      %add3A_190 = arith.addi %mul3A_178, %add3A_189 : i32
      %get3A_191 = arith.index_cast %add3A_190 : i32 to index
      %get3A_192 = tpu.vector_load %arg8[%get3A_191] {strides = array<i32>} : memref<16384xf32, #tpu.memory_space<vmem>>, vector<16xf32>,
      %add3A_193 = arith.constant 272 : i32
      %add3A_194 = arith.addi %mul3A_178, %add3A_193 : i32
      %get3A_195 = arith.index_cast %add3A_194 : i32 to index
      %get3A_196 = tpu.vector_load %arg8[%get3A_195] {strides = array<i32>} : memref<16384xf32, #tpu.memory_space<vmem>>, vector<16xf32>,
      %mul3A_197 = arith.mulf %get3A_192, %get3A_196 : vector<16xf32>
      %add3A_198 = arith.addf %add3A_188, %mul3A_197 : vector<16xf32>
      %add3A_199 = arith.constant 32 : i32
      %add3A_200 = arith.addi %mul3A_178, %add3A_199 : i32
      %get3A_201 = arith.index_cast %add3A_200 : i32 to index
      %get3A_202 = tpu.vector_load %arg8[%get3A_201] {strides = array<i32>} : memref<16384xf32, #tpu.memory_space<vmem>>, vector<16xf32>,
      %add3A_203 = arith.constant 288 : i32
      %add3A_204 = arith.addi %mul3A_178, %add3A_203 : i32
      %get3A_205 = arith.index_cast %add3A_204 : i32 to index
      %get3A_206 = tpu.vector_load %arg8[%get3A_205] {strides = array<i32>} : memref<16384xf32, #tpu.memory_space<vmem>>, vector<16xf32>,
      %mul3A_207 = arith.mulf %get3A_202, %get3A_206 : vector<16xf32>
      %add3A_208 = arith.addf %add3A_198, %mul3A_207 : vector<16xf32>
      %add3A_209 = arith.constant 48 : i32
      %add3A_210 = arith.addi %mul3A_178, %add3A_209 : i32
      %get3A_211 = arith.index_cast %add3A_210 : i32 to index
      %get3A_212 = tpu.vector_load %arg8[%get3A_211] {strides = array<i32>} : memref<16384xf32, #tpu.memory_space<vmem>>, vector<16xf32>,
      %add3A_213 = arith.constant 304 : i32
      %add3A_214 = arith.addi %mul3A_178, %add3A_213 : i32
      %get3A_215 = arith.index_cast %add3A_214 : i32 to index
      %get3A_216 = tpu.vector_load %arg8[%get3A_215] {strides = array<i32>} : memref<16384xf32, #tpu.memory_space<vmem>>, vector<16xf32>,
      %mul3A_217 = arith.mulf %get3A_212, %get3A_216 : vector<16xf32>
      %add3A_218 = arith.addf %add3A_208, %mul3A_217 : vector<16xf32>
      %add3A_219 = arith.constant 64 : i32
      %add3A_220 = arith.addi %mul3A_178, %add3A_219 : i32
      %get3A_221 = arith.index_cast %add3A_220 : i32 to index
      %get3A_222 = tpu.vector_load %arg8[%get3A_221] {strides = array<i32>} : memref<16384xf32, #tpu.memory_space<vmem>>, vector<16xf32>,
      %add3A_223 = arith.constant 320 : i32
      %add3A_224 = arith.addi %mul3A_178, %add3A_223 : i32
      %get3A_225 = arith.index_cast %add3A_224 : i32 to index
      %get3A_226 = tpu.vector_load %arg8[%get3A_225] {strides = array<i32>} : memref<16384xf32, #tpu.memory_space<vmem>>, vector<16xf32>,
      %mul3A_227 = arith.mulf %get3A_222, %get3A_226 : vector<16xf32>
      %add3A_228 = arith.addf %add3A_218, %mul3A_227 : vector<16xf32>
      %add3A_229 = arith.constant 80 : i32
      %add3A_230 = arith.addi %mul3A_178, %add3A_229 : i32
      %get3A_231 = arith.index_cast %add3A_230 : i32 to index
      %get3A_232 = tpu.vector_load %arg8[%get3A_231] {strides = array<i32>} : memref<16384xf32, #tpu.memory_space<vmem>>, vector<16xf32>,
      %add3A_233 = arith.constant 336 : i32
      %add3A_234 = arith.addi %mul3A_178, %add3A_233 : i32
      %get3A_235 = arith.index_cast %add3A_234 : i32 to index
      %get3A_236 = tpu.vector_load %arg8[%get3A_235] {strides = array<i32>} : memref<16384xf32, #tpu.memory_space<vmem>>, vector<16xf32>,
      %mul3A_237 = arith.mulf %get3A_232, %get3A_236 : vector<16xf32>
      %add3A_238 = arith.addf %add3A_228, %mul3A_237 : vector<16xf32>
      %add3A_239 = arith.constant 96 : i32
      %add3A_240 = arith.addi %mul3A_178, %add3A_239 : i32
      %get3A_241 = arith.index_cast %add3A_240 : i32 to index
      %get3A_242 = tpu.vector_load %arg8[%get3A_241] {strides = array<i32>} : memref<16384xf32, #tpu.memory_space<vmem>>, vector<16xf32>,
      %add3A_243 = arith.constant 352 : i32
      %add3A_244 = arith.addi %mul3A_178, %add3A_243 : i32
      %get3A_245 = arith.index_cast %add3A_244 : i32 to index
      %get3A_246 = tpu.vector_load %arg8[%get3A_245] {strides = array<i32>} : memref<16384xf32, #tpu.memory_space<vmem>>, vector<16xf32>,
      %mul3A_247 = arith.mulf %get3A_242, %get3A_246 : vector<16xf32>
      %add3A_248 = arith.addf %add3A_238, %mul3A_247 : vector<16xf32>
      %add3A_249 = arith.constant 112 : i32
      %add3A_250 = arith.addi %mul3A_178, %add3A_249 : i32
      %get3A_251 = arith.index_cast %add3A_250 : i32 to index
      %get3A_252 = tpu.vector_load %arg8[%get3A_251] {strides = array<i32>} : memref<16384xf32, #tpu.memory_space<vmem>>, vector<16xf32>,
      %add3A_253 = arith.constant 368 : i32
      %add3A_254 = arith.addi %mul3A_178, %add3A_253 : i32
      %get3A_255 = arith.index_cast %add3A_254 : i32 to index
      %get3A_256 = tpu.vector_load %arg8[%get3A_255] {strides = array<i32>} : memref<16384xf32, #tpu.memory_space<vmem>>, vector<16xf32>,
      %mul3A_257 = arith.mulf %get3A_252, %get3A_256 : vector<16xf32>
      %add3A_258 = arith.addf %add3A_248, %mul3A_257 : vector<16xf32>
      %add3A_259 = arith.constant 128 : i32
      %add3A_260 = arith.addi %mul3A_178, %add3A_259 : i32
      %get3A_261 = arith.index_cast %add3A_260 : i32 to index
      %get3A_262 = tpu.vector_load %arg8[%get3A_261] {strides = array<i32>} : memref<16384xf32, #tpu.memory_space<vmem>>, vector<16xf32>,
      %add3A_263 = arith.constant 384 : i32
      %add3A_264 = arith.addi %mul3A_178, %add3A_263 : i32
      %get3A_265 = arith.index_cast %add3A_264 : i32 to index
      %get3A_266 = tpu.vector_load %arg8[%get3A_265] {strides = array<i32>} : memref<16384xf32, #tpu.memory_space<vmem>>, vector<16xf32>,
      %mul3A_267 = arith.mulf %get3A_262, %get3A_266 : vector<16xf32>
      %add3A_268 = arith.addf %add3A_258, %mul3A_267 : vector<16xf32>
      %add3A_269 = arith.constant 144 : i32
      %add3A_270 = arith.addi %mul3A_178, %add3A_269 : i32
      %get3A_271 = arith.index_cast %add3A_270 : i32 to index
      %get3A_272 = tpu.vector_load %arg8[%get3A_271] {strides = array<i32>} : memref<16384xf32, #tpu.memory_space<vmem>>, vector<16xf32>,
      %add3A_273 = arith.constant 400 : i32
      %add3A_274 = arith.addi %mul3A_178, %add3A_273 : i32
      %get3A_275 = arith.index_cast %add3A_274 : i32 to index
      %get3A_276 = tpu.vector_load %arg8[%get3A_275] {strides = array<i32>} : memref<16384xf32, #tpu.memory_space<vmem>>, vector<16xf32>,
      %mul3A_277 = arith.mulf %get3A_272, %get3A_276 : vector<16xf32>
      %add3A_278 = arith.addf %add3A_268, %mul3A_277 : vector<16xf32>
      %add3A_279 = arith.constant 160 : i32
      %add3A_280 = arith.addi %mul3A_178, %add3A_279 : i32
      %get3A_281 = arith.index_cast %add3A_280 : i32 to index
      %get3A_282 = tpu.vector_load %arg8[%get3A_281] {strides = array<i32>} : memref<16384xf32, #tpu.memory_space<vmem>>, vector<16xf32>,
      %add3A_283 = arith.constant 416 : i32
      %add3A_284 = arith.addi %mul3A_178, %add3A_283 : i32
      %get3A_285 = arith.index_cast %add3A_284 : i32 to index
      %get3A_286 = tpu.vector_load %arg8[%get3A_285] {strides = array<i32>} : memref<16384xf32, #tpu.memory_space<vmem>>, vector<16xf32>,
      %mul3A_287 = arith.mulf %get3A_282, %get3A_286 : vector<16xf32>
      %add3A_288 = arith.addf %add3A_278, %mul3A_287 : vector<16xf32>
      %add3A_289 = arith.constant 176 : i32
      %add3A_290 = arith.addi %mul3A_178, %add3A_289 : i32
      %get3A_291 = arith.index_cast %add3A_290 : i32 to index
      %get3A_292 = tpu.vector_load %arg8[%get3A_291] {strides = array<i32>} : memref<16384xf32, #tpu.memory_space<vmem>>, vector<16xf32>,
      %add3A_293 = arith.constant 432 : i32
      %add3A_294 = arith.addi %mul3A_178, %add3A_293 : i32
      %get3A_295 = arith.index_cast %add3A_294 : i32 to index
      %get3A_296 = tpu.vector_load %arg8[%get3A_295] {strides = array<i32>} : memref<16384xf32, #tpu.memory_space<vmem>>, vector<16xf32>,
      %mul3A_297 = arith.mulf %get3A_292, %get3A_296 : vector<16xf32>
      %add3A_298 = arith.addf %add3A_288, %mul3A_297 : vector<16xf32>
      %add3A_299 = arith.constant 192 : i32
      %add3A_300 = arith.addi %mul3A_178, %add3A_299 : i32
      %get3A_301 = arith.index_cast %add3A_300 : i32 to index
      %get3A_302 = tpu.vector_load %arg8[%get3A_301] {strides = array<i32>} : memref<16384xf32, #tpu.memory_space<vmem>>, vector<16xf32>,
      %add3A_303 = arith.constant 448 : i32
      %add3A_304 = arith.addi %mul3A_178, %add3A_303 : i32
      %get3A_305 = arith.index_cast %add3A_304 : i32 to index
      %get3A_306 = tpu.vector_load %arg8[%get3A_305] {strides = array<i32>} : memref<16384xf32, #tpu.memory_space<vmem>>, vector<16xf32>,
      %mul3A_307 = arith.mulf %get3A_302, %get3A_306 : vector<16xf32>
      %add3A_308 = arith.addf %add3A_298, %mul3A_307 : vector<16xf32>
      %add3A_309 = arith.constant 208 : i32
      %add3A_310 = arith.addi %mul3A_178, %add3A_309 : i32
      %get3A_311 = arith.index_cast %add3A_310 : i32 to index
      %get3A_312 = tpu.vector_load %arg8[%get3A_311] {strides = array<i32>} : memref<16384xf32, #tpu.memory_space<vmem>>, vector<16xf32>,
      %add3A_313 = arith.constant 464 : i32
      %add3A_314 = arith.addi %mul3A_178, %add3A_313 : i32
      %get3A_315 = arith.index_cast %add3A_314 : i32 to index
      %get3A_316 = tpu.vector_load %arg8[%get3A_315] {strides = array<i32>} : memref<16384xf32, #tpu.memory_space<vmem>>, vector<16xf32>,
      %mul3A_317 = arith.mulf %get3A_312, %get3A_316 : vector<16xf32>
      %add3A_318 = arith.addf %add3A_308, %mul3A_317 : vector<16xf32>
      %add3A_319 = arith.constant 224 : i32
      %add3A_320 = arith.addi %mul3A_178, %add3A_319 : i32
      %get3A_321 = arith.index_cast %add3A_320 : i32 to index
      %get3A_322 = tpu.vector_load %arg8[%get3A_321] {strides = array<i32>} : memref<16384xf32, #tpu.memory_space<vmem>>, vector<16xf32>,
      %add3A_323 = arith.constant 480 : i32
      %add3A_324 = arith.addi %mul3A_178, %add3A_323 : i32
      %get3A_325 = arith.index_cast %add3A_324 : i32 to index
      %get3A_326 = tpu.vector_load %arg8[%get3A_325] {strides = array<i32>} : memref<16384xf32, #tpu.memory_space<vmem>>, vector<16xf32>,
      %mul3A_327 = arith.mulf %get3A_322, %get3A_326 : vector<16xf32>
      %add3A_328 = arith.addf %add3A_318, %mul3A_327 : vector<16xf32>
      %add3A_329 = arith.constant 240 : i32
      %add3A_330 = arith.addi %mul3A_178, %add3A_329 : i32
      %get3A_331 = arith.index_cast %add3A_330 : i32 to index
      %get3A_332 = tpu.vector_load %arg8[%get3A_331] {strides = array<i32>} : memref<16384xf32, #tpu.memory_space<vmem>>, vector<16xf32>,
      %add3A_333 = arith.constant 496 : i32
      %add3A_334 = arith.addi %mul3A_178, %add3A_333 : i32
      %get3A_335 = arith.index_cast %add3A_334 : i32 to index
      %get3A_336 = tpu.vector_load %arg8[%get3A_335] {strides = array<i32>} : memref<16384xf32, #tpu.memory_space<vmem>>, vector<16xf32>,
      %mul3A_337 = arith.mulf %get3A_332, %get3A_336 : vector<16xf32>
      %add3A_338 = arith.addf %add3A_328, %mul3A_337 : vector<16xf32>
      %abs3A = math.absf %add3A_338 : vector<16xf32>
      %neg3A = arith.constant 0.000000e+00 : f32
      %neg3A_339 = vector.broadcast %neg3A : f32 to vector<16xf32>
      %neg3A_340 = arith.subf %neg3A_339, %abs3A : vector<16xf32>
      %exp3A = math.exp %neg3A_340 : vector<16xf32>
      %ge3A = arith.constant 0.000000e+00 : f32
      %ge3A_341 = vector.broadcast %ge3A : f32 to vector<16xf32>
      %ge3A_342 = arith.cmpf oge, %add3A_338, %ge3A_341 : vector<16xf32>
      %add3A_343 = arith.constant 1.000000e+00 : f32
      %add3A_344 = vector.broadcast %add3A_343 : f32 to vector<16xf32>
      %add3A_345 = arith.addf %add3A_344, %exp3A : vector<16xf32>
      %div3A = arith.constant 1.000000e+00 : f32
      %div3A_346 = vector.broadcast %div3A : f32 to vector<16xf32>
      %div3A_347 = arith.divf %div3A_346, %add3A_345 : vector<16xf32>
      %add3A_348 = arith.constant 1.000000e+00 : f32
      %add3A_349 = vector.broadcast %add3A_348 : f32 to vector<16xf32>
      %add3A_350 = arith.addf %add3A_349, %exp3A : vector<16xf32>
      %div3A_351 = arith.divf %exp3A, %add3A_350 : vector<16xf32>
      %select_n3A = arith.select %ge3A_342, %div3A_347, %div3A_351 : vector<16xi1>, vector<16xf32>
      %mul3A_352 = arith.constant 16 : i32
      %mul3A_353 = arith.muli %scan3A_176, %mul3A_352 : i32
      %swap3A = arith.index_cast %mul3A_353 : i32 to index
      %swap3A_354 = tpu.vector_load %arg9[%swap3A] {strides = array<i32>} : memref<512xf32, #tpu.memory_space<vmem>>, vector<16xf32>,
      tpu.vector_store %arg9[%swap3A], %select_n3A {strides = array<i32>} : memref<512xf32, #tpu.memory_space<vmem>>, vector<16xf32>,
    }
    %scan3A_133 = arith.constant 8 : i32
    %dma_wait3A_134 = arith.constant 4096 : i32
    %dma_wait3A_135 = tpu.memref_slice %arg8[%dma_wait3A_134] : memref<16384xf32, #tpu.memory_space<vmem>> -> memref<4096xf32, #tpu.memory_space<vmem>>
    %dma_wait3A_136 = arith.constant 0 : i32
    %dma_wait3A_137 = tpu.memref_slice %arg3[%dma_wait3A_136] : memref<32000000xf32, #tpu.memory_space<hbm>> -> memref<4096xf32, #tpu.memory_space<hbm>>
    %dma_wait3A_138 = arith.constant 4096 : i32
    %dma_wait3A_139 = tpu.memref_slice %arg8[%dma_wait3A_138] : memref<16384xf32, #tpu.memory_space<vmem>> -> memref<4096xf32, #tpu.memory_space<vmem>>
    %dma_wait3A_140 = arith.constant 0 : i32
    %dma_wait3A_141 = tpu.memref_slice %arg3[%dma_wait3A_140] : memref<32000000xf32, #tpu.memory_space<hbm>> -> memref<4096xf32, #tpu.memory_space<hbm>>
    tpu.wait_dma2 semaphore(%arg11 : memref<!tpu.dma_semaphore, #tpu.memory_space<semaphore_mem>>) src(%dma_wait3A_141 : memref<4096xf32, #tpu.memory_space<hbm>>) dst(%dma_wait3A_139 : memref<4096xf32, #tpu.memory_space<vmem>>)
    %scan3A_142 = arith.constant 0 : i32
    %scan3A_143 = arith.constant 8 : i32
    %scan3A_144 = arith.constant 8 : i32
    %scan3A_145 = arith.addi %scan3A_143, %scan3A_144 : i32
    %scan3A_146 = arith.constant 1 : i32
    scf.for %scan3A_176 = %scan3A_143 to %scan3A_145 step %scan3A_146  : i32 {
      %mul3A_177 = arith.constant 512 : i32
      %mul3A_178 = arith.muli %scan3A_176, %mul3A_177 : i32
      %broadcast_in_dim3A = arith.constant 0.000000e+00 : f32
      %broadcast_in_dim3A_179 = vector.broadcast %broadcast_in_dim3A : f32 to vector<16xf32>
      %add3A_180 = arith.constant 0 : i32
      %add3A_181 = arith.addi %mul3A_178, %add3A_180 : i32
      %get3A = arith.index_cast %add3A_181 : i32 to index
      %get3A_182 = tpu.vector_load %arg8[%get3A] {strides = array<i32>} : memref<16384xf32, #tpu.memory_space<vmem>>, vector<16xf32>,
      %add3A_183 = arith.constant 256 : i32
      %add3A_184 = arith.addi %mul3A_178, %add3A_183 : i32
      %get3A_185 = arith.index_cast %add3A_184 : i32 to index
      %get3A_186 = tpu.vector_load %arg8[%get3A_185] {strides = array<i32>} : memref<16384xf32, #tpu.memory_space<vmem>>, vector<16xf32>,
      %mul3A_187 = arith.mulf %get3A_182, %get3A_186 : vector<16xf32>
      %add3A_188 = arith.addf %broadcast_in_dim3A_179, %mul3A_187 : vector<16xf32>
      %add3A_189 = arith.constant 16 : i32
      %add3A_190 = arith.addi %mul3A_178, %add3A_189 : i32
      %get3A_191 = arith.index_cast %add3A_190 : i32 to index
      %get3A_192 = tpu.vector_load %arg8[%get3A_191] {strides = array<i32>} : memref<16384xf32, #tpu.memory_space<vmem>>, vector<16xf32>,
      %add3A_193 = arith.constant 272 : i32
      %add3A_194 = arith.addi %mul3A_178, %add3A_193 : i32
      %get3A_195 = arith.index_cast %add3A_194 : i32 to index
      %get3A_196 = tpu.vector_load %arg8[%get3A_195] {strides = array<i32>} : memref<16384xf32, #tpu.memory_space<vmem>>, vector<16xf32>,
      %mul3A_197 = arith.mulf %get3A_192, %get3A_196 : vector<16xf32>
      %add3A_198 = arith.addf %add3A_188, %mul3A_197 : vector<16xf32>
      %add3A_199 = arith.constant 32 : i32
      %add3A_200 = arith.addi %mul3A_178, %add3A_199 : i32
      %get3A_201 = arith.index_cast %add3A_200 : i32 to index
      %get3A_202 = tpu.vector_load %arg8[%get3A_201] {strides = array<i32>} : memref<16384xf32, #tpu.memory_space<vmem>>, vector<16xf32>,
      %add3A_203 = arith.constant 288 : i32
      %add3A_204 = arith.addi %mul3A_178, %add3A_203 : i32
      %get3A_205 = arith.index_cast %add3A_204 : i32 to index
      %get3A_206 = tpu.vector_load %arg8[%get3A_205] {strides = array<i32>} : memref<16384xf32, #tpu.memory_space<vmem>>, vector<16xf32>,
      %mul3A_207 = arith.mulf %get3A_202, %get3A_206 : vector<16xf32>
      %add3A_208 = arith.addf %add3A_198, %mul3A_207 : vector<16xf32>
      %add3A_209 = arith.constant 48 : i32
      %add3A_210 = arith.addi %mul3A_178, %add3A_209 : i32
      %get3A_211 = arith.index_cast %add3A_210 : i32 to index
      %get3A_212 = tpu.vector_load %arg8[%get3A_211] {strides = array<i32>} : memref<16384xf32, #tpu.memory_space<vmem>>, vector<16xf32>,
      %add3A_213 = arith.constant 304 : i32
      %add3A_214 = arith.addi %mul3A_178, %add3A_213 : i32
      %get3A_215 = arith.index_cast %add3A_214 : i32 to index
      %get3A_216 = tpu.vector_load %arg8[%get3A_215] {strides = array<i32>} : memref<16384xf32, #tpu.memory_space<vmem>>, vector<16xf32>,
      %mul3A_217 = arith.mulf %get3A_212, %get3A_216 : vector<16xf32>
      %add3A_218 = arith.addf %add3A_208, %mul3A_217 : vector<16xf32>
      %add3A_219 = arith.constant 64 : i32
      %add3A_220 = arith.addi %mul3A_178, %add3A_219 : i32
      %get3A_221 = arith.index_cast %add3A_220 : i32 to index
      %get3A_222 = tpu.vector_load %arg8[%get3A_221] {strides = array<i32>} : memref<16384xf32, #tpu.memory_space<vmem>>, vector<16xf32>,
      %add3A_223 = arith.constant 320 : i32
      %add3A_224 = arith.addi %mul3A_178, %add3A_223 : i32
      %get3A_225 = arith.index_cast %add3A_224 : i32 to index
      %get3A_226 = tpu.vector_load %arg8[%get3A_225] {strides = array<i32>} : memref<16384xf32, #tpu.memory_space<vmem>>, vector<16xf32>,
      %mul3A_227 = arith.mulf %get3A_222, %get3A_226 : vector<16xf32>
      %add3A_228 = arith.addf %add3A_218, %mul3A_227 : vector<16xf32>
      %add3A_229 = arith.constant 80 : i32
      %add3A_230 = arith.addi %mul3A_178, %add3A_229 : i32
      %get3A_231 = arith.index_cast %add3A_230 : i32 to index
      %get3A_232 = tpu.vector_load %arg8[%get3A_231] {strides = array<i32>} : memref<16384xf32, #tpu.memory_space<vmem>>, vector<16xf32>,
      %add3A_233 = arith.constant 336 : i32
      %add3A_234 = arith.addi %mul3A_178, %add3A_233 : i32
      %get3A_235 = arith.index_cast %add3A_234 : i32 to index
      %get3A_236 = tpu.vector_load %arg8[%get3A_235] {strides = array<i32>} : memref<16384xf32, #tpu.memory_space<vmem>>, vector<16xf32>,
      %mul3A_237 = arith.mulf %get3A_232, %get3A_236 : vector<16xf32>
      %add3A_238 = arith.addf %add3A_228, %mul3A_237 : vector<16xf32>
      %add3A_239 = arith.constant 96 : i32
      %add3A_240 = arith.addi %mul3A_178, %add3A_239 : i32
      %get3A_241 = arith.index_cast %add3A_240 : i32 to index
      %get3A_242 = tpu.vector_load %arg8[%get3A_241] {strides = array<i32>} : memref<16384xf32, #tpu.memory_space<vmem>>, vector<16xf32>,
      %add3A_243 = arith.constant 352 : i32
      %add3A_244 = arith.addi %mul3A_178, %add3A_243 : i32
      %get3A_245 = arith.index_cast %add3A_244 : i32 to index
      %get3A_246 = tpu.vector_load %arg8[%get3A_245] {strides = array<i32>} : memref<16384xf32, #tpu.memory_space<vmem>>, vector<16xf32>,
      %mul3A_247 = arith.mulf %get3A_242, %get3A_246 : vector<16xf32>
      %add3A_248 = arith.addf %add3A_238, %mul3A_247 : vector<16xf32>
      %add3A_249 = arith.constant 112 : i32
      %add3A_250 = arith.addi %mul3A_178, %add3A_249 : i32
      %get3A_251 = arith.index_cast %add3A_250 : i32 to index
      %get3A_252 = tpu.vector_load %arg8[%get3A_251] {strides = array<i32>} : memref<16384xf32, #tpu.memory_space<vmem>>, vector<16xf32>,
      %add3A_253 = arith.constant 368 : i32
      %add3A_254 = arith.addi %mul3A_178, %add3A_253 : i32
      %get3A_255 = arith.index_cast %add3A_254 : i32 to index
      %get3A_256 = tpu.vector_load %arg8[%get3A_255] {strides = array<i32>} : memref<16384xf32, #tpu.memory_space<vmem>>, vector<16xf32>,
      %mul3A_257 = arith.mulf %get3A_252, %get3A_256 : vector<16xf32>
      %add3A_258 = arith.addf %add3A_248, %mul3A_257 : vector<16xf32>
      %add3A_259 = arith.constant 128 : i32
      %add3A_260 = arith.addi %mul3A_178, %add3A_259 : i32
      %get3A_261 = arith.index_cast %add3A_260 : i32 to index
      %get3A_262 = tpu.vector_load %arg8[%get3A_261] {strides = array<i32>} : memref<16384xf32, #tpu.memory_space<vmem>>, vector<16xf32>,
      %add3A_263 = arith.constant 384 : i32
      %add3A_264 = arith.addi %mul3A_178, %add3A_263 : i32
      %get3A_265 = arith.index_cast %add3A_264 : i32 to index
      %get3A_266 = tpu.vector_load %arg8[%get3A_265] {strides = array<i32>} : memref<16384xf32, #tpu.memory_space<vmem>>, vector<16xf32>,
      %mul3A_267 = arith.mulf %get3A_262, %get3A_266 : vector<16xf32>
      %add3A_268 = arith.addf %add3A_258, %mul3A_267 : vector<16xf32>
      %add3A_269 = arith.constant 144 : i32
      %add3A_270 = arith.addi %mul3A_178, %add3A_269 : i32
      %get3A_271 = arith.index_cast %add3A_270 : i32 to index
      %get3A_272 = tpu.vector_load %arg8[%get3A_271] {strides = array<i32>} : memref<16384xf32, #tpu.memory_space<vmem>>, vector<16xf32>,
      %add3A_273 = arith.constant 400 : i32
      %add3A_274 = arith.addi %mul3A_178, %add3A_273 : i32
      %get3A_275 = arith.index_cast %add3A_274 : i32 to index
      %get3A_276 = tpu.vector_load %arg8[%get3A_275] {strides = array<i32>} : memref<16384xf32, #tpu.memory_space<vmem>>, vector<16xf32>,
      %mul3A_277 = arith.mulf %get3A_272, %get3A_276 : vector<16xf32>
      %add3A_278 = arith.addf %add3A_268, %mul3A_277 : vector<16xf32>
      %add3A_279 = arith.constant 160 : i32
      %add3A_280 = arith.addi %mul3A_178, %add3A_279 : i32
      %get3A_281 = arith.index_cast %add3A_280 : i32 to index
      %get3A_282 = tpu.vector_load %arg8[%get3A_281] {strides = array<i32>} : memref<16384xf32, #tpu.memory_space<vmem>>, vector<16xf32>,
      %add3A_283 = arith.constant 416 : i32
      %add3A_284 = arith.addi %mul3A_178, %add3A_283 : i32
      %get3A_285 = arith.index_cast %add3A_284 : i32 to index
      %get3A_286 = tpu.vector_load %arg8[%get3A_285] {strides = array<i32>} : memref<16384xf32, #tpu.memory_space<vmem>>, vector<16xf32>,
      %mul3A_287 = arith.mulf %get3A_282, %get3A_286 : vector<16xf32>
      %add3A_288 = arith.addf %add3A_278, %mul3A_287 : vector<16xf32>
      %add3A_289 = arith.constant 176 : i32
      %add3A_290 = arith.addi %mul3A_178, %add3A_289 : i32
      %get3A_291 = arith.index_cast %add3A_290 : i32 to index
      %get3A_292 = tpu.vector_load %arg8[%get3A_291] {strides = array<i32>} : memref<16384xf32, #tpu.memory_space<vmem>>, vector<16xf32>,
      %add3A_293 = arith.constant 432 : i32
      %add3A_294 = arith.addi %mul3A_178, %add3A_293 : i32
      %get3A_295 = arith.index_cast %add3A_294 : i32 to index
      %get3A_296 = tpu.vector_load %arg8[%get3A_295] {strides = array<i32>} : memref<16384xf32, #tpu.memory_space<vmem>>, vector<16xf32>,
      %mul3A_297 = arith.mulf %get3A_292, %get3A_296 : vector<16xf32>
      %add3A_298 = arith.addf %add3A_288, %mul3A_297 : vector<16xf32>
      %add3A_299 = arith.constant 192 : i32
      %add3A_300 = arith.addi %mul3A_178, %add3A_299 : i32
      %get3A_301 = arith.index_cast %add3A_300 : i32 to index
      %get3A_302 = tpu.vector_load %arg8[%get3A_301] {strides = array<i32>} : memref<16384xf32, #tpu.memory_space<vmem>>, vector<16xf32>,
      %add3A_303 = arith.constant 448 : i32
      %add3A_304 = arith.addi %mul3A_178, %add3A_303 : i32
      %get3A_305 = arith.index_cast %add3A_304 : i32 to index
      %get3A_306 = tpu.vector_load %arg8[%get3A_305] {strides = array<i32>} : memref<16384xf32, #tpu.memory_space<vmem>>, vector<16xf32>,
      %mul3A_307 = arith.mulf %get3A_302, %get3A_306 : vector<16xf32>
      %add3A_308 = arith.addf %add3A_298, %mul3A_307 : vector<16xf32>
      %add3A_309 = arith.constant 208 : i32
      %add3A_310 = arith.addi %mul3A_178, %add3A_309 : i32
      %get3A_311 = arith.index_cast %add3A_310 : i32 to index
      %get3A_312 = tpu.vector_load %arg8[%get3A_311] {strides = array<i32>} : memref<16384xf32, #tpu.memory_space<vmem>>, vector<16xf32>,
      %add3A_313 = arith.constant 464 : i32
      %add3A_314 = arith.addi %mul3A_178, %add3A_313 : i32
      %get3A_315 = arith.index_cast %add3A_314 : i32 to index
      %get3A_316 = tpu.vector_load %arg8[%get3A_315] {strides = array<i32>} : memref<16384xf32, #tpu.memory_space<vmem>>, vector<16xf32>,
      %mul3A_317 = arith.mulf %get3A_312, %get3A_316 : vector<16xf32>
      %add3A_318 = arith.addf %add3A_308, %mul3A_317 : vector<16xf32>
      %add3A_319 = arith.constant 224 : i32
      %add3A_320 = arith.addi %mul3A_178, %add3A_319 : i32
      %get3A_321 = arith.index_cast %add3A_320 : i32 to index
      %get3A_322 = tpu.vector_load %arg8[%get3A_321] {strides = array<i32>} : memref<16384xf32, #tpu.memory_space<vmem>>, vector<16xf32>,
      %add3A_323 = arith.constant 480 : i32
      %add3A_324 = arith.addi %mul3A_178, %add3A_323 : i32
      %get3A_325 = arith.index_cast %add3A_324 : i32 to index
      %get3A_326 = tpu.vector_load %arg8[%get3A_325] {strides = array<i32>} : memref<16384xf32, #tpu.memory_space<vmem>>, vector<16xf32>,
      %mul3A_327 = arith.mulf %get3A_322, %get3A_326 : vector<16xf32>
      %add3A_328 = arith.addf %add3A_318, %mul3A_327 : vector<16xf32>
      %add3A_329 = arith.constant 240 : i32
      %add3A_330 = arith.addi %mul3A_178, %add3A_329 : i32
      %get3A_331 = arith.index_cast %add3A_330 : i32 to index
      %get3A_332 = tpu.vector_load %arg8[%get3A_331] {strides = array<i32>} : memref<16384xf32, #tpu.memory_space<vmem>>, vector<16xf32>,
      %add3A_333 = arith.constant 496 : i32
      %add3A_334 = arith.addi %mul3A_178, %add3A_333 : i32
      %get3A_335 = arith.index_cast %add3A_334 : i32 to index
      %get3A_336 = tpu.vector_load %arg8[%get3A_335] {strides = array<i32>} : memref<16384xf32, #tpu.memory_space<vmem>>, vector<16xf32>,
      %mul3A_337 = arith.mulf %get3A_332, %get3A_336 : vector<16xf32>
      %add3A_338 = arith.addf %add3A_328, %mul3A_337 : vector<16xf32>
      %abs3A = math.absf %add3A_338 : vector<16xf32>
      %neg3A = arith.constant 0.000000e+00 : f32
      %neg3A_339 = vector.broadcast %neg3A : f32 to vector<16xf32>
      %neg3A_340 = arith.subf %neg3A_339, %abs3A : vector<16xf32>
      %exp3A = math.exp %neg3A_340 : vector<16xf32>
      %ge3A = arith.constant 0.000000e+00 : f32
      %ge3A_341 = vector.broadcast %ge3A : f32 to vector<16xf32>
      %ge3A_342 = arith.cmpf oge, %add3A_338, %ge3A_341 : vector<16xf32>
      %add3A_343 = arith.constant 1.000000e+00 : f32
      %add3A_344 = vector.broadcast %add3A_343 : f32 to vector<16xf32>
      %add3A_345 = arith.addf %add3A_344, %exp3A : vector<16xf32>
      %div3A = arith.constant 1.000000e+00 : f32
      %div3A_346 = vector.broadcast %div3A : f32 to vector<16xf32>
      %div3A_347 = arith.divf %div3A_346, %add3A_345 : vector<16xf32>
      %add3A_348 = arith.constant 1.000000e+00 : f32
      %add3A_349 = vector.broadcast %add3A_348 : f32 to vector<16xf32>
      %add3A_350 = arith.addf %add3A_349, %exp3A : vector<16xf32>
      %div3A_351 = arith.divf %exp3A, %add3A_350 : vector<16xf32>
      %select_n3A = arith.select %ge3A_342, %div3A_347, %div3A_351 : vector<16xi1>, vector<16xf32>
      %mul3A_352 = arith.constant 16 : i32
      %mul3A_353 = arith.muli %scan3A_176, %mul3A_352 : i32
      %swap3A = arith.index_cast %mul3A_353 : i32 to index
      %swap3A_354 = tpu.vector_load %arg9[%swap3A] {strides = array<i32>} : memref<512xf32, #tpu.memory_space<vmem>>, vector<16xf32>,
      tpu.vector_store %arg9[%swap3A], %select_n3A {strides = array<i32>} : memref<512xf32, #tpu.memory_space<vmem>>, vector<16xf32>,
    }
    %scan3A_147 = arith.constant 8 : i32
    %dma_wait3A_148 = arith.constant 8192 : i32
    %dma_wait3A_149 = tpu.memref_slice %arg8[%dma_wait3A_148] : memref<16384xf32, #tpu.memory_space<vmem>> -> memref<4096xf32, #tpu.memory_space<vmem>>
    %dma_wait3A_150 = arith.constant 0 : i32
    %dma_wait3A_151 = tpu.memref_slice %arg3[%dma_wait3A_150] : memref<32000000xf32, #tpu.memory_space<hbm>> -> memref<4096xf32, #tpu.memory_space<hbm>>
    %dma_wait3A_152 = arith.constant 8192 : i32
    %dma_wait3A_153 = tpu.memref_slice %arg8[%dma_wait3A_152] : memref<16384xf32, #tpu.memory_space<vmem>> -> memref<4096xf32, #tpu.memory_space<vmem>>
    %dma_wait3A_154 = arith.constant 0 : i32
    %dma_wait3A_155 = tpu.memref_slice %arg3[%dma_wait3A_154] : memref<32000000xf32, #tpu.memory_space<hbm>> -> memref<4096xf32, #tpu.memory_space<hbm>>
    tpu.wait_dma2 semaphore(%arg12 : memref<!tpu.dma_semaphore, #tpu.memory_space<semaphore_mem>>) src(%dma_wait3A_155 : memref<4096xf32, #tpu.memory_space<hbm>>) dst(%dma_wait3A_153 : memref<4096xf32, #tpu.memory_space<vmem>>)
    %scan3A_156 = arith.constant 0 : i32
    %scan3A_157 = arith.constant 16 : i32
    %scan3A_158 = arith.constant 8 : i32
    %scan3A_159 = arith.addi %scan3A_157, %scan3A_158 : i32
    %scan3A_160 = arith.constant 1 : i32
    scf.for %scan3A_176 = %scan3A_157 to %scan3A_159 step %scan3A_160  : i32 {
      %mul3A_177 = arith.constant 512 : i32
      %mul3A_178 = arith.muli %scan3A_176, %mul3A_177 : i32
      %broadcast_in_dim3A = arith.constant 0.000000e+00 : f32
      %broadcast_in_dim3A_179 = vector.broadcast %broadcast_in_dim3A : f32 to vector<16xf32>
      %add3A_180 = arith.constant 0 : i32
      %add3A_181 = arith.addi %mul3A_178, %add3A_180 : i32
      %get3A = arith.index_cast %add3A_181 : i32 to index
      %get3A_182 = tpu.vector_load %arg8[%get3A] {strides = array<i32>} : memref<16384xf32, #tpu.memory_space<vmem>>, vector<16xf32>,
      %add3A_183 = arith.constant 256 : i32
      %add3A_184 = arith.addi %mul3A_178, %add3A_183 : i32
      %get3A_185 = arith.index_cast %add3A_184 : i32 to index
      %get3A_186 = tpu.vector_load %arg8[%get3A_185] {strides = array<i32>} : memref<16384xf32, #tpu.memory_space<vmem>>, vector<16xf32>,
      %mul3A_187 = arith.mulf %get3A_182, %get3A_186 : vector<16xf32>
      %add3A_188 = arith.addf %broadcast_in_dim3A_179, %mul3A_187 : vector<16xf32>
      %add3A_189 = arith.constant 16 : i32
      %add3A_190 = arith.addi %mul3A_178, %add3A_189 : i32
      %get3A_191 = arith.index_cast %add3A_190 : i32 to index
      %get3A_192 = tpu.vector_load %arg8[%get3A_191] {strides = array<i32>} : memref<16384xf32, #tpu.memory_space<vmem>>, vector<16xf32>,
      %add3A_193 = arith.constant 272 : i32
      %add3A_194 = arith.addi %mul3A_178, %add3A_193 : i32
      %get3A_195 = arith.index_cast %add3A_194 : i32 to index
      %get3A_196 = tpu.vector_load %arg8[%get3A_195] {strides = array<i32>} : memref<16384xf32, #tpu.memory_space<vmem>>, vector<16xf32>,
      %mul3A_197 = arith.mulf %get3A_192, %get3A_196 : vector<16xf32>
      %add3A_198 = arith.addf %add3A_188, %mul3A_197 : vector<16xf32>
      %add3A_199 = arith.constant 32 : i32
      %add3A_200 = arith.addi %mul3A_178, %add3A_199 : i32
      %get3A_201 = arith.index_cast %add3A_200 : i32 to index
      %get3A_202 = tpu.vector_load %arg8[%get3A_201] {strides = array<i32>} : memref<16384xf32, #tpu.memory_space<vmem>>, vector<16xf32>,
      %add3A_203 = arith.constant 288 : i32
      %add3A_204 = arith.addi %mul3A_178, %add3A_203 : i32
      %get3A_205 = arith.index_cast %add3A_204 : i32 to index
      %get3A_206 = tpu.vector_load %arg8[%get3A_205] {strides = array<i32>} : memref<16384xf32, #tpu.memory_space<vmem>>, vector<16xf32>,
      %mul3A_207 = arith.mulf %get3A_202, %get3A_206 : vector<16xf32>
      %add3A_208 = arith.addf %add3A_198, %mul3A_207 : vector<16xf32>
      %add3A_209 = arith.constant 48 : i32
      %add3A_210 = arith.addi %mul3A_178, %add3A_209 : i32
      %get3A_211 = arith.index_cast %add3A_210 : i32 to index
      %get3A_212 = tpu.vector_load %arg8[%get3A_211] {strides = array<i32>} : memref<16384xf32, #tpu.memory_space<vmem>>, vector<16xf32>,
      %add3A_213 = arith.constant 304 : i32
      %add3A_214 = arith.addi %mul3A_178, %add3A_213 : i32
      %get3A_215 = arith.index_cast %add3A_214 : i32 to index
      %get3A_216 = tpu.vector_load %arg8[%get3A_215] {strides = array<i32>} : memref<16384xf32, #tpu.memory_space<vmem>>, vector<16xf32>,
      %mul3A_217 = arith.mulf %get3A_212, %get3A_216 : vector<16xf32>
      %add3A_218 = arith.addf %add3A_208, %mul3A_217 : vector<16xf32>
      %add3A_219 = arith.constant 64 : i32
      %add3A_220 = arith.addi %mul3A_178, %add3A_219 : i32
      %get3A_221 = arith.index_cast %add3A_220 : i32 to index
      %get3A_222 = tpu.vector_load %arg8[%get3A_221] {strides = array<i32>} : memref<16384xf32, #tpu.memory_space<vmem>>, vector<16xf32>,
      %add3A_223 = arith.constant 320 : i32
      %add3A_224 = arith.addi %mul3A_178, %add3A_223 : i32
      %get3A_225 = arith.index_cast %add3A_224 : i32 to index
      %get3A_226 = tpu.vector_load %arg8[%get3A_225] {strides = array<i32>} : memref<16384xf32, #tpu.memory_space<vmem>>, vector<16xf32>,
      %mul3A_227 = arith.mulf %get3A_222, %get3A_226 : vector<16xf32>
      %add3A_228 = arith.addf %add3A_218, %mul3A_227 : vector<16xf32>
      %add3A_229 = arith.constant 80 : i32
      %add3A_230 = arith.addi %mul3A_178, %add3A_229 : i32
      %get3A_231 = arith.index_cast %add3A_230 : i32 to index
      %get3A_232 = tpu.vector_load %arg8[%get3A_231] {strides = array<i32>} : memref<16384xf32, #tpu.memory_space<vmem>>, vector<16xf32>,
      %add3A_233 = arith.constant 336 : i32
      %add3A_234 = arith.addi %mul3A_178, %add3A_233 : i32
      %get3A_235 = arith.index_cast %add3A_234 : i32 to index
      %get3A_236 = tpu.vector_load %arg8[%get3A_235] {strides = array<i32>} : memref<16384xf32, #tpu.memory_space<vmem>>, vector<16xf32>,
      %mul3A_237 = arith.mulf %get3A_232, %get3A_236 : vector<16xf32>
      %add3A_238 = arith.addf %add3A_228, %mul3A_237 : vector<16xf32>
      %add3A_239 = arith.constant 96 : i32
      %add3A_240 = arith.addi %mul3A_178, %add3A_239 : i32
      %get3A_241 = arith.index_cast %add3A_240 : i32 to index
      %get3A_242 = tpu.vector_load %arg8[%get3A_241] {strides = array<i32>} : memref<16384xf32, #tpu.memory_space<vmem>>, vector<16xf32>,
      %add3A_243 = arith.constant 352 : i32
      %add3A_244 = arith.addi %mul3A_178, %add3A_243 : i32
      %get3A_245 = arith.index_cast %add3A_244 : i32 to index
      %get3A_246 = tpu.vector_load %arg8[%get3A_245] {strides = array<i32>} : memref<16384xf32, #tpu.memory_space<vmem>>, vector<16xf32>,
      %mul3A_247 = arith.mulf %get3A_242, %get3A_246 : vector<16xf32>
      %add3A_248 = arith.addf %add3A_238, %mul3A_247 : vector<16xf32>
      %add3A_249 = arith.constant 112 : i32
      %add3A_250 = arith.addi %mul3A_178, %add3A_249 : i32
      %get3A_251 = arith.index_cast %add3A_250 : i32 to index
      %get3A_252 = tpu.vector_load %arg8[%get3A_251] {strides = array<i32>} : memref<16384xf32, #tpu.memory_space<vmem>>, vector<16xf32>,
      %add3A_253 = arith.constant 368 : i32
      %add3A_254 = arith.addi %mul3A_178, %add3A_253 : i32
      %get3A_255 = arith.index_cast %add3A_254 : i32 to index
      %get3A_256 = tpu.vector_load %arg8[%get3A_255] {strides = array<i32>} : memref<16384xf32, #tpu.memory_space<vmem>>, vector<16xf32>,
      %mul3A_257 = arith.mulf %get3A_252, %get3A_256 : vector<16xf32>
      %add3A_258 = arith.addf %add3A_248, %mul3A_257 : vector<16xf32>
      %add3A_259 = arith.constant 128 : i32
      %add3A_260 = arith.addi %mul3A_178, %add3A_259 : i32
      %get3A_261 = arith.index_cast %add3A_260 : i32 to index
      %get3A_262 = tpu.vector_load %arg8[%get3A_261] {strides = array<i32>} : memref<16384xf32, #tpu.memory_space<vmem>>, vector<16xf32>,
      %add3A_263 = arith.constant 384 : i32
      %add3A_264 = arith.addi %mul3A_178, %add3A_263 : i32
      %get3A_265 = arith.index_cast %add3A_264 : i32 to index
      %get3A_266 = tpu.vector_load %arg8[%get3A_265] {strides = array<i32>} : memref<16384xf32, #tpu.memory_space<vmem>>, vector<16xf32>,
      %mul3A_267 = arith.mulf %get3A_262, %get3A_266 : vector<16xf32>
      %add3A_268 = arith.addf %add3A_258, %mul3A_267 : vector<16xf32>
      %add3A_269 = arith.constant 144 : i32
      %add3A_270 = arith.addi %mul3A_178, %add3A_269 : i32
      %get3A_271 = arith.index_cast %add3A_270 : i32 to index
      %get3A_272 = tpu.vector_load %arg8[%get3A_271] {strides = array<i32>} : memref<16384xf32, #tpu.memory_space<vmem>>, vector<16xf32>,
      %add3A_273 = arith.constant 400 : i32
      %add3A_274 = arith.addi %mul3A_178, %add3A_273 : i32
      %get3A_275 = arith.index_cast %add3A_274 : i32 to index
      %get3A_276 = tpu.vector_load %arg8[%get3A_275] {strides = array<i32>} : memref<16384xf32, #tpu.memory_space<vmem>>, vector<16xf32>,
      %mul3A_277 = arith.mulf %get3A_272, %get3A_276 : vector<16xf32>
      %add3A_278 = arith.addf %add3A_268, %mul3A_277 : vector<16xf32>
      %add3A_279 = arith.constant 160 : i32
      %add3A_280 = arith.addi %mul3A_178, %add3A_279 : i32
      %get3A_281 = arith.index_cast %add3A_280 : i32 to index
      %get3A_282 = tpu.vector_load %arg8[%get3A_281] {strides = array<i32>} : memref<16384xf32, #tpu.memory_space<vmem>>, vector<16xf32>,
      %add3A_283 = arith.constant 416 : i32
      %add3A_284 = arith.addi %mul3A_178, %add3A_283 : i32
      %get3A_285 = arith.index_cast %add3A_284 : i32 to index
      %get3A_286 = tpu.vector_load %arg8[%get3A_285] {strides = array<i32>} : memref<16384xf32, #tpu.memory_space<vmem>>, vector<16xf32>,
      %mul3A_287 = arith.mulf %get3A_282, %get3A_286 : vector<16xf32>
      %add3A_288 = arith.addf %add3A_278, %mul3A_287 : vector<16xf32>
      %add3A_289 = arith.constant 176 : i32
      %add3A_290 = arith.addi %mul3A_178, %add3A_289 : i32
      %get3A_291 = arith.index_cast %add3A_290 : i32 to index
      %get3A_292 = tpu.vector_load %arg8[%get3A_291] {strides = array<i32>} : memref<16384xf32, #tpu.memory_space<vmem>>, vector<16xf32>,
      %add3A_293 = arith.constant 432 : i32
      %add3A_294 = arith.addi %mul3A_178, %add3A_293 : i32
      %get3A_295 = arith.index_cast %add3A_294 : i32 to index
      %get3A_296 = tpu.vector_load %arg8[%get3A_295] {strides = array<i32>} : memref<16384xf32, #tpu.memory_space<vmem>>, vector<16xf32>,
      %mul3A_297 = arith.mulf %get3A_292, %get3A_296 : vector<16xf32>
      %add3A_298 = arith.addf %add3A_288, %mul3A_297 : vector<16xf32>
      %add3A_299 = arith.constant 192 : i32
      %add3A_300 = arith.addi %mul3A_178, %add3A_299 : i32
      %get3A_301 = arith.index_cast %add3A_300 : i32 to index
      %get3A_302 = tpu.vector_load %arg8[%get3A_301] {strides = array<i32>} : memref<16384xf32, #tpu.memory_space<vmem>>, vector<16xf32>,
      %add3A_303 = arith.constant 448 : i32
      %add3A_304 = arith.addi %mul3A_178, %add3A_303 : i32
      %get3A_305 = arith.index_cast %add3A_304 : i32 to index
      %get3A_306 = tpu.vector_load %arg8[%get3A_305] {strides = array<i32>} : memref<16384xf32, #tpu.memory_space<vmem>>, vector<16xf32>,
      %mul3A_307 = arith.mulf %get3A_302, %get3A_306 : vector<16xf32>
      %add3A_308 = arith.addf %add3A_298, %mul3A_307 : vector<16xf32>
      %add3A_309 = arith.constant 208 : i32
      %add3A_310 = arith.addi %mul3A_178, %add3A_309 : i32
      %get3A_311 = arith.index_cast %add3A_310 : i32 to index
      %get3A_312 = tpu.vector_load %arg8[%get3A_311] {strides = array<i32>} : memref<16384xf32, #tpu.memory_space<vmem>>, vector<16xf32>,
      %add3A_313 = arith.constant 464 : i32
      %add3A_314 = arith.addi %mul3A_178, %add3A_313 : i32
      %get3A_315 = arith.index_cast %add3A_314 : i32 to index
      %get3A_316 = tpu.vector_load %arg8[%get3A_315] {strides = array<i32>} : memref<16384xf32, #tpu.memory_space<vmem>>, vector<16xf32>,
      %mul3A_317 = arith.mulf %get3A_312, %get3A_316 : vector<16xf32>
      %add3A_318 = arith.addf %add3A_308, %mul3A_317 : vector<16xf32>
      %add3A_319 = arith.constant 224 : i32
      %add3A_320 = arith.addi %mul3A_178, %add3A_319 : i32
      %get3A_321 = arith.index_cast %add3A_320 : i32 to index
      %get3A_322 = tpu.vector_load %arg8[%get3A_321] {strides = array<i32>} : memref<16384xf32, #tpu.memory_space<vmem>>, vector<16xf32>,
      %add3A_323 = arith.constant 480 : i32
      %add3A_324 = arith.addi %mul3A_178, %add3A_323 : i32
      %get3A_325 = arith.index_cast %add3A_324 : i32 to index
      %get3A_326 = tpu.vector_load %arg8[%get3A_325] {strides = array<i32>} : memref<16384xf32, #tpu.memory_space<vmem>>, vector<16xf32>,
      %mul3A_327 = arith.mulf %get3A_322, %get3A_326 : vector<16xf32>
      %add3A_328 = arith.addf %add3A_318, %mul3A_327 : vector<16xf32>
      %add3A_329 = arith.constant 240 : i32
      %add3A_330 = arith.addi %mul3A_178, %add3A_329 : i32
      %get3A_331 = arith.index_cast %add3A_330 : i32 to index
      %get3A_332 = tpu.vector_load %arg8[%get3A_331] {strides = array<i32>} : memref<16384xf32, #tpu.memory_space<vmem>>, vector<16xf32>,
      %add3A_333 = arith.constant 496 : i32
      %add3A_334 = arith.addi %mul3A_178, %add3A_333 : i32
      %get3A_335 = arith.index_cast %add3A_334 : i32 to index
      %get3A_336 = tpu.vector_load %arg8[%get3A_335] {strides = array<i32>} : memref<16384xf32, #tpu.memory_space<vmem>>, vector<16xf32>,
      %mul3A_337 = arith.mulf %get3A_332, %get3A_336 : vector<16xf32>
      %add3A_338 = arith.addf %add3A_328, %mul3A_337 : vector<16xf32>
      %abs3A = math.absf %add3A_338 : vector<16xf32>
      %neg3A = arith.constant 0.000000e+00 : f32
      %neg3A_339 = vector.broadcast %neg3A : f32 to vector<16xf32>
      %neg3A_340 = arith.subf %neg3A_339, %abs3A : vector<16xf32>
      %exp3A = math.exp %neg3A_340 : vector<16xf32>
      %ge3A = arith.constant 0.000000e+00 : f32
      %ge3A_341 = vector.broadcast %ge3A : f32 to vector<16xf32>
      %ge3A_342 = arith.cmpf oge, %add3A_338, %ge3A_341 : vector<16xf32>
      %add3A_343 = arith.constant 1.000000e+00 : f32
      %add3A_344 = vector.broadcast %add3A_343 : f32 to vector<16xf32>
      %add3A_345 = arith.addf %add3A_344, %exp3A : vector<16xf32>
      %div3A = arith.constant 1.000000e+00 : f32
      %div3A_346 = vector.broadcast %div3A : f32 to vector<16xf32>
      %div3A_347 = arith.divf %div3A_346, %add3A_345 : vector<16xf32>
      %add3A_348 = arith.constant 1.000000e+00 : f32
      %add3A_349 = vector.broadcast %add3A_348 : f32 to vector<16xf32>
      %add3A_350 = arith.addf %add3A_349, %exp3A : vector<16xf32>
      %div3A_351 = arith.divf %exp3A, %add3A_350 : vector<16xf32>
      %select_n3A = arith.select %ge3A_342, %div3A_347, %div3A_351 : vector<16xi1>, vector<16xf32>
      %mul3A_352 = arith.constant 16 : i32
      %mul3A_353 = arith.muli %scan3A_176, %mul3A_352 : i32
      %swap3A = arith.index_cast %mul3A_353 : i32 to index
      %swap3A_354 = tpu.vector_load %arg9[%swap3A] {strides = array<i32>} : memref<512xf32, #tpu.memory_space<vmem>>, vector<16xf32>,
      tpu.vector_store %arg9[%swap3A], %select_n3A {strides = array<i32>} : memref<512xf32, #tpu.memory_space<vmem>>, vector<16xf32>,
    }
    %scan3A_161 = arith.constant 8 : i32
    %dma_wait3A_162 = arith.constant 12288 : i32
    %dma_wait3A_163 = tpu.memref_slice %arg8[%dma_wait3A_162] : memref<16384xf32, #tpu.memory_space<vmem>> -> memref<4096xf32, #tpu.memory_space<vmem>>
    %dma_wait3A_164 = arith.constant 0 : i32
    %dma_wait3A_165 = tpu.memref_slice %arg3[%dma_wait3A_164] : memref<32000000xf32, #tpu.memory_space<hbm>> -> memref<4096xf32, #tpu.memory_space<hbm>>
    %dma_wait3A_166 = arith.constant 12288 : i32
    %dma_wait3A_167 = tpu.memref_slice %arg8[%dma_wait3A_166] : memref<16384xf32, #tpu.memory_space<vmem>> -> memref<4096xf32, #tpu.memory_space<vmem>>
    %dma_wait3A_168 = arith.constant 0 : i32
    %dma_wait3A_169 = tpu.memref_slice %arg3[%dma_wait3A_168] : memref<32000000xf32, #tpu.memory_space<hbm>> -> memref<4096xf32, #tpu.memory_space<hbm>>
    tpu.wait_dma2 semaphore(%arg13 : memref<!tpu.dma_semaphore, #tpu.memory_space<semaphore_mem>>) src(%dma_wait3A_169 : memref<4096xf32, #tpu.memory_space<hbm>>) dst(%dma_wait3A_167 : memref<4096xf32, #tpu.memory_space<vmem>>)
    %scan3A_170 = arith.constant 0 : i32
    %scan3A_171 = arith.constant 24 : i32
    %scan3A_172 = arith.constant 8 : i32
    %scan3A_173 = arith.addi %scan3A_171, %scan3A_172 : i32
    %scan3A_174 = arith.constant 1 : i32
    scf.for %scan3A_176 = %scan3A_171 to %scan3A_173 step %scan3A_174  : i32 {
      %mul3A_177 = arith.constant 512 : i32
      %mul3A_178 = arith.muli %scan3A_176, %mul3A_177 : i32
      %broadcast_in_dim3A = arith.constant 0.000000e+00 : f32
      %broadcast_in_dim3A_179 = vector.broadcast %broadcast_in_dim3A : f32 to vector<16xf32>
      %add3A_180 = arith.constant 0 : i32
      %add3A_181 = arith.addi %mul3A_178, %add3A_180 : i32
      %get3A = arith.index_cast %add3A_181 : i32 to index
      %get3A_182 = tpu.vector_load %arg8[%get3A] {strides = array<i32>} : memref<16384xf32, #tpu.memory_space<vmem>>, vector<16xf32>,
      %add3A_183 = arith.constant 256 : i32
      %add3A_184 = arith.addi %mul3A_178, %add3A_183 : i32
      %get3A_185 = arith.index_cast %add3A_184 : i32 to index
      %get3A_186 = tpu.vector_load %arg8[%get3A_185] {strides = array<i32>} : memref<16384xf32, #tpu.memory_space<vmem>>, vector<16xf32>,
      %mul3A_187 = arith.mulf %get3A_182, %get3A_186 : vector<16xf32>
      %add3A_188 = arith.addf %broadcast_in_dim3A_179, %mul3A_187 : vector<16xf32>
      %add3A_189 = arith.constant 16 : i32
      %add3A_190 = arith.addi %mul3A_178, %add3A_189 : i32
      %get3A_191 = arith.index_cast %add3A_190 : i32 to index
      %get3A_192 = tpu.vector_load %arg8[%get3A_191] {strides = array<i32>} : memref<16384xf32, #tpu.memory_space<vmem>>, vector<16xf32>,
      %add3A_193 = arith.constant 272 : i32
      %add3A_194 = arith.addi %mul3A_178, %add3A_193 : i32
      %get3A_195 = arith.index_cast %add3A_194 : i32 to index
      %get3A_196 = tpu.vector_load %arg8[%get3A_195] {strides = array<i32>} : memref<16384xf32, #tpu.memory_space<vmem>>, vector<16xf32>,
      %mul3A_197 = arith.mulf %get3A_192, %get3A_196 : vector<16xf32>
      %add3A_198 = arith.addf %add3A_188, %mul3A_197 : vector<16xf32>
      %add3A_199 = arith.constant 32 : i32
      %add3A_200 = arith.addi %mul3A_178, %add3A_199 : i32
      %get3A_201 = arith.index_cast %add3A_200 : i32 to index
      %get3A_202 = tpu.vector_load %arg8[%get3A_201] {strides = array<i32>} : memref<16384xf32, #tpu.memory_space<vmem>>, vector<16xf32>,
      %add3A_203 = arith.constant 288 : i32
      %add3A_204 = arith.addi %mul3A_178, %add3A_203 : i32
      %get3A_205 = arith.index_cast %add3A_204 : i32 to index
      %get3A_206 = tpu.vector_load %arg8[%get3A_205] {strides = array<i32>} : memref<16384xf32, #tpu.memory_space<vmem>>, vector<16xf32>,
      %mul3A_207 = arith.mulf %get3A_202, %get3A_206 : vector<16xf32>
      %add3A_208 = arith.addf %add3A_198, %mul3A_207 : vector<16xf32>
      %add3A_209 = arith.constant 48 : i32
      %add3A_210 = arith.addi %mul3A_178, %add3A_209 : i32
      %get3A_211 = arith.index_cast %add3A_210 : i32 to index
      %get3A_212 = tpu.vector_load %arg8[%get3A_211] {strides = array<i32>} : memref<16384xf32, #tpu.memory_space<vmem>>, vector<16xf32>,
      %add3A_213 = arith.constant 304 : i32
      %add3A_214 = arith.addi %mul3A_178, %add3A_213 : i32
      %get3A_215 = arith.index_cast %add3A_214 : i32 to index
      %get3A_216 = tpu.vector_load %arg8[%get3A_215] {strides = array<i32>} : memref<16384xf32, #tpu.memory_space<vmem>>, vector<16xf32>,
      %mul3A_217 = arith.mulf %get3A_212, %get3A_216 : vector<16xf32>
      %add3A_218 = arith.addf %add3A_208, %mul3A_217 : vector<16xf32>
      %add3A_219 = arith.constant 64 : i32
      %add3A_220 = arith.addi %mul3A_178, %add3A_219 : i32
      %get3A_221 = arith.index_cast %add3A_220 : i32 to index
      %get3A_222 = tpu.vector_load %arg8[%get3A_221] {strides = array<i32>} : memref<16384xf32, #tpu.memory_space<vmem>>, vector<16xf32>,
      %add3A_223 = arith.constant 320 : i32
      %add3A_224 = arith.addi %mul3A_178, %add3A_223 : i32
      %get3A_225 = arith.index_cast %add3A_224 : i32 to index
      %get3A_226 = tpu.vector_load %arg8[%get3A_225] {strides = array<i32>} : memref<16384xf32, #tpu.memory_space<vmem>>, vector<16xf32>,
      %mul3A_227 = arith.mulf %get3A_222, %get3A_226 : vector<16xf32>
      %add3A_228 = arith.addf %add3A_218, %mul3A_227 : vector<16xf32>
      %add3A_229 = arith.constant 80 : i32
      %add3A_230 = arith.addi %mul3A_178, %add3A_229 : i32
      %get3A_231 = arith.index_cast %add3A_230 : i32 to index
      %get3A_232 = tpu.vector_load %arg8[%get3A_231] {strides = array<i32>} : memref<16384xf32, #tpu.memory_space<vmem>>, vector<16xf32>,
      %add3A_233 = arith.constant 336 : i32
      %add3A_234 = arith.addi %mul3A_178, %add3A_233 : i32
      %get3A_235 = arith.index_cast %add3A_234 : i32 to index
      %get3A_236 = tpu.vector_load %arg8[%get3A_235] {strides = array<i32>} : memref<16384xf32, #tpu.memory_space<vmem>>, vector<16xf32>,
      %mul3A_237 = arith.mulf %get3A_232, %get3A_236 : vector<16xf32>
      %add3A_238 = arith.addf %add3A_228, %mul3A_237 : vector<16xf32>
      %add3A_239 = arith.constant 96 : i32
      %add3A_240 = arith.addi %mul3A_178, %add3A_239 : i32
      %get3A_241 = arith.index_cast %add3A_240 : i32 to index
      %get3A_242 = tpu.vector_load %arg8[%get3A_241] {strides = array<i32>} : memref<16384xf32, #tpu.memory_space<vmem>>, vector<16xf32>,
      %add3A_243 = arith.constant 352 : i32
      %add3A_244 = arith.addi %mul3A_178, %add3A_243 : i32
      %get3A_245 = arith.index_cast %add3A_244 : i32 to index
      %get3A_246 = tpu.vector_load %arg8[%get3A_245] {strides = array<i32>} : memref<16384xf32, #tpu.memory_space<vmem>>, vector<16xf32>,
      %mul3A_247 = arith.mulf %get3A_242, %get3A_246 : vector<16xf32>
      %add3A_248 = arith.addf %add3A_238, %mul3A_247 : vector<16xf32>
      %add3A_249 = arith.constant 112 : i32
      %add3A_250 = arith.addi %mul3A_178, %add3A_249 : i32
      %get3A_251 = arith.index_cast %add3A_250 : i32 to index
      %get3A_252 = tpu.vector_load %arg8[%get3A_251] {strides = array<i32>} : memref<16384xf32, #tpu.memory_space<vmem>>, vector<16xf32>,
      %add3A_253 = arith.constant 368 : i32
      %add3A_254 = arith.addi %mul3A_178, %add3A_253 : i32
      %get3A_255 = arith.index_cast %add3A_254 : i32 to index
      %get3A_256 = tpu.vector_load %arg8[%get3A_255] {strides = array<i32>} : memref<16384xf32, #tpu.memory_space<vmem>>, vector<16xf32>,
      %mul3A_257 = arith.mulf %get3A_252, %get3A_256 : vector<16xf32>
      %add3A_258 = arith.addf %add3A_248, %mul3A_257 : vector<16xf32>
      %add3A_259 = arith.constant 128 : i32
      %add3A_260 = arith.addi %mul3A_178, %add3A_259 : i32
      %get3A_261 = arith.index_cast %add3A_260 : i32 to index
      %get3A_262 = tpu.vector_load %arg8[%get3A_261] {strides = array<i32>} : memref<16384xf32, #tpu.memory_space<vmem>>, vector<16xf32>,
      %add3A_263 = arith.constant 384 : i32
      %add3A_264 = arith.addi %mul3A_178, %add3A_263 : i32
      %get3A_265 = arith.index_cast %add3A_264 : i32 to index
      %get3A_266 = tpu.vector_load %arg8[%get3A_265] {strides = array<i32>} : memref<16384xf32, #tpu.memory_space<vmem>>, vector<16xf32>,
      %mul3A_267 = arith.mulf %get3A_262, %get3A_266 : vector<16xf32>
      %add3A_268 = arith.addf %add3A_258, %mul3A_267 : vector<16xf32>
      %add3A_269 = arith.constant 144 : i32
      %add3A_270 = arith.addi %mul3A_178, %add3A_269 : i32
      %get3A_271 = arith.index_cast %add3A_270 : i32 to index
      %get3A_272 = tpu.vector_load %arg8[%get3A_271] {strides = array<i32>} : memref<16384xf32, #tpu.memory_space<vmem>>, vector<16xf32>,
      %add3A_273 = arith.constant 400 : i32
      %add3A_274 = arith.addi %mul3A_178, %add3A_273 : i32
      %get3A_275 = arith.index_cast %add3A_274 : i32 to index
      %get3A_276 = tpu.vector_load %arg8[%get3A_275] {strides = array<i32>} : memref<16384xf32, #tpu.memory_space<vmem>>, vector<16xf32>,
      %mul3A_277 = arith.mulf %get3A_272, %get3A_276 : vector<16xf32>
      %add3A_278 = arith.addf %add3A_268, %mul3A_277 : vector<16xf32>
      %add3A_279 = arith.constant 160 : i32
      %add3A_280 = arith.addi %mul3A_178, %add3A_279 : i32
      %get3A_281 = arith.index_cast %add3A_280 : i32 to index
      %get3A_282 = tpu.vector_load %arg8[%get3A_281] {strides = array<i32>} : memref<16384xf32, #tpu.memory_space<vmem>>, vector<16xf32>,
      %add3A_283 = arith.constant 416 : i32
      %add3A_284 = arith.addi %mul3A_178, %add3A_283 : i32
      %get3A_285 = arith.index_cast %add3A_284 : i32 to index
      %get3A_286 = tpu.vector_load %arg8[%get3A_285] {strides = array<i32>} : memref<16384xf32, #tpu.memory_space<vmem>>, vector<16xf32>,
      %mul3A_287 = arith.mulf %get3A_282, %get3A_286 : vector<16xf32>
      %add3A_288 = arith.addf %add3A_278, %mul3A_287 : vector<16xf32>
      %add3A_289 = arith.constant 176 : i32
      %add3A_290 = arith.addi %mul3A_178, %add3A_289 : i32
      %get3A_291 = arith.index_cast %add3A_290 : i32 to index
      %get3A_292 = tpu.vector_load %arg8[%get3A_291] {strides = array<i32>} : memref<16384xf32, #tpu.memory_space<vmem>>, vector<16xf32>,
      %add3A_293 = arith.constant 432 : i32
      %add3A_294 = arith.addi %mul3A_178, %add3A_293 : i32
      %get3A_295 = arith.index_cast %add3A_294 : i32 to index
      %get3A_296 = tpu.vector_load %arg8[%get3A_295] {strides = array<i32>} : memref<16384xf32, #tpu.memory_space<vmem>>, vector<16xf32>,
      %mul3A_297 = arith.mulf %get3A_292, %get3A_296 : vector<16xf32>
      %add3A_298 = arith.addf %add3A_288, %mul3A_297 : vector<16xf32>
      %add3A_299 = arith.constant 192 : i32
      %add3A_300 = arith.addi %mul3A_178, %add3A_299 : i32
      %get3A_301 = arith.index_cast %add3A_300 : i32 to index
      %get3A_302 = tpu.vector_load %arg8[%get3A_301] {strides = array<i32>} : memref<16384xf32, #tpu.memory_space<vmem>>, vector<16xf32>,
      %add3A_303 = arith.constant 448 : i32
      %add3A_304 = arith.addi %mul3A_178, %add3A_303 : i32
      %get3A_305 = arith.index_cast %add3A_304 : i32 to index
      %get3A_306 = tpu.vector_load %arg8[%get3A_305] {strides = array<i32>} : memref<16384xf32, #tpu.memory_space<vmem>>, vector<16xf32>,
      %mul3A_307 = arith.mulf %get3A_302, %get3A_306 : vector<16xf32>
      %add3A_308 = arith.addf %add3A_298, %mul3A_307 : vector<16xf32>
      %add3A_309 = arith.constant 208 : i32
      %add3A_310 = arith.addi %mul3A_178, %add3A_309 : i32
      %get3A_311 = arith.index_cast %add3A_310 : i32 to index
      %get3A_312 = tpu.vector_load %arg8[%get3A_311] {strides = array<i32>} : memref<16384xf32, #tpu.memory_space<vmem>>, vector<16xf32>,
      %add3A_313 = arith.constant 464 : i32
      %add3A_314 = arith.addi %mul3A_178, %add3A_313 : i32
      %get3A_315 = arith.index_cast %add3A_314 : i32 to index
      %get3A_316 = tpu.vector_load %arg8[%get3A_315] {strides = array<i32>} : memref<16384xf32, #tpu.memory_space<vmem>>, vector<16xf32>,
      %mul3A_317 = arith.mulf %get3A_312, %get3A_316 : vector<16xf32>
      %add3A_318 = arith.addf %add3A_308, %mul3A_317 : vector<16xf32>
      %add3A_319 = arith.constant 224 : i32
      %add3A_320 = arith.addi %mul3A_178, %add3A_319 : i32
      %get3A_321 = arith.index_cast %add3A_320 : i32 to index
      %get3A_322 = tpu.vector_load %arg8[%get3A_321] {strides = array<i32>} : memref<16384xf32, #tpu.memory_space<vmem>>, vector<16xf32>,
      %add3A_323 = arith.constant 480 : i32
      %add3A_324 = arith.addi %mul3A_178, %add3A_323 : i32
      %get3A_325 = arith.index_cast %add3A_324 : i32 to index
      %get3A_326 = tpu.vector_load %arg8[%get3A_325] {strides = array<i32>} : memref<16384xf32, #tpu.memory_space<vmem>>, vector<16xf32>,
      %mul3A_327 = arith.mulf %get3A_322, %get3A_326 : vector<16xf32>
      %add3A_328 = arith.addf %add3A_318, %mul3A_327 : vector<16xf32>
      %add3A_329 = arith.constant 240 : i32
      %add3A_330 = arith.addi %mul3A_178, %add3A_329 : i32
      %get3A_331 = arith.index_cast %add3A_330 : i32 to index
      %get3A_332 = tpu.vector_load %arg8[%get3A_331] {strides = array<i32>} : memref<16384xf32, #tpu.memory_space<vmem>>, vector<16xf32>,
      %add3A_333 = arith.constant 496 : i32
      %add3A_334 = arith.addi %mul3A_178, %add3A_333 : i32
      %get3A_335 = arith.index_cast %add3A_334 : i32 to index
      %get3A_336 = tpu.vector_load %arg8[%get3A_335] {strides = array<i32>} : memref<16384xf32, #tpu.memory_space<vmem>>, vector<16xf32>,
      %mul3A_337 = arith.mulf %get3A_332, %get3A_336 : vector<16xf32>
      %add3A_338 = arith.addf %add3A_328, %mul3A_337 : vector<16xf32>
      %abs3A = math.absf %add3A_338 : vector<16xf32>
      %neg3A = arith.constant 0.000000e+00 : f32
      %neg3A_339 = vector.broadcast %neg3A : f32 to vector<16xf32>
      %neg3A_340 = arith.subf %neg3A_339, %abs3A : vector<16xf32>
      %exp3A = math.exp %neg3A_340 : vector<16xf32>
      %ge3A = arith.constant 0.000000e+00 : f32
      %ge3A_341 = vector.broadcast %ge3A : f32 to vector<16xf32>
      %ge3A_342 = arith.cmpf oge, %add3A_338, %ge3A_341 : vector<16xf32>
      %add3A_343 = arith.constant 1.000000e+00 : f32
      %add3A_344 = vector.broadcast %add3A_343 : f32 to vector<16xf32>
      %add3A_345 = arith.addf %add3A_344, %exp3A : vector<16xf32>
      %div3A = arith.constant 1.000000e+00 : f32
      %div3A_346 = vector.broadcast %div3A : f32 to vector<16xf32>
      %div3A_347 = arith.divf %div3A_346, %add3A_345 : vector<16xf32>
      %add3A_348 = arith.constant 1.000000e+00 : f32
      %add3A_349 = vector.broadcast %add3A_348 : f32 to vector<16xf32>
      %add3A_350 = arith.addf %add3A_349, %exp3A : vector<16xf32>
      %div3A_351 = arith.divf %exp3A, %add3A_350 : vector<16xf32>
      %select_n3A = arith.select %ge3A_342, %div3A_347, %div3A_351 : vector<16xi1>, vector<16xf32>
      %mul3A_352 = arith.constant 16 : i32
      %mul3A_353 = arith.muli %scan3A_176, %mul3A_352 : i32
      %swap3A = arith.index_cast %mul3A_353 : i32 to index
      %swap3A_354 = tpu.vector_load %arg9[%swap3A] {strides = array<i32>} : memref<512xf32, #tpu.memory_space<vmem>>, vector<16xf32>,
      tpu.vector_store %arg9[%swap3A], %select_n3A {strides = array<i32>} : memref<512xf32, #tpu.memory_space<vmem>>, vector<16xf32>,
    }
    %scan3A_175 = arith.constant 8 : i32
    "tpu.region"() ({
      %run_scoped3A = tpu.sem_alloc : memref<!tpu.dma_semaphore, #tpu.memory_space<semaphore_mem>>
      %dma_start3A_176 = tpu.memref_slice %arg4[%mul3A_2] : memref<16384xf32, #tpu.memory_space<hbm>> -> memref<512xf32, #tpu.memory_space<hbm>>
      %dma_start3A_177 = tpu.memref_slice %arg4[%mul3A_2] : memref<16384xf32, #tpu.memory_space<hbm>> -> memref<512xf32, #tpu.memory_space<hbm>>
      tpu.enqueue_dma source(%arg9 : memref<512xf32, #tpu.memory_space<vmem>>) target(%dma_start3A_177 : memref<512xf32, #tpu.memory_space<hbm>>) target_semaphore(%run_scoped3A : memref<!tpu.dma_semaphore, #tpu.memory_space<semaphore_mem>>)
      %dma_wait3A_178 = tpu.memref_slice %arg4[%mul3A_2] : memref<16384xf32, #tpu.memory_space<hbm>> -> memref<512xf32, #tpu.memory_space<hbm>>
      %dma_wait3A_179 = tpu.memref_slice %arg4[%mul3A_2] : memref<16384xf32, #tpu.memory_space<hbm>> -> memref<512xf32, #tpu.memory_space<hbm>>
      tpu.wait_dma2 semaphore(%run_scoped3A : memref<!tpu.dma_semaphore, #tpu.memory_space<semaphore_mem>>) src(%arg9 : memref<512xf32, #tpu.memory_space<vmem>>) dst(%dma_wait3A_179 : memref<512xf32, #tpu.memory_space<hbm>>)
      tpu.yield
    }) : () -> ()
    return
  }
}

</mosaic_0001>

<sc_bundles>
// kernel: _run.3.cloned.1.call-start
scs
__scs_entry_jumppad:
0x0: {  	(pc) =	sbr.rel $0x88, $3  }
0x1: {  	(tag) =	ssettag $0x0;
	lr =	simm.s32 $0x1  }
0x2: {  	[smem:$0x3F9F] =	sst lr;
	_ =	strace $0xD0000000  }
0x3: {  	_ = 	snop  }
0x4: {  	_ = 	snop  }
0x5: {  	_ = 	snop  }
0x6: {  	_ = 	snop  }
0x7: {  	_ = 	snop  }
__scs_overlays_trampoline_lowered:
0x8: {  	[smem:$0x3FAE] =	sst s0  }
0x9: {  	[smem:$0x3FAF] =	sst s1  }
0xa: {  	[smem:$0x3FB0] =	sst s2  }
0xb: {  	[smem:$0x3FB1] =	sst s3  }
0xc: {  	[smem:$0x3FB2] =	sst s4  }
0xd: {  	[smem:$0x3FB3] =	sst s5  }
0xe: {  	[smem:$0x3FB4] =	sst s6  }
0xf: {  	[smem:$0x3FB5] =	sst s7  }
0x10: {  	[smem:$0x3FB6] =	sst s8  }
0x11: {  	[smem:$0x3FB7] =	sst s9;
	s0 =	simm.s32 @!p0 $0x0  }
0x12: {  	s1 =	sld [smem:$0x3F9D];
	s0 =	simm.s32 @p0 $0x1  }
0x13: {  	[smem:$0x3FB8] =	sst s0;
	s0 =	simm.s32 @!p1 $0x0  }
0x14: {  	s2 =	sld [smem:$0x3F9C];
	s0 =	simm.s32 @p1 $0x1  }
0x15: {  	[smem:$0x3FB9] =	sst s0;
	s0 =	simm.s32 @!p2 $0x0  }
0x16: {  	s3 =	sld [smem:$0x3FDB];
	s0 =	simm.s32 @p2 $0x1  }
0x17: {  	s4 =	simm.s32 $0x1BF5;
	[smem:$0x3FBB] =	sst s0  }
0x18: {  	s0 =	sld [smem:$0x3F9E];
	_ =	swait.ge [sflag:s4], $0x0  }
0x19: {  	s7 =	sld [smem:$0x3F9F]  }
0x1a: {  	s8 =	sadd.s32 $0xFFFFE003, lr  }
0x1b: {  	s9 =	sadd.s32 $0xFFFFFEF7, lr;
	s5 =	simm.s32 $0xFFFFFFFF;
	p2 =	slt.u32 s8, $0xFFFFF086  }
0x1c: {  	p1 =	slt.u32 s9, $0xF7A;
	s5 =	simm.s32 @!p2 $0x0  }
0x1d: {  	s5 =	simm.s32 @p1 $0x1;
	p0 =	seq.s32 s7, s2  }
0x1e: {  	s7 =	smul.u32 @!p0 $0xF7A, s2;
	p2 =	seq.s32 @!p0 s5, $0x0  }
0x1f: {  	s9 =	smul.u32 $0xF7A, s1;
	s8 =	simm.s32 @!p0 $0x1BF5;
	p2 =	por !p2, p0  }
0x20: {  	[sflag:s8] =	ssyncset.s32 @!p0 $0xFFFFF086;
	s6 =	sadd.s32 @!p0 s3, s7;
	s7 =	simm.s32 @!p0 $0x108  }
0x21: {  	s3 =	sadd.s32 s3, s9;
	s6 =	sadd.s32 @!p0 $0x88, s6;
	s7 =	simm.s32 @p2 $0x1082  }
0x22: {  	[simem:s7], [sflag:s8] =	dma.local @!p0 [hbm:s6], $0xF7A  }
0x23: {  	s9 =	sor.u32 $0xD0000000, s2;
	s6 =	simm.s32 $0x108;
	_ =	swait.ge @!p0 [sflag:s8], $0x0  }
0x24: {  	s3 =	sadd.s32 $0x88, s3;
	s6 =	simm.s32 @!p1 $0x1082;
	[sflag:s4] =	ssyncset.s32 $0xFFFFF086  }
0x25: {  	[simem:s6], [sflag:s4] =	dma.local [hbm:s3], $0xF7A  }
0x26: {  	[smem:$0x3F9F] =	sst s1;
	(tag) =	ssettag s2;
	_ =	strace s9  }
0x27: {  	s1 =	sld [smem:$0x3FAF]  }
0x28: {  	s2 =	sld [smem:$0x3FB0]  }
0x29: {  	s4 =	sld [smem:$0x3FB2]  }
0x2a: {  	p0 =	seq.s32 s5, $0x0;
	s5 =	sld [smem:$0x3FB3]  }
0x2b: {  	s6 =	sld [smem:$0x3FB4]  }
0x2c: {  	s7 =	sld [smem:$0x3FB5]  }
0x2d: {  	s3 =	simm.s32 $0x108;
	s8 =	sld [smem:$0x3FB6]  }
0x2e: {  	s3 =	simm.s32 @!p0 $0x1082;
	s9 =	sld [smem:$0x3FB7]  }
0x2f: {  	lr =	sadd.s32 s0, s3;
	s0 =	sld [smem:$0x3FAE]  }
0x30: {  	s3 =	sld [smem:$0x3FB1]  }
0x31: {  	[smem:$0x3FBA] =	sst s10  }
0x32: {  	s10 =	sld [smem:$0x3FB8];
	_ =	sdelay $0x3  }
0x33: {  	p0 =	seq.s32 s10, $0x1;
	s10 =	sld [smem:$0x3FBA];
	_ =	sdelay $0x3  }
0x34: {  	[smem:$0x3FBA] =	sst s10  }
0x35: {  	s10 =	sld [smem:$0x3FB9];
	_ =	sdelay $0x3  }
0x36: {  	p1 =	seq.s32 s10, $0x1;
	s10 =	sld [smem:$0x3FBA];
	_ =	sdelay $0x3  }
0x37: {  	[smem:$0x3FBA] =	sst s10  }
0x38: {  	s10 =	sld [smem:$0x3FBB]  }
0x39: {  	_ = 	snop;
	(pc) =	sbr.ind lr, $3  }
0x3a: {  	_ = 	snop  }
0x3b: {  	_ = 	snop  }
0x3c: {  	p2 =	seq.s32 s10, $0x1;
	s10 =	sld [smem:$0x3FBA]  }
0x3d: {  	_ =	shalt  }
0x3e: {  	_ =	shalt  }
0x3f: {  	_ =	shalt  }
0x40: {  	_ =	shalt  }
0x41: {  	_ =	shalt  }
0x42: {  	_ =	shalt  }
0x43: {  	_ =	shalt  }
0x44: {  	_ =	shalt  }
0x45: {  	_ =	shalt  }
0x46: {  	_ =	shalt  }
0x47: {  	_ =	shalt  }
0x48: {  	_ =	shalt  }
0x49: {  	_ =	shalt  }
0x4a: {  	_ =	shalt  }
0x4b: {  	_ =	shalt  }
0x4c: {  	_ =	shalt  }
0x4d: {  	_ =	shalt  }
0x4e: {  	_ =	shalt  }
0x4f: {  	_ =	shalt  }
0x50: {  	_ =	shalt  }
0x51: {  	_ =	shalt  }
0x52: {  	_ =	shalt  }
0x53: {  	_ =	shalt  }
0x54: {  	_ =	shalt  }
0x55: {  	_ =	shalt  }
0x56: {  	_ =	shalt  }
0x57: {  	_ =	shalt  }
0x58: {  	_ =	shalt  }
0x59: {  	_ =	shalt  }
0x5a: {  	_ =	shalt  }
0x5b: {  	_ =	shalt  }
0x5c: {  	_ =	shalt  }
0x5d: {  	_ =	shalt  }
0x5e: {  	_ =	shalt  }
0x5f: {  	_ =	shalt  }
0x60: {  	_ =	shalt  }
0x61: {  	_ =	shalt  }
0x62: {  	_ =	shalt  }
0x63: {  	_ =	shalt  }
0x64: {  	_ =	shalt  }
0x65: {  	_ =	shalt  }
0x66: {  	_ =	shalt  }
0x67: {  	_ =	shalt  }
0x68: {  	_ =	shalt  }
0x69: {  	_ =	shalt  }
0x6a: {  	_ =	shalt  }
0x6b: {  	_ =	shalt  }
0x6c: {  	_ =	shalt  }
0x6d: {  	_ =	shalt  }
0x6e: {  	_ =	shalt  }
0x6f: {  	_ =	shalt  }
0x70: {  	_ =	shalt  }
0x71: {  	_ =	shalt  }
0x72: {  	_ =	shalt  }
0x73: {  	_ =	shalt  }
0x74: {  	_ =	shalt  }
0x75: {  	_ =	shalt  }
0x76: {  	_ =	shalt  }
0x77: {  	_ =	shalt  }
0x78: {  	_ =	shalt  }
0x79: {  	_ =	shalt  }
0x7a: {  	_ =	shalt  }
0x7b: {  	_ =	shalt  }
0x7c: {  	_ =	shalt  }
0x7d: {  	_ =	shalt  }
0x7e: {  	_ =	shalt  }
0x7f: {  	_ =	shalt  }
0x80: {  	_ =	shalt  }
0x81: {  	_ =	shalt  }
0x82: {  	_ =	shalt  }
0x83: {  	_ =	shalt  }
0x84: {  	_ =	shalt  }
0x85: {  	_ =	shalt  }
0x86: {  	_ =	shalt  }
0x87: {  	_ =	shalt  }
.Lfunc_end0:
.L_simem_size_0:
called_computation_lowered:
.L_overlay_start_0:
0x88: {  	s2 =	sld [smem:$0x3FD9]  }
0x89: {  	s3 =	sld [smem:$0x3FFE];
	_ =	sdelay $0x1  }
0x8a: {  	s1 =	srdreg.scid  }
0x8b: {  	s0 =	sand.u32 $0x1, s1  }
0x8c: {  	s18 =	sshll.u32 s0, $0xA;
	s2 =	sadd.s32 s3, s2  }
0x8d: {  	s2 =	sadd.s32 s2, s18  }
0x8e: {  	[smem:$0x3FC6] =	sst s2  }
0x8f: {  	_ = 	snop  }
0x90: {  	s2 =	sld [smem:$0x3FC9]  }
0x91: {  	s19 =	sld [smem:$0x3FC8]  }
0x92: {  	s4 =	sld [smem:$0x3FD0];
	(tm) =	ssettm $0x1  }
0x93: {  	s5 =	sld [smem:$0x3FFB];
	_ =	sdelay $0x3  }
0x94: {  	_ =	strace s5  }
0x95: {  	s5 =	sld [smem:$0x3FFC];
	_ =	sdelay $0x3  }
0x96: {  	_ =	strace s5  }
0x97: {  	s5 =	sld [smem:$0x3FFD];
	_ =	sdelay $0x3  }
0x98: {  	_ =	strace s5  }
0x99: {  	_ =	strace $0x8FFFFFFF  }
0x9a: {  	s20 =	sld [smem:$0x3FDB];
	_ =	sdelay $0x1  }
0x9b: {  	s6 =	simm.s32 $_scs_section_size  }
0x9c: {  	s7 =	simm.s32 $_size__tile_overlayer_lowered;
	s8 =	simm.s32 $_tile_overlayer_lowered  }
0x9d: {  	s23 =	simm.s32 $0x1BFF;
	s22 =	sshll.u32 s8, $0x1;
	s5 =	sadd.s32 s6, s20  }
0x9e: {  	s9 =	simm.s32 $0x0;
	s21 =	sshll.u32 s7, $0x1;
	s7 =	sadd.s32 s22, s5  }
0x9f: {  	[timem:s9], [sflag:s23] =	dma.local [hbm:s7], s21  }
0xa0: {  	_ =	swait.ge [sflag:s23], s21  }
0xa1: {  	s6 =	ssub.s32 $0x0, s21;
	[sflag:s23] =	ssyncset.done $0x0  }
0xa2: {  	[sflag:s23] =	ssyncadd.s32 s6;
	_ =	sdelay $0x1  }
0xa3: {  	s24 =	simm.s32 $0x1B8B  }
0xa4: {  	_ =	swait.ge [sflag:s24], $0x1  }
0xa5: {  	[sflag:s24] =	ssyncset.done $0x0  }
0xa6: {  	s25 =	simm.s32 $0x1B8E;
	[sflag:s24] =	ssyncadd.s32 $0xFFFFFFFF  }
0xa7: {  	s26 =	simm.s32 $execute0_lowered;
	[smem:$0x3FD2] =	sst s25  }
0xa8: {  	s6 =	sshll.u32 s26, $0x1;
	_ =	strace $0x80000046;
	[dreg:$0x1] =	wrdreg $0xFFFFFFFF  }
0xa9: {  	s28 =	simm.s32 $_size_execute0_lowered;
	s5 =	sadd.s32 s5, s6;
	[dreg:$0x0] =	wrdreg $0x0  }
0xaa: {  	s6 =	sshll.u32 s28, $0x1;
	[dreg:$0x2] =	wrdreg s5  }
0xab: {  	[dreg:$0x3] =	wrdreg s6  }
0xac: {  	[dreg:$0x4] =	wrdreg $0xC0  }
0xad: {  	_ =	task [dreg:s9], $0x5FFFF  }
0xae: {  	[dreg:$0x1] =	wrdreg $0xFFFFFFFF  }
0xaf: {  	[dreg:$0x0] =	wrdreg $0x60  }
0xb0: {  	[dreg:$0x2] =	wrdreg s2  }
0xb1: {  	[dreg:$0x3] =	wrdreg s19  }
0xb2: {  	[dreg:$0x4] =	wrdreg s4  }
0xb3: {  	[dreg:$0x5] =	wrdreg $0x9  }
0xb4: {  	_ =	task.clear_ibuf [dreg:s9], $0x6FFFF;
	_ =	strace $0x90000046  }
0xb5: {  	s29 =	simm.s32 $0x9;
	_ =	strace $0x80000048  }
0xb6: {  	_ =	swait.ge [sflag:s29], $0x1  }
0xb7: {  	[sflag:s29] =	ssyncadd.s32 $0xFFFFFFFF  }
0xb8: {  	_ =	strace $0x90000048  }
0xb9: {  	_ =	sfence  }
0xba: {  	s30 =	sld [smem:$0x0];
	_ =	sdelay $0x2  }
0xbb: {  	s31 =	sshll.u32 s1, $0xD;
	s1 =	sshrl.u32 s1, $0x2  }
0xbc: {  	s3 =	sand.u32 $0x4000, s31;
	s1 =	sadd.s32 s1, s30  }
0xbd: {  	s0 =	sor.u32 s3, s0;
	s1 =	sshll.u32 s1, $0x11  }
0xbe: {  	s0 =	sor.u32 s1, s0  }
0xbf: {  	s0 =	sadd.s32 $0x8F2B, s0  }
0xc0: {  	[sflag:s0] =	ssyncadd.remote.s32 $0x1  }
0xc1: {  	_ =	sfence.sel $0xFFFF  }
0xc2: {  	[dreg:$0x0] =	wrdreg $0xFFFFFFFF;
	(pc) =	sbr.abs _section_cstart, $3  }
0xc3: {  	[dreg:$0x1] =	wrdreg $0xFFFFFFFF  }
0xc4: {  	_ =	task.clear_ibuf [dreg:s9], $0x2FFFF;
	_ =	strace $0x9FFFFFFF  }
0xc5: {  	(tm) =	ssettm $0x7FFFFFFF  }
tec
execute0_lowered:
.L_overlay_start_1:
0x0: {  	(tag) =	ssettag $0x1  }
0x1: {  	s0 =	rddreg [dreg:$0x0]  }
0x2: {  	s2 =	rddreg [dreg:$0x1]  }
0x3: {  	s1 =	srdreg.scid;
	s3 =	stileid.u32  }
0x4: {  	s12 =	rddreg [dreg:$0x2];
	s14 =	simm.s32 $0x80;
	s20 =	simm.s32 $0x1  }
0x5: {  	s21 =	simm.s32 $0x2;
	s22 =	simm.s32 $0x3;
	s23 =	simm.s32 $0x4  }
0x6: {  	s25 =	simm.s32 $0x5;
	s1 =	sand.u32 $0x1, s1;
	s4 =	sshll.u32 s3, $0x1  }
0x7: {  	s26 =	simm.s32 $0x0;
	s3 =	simm.s32 $0x0;
	s13 =	sor.u32 s1, s4  }
0x8: {  	[smem:$0x7FF] =	sst s3;
	s1 =	ssub.s32 $0x2, s1;
	s4 =	sshll.u32 s13, $0x7  }
0x9: {  	_ =	strace $0x80000047;
	s5 =	sshrl.u32 s1, $0x1;
	s31 =	sshll.u32 s13, $0x6  }
0xa: {  	s4 =	sadd.s32 s0, s4;
	s29 =	ssub.s32 s1, s5;
	s12 =	sadd.s32 s12, s31  }
0xb: {  	s30 =	sadd.s32 $0x10, s4;
	s6 =	sadd.s32 $0x20, s4;
	s7 =	sadd.s32 $0x30, s4  }
0xc: {  	s8 =	sadd.s32 $0x40, s4;
	s9 =	sadd.s32 $0x50, s4;
	s10 =	sadd.s32 $0x60, s4  }
0xd: {  	s11 =	sadd.s32 $0x70, s4;
	s13 =	smax.u32 s29, $0x1;
	[dreg:$0x4] =	wrdreg s30  }
.LBB2_1:
0xe: {  	[tilespmem:s3], [sflag:$0x1] =	stream.linear.gather [hbm4b:s4+s3], $0x80, $0x38;
	[tilespmem:$0x8600] =	vst v63  }
0xf: {  	s0 =	simm.s32 $0x200;
	s1 =	rddreg [dreg:$0x4]  }
0x10: {  	[tilespmem:s0], [sflag:$0x1] =	stream.linear.gather [hbm4b:s1+s3], $0x80, $0x38;
	[tilespmem:$0x8600] =	vst v63  }
0x11: {  	_ = 	snop  }
0x12: {  	[tilespmem:s14], [sflag:$0x1] =	stream.linear.gather [hbm4b:s6+s3], $0x80, $0x38;
	[tilespmem:$0x8600] =	vst v63  }
0x13: {  	s17 =	simm.s32 $0x280  }
0x14: {  	[tilespmem:s17], [sflag:$0x1] =	stream.linear.gather [hbm4b:s7+s3], $0x80, $0x38;
	[tilespmem:$0x8600] =	vst v63  }
0x15: {  	s18 =	simm.s32 $0x100  }
0x16: {  	[tilespmem:s18], [sflag:$0x1] =	stream.linear.gather [hbm4b:s8+s3], $0x80, $0x38;
	[tilespmem:$0x8600] =	vst v63  }
0x17: {  	s19 =	simm.s32 $0x300  }
0x18: {  	[tilespmem:s19], [sflag:$0x1] =	stream.linear.gather [hbm4b:s9+s3], $0x80, $0x38;
	[tilespmem:$0x8600] =	vst v63  }
0x19: {  	s24 =	simm.s32 $0x180  }
0x1a: {  	[tilespmem:s24], [sflag:$0x1] =	stream.linear.gather [hbm4b:s10+s3], $0x80, $0x38;
	[tilespmem:$0x8600] =	vst v63  }
0x1b: {  	s28 =	simm.s32 $0x380  }
0x1c: {  	[tilespmem:s28], [sflag:$0x1] =	stream.linear.gather [hbm4b:s11+s3], $0x80, $0x38;
	[tilespmem:$0x8600] =	vst v63  }
0x1d: {  	_ =	swait.ge [sflag:s20], $0x200  }
0x1e: {  	[sflag:s20] =	ssyncset.done $0x0  }
0x1f: {  	[sflag:s20] =	ssyncadd.s32 $0xFFFFFE00  }
0x20: {  	_ =	swait.ge [sflag:s20], $0x200  }
0x21: {  	[sflag:s20] =	ssyncset.done $0x0  }
0x22: {  	[sflag:s20] =	ssyncadd.s32 $0xFFFFFE00  }
0x23: {  	v0 =	vld [tilespmem:s3+$0x0];
	_ =	sdelay $0x4  }
0x24: {  	v1 =	vshll.u32 v0, $0x3  }
0x25: {  	v0 =	vand.u32 $0x7F, v0;
	v1 =	vand.u32 $0xFFFFFC00, v1  }
0x26: {  	s29 =	simm.s32 $0x0;
	v0 =	vor.u32 v0, v1  }
0x27: {  	[tilespmem:s29+$0x400] =	vst v0;
	v1 =	vor.u32 $0x100, v0  }
0x28: {  	v2 =	vadd.s32 $0xF42780, v0;
	[tilespmem:s29+$0x420] =	vst v1  }
0x29: {  	v1 =	vor.u32 $0x80, v0;
	[tilespmem:s29+$0x4F0] =	vst v2  }
0x2a: {  	v2 =	vadd.s32 $0xF42500, v0;
	[tilespmem:s29+$0x410] =	vst v1  }
0x2b: {  	v1 =	vor.u32 $0x380, v0;
	[tilespmem:s29+$0x4A0] =	vst v2  }
0x2c: {  	v2 =	vor.u32 $0x200, v0;
	[tilespmem:s29+$0x470] =	vst v1  }
0x2d: {  	v1 =	vadd.s32 $0xF42400, v0;
	[tilespmem:s29+$0x440] =	vst v2  }
0x2e: {  	v2 =	vadd.s32 $0xF42700, v0;
	[tilespmem:s29+$0x480] =	vst v1  }
0x2f: {  	v1 =	vor.u32 $0x280, v0;
	[tilespmem:s29+$0x4E0] =	vst v2  }
0x30: {  	v2 =	vadd.s32 $0xF42680, v0;
	[tilespmem:s29+$0x450] =	vst v1  }
0x31: {  	v1 =	vor.u32 $0x300, v0;
	[tilespmem:s29+$0x4D0] =	vst v2  }
0x32: {  	v2 =	vadd.s32 $0xF42480, v0;
	[tilespmem:s29+$0x460] =	vst v1  }
0x33: {  	v1 =	vor.u32 $0x180, v0;
	[tilespmem:s29+$0x490] =	vst v2  }
0x34: {  	v2 =	vadd.s32 $0xF42580, v0;
	[tilespmem:s29+$0x430] =	vst v1  }
0x35: {  	v0 =	vadd.s32 $0xF42600, v0;
	[tilespmem:s29+$0x4B0] =	vst v2  }
0x36: {  	[tilespmem:s29+$0x4C0] =	vst v0  }
0x37: {  	v0 =	vld [tilespmem:s0+$0x0];
	_ =	sdelay $0x4  }
0x38: {  	v0 =	vadd.s32 $0xF4240, v0  }
0x39: {  	v1 =	vshll.u32 v0, $0x3  }
0x3a: {  	v0 =	vand.u32 $0x7F, v0;
	v1 =	vand.u32 $0xFFFFFC00, v1  }
0x3b: {  	v3 =	vor.u32 v0, v1  }
0x3c: {  	[tilespmem:s29+$0x500] =	vst v3;
	v0 =	vor.u32 $0x80, v3  }
0x3d: {  	v1 =	vor.u32 $0x100, v3;
	[tilespmem:s29+$0x510] =	vst v0  }
0x3e: {  	v4 =	vadd.s32 $0xF42700, v3;
	[tilespmem:s29+$0x520] =	vst v1  }
0x3f: {  	v5 =	vor.u32 $0x380, v3;
	[tilespmem:s29+$0x5E0] =	vst v4  }
0x40: {  	v6 =	vor.u32 $0x180, v3;
	[tilespmem:s29+$0x570] =	vst v5  }
0x41: {  	v0 =	vor.u32 $0x280, v3;
	[tilespmem:s29+$0x530] =	vst v6  }
0x42: {  	v1 =	vor.u32 $0x200, v3;
	[tilespmem:s29+$0x550] =	vst v0  }
0x43: {  	s31 =	simm.s32 $0x800;
	v0 =	vadd.s32 $0xF42400, v3;
	[tilespmem:s29+$0x540] =	vst v1  }
0x44: {  	v2 =	vadd.s32 $0xF42480, v3;
	v4 =	vadd.s32 $0xF42680, v3;
	v1 =	vor.u32 $0x300, v3;
	[tilespmem:s29+$0x580] =	vst v0  }
0x45: {  	s15 =	simm.s32 $0x10;
	s16 =	simm.s32 $0x1000;
	v0 =	vadd.s32 $0xF42500, v3;
	[tilespmem:s29+$0x560] =	vst v1;
	v1 =	vadd.s32 $0xF42580, v3  }
0x46: {  	s30 =	simm.s32 $0x210;
	s1 =	simm.s32 $0x10;
	s0 =	simm.s32 $0x210;
	[tilespmem:s29+$0x5A0] =	vst v0;
	v0 =	vadd.s32 $0xF42600, v3;
	v3 =	vadd.s32 $0xF42780, v3  }
.LBB2_2:
0x47: {  	p0 =	sne.s32 s16, $0x3800;
	s0 =	sadd.s32 $0x10, s0;
	s15 =	sadd.s32 $0x10, s15;
	[tilespmem:s29+$0x5D0] =	vst v4  }
0x48: {  	s17 =	smov.u32 s16;
	s16 =	sadd.s32 $0x800, s16;
	[tilespmem:s29+$0x590] =	vst v2  }
0x49: {  	[tilespmem:s29+$0x5F0] =	vst v3  }
0x4a: {  	s18 =	sadd.s32 $0x400, s29;
	s19 =	sadd.s32 $0x4400, s29;
	s28 =	simm.s32 $0x80;
	[tilespmem:s29+$0x5B0] =	vst v1  }
0x4b: {  	s24 =	sadd.s32 $0x480, s29;
	s5 =	sadd.s32 $0x4480, s29;
	[tilespmem:s29+$0x5C0] =	vst v0  }
0x4c: {  	[tilespmem:s19], [sflag:$0x1] =	stream.indirect.gather [hbm4b:s2+s28], $0x1, s18, s28, $0xb8;
	[tilespmem:$0x8600] =	vst v63  }
0x4d: {  	s18 =	sadd.s32 $0x500, s29;
	s19 =	sadd.s32 $0x4500, s29  }
0x4e: {  	[tilespmem:s5], [sflag:$0x1] =	stream.indirect.gather [hbm4b:s2+s28], $0x1, s24, s28, $0xb8;
	[tilespmem:$0x8600] =	vst v63  }
0x4f: {  	s5 =	sadd.s32 $0x580, s29;
	s24 =	sadd.s32 $0x4580, s29  }
0x50: {  	[tilespmem:s19], [sflag:$0x1] =	stream.indirect.gather [hbm4b:s2+s28], $0x1, s18, s28, $0xb8;
	[tilespmem:$0x8600] =	vst v63  }
0x51: {  	_ = 	snop  }
0x52: {  	[tilespmem:s24], [sflag:$0x1] =	stream.indirect.gather [hbm4b:s2+s28], $0x1, s5, s28, $0xb8;
	[tilespmem:$0x8600] =	vst v63  }
0x53: {  	v0 =	vld [tilespmem:s1+$0x0];
	s1 =	smov.u32 s15;
	_ =	sdelay $0x4  }
0x54: {  	v1 =	vshll.u32 v0, $0x3  }
0x55: {  	v0 =	vand.u32 $0x7F, v0;
	v1 =	vand.u32 $0xFFFFFC00, v1  }
0x56: {  	s29 =	sshra.s32 s31, $0x2;
	s31 =	smov.u32 s17;
	v0 =	vor.u32 v0, v1  }
0x57: {  	[tilespmem:s29+$0x400] =	vst v0;
	v1 =	vor.u32 $0x80, v0;
	v2 =	vor.u32 $0x100, v0;
	v3 =	vadd.s32 $0xF42780, v0  }
0x58: {  	v4 =	vor.u32 $0x300, v0;
	v5 =	vadd.s32 $0xF42500, v0;
	[tilespmem:s29+$0x420] =	vst v2;
	v2 =	vor.u32 $0x200, v0  }
0x59: {  	v6 =	vor.u32 $0x180, v0;
	v7 =	vor.u32 $0x280, v0;
	v8 =	vor.u32 $0x380, v0;
	[tilespmem:s29+$0x4F0] =	vst v3  }
0x5a: {  	v3 =	vadd.s32 $0xF42580, v0;
	[tilespmem:s29+$0x410] =	vst v1;
	v1 =	vadd.s32 $0xF42480, v0  }
0x5b: {  	v9 =	vadd.s32 $0xF42400, v0;
	[tilespmem:s29+$0x4A0] =	vst v5;
	v5 =	vadd.s32 $0xF42600, v0  }
0x5c: {  	[tilespmem:s29+$0x470] =	vst v8;
	v8 =	vadd.s32 $0xF42680, v0;
	v0 =	vadd.s32 $0xF42700, v0  }
0x5d: {  	[tilespmem:s29+$0x440] =	vst v2  }
0x5e: {  	[tilespmem:s29+$0x480] =	vst v9  }
0x5f: {  	[tilespmem:s29+$0x4E0] =	vst v0  }
0x60: {  	[tilespmem:s29+$0x450] =	vst v7  }
0x61: {  	[tilespmem:s29+$0x4D0] =	vst v8  }
0x62: {  	[tilespmem:s29+$0x460] =	vst v4  }
0x63: {  	[tilespmem:s29+$0x490] =	vst v1  }
0x64: {  	[tilespmem:s29+$0x430] =	vst v6  }
0x65: {  	[tilespmem:s29+$0x4B0] =	vst v3  }
0x66: {  	[tilespmem:s29+$0x4C0] =	vst v5  }
0x67: {  	v0 =	vld [tilespmem:s30+$0x0];
	s30 =	smov.u32 s0;
	_ =	sdelay $0x4  }
0x68: {  	v0 =	vadd.s32 $0xF4240, v0  }
0x69: {  	v1 =	vshll.u32 v0, $0x3  }
0x6a: {  	v0 =	vand.u32 $0x7F, v0;
	v1 =	vand.u32 $0xFFFFFC00, v1  }
0x6b: {  	v5 =	vor.u32 v0, v1  }
0x6c: {  	[tilespmem:s29+$0x500] =	vst v5;
	v0 =	vor.u32 $0x80, v5;
	v1 =	vor.u32 $0x100, v5;
	v6 =	vor.u32 $0x180, v5  }
0x6d: {  	v3 =	vor.u32 $0x280, v5;
	v7 =	vor.u32 $0x300, v5;
	[tilespmem:s29+$0x510] =	vst v0;
	v0 =	vor.u32 $0x200, v5  }
0x6e: {  	v8 =	vor.u32 $0x380, v5;
	v9 =	vadd.s32 $0xF42400, v5;
	v2 =	vadd.s32 $0xF42480, v5;
	[tilespmem:s29+$0x520] =	vst v1  }
0x6f: {  	v10 =	vadd.s32 $0xF42500, v5;
	v1 =	vadd.s32 $0xF42580, v5;
	[tilespmem:s29+$0x550] =	vst v3  }
0x70: {  	v4 =	vadd.s32 $0xF42680, v5;
	[tilespmem:s29+$0x540] =	vst v0;
	v0 =	vadd.s32 $0xF42600, v5  }
0x71: {  	v3 =	vadd.s32 $0xF42780, v5;
	[tilespmem:s29+$0x580] =	vst v9  }
.Ltmp0:
0x72: {  	v5 =	vadd.s32 $0xF42700, v5;
	[tilespmem:s29+$0x560] =	vst v7;
	(pc) =	sbr.rel @p0 .LBB2_2-.Ltmp0, $4  }
0x73: {  	[tilespmem:s29+$0x5A0] =	vst v10  }
0x74: {  	[tilespmem:s29+$0x5E0] =	vst v5  }
0x75: {  	[tilespmem:s29+$0x570] =	vst v8  }
0x76: {  	[tilespmem:s29+$0x530] =	vst v6  }
0x77: {  	[tilespmem:s29+$0x5D0] =	vst v4  }
0x78: {  	[tilespmem:s29+$0x590] =	vst v2  }
0x79: {  	[tilespmem:s29+$0x5F0] =	vst v3  }
0x7a: {  	[tilespmem:s29+$0x5B0] =	vst v1  }
0x7b: {  	s0 =	sadd.s32 $0x400, s29;
	s5 =	sadd.s32 $0x4400, s29;
	[tilespmem:s29+$0x5C0] =	vst v0  }
0x7c: {  	[tilespmem:s5], [sflag:$0x1] =	stream.indirect.gather [hbm4b:s2+s28], $0x1, s0, s28, $0xb8;
	[tilespmem:$0x8600] =	vst v63  }
0x7d: {  	s19 =	sadd.s32 $0x480, s29;
	s24 =	sadd.s32 $0x4480, s29  }
0x7e: {  	[tilespmem:s24], [sflag:$0x1] =	stream.indirect.gather [hbm4b:s2+s28], $0x1, s19, s28, $0xb8;
	[tilespmem:$0x8600] =	vst v63  }
0x7f: {  	s15 =	sadd.s32 $0x500, s29;
	s16 =	sadd.s32 $0x4500, s29  }
0x80: {  	[tilespmem:s16], [sflag:$0x1] =	stream.indirect.gather [hbm4b:s2+s28], $0x1, s15, s28, $0xb8;
	[tilespmem:$0x8600] =	vst v63  }
0x81: {  	s17 =	sadd.s32 $0x580, s29;
	s18 =	sadd.s32 $0x4580, s29  }
0x82: {  	[tilespmem:s18], [sflag:$0x1] =	stream.indirect.gather [hbm4b:s2+s28], $0x1, s17, s28, $0xb8;
	[tilespmem:$0x8600] =	vst v63  }
0x83: {  	v0 =	vld [tilespmem:s1+$0x0];
	_ =	sdelay $0x4  }
0x84: {  	v1 =	vshll.u32 v0, $0x3  }
0x85: {  	v0 =	vand.u32 $0x7F, v0;
	v1 =	vand.u32 $0xFFFFFC00, v1  }
0x86: {  	s0 =	sshra.s32 s31, $0x2;
	v0 =	vor.u32 v0, v1  }
0x87: {  	[tilespmem:s0+$0x400] =	vst v0;
	v1 =	vor.u32 $0x100, v0  }
0x88: {  	v2 =	vadd.s32 $0xF42780, v0;
	[tilespmem:s0+$0x420] =	vst v1  }
0x89: {  	v1 =	vor.u32 $0x80, v0;
	[tilespmem:s0+$0x4F0] =	vst v2  }
0x8a: {  	v2 =	vadd.s32 $0xF42500, v0;
	[tilespmem:s0+$0x410] =	vst v1  }
0x8b: {  	v1 =	vor.u32 $0x380, v0;
	[tilespmem:s0+$0x4A0] =	vst v2  }
0x8c: {  	v2 =	vor.u32 $0x200, v0;
	[tilespmem:s0+$0x470] =	vst v1  }
0x8d: {  	v1 =	vadd.s32 $0xF42400, v0;
	[tilespmem:s0+$0x440] =	vst v2  }
0x8e: {  	v2 =	vadd.s32 $0xF42700, v0;
	[tilespmem:s0+$0x480] =	vst v1  }
0x8f: {  	v1 =	vor.u32 $0x280, v0;
	[tilespmem:s0+$0x4E0] =	vst v2  }
0x90: {  	v2 =	vadd.s32 $0xF42680, v0;
	[tilespmem:s0+$0x450] =	vst v1  }
0x91: {  	v1 =	vor.u32 $0x300, v0;
	[tilespmem:s0+$0x4D0] =	vst v2  }
0x92: {  	v2 =	vadd.s32 $0xF42480, v0;
	[tilespmem:s0+$0x460] =	vst v1  }
0x93: {  	v1 =	vor.u32 $0x180, v0;
	[tilespmem:s0+$0x490] =	vst v2  }
0x94: {  	v2 =	vadd.s32 $0xF42580, v0;
	[tilespmem:s0+$0x430] =	vst v1  }
0x95: {  	v0 =	vadd.s32 $0xF42600, v0;
	[tilespmem:s0+$0x4B0] =	vst v2  }
0x96: {  	[tilespmem:s0+$0x4C0] =	vst v0  }
0x97: {  	v0 =	vld [tilespmem:s30+$0x0];
	_ =	sdelay $0x4  }
0x98: {  	v0 =	vadd.s32 $0xF4240, v0  }
0x99: {  	v1 =	vshll.u32 v0, $0x3  }
0x9a: {  	v0 =	vand.u32 $0x7F, v0;
	v1 =	vand.u32 $0xFFFFFC00, v1  }
0x9b: {  	v0 =	vor.u32 v0, v1  }
0x9c: {  	[tilespmem:s0+$0x500] =	vst v0;
	v1 =	vor.u32 $0x80, v0  }
0x9d: {  	v2 =	vor.u32 $0x100, v0;
	[tilespmem:s0+$0x510] =	vst v1  }
0x9e: {  	v1 =	vor.u32 $0x280, v0;
	[tilespmem:s0+$0x520] =	vst v2  }
0x9f: {  	v2 =	vor.u32 $0x200, v0;
	[tilespmem:s0+$0x550] =	vst v1  }
0xa0: {  	v1 =	vadd.s32 $0xF42400, v0;
	[tilespmem:s0+$0x540] =	vst v2  }
0xa1: {  	v2 =	vor.u32 $0x300, v0;
	[tilespmem:s0+$0x580] =	vst v1  }
0xa2: {  	v1 =	vadd.s32 $0xF42500, v0;
	[tilespmem:s0+$0x560] =	vst v2  }
0xa3: {  	v2 =	vadd.s32 $0xF42700, v0;
	[tilespmem:s0+$0x5A0] =	vst v1  }
0xa4: {  	v1 =	vor.u32 $0x380, v0;
	[tilespmem:s0+$0x5E0] =	vst v2  }
0xa5: {  	v2 =	vor.u32 $0x180, v0;
	[tilespmem:s0+$0x570] =	vst v1  }
0xa6: {  	v1 =	vadd.s32 $0xF42680, v0;
	[tilespmem:s0+$0x530] =	vst v2  }
0xa7: {  	v2 =	vadd.s32 $0xF42480, v0;
	[tilespmem:s0+$0x5D0] =	vst v1  }
0xa8: {  	v1 =	vadd.s32 $0xF42780, v0;
	[tilespmem:s0+$0x590] =	vst v2  }
0xa9: {  	v2 =	vadd.s32 $0xF42580, v0;
	[tilespmem:s0+$0x5F0] =	vst v1  }
0xaa: {  	v0 =	vadd.s32 $0xF42600, v0;
	[tilespmem:s0+$0x5B0] =	vst v2  }
0xab: {  	s19 =	sadd.s32 $0x400, s0;
	s24 =	sadd.s32 $0x4400, s0;
	[tilespmem:s0+$0x5C0] =	vst v0  }
0xac: {  	[tilespmem:s24], [sflag:$0x1] =	stream.indirect.gather [hbm4b:s2+s28], $0x1, s19, s28, $0xb8;
	[tilespmem:$0x8600] =	vst v63  }
0xad: {  	s15 =	sadd.s32 $0x480, s0;
	s16 =	sadd.s32 $0x4480, s0  }
0xae: {  	[tilespmem:s16], [sflag:$0x1] =	stream.indirect.gather [hbm4b:s2+s28], $0x1, s15, s28, $0xb8;
	[tilespmem:$0x8600] =	vst v63  }
0xaf: {  	s17 =	sadd.s32 $0x500, s0;
	s18 =	sadd.s32 $0x4500, s0  }
0xb0: {  	[tilespmem:s18], [sflag:$0x1] =	stream.indirect.gather [hbm4b:s2+s28], $0x1, s17, s28, $0xb8;
	[tilespmem:$0x8600] =	vst v63  }
0xb1: {  	s19 =	sadd.s32 $0x580, s0;
	s0 =	sadd.s32 $0x4580, s0  }
0xb2: {  	[tilespmem:s0], [sflag:$0x1] =	stream.indirect.gather [hbm4b:s2+s28], $0x1, s19, s28, $0xb8;
	[tilespmem:$0x8600] =	vst v63  }
0xb3: {  	v0 =	vld [tilespmem:s28+$0x0];
	_ =	sdelay $0x4  }
0xb4: {  	v1 =	vshll.u32 v0, $0x3  }
0xb5: {  	v0 =	vand.u32 $0x7F, v0;
	v1 =	vand.u32 $0xFFFFFC00, v1  }
0xb6: {  	s29 =	simm.s32 $0x0;
	v0 =	vor.u32 v0, v1  }
0xb7: {  	[tilespmem:s29+$0x1400] =	vst v0;
	v1 =	vadd.s32 $0xF42680, v0  }
0xb8: {  	v2 =	vadd.s32 $0xF42400, v0;
	[tilespmem:s29+$0x14D0] =	vst v1  }
0xb9: {  	v1 =	vadd.s32 $0xF42600, v0;
	[tilespmem:s29+$0x1480] =	vst v2  }
0xba: {  	v2 =	vadd.s32 $0xF42480, v0;
	[tilespmem:s29+$0x14C0] =	vst v1  }
0xbb: {  	v1 =	vor.u32 $0x80, v0;
	[tilespmem:s29+$0x1490] =	vst v2  }
0xbc: {  	v2 =	vor.u32 $0x380, v0;
	[tilespmem:s29+$0x1410] =	vst v1  }
0xbd: {  	v1 =	vadd.s32 $0xF42700, v0;
	[tilespmem:s29+$0x1470] =	vst v2  }
0xbe: {  	v2 =	vadd.s32 $0xF42780, v0;
	[tilespmem:s29+$0x14E0] =	vst v1  }
0xbf: {  	v1 =	vadd.s32 $0xF42500, v0;
	[tilespmem:s29+$0x14F0] =	vst v2  }
0xc0: {  	v2 =	vor.u32 $0x280, v0;
	[tilespmem:s29+$0x14A0] =	vst v1  }
0xc1: {  	v1 =	vor.u32 $0x300, v0;
	[tilespmem:s29+$0x1450] =	vst v2  }
0xc2: {  	v2 =	vor.u32 $0x200, v0;
	[tilespmem:s29+$0x1460] =	vst v1  }
0xc3: {  	v1 =	vor.u32 $0x180, v0;
	[tilespmem:s29+$0x1440] =	vst v2  }
0xc4: {  	v2 =	vadd.s32 $0xF42580, v0;
	[tilespmem:s29+$0x1430] =	vst v1  }
0xc5: {  	v0 =	vor.u32 $0x100, v0;
	[tilespmem:s29+$0x14B0] =	vst v2  }
0xc6: {  	s24 =	simm.s32 $0x280;
	[tilespmem:s29+$0x1420] =	vst v0  }
0xc7: {  	v0 =	vld [tilespmem:s24+$0x0];
	_ =	sdelay $0x4  }
0xc8: {  	v0 =	vadd.s32 $0xF4240, v0  }
0xc9: {  	v1 =	vshll.u32 v0, $0x3  }
0xca: {  	v0 =	vand.u32 $0x7F, v0;
	v1 =	vand.u32 $0xFFFFFC00, v1  }
0xcb: {  	v2 =	vor.u32 v0, v1  }
0xcc: {  	[tilespmem:s29+$0x1500] =	vst v2;
	v0 =	vor.u32 $0x180, v2  }
0xcd: {  	v1 =	vor.u32 $0x100, v2;
	[tilespmem:s29+$0x1530] =	vst v0  }
0xce: {  	v3 =	vor.u32 $0x280, v2;
	[tilespmem:s29+$0x1520] =	vst v1  }
0xcf: {  	v63 =	vor.u32 $0x200, v2;
	[tilespmem:s29+$0x1550] =	vst v3  }
0xd0: {  	v0 =	vor.u32 $0x300, v2;
	[tilespmem:s29+$0x1540] =	vst v63  }
0xd1: {  	v1 =	vadd.s32 $0xF42680, v2;
	[tilespmem:s29+$0x1560] =	vst v0  }
0xd2: {  	v0 =	vor.u32 $0x380, v2;
	[tilespmem:s29+$0x15D0] =	vst v1  }
0xd3: {  	v1 =	vor.u32 $0x80, v2;
	[tilespmem:s29+$0x1570] =	vst v0  }
0xd4: {  	v0 =	vadd.s32 $0xF42480, v2;
	[tilespmem:s29+$0x1510] =	vst v1  }
0xd5: {  	v1 =	vadd.s32 $0xF42700, v2;
	[tilespmem:s29+$0x1590] =	vst v0  }
0xd6: {  	s31 =	simm.s32 $0x800;
	v0 =	vadd.s32 $0xF42600, v2;
	[tilespmem:s29+$0x15E0] =	vst v1  }
0xd7: {  	s1 =	simm.s32 $0x90;
	v1 =	vadd.s32 $0xF42500, v2;
	[tilespmem:s29+$0x15C0] =	vst v0;
	v0 =	vadd.s32 $0xF42780, v2  }
0xd8: {  	s30 =	simm.s32 $0x290;
	s15 =	simm.s32 $0x290;
	[tilespmem:s29+$0x15F0] =	vst v0;
	v0 =	vadd.s32 $0xF42400, v2;
	v2 =	vadd.s32 $0xF42580, v2  }
0xd9: {  	s16 =	simm.s32 $0x1000;
	s0 =	simm.s32 $0x90;
	s28 =	simm.s32 $0x800;
	[tilespmem:s29+$0x15B0] =	vst v2  }
.LBB2_4:
0xda: {  	p0 =	sne.s32 s16, $0x3800  }
0xdb: {  	s1 =	sadd.s32 $0x10, s1;
	s15 =	sadd.s32 $0x10, s15;
	[tilespmem:s29+$0x15A0] =	vst v1;
	s5 =	smov.u32 s16  }
0xdc: {  	s16 =	sadd.s32 $0x800, s16;
	s17 =	sadd.s32 $0x1400, s29;
	s18 =	sadd.s32 $0x5400, s29;
	[tilespmem:s29+$0x1580] =	vst v0  }
0xdd: {  	[tilespmem:s18], [sflag:$0x2] =	stream.indirect.gather [hbm4b:s2+s14], $0x1, s17, s14, $0xb8;
	[tilespmem:$0x8600] =	vst v63  }
0xde: {  	s17 =	sadd.s32 $0x1480, s29;
	s18 =	sadd.s32 $0x5480, s29  }
0xdf: {  	[tilespmem:s18], [sflag:$0x2] =	stream.indirect.gather [hbm4b:s2+s14], $0x1, s17, s14, $0xb8;
	[tilespmem:$0x8600] =	vst v63  }
0xe0: {  	s17 =	sadd.s32 $0x1500, s29;
	s18 =	sadd.s32 $0x5500, s29  }
0xe1: {  	[tilespmem:s18], [sflag:$0x2] =	stream.indirect.gather [hbm4b:s2+s14], $0x1, s17, s14, $0xb8;
	[tilespmem:$0x8600] =	vst v63  }
0xe2: {  	s17 =	sadd.s32 $0x1580, s29;
	s18 =	sadd.s32 $0x5580, s29  }
0xe3: {  	[tilespmem:s18], [sflag:$0x2] =	stream.indirect.gather [hbm4b:s2+s14], $0x1, s17, s14, $0xb8;
	[tilespmem:$0x8600] =	vst v63  }
0xe4: {  	v0 =	vld [tilespmem:s0+$0x0];
	s0 =	smov.u32 s1;
	_ =	sdelay $0x4  }
0xe5: {  	v1 =	vshll.u32 v0, $0x3  }
0xe6: {  	v0 =	vand.u32 $0x7F, v0;
	v1 =	vand.u32 $0xFFFFFC00, v1  }
0xe7: {  	s29 =	sshra.s32 s31, $0x2;
	s31 =	smov.u32 s5;
	v0 =	vor.u32 v0, v1  }
0xe8: {  	[tilespmem:s29+$0x1400] =	vst v0;
	v1 =	vor.u32 $0x300, v0;
	v2 =	vor.u32 $0x380, v0;
	v3 =	vadd.s32 $0xF42680, v0  }
0xe9: {  	v4 =	vor.u32 $0x80, v0;
	v5 =	vadd.s32 $0xF42400, v0;
	v6 =	vadd.s32 $0xF42600, v0;
	[tilespmem:s29+$0x14D0] =	vst v3  }
0xea: {  	v3 =	vadd.s32 $0xF42500, v0;
	[tilespmem:s29+$0x1480] =	vst v5;
	v5 =	vadd.s32 $0xF42780, v0  }
0xeb: {  	v7 =	vadd.s32 $0xF42480, v0;
	[tilespmem:s29+$0x14C0] =	vst v6;
	v6 =	vadd.s32 $0xF42700, v0  }
0xec: {  	v8 =	vor.u32 $0x180, v0;
	[tilespmem:s29+$0x1490] =	vst v7  }
0xed: {  	[tilespmem:s29+$0x1410] =	vst v4;
	v4 =	vor.u32 $0x280, v0  }
0xee: {  	[tilespmem:s29+$0x1470] =	vst v2  }
0xef: {  	v2 =	vadd.s32 $0xF42580, v0;
	[tilespmem:s29+$0x14E0] =	vst v6  }
0xf0: {  	[tilespmem:s29+$0x14F0] =	vst v5  }
0xf1: {  	[tilespmem:s29+$0x14A0] =	vst v3  }
0xf2: {  	v3 =	vor.u32 $0x100, v0;
	v0 =	vor.u32 $0x200, v0;
	[tilespmem:s29+$0x1450] =	vst v4  }
0xf3: {  	[tilespmem:s29+$0x1460] =	vst v1  }
0xf4: {  	[tilespmem:s29+$0x1440] =	vst v0  }
0xf5: {  	[tilespmem:s29+$0x1430] =	vst v8  }
0xf6: {  	[tilespmem:s29+$0x14B0] =	vst v2  }
0xf7: {  	[tilespmem:s29+$0x1420] =	vst v3  }
0xf8: {  	v0 =	vld [tilespmem:s30+$0x0];
	s30 =	smov.u32 s15;
	_ =	sdelay $0x4  }
0xf9: {  	v0 =	vadd.s32 $0xF4240, v0  }
0xfa: {  	v1 =	vshll.u32 v0, $0x3  }
0xfb: {  	v0 =	vand.u32 $0x7F, v0;
	v1 =	vand.u32 $0xFFFFFC00, v1  }
0xfc: {  	v2 =	vor.u32 v0, v1  }
0xfd: {  	[tilespmem:s29+$0x1500] =	vst v2;
	v3 =	vor.u32 $0x80, v2;
	v4 =	vor.u32 $0x100, v2;
	v0 =	vor.u32 $0x180, v2  }
0xfe: {  	v5 =	vor.u32 $0x200, v2;
	v6 =	vor.u32 $0x280, v2;
	[tilespmem:s29+$0x1530] =	vst v0;
	v0 =	vor.u32 $0x300, v2  }
0xff: {  	v7 =	vor.u32 $0x380, v2;
	v1 =	vadd.s32 $0xF42500, v2;
	[tilespmem:s29+$0x1560] =	vst v0;
	v0 =	vadd.s32 $0xF42400, v2  }
0x100: {  	v8 =	vadd.s32 $0xF42600, v2;
	[tilespmem:s29+$0x1570] =	vst v7;
	v7 =	vadd.s32 $0xF42480, v2  }
0x101: {  	v9 =	vadd.s32 $0xF42700, v2;
	[tilespmem:s29+$0x1520] =	vst v4;
	v4 =	vadd.s32 $0xF42680, v2  }
0x102: {  	[tilespmem:s29+$0x1590] =	vst v7  }
0x103: {  	[tilespmem:s29+$0x15D0] =	vst v4  }
0x104: {  	[tilespmem:s29+$0x15C0] =	vst v8  }
0x105: {  	[tilespmem:s29+$0x1510] =	vst v3;
	v3 =	vadd.s32 $0xF42780, v2  }
.Ltmp1:
0x106: {  	[tilespmem:s29+$0x15F0] =	vst v3;
	(pc) =	sbr.rel @p0 .LBB2_4-.Ltmp1, $4  }
0x107: {  	[tilespmem:s29+$0x15E0] =	vst v9  }
0x108: {  	[tilespmem:s29+$0x1550] =	vst v6  }
0x109: {  	v2 =	vadd.s32 $0xF42580, v2;
	[tilespmem:s29+$0x1540] =	vst v5  }
0x10a: {  	[tilespmem:s29+$0x15B0] =	vst v2  }
0x10b: {  	[tilespmem:s29+$0x15A0] =	vst v1  }
0x10c: {  	s1 =	sadd.s32 $0x1400, s29;
	[tilespmem:s29+$0x1580] =	vst v0;
	s5 =	sadd.s32 $0x5400, s29  }
0x10d: {  	[tilespmem:s5], [sflag:$0x2] =	stream.indirect.gather [hbm4b:s2+s14], $0x1, s1, s14, $0xb8;
	[tilespmem:$0x8600] =	vst v63  }
0x10e: {  	s15 =	sadd.s32 $0x5480, s29;
	s5 =	sadd.s32 $0x1480, s29  }
0x10f: {  	[tilespmem:s15], [sflag:$0x2] =	stream.indirect.gather [hbm4b:s2+s14], $0x1, s5, s14, $0xb8;
	[tilespmem:$0x8600] =	vst v63  }
0x110: {  	s16 =	sadd.s32 $0x1500, s29;
	s17 =	sadd.s32 $0x5500, s29  }
0x111: {  	[tilespmem:s17], [sflag:$0x2] =	stream.indirect.gather [hbm4b:s2+s14], $0x1, s16, s14, $0xb8;
	[tilespmem:$0x8600] =	vst v63  }
0x112: {  	s18 =	sadd.s32 $0x1580, s29;
	s19 =	sadd.s32 $0x5580, s29  }
0x113: {  	[tilespmem:s19], [sflag:$0x2] =	stream.indirect.gather [hbm4b:s2+s14], $0x1, s18, s14, $0xb8;
	[tilespmem:$0x8600] =	vst v63  }
0x114: {  	v0 =	vld [tilespmem:s0+$0x0];
	_ =	sdelay $0x4  }
0x115: {  	v1 =	vshll.u32 v0, $0x3  }
0x116: {  	v0 =	vand.u32 $0x7F, v0;
	v1 =	vand.u32 $0xFFFFFC00, v1  }
0x117: {  	s0 =	sshra.s32 s31, $0x2;
	v0 =	vor.u32 v0, v1  }
0x118: {  	[tilespmem:s0+$0x1400] =	vst v0;
	v1 =	vadd.s32 $0xF42680, v0  }
0x119: {  	v2 =	vadd.s32 $0xF42400, v0;
	[tilespmem:s0+$0x14D0] =	vst v1  }
0x11a: {  	v1 =	vadd.s32 $0xF42600, v0;
	[tilespmem:s0+$0x1480] =	vst v2  }
0x11b: {  	v2 =	vadd.s32 $0xF42480, v0;
	[tilespmem:s0+$0x14C0] =	vst v1  }
0x11c: {  	v1 =	vor.u32 $0x80, v0;
	[tilespmem:s0+$0x1490] =	vst v2  }
0x11d: {  	v2 =	vor.u32 $0x380, v0;
	[tilespmem:s0+$0x1410] =	vst v1  }
0x11e: {  	v1 =	vadd.s32 $0xF42700, v0;
	[tilespmem:s0+$0x1470] =	vst v2  }
0x11f: {  	v2 =	vadd.s32 $0xF42780, v0;
	[tilespmem:s0+$0x14E0] =	vst v1  }
0x120: {  	v1 =	vadd.s32 $0xF42500, v0;
	[tilespmem:s0+$0x14F0] =	vst v2  }
0x121: {  	v2 =	vor.u32 $0x280, v0;
	[tilespmem:s0+$0x14A0] =	vst v1  }
0x122: {  	v1 =	vor.u32 $0x300, v0;
	[tilespmem:s0+$0x1450] =	vst v2  }
0x123: {  	v2 =	vor.u32 $0x200, v0;
	[tilespmem:s0+$0x1460] =	vst v1  }
0x124: {  	v1 =	vor.u32 $0x180, v0;
	[tilespmem:s0+$0x1440] =	vst v2  }
0x125: {  	v2 =	vadd.s32 $0xF42580, v0;
	[tilespmem:s0+$0x1430] =	vst v1  }
0x126: {  	v0 =	vor.u32 $0x100, v0;
	[tilespmem:s0+$0x14B0] =	vst v2  }
0x127: {  	[tilespmem:s0+$0x1420] =	vst v0  }
0x128: {  	v0 =	vld [tilespmem:s30+$0x0];
	_ =	sdelay $0x4  }
0x129: {  	v0 =	vadd.s32 $0xF4240, v0  }
0x12a: {  	v1 =	vshll.u32 v0, $0x3  }
0x12b: {  	v0 =	vand.u32 $0x7F, v0;
	v1 =	vand.u32 $0xFFFFFC00, v1  }
0x12c: {  	v0 =	vor.u32 v0, v1  }
0x12d: {  	[tilespmem:s0+$0x1500] =	vst v0;
	v1 =	vor.u32 $0x180, v0  }
0x12e: {  	v2 =	vor.u32 $0x100, v0;
	[tilespmem:s0+$0x1530] =	vst v1  }
0x12f: {  	v1 =	vor.u32 $0x300, v0;
	[tilespmem:s0+$0x1520] =	vst v2  }
0x130: {  	v2 =	vadd.s32 $0xF42680, v0;
	[tilespmem:s0+$0x1560] =	vst v1  }
0x131: {  	v1 =	vor.u32 $0x380, v0;
	[tilespmem:s0+$0x15D0] =	vst v2  }
0x132: {  	v2 =	vor.u32 $0x80, v0;
	[tilespmem:s0+$0x1570] =	vst v1  }
0x133: {  	v1 =	vadd.s32 $0xF42480, v0;
	[tilespmem:s0+$0x1510] =	vst v2  }
0x134: {  	v2 =	vadd.s32 $0xF42700, v0;
	[tilespmem:s0+$0x1590] =	vst v1  }
0x135: {  	v1 =	vadd.s32 $0xF42600, v0;
	[tilespmem:s0+$0x15E0] =	vst v2  }
0x136: {  	v2 =	vor.u32 $0x200, v0;
	[tilespmem:s0+$0x15C0] =	vst v1  }
0x137: {  	v1 =	vadd.s32 $0xF42780, v0;
	[tilespmem:s0+$0x1540] =	vst v2  }
0x138: {  	v2 =	vadd.s32 $0xF42500, v0;
	[tilespmem:s0+$0x15F0] =	vst v1  }
0x139: {  	v1 =	vor.u32 $0x280, v0;
	[tilespmem:s0+$0x15A0] =	vst v2  }
0x13a: {  	[tilespmem:s0+$0x1550] =	vst v1;
	v1 =	vadd.s32 $0xF42580, v0  }
0x13b: {  	v0 =	vadd.s32 $0xF42400, v0;
	[tilespmem:s0+$0x15B0] =	vst v1  }
0x13c: {  	s24 =	sadd.s32 $0x1400, s0;
	s31 =	sadd.s32 $0x5400, s0;
	[tilespmem:s0+$0x1580] =	vst v0  }
0x13d: {  	[tilespmem:s31], [sflag:$0x2] =	stream.indirect.gather [hbm4b:s2+s14], $0x1, s24, s14, $0xb8;
	[tilespmem:$0x8600] =	vst v63  }
0x13e: {  	s15 =	sadd.s32 $0x1480, s0;
	s16 =	sadd.s32 $0x5480, s0  }
0x13f: {  	[tilespmem:s16], [sflag:$0x2] =	stream.indirect.gather [hbm4b:s2+s14], $0x1, s15, s14, $0xb8;
	[tilespmem:$0x8600] =	vst v63  }
0x140: {  	s17 =	sadd.s32 $0x1500, s0;
	s18 =	sadd.s32 $0x5500, s0  }
0x141: {  	[tilespmem:s18], [sflag:$0x2] =	stream.indirect.gather [hbm4b:s2+s14], $0x1, s17, s14, $0xb8;
	[tilespmem:$0x8600] =	vst v63  }
0x142: {  	s19 =	sadd.s32 $0x1580, s0;
	s0 =	sadd.s32 $0x5580, s0;
	s24 =	simm.s32 $0x100  }
0x143: {  	[tilespmem:s0], [sflag:$0x2] =	stream.indirect.gather [hbm4b:s2+s14], $0x1, s19, s14, $0xb8;
	[tilespmem:$0x8600] =	vst v63  }
0x144: {  	v0 =	vld [tilespmem:s24+$0x0];
	_ =	sdelay $0x4  }
0x145: {  	v1 =	vshll.u32 v0, $0x3  }
0x146: {  	v0 =	vand.u32 $0x7F, v0;
	v1 =	vand.u32 $0xFFFFFC00, v1  }
0x147: {  	s29 =	simm.s32 $0x0;
	v0 =	vor.u32 v0, v1  }
0x148: {  	[tilespmem:s29+$0x2400] =	vst v0;
	v1 =	vadd.s32 $0xF42680, v0  }
0x149: {  	v2 =	vadd.s32 $0xF42400, v0;
	[tilespmem:s29+$0x24D0] =	vst v1  }
0x14a: {  	[tilespmem:s29+$0x2480] =	vst v2;
	v1 =	vadd.s32 $0xF42480, v0  }
0x14b: {  	v2 =	vadd.s32 $0xF42600, v0;
	[tilespmem:s29+$0x2490] =	vst v1  }
0x14c: {  	v1 =	vor.u32 $0x80, v0;
	[tilespmem:s29+$0x24C0] =	vst v2  }
0x14d: {  	v2 =	vor.u32 $0x380, v0;
	[tilespmem:s29+$0x2410] =	vst v1  }
0x14e: {  	v1 =	vadd.s32 $0xF42700, v0;
	[tilespmem:s29+$0x2470] =	vst v2  }
0x14f: {  	v2 =	vadd.s32 $0xF42780, v0;
	[tilespmem:s29+$0x24E0] =	vst v1  }
0x150: {  	v1 =	vadd.s32 $0xF42500, v0;
	[tilespmem:s29+$0x24F0] =	vst v2  }
0x151: {  	v2 =	vor.u32 $0x280, v0;
	[tilespmem:s29+$0x24A0] =	vst v1  }
0x152: {  	v1 =	vor.u32 $0x300, v0;
	[tilespmem:s29+$0x2450] =	vst v2  }
0x153: {  	v2 =	vor.u32 $0x200, v0;
	[tilespmem:s29+$0x2460] =	vst v1  }
0x154: {  	v1 =	vor.u32 $0x180, v0;
	[tilespmem:s29+$0x2440] =	vst v2  }
0x155: {  	v2 =	vadd.s32 $0xF42580, v0;
	[tilespmem:s29+$0x2430] =	vst v1  }
0x156: {  	v0 =	vor.u32 $0x100, v0;
	[tilespmem:s29+$0x24B0] =	vst v2  }
0x157: {  	s31 =	simm.s32 $0x300;
	[tilespmem:s29+$0x2420] =	vst v0  }
0x158: {  	v0 =	vld [tilespmem:s31+$0x0];
	_ =	sdelay $0x4  }
0x159: {  	v0 =	vadd.s32 $0xF4240, v0  }
0x15a: {  	v1 =	vshll.u32 v0, $0x3  }
0x15b: {  	v0 =	vand.u32 $0x7F, v0;
	v1 =	vand.u32 $0xFFFFFC00, v1  }
0x15c: {  	v1 =	vor.u32 v0, v1  }
0x15d: {  	[tilespmem:s29+$0x2500] =	vst v1;
	v0 =	vor.u32 $0x180, v1  }
0x15e: {  	v2 =	vor.u32 $0x100, v1;
	[tilespmem:s29+$0x2530] =	vst v0  }
0x15f: {  	v0 =	vor.u32 $0x300, v1;
	[tilespmem:s29+$0x2520] =	vst v2  }
0x160: {  	v2 =	vadd.s32 $0xF42680, v1;
	[tilespmem:s29+$0x2560] =	vst v0  }
0x161: {  	v0 =	vor.u32 $0x380, v1;
	[tilespmem:s29+$0x25D0] =	vst v2  }
0x162: {  	v2 =	vor.u32 $0x80, v1;
	[tilespmem:s29+$0x2570] =	vst v0  }
0x163: {  	v0 =	vadd.s32 $0xF42480, v1;
	[tilespmem:s29+$0x2510] =	vst v2  }
0x164: {  	v2 =	vadd.s32 $0xF42700, v1;
	[tilespmem:s29+$0x2590] =	vst v0  }
0x165: {  	v0 =	vadd.s32 $0xF42600, v1;
	[tilespmem:s29+$0x25E0] =	vst v2  }
0x166: {  	v2 =	vor.u32 $0x200, v1;
	[tilespmem:s29+$0x25C0] =	vst v0  }
0x167: {  	v0 =	vadd.s32 $0xF42780, v1;
	[tilespmem:s29+$0x2540] =	vst v2  }
0x168: {  	v2 =	vadd.s32 $0xF42580, v1;
	[tilespmem:s29+$0x25F0] =	vst v0  }
0x169: {  	s30 =	simm.s32 $0x310;
	s15 =	simm.s32 $0x1000;
	s16 =	simm.s32 $0x310;
	v0 =	vor.u32 $0x280, v1;
	[tilespmem:s29+$0x25B0] =	vst v2  }
0x16a: {  	s1 =	simm.s32 $0x110;
	s0 =	simm.s32 $0x110;
	[tilespmem:s29+$0x2550] =	vst v0;
	v0 =	vadd.s32 $0xF42400, v1;
	v1 =	vadd.s32 $0xF42500, v1  }
.LBB2_6:
0x16b: {  	p0 =	sne.s32 s15, $0x3800  }
0x16c: {  	s1 =	sadd.s32 $0x10, s1;
	s16 =	sadd.s32 $0x10, s16;
	[tilespmem:s29+$0x25A0] =	vst v1;
	s5 =	smov.u32 s15  }
0x16d: {  	s15 =	sadd.s32 $0x800, s15;
	s17 =	sadd.s32 $0x2400, s29;
	s18 =	sadd.s32 $0x6400, s29;
	[tilespmem:s29+$0x2580] =	vst v0  }
0x16e: {  	[tilespmem:s18], [sflag:$0x3] =	stream.indirect.gather [hbm4b:s2+s14], $0x1, s17, s14, $0xb8;
	[tilespmem:$0x8600] =	vst v63  }
0x16f: {  	s17 =	sadd.s32 $0x2480, s29;
	s18 =	sadd.s32 $0x6480, s29  }
0x170: {  	[tilespmem:s18], [sflag:$0x3] =	stream.indirect.gather [hbm4b:s2+s14], $0x1, s17, s14, $0xb8;
	[tilespmem:$0x8600] =	vst v63  }
0x171: {  	s17 =	sadd.s32 $0x2500, s29;
	s18 =	sadd.s32 $0x6500, s29  }
0x172: {  	[tilespmem:s18], [sflag:$0x3] =	stream.indirect.gather [hbm4b:s2+s14], $0x1, s17, s14, $0xb8;
	[tilespmem:$0x8600] =	vst v63  }
0x173: {  	s17 =	sadd.s32 $0x2580, s29;
	s18 =	sadd.s32 $0x6580, s29  }
0x174: {  	[tilespmem:s18], [sflag:$0x3] =	stream.indirect.gather [hbm4b:s2+s14], $0x1, s17, s14, $0xb8;
	[tilespmem:$0x8600] =	vst v63  }
0x175: {  	v0 =	vld [tilespmem:s0+$0x0];
	s0 =	smov.u32 s1;
	_ =	sdelay $0x4  }
0x176: {  	v1 =	vshll.u32 v0, $0x3  }
0x177: {  	v0 =	vand.u32 $0x7F, v0;
	v1 =	vand.u32 $0xFFFFFC00, v1  }
0x178: {  	s29 =	sshra.s32 s28, $0x2;
	s28 =	smov.u32 s5;
	v0 =	vor.u32 v0, v1  }
0x179: {  	[tilespmem:s29+$0x2400] =	vst v0;
	v1 =	vor.u32 $0x300, v0;
	v2 =	vor.u32 $0x380, v0;
	v3 =	vadd.s32 $0xF42680, v0  }
0x17a: {  	v4 =	vor.u32 $0x80, v0;
	v5 =	vadd.s32 $0xF42400, v0;
	v6 =	vadd.s32 $0xF42600, v0;
	[tilespmem:s29+$0x24D0] =	vst v3  }
0x17b: {  	v7 =	vadd.s32 $0xF42780, v0;
	v3 =	vadd.s32 $0xF42480, v0;
	[tilespmem:s29+$0x2480] =	vst v5;
	v5 =	vadd.s32 $0xF42500, v0  }
0x17c: {  	[tilespmem:s29+$0x2490] =	vst v3;
	v3 =	vadd.s32 $0xF42700, v0  }
0x17d: {  	v8 =	vor.u32 $0x180, v0;
	[tilespmem:s29+$0x24C0] =	vst v6  }
0x17e: {  	[tilespmem:s29+$0x2410] =	vst v4;
	v4 =	vor.u32 $0x280, v0  }
0x17f: {  	[tilespmem:s29+$0x2470] =	vst v2  }
0x180: {  	v2 =	vadd.s32 $0xF42580, v0;
	[tilespmem:s29+$0x24E0] =	vst v3  }
0x181: {  	[tilespmem:s29+$0x24F0] =	vst v7  }
0x182: {  	[tilespmem:s29+$0x24A0] =	vst v5  }
0x183: {  	v3 =	vor.u32 $0x100, v0;
	v0 =	vor.u32 $0x200, v0;
	[tilespmem:s29+$0x2450] =	vst v4  }
0x184: {  	[tilespmem:s29+$0x2460] =	vst v1  }
0x185: {  	[tilespmem:s29+$0x2440] =	vst v0  }
0x186: {  	[tilespmem:s29+$0x2430] =	vst v8  }
0x187: {  	[tilespmem:s29+$0x24B0] =	vst v2  }
0x188: {  	[tilespmem:s29+$0x2420] =	vst v3  }
0x189: {  	v0 =	vld [tilespmem:s30+$0x0];
	s30 =	smov.u32 s16;
	_ =	sdelay $0x4  }
0x18a: {  	v0 =	vadd.s32 $0xF4240, v0  }
0x18b: {  	v1 =	vshll.u32 v0, $0x3  }
0x18c: {  	v0 =	vand.u32 $0x7F, v0;
	v1 =	vand.u32 $0xFFFFFC00, v1  }
0x18d: {  	v2 =	vor.u32 v0, v1  }
0x18e: {  	[tilespmem:s29+$0x2500] =	vst v2;
	v3 =	vor.u32 $0x80, v2;
	v4 =	vor.u32 $0x100, v2;
	v0 =	vor.u32 $0x180, v2  }
0x18f: {  	v5 =	vor.u32 $0x200, v2;
	v6 =	vor.u32 $0x280, v2;
	[tilespmem:s29+$0x2530] =	vst v0;
	v0 =	vor.u32 $0x300, v2  }
0x190: {  	v7 =	vor.u32 $0x380, v2;
	v1 =	vadd.s32 $0xF42500, v2;
	[tilespmem:s29+$0x2560] =	vst v0;
	v0 =	vadd.s32 $0xF42400, v2  }
0x191: {  	v8 =	vadd.s32 $0xF42600, v2;
	[tilespmem:s29+$0x2570] =	vst v7;
	v7 =	vadd.s32 $0xF42480, v2  }
0x192: {  	v9 =	vadd.s32 $0xF42700, v2;
	[tilespmem:s29+$0x2520] =	vst v4;
	v4 =	vadd.s32 $0xF42680, v2  }
0x193: {  	[tilespmem:s29+$0x2590] =	vst v7  }
0x194: {  	[tilespmem:s29+$0x25D0] =	vst v4  }
0x195: {  	[tilespmem:s29+$0x25C0] =	vst v8  }
0x196: {  	[tilespmem:s29+$0x2510] =	vst v3;
	v3 =	vadd.s32 $0xF42780, v2  }
.Ltmp2:
0x197: {  	[tilespmem:s29+$0x25F0] =	vst v3;
	(pc) =	sbr.rel @p0 .LBB2_6-.Ltmp2, $4  }
0x198: {  	[tilespmem:s29+$0x25E0] =	vst v9  }
0x199: {  	[tilespmem:s29+$0x2550] =	vst v6  }
0x19a: {  	v2 =	vadd.s32 $0xF42580, v2;
	[tilespmem:s29+$0x2540] =	vst v5  }
0x19b: {  	[tilespmem:s29+$0x25B0] =	vst v2  }
0x19c: {  	[tilespmem:s29+$0x25A0] =	vst v1  }
0x19d: {  	s1 =	sadd.s32 $0x2400, s29;
	[tilespmem:s29+$0x2580] =	vst v0;
	s5 =	sadd.s32 $0x6400, s29  }
0x19e: {  	[tilespmem:s5], [sflag:$0x3] =	stream.indirect.gather [hbm4b:s2+s14], $0x1, s1, s14, $0xb8;
	[tilespmem:$0x8600] =	vst v63  }
0x19f: {  	s15 =	sadd.s32 $0x6480, s29;
	s5 =	sadd.s32 $0x2480, s29  }
0x1a0: {  	[tilespmem:s15], [sflag:$0x3] =	stream.indirect.gather [hbm4b:s2+s14], $0x1, s5, s14, $0xb8;
	[tilespmem:$0x8600] =	vst v63  }
0x1a1: {  	s16 =	sadd.s32 $0x2500, s29;
	s17 =	sadd.s32 $0x6500, s29  }
0x1a2: {  	[tilespmem:s17], [sflag:$0x3] =	stream.indirect.gather [hbm4b:s2+s14], $0x1, s16, s14, $0xb8;
	[tilespmem:$0x8600] =	vst v63  }
0x1a3: {  	s18 =	sadd.s32 $0x2580, s29;
	s19 =	sadd.s32 $0x6580, s29  }
0x1a4: {  	[tilespmem:s19], [sflag:$0x3] =	stream.indirect.gather [hbm4b:s2+s14], $0x1, s18, s14, $0xb8;
	[tilespmem:$0x8600] =	vst v63  }
0x1a5: {  	v0 =	vld [tilespmem:s0+$0x0];
	_ =	sdelay $0x4  }
0x1a6: {  	v1 =	vshll.u32 v0, $0x3  }
0x1a7: {  	v0 =	vand.u32 $0x7F, v0;
	v1 =	vand.u32 $0xFFFFFC00, v1  }
0x1a8: {  	s0 =	sshra.s32 s28, $0x2;
	v0 =	vor.u32 v0, v1  }
0x1a9: {  	[tilespmem:s0+$0x2400] =	vst v0;
	v1 =	vadd.s32 $0xF42680, v0  }
0x1aa: {  	v2 =	vadd.s32 $0xF42400, v0;
	[tilespmem:s0+$0x24D0] =	vst v1  }
0x1ab: {  	[tilespmem:s0+$0x2480] =	vst v2;
	v1 =	vadd.s32 $0xF42480, v0  }
0x1ac: {  	v2 =	vadd.s32 $0xF42600, v0;
	[tilespmem:s0+$0x2490] =	vst v1  }
0x1ad: {  	v1 =	vor.u32 $0x80, v0;
	[tilespmem:s0+$0x24C0] =	vst v2  }
0x1ae: {  	v2 =	vor.u32 $0x380, v0;
	[tilespmem:s0+$0x2410] =	vst v1  }
0x1af: {  	v1 =	vadd.s32 $0xF42700, v0;
	[tilespmem:s0+$0x2470] =	vst v2  }
0x1b0: {  	v2 =	vadd.s32 $0xF42780, v0;
	[tilespmem:s0+$0x24E0] =	vst v1  }
0x1b1: {  	v1 =	vadd.s32 $0xF42500, v0;
	[tilespmem:s0+$0x24F0] =	vst v2  }
0x1b2: {  	v2 =	vor.u32 $0x280, v0;
	[tilespmem:s0+$0x24A0] =	vst v1  }
0x1b3: {  	v1 =	vor.u32 $0x300, v0;
	[tilespmem:s0+$0x2450] =	vst v2  }
0x1b4: {  	v2 =	vor.u32 $0x200, v0;
	[tilespmem:s0+$0x2460] =	vst v1  }
0x1b5: {  	v1 =	vor.u32 $0x180, v0;
	[tilespmem:s0+$0x2440] =	vst v2  }
0x1b6: {  	v2 =	vadd.s32 $0xF42580, v0;
	[tilespmem:s0+$0x2430] =	vst v1  }
0x1b7: {  	v0 =	vor.u32 $0x100, v0;
	[tilespmem:s0+$0x24B0] =	vst v2  }
0x1b8: {  	[tilespmem:s0+$0x2420] =	vst v0  }
0x1b9: {  	v0 =	vld [tilespmem:s30+$0x0];
	_ =	sdelay $0x4  }
0x1ba: {  	v0 =	vadd.s32 $0xF4240, v0  }
0x1bb: {  	v1 =	vshll.u32 v0, $0x3  }
0x1bc: {  	v0 =	vand.u32 $0x7F, v0;
	v1 =	vand.u32 $0xFFFFFC00, v1  }
0x1bd: {  	v0 =	vor.u32 v0, v1  }
0x1be: {  	[tilespmem:s0+$0x2500] =	vst v0;
	v1 =	vor.u32 $0x180, v0  }
0x1bf: {  	v2 =	vor.u32 $0x100, v0;
	[tilespmem:s0+$0x2530] =	vst v1  }
0x1c0: {  	v1 =	vor.u32 $0x300, v0;
	[tilespmem:s0+$0x2520] =	vst v2  }
0x1c1: {  	v2 =	vadd.s32 $0xF42680, v0;
	[tilespmem:s0+$0x2560] =	vst v1  }
0x1c2: {  	v1 =	vor.u32 $0x380, v0;
	[tilespmem:s0+$0x25D0] =	vst v2  }
0x1c3: {  	v2 =	vor.u32 $0x80, v0;
	[tilespmem:s0+$0x2570] =	vst v1  }
0x1c4: {  	v1 =	vadd.s32 $0xF42480, v0;
	[tilespmem:s0+$0x2510] =	vst v2  }
0x1c5: {  	v2 =	vadd.s32 $0xF42700, v0;
	[tilespmem:s0+$0x2590] =	vst v1  }
0x1c6: {  	v1 =	vadd.s32 $0xF42600, v0;
	[tilespmem:s0+$0x25E0] =	vst v2  }
0x1c7: {  	v2 =	vor.u32 $0x200, v0;
	[tilespmem:s0+$0x25C0] =	vst v1  }
0x1c8: {  	v1 =	vadd.s32 $0xF42780, v0;
	[tilespmem:s0+$0x2540] =	vst v2  }
0x1c9: {  	v2 =	vadd.s32 $0xF42500, v0;
	[tilespmem:s0+$0x25F0] =	vst v1  }
0x1ca: {  	v1 =	vor.u32 $0x280, v0;
	[tilespmem:s0+$0x25A0] =	vst v2  }
0x1cb: {  	[tilespmem:s0+$0x2550] =	vst v1;
	v1 =	vadd.s32 $0xF42580, v0  }
0x1cc: {  	v0 =	vadd.s32 $0xF42400, v0;
	[tilespmem:s0+$0x25B0] =	vst v1  }
0x1cd: {  	s24 =	sadd.s32 $0x2400, s0;
	s31 =	sadd.s32 $0x6400, s0;
	[tilespmem:s0+$0x2580] =	vst v0  }
0x1ce: {  	[tilespmem:s31], [sflag:$0x3] =	stream.indirect.gather [hbm4b:s2+s14], $0x1, s24, s14, $0xb8;
	[tilespmem:$0x8600] =	vst v63  }
0x1cf: {  	s15 =	sadd.s32 $0x2480, s0;
	s16 =	sadd.s32 $0x6480, s0  }
0x1d0: {  	[tilespmem:s16], [sflag:$0x3] =	stream.indirect.gather [hbm4b:s2+s14], $0x1, s15, s14, $0xb8;
	[tilespmem:$0x8600] =	vst v63  }
0x1d1: {  	s17 =	sadd.s32 $0x2500, s0;
	s18 =	sadd.s32 $0x6500, s0  }
0x1d2: {  	[tilespmem:s18], [sflag:$0x3] =	stream.indirect.gather [hbm4b:s2+s14], $0x1, s17, s14, $0xb8;
	[tilespmem:$0x8600] =	vst v63  }
0x1d3: {  	s19 =	sadd.s32 $0x2580, s0;
	s0 =	sadd.s32 $0x6580, s0;
	s24 =	simm.s32 $0x180  }
0x1d4: {  	[tilespmem:s0], [sflag:$0x3] =	stream.indirect.gather [hbm4b:s2+s14], $0x1, s19, s14, $0xb8;
	[tilespmem:$0x8600] =	vst v63  }
0x1d5: {  	v0 =	vld [tilespmem:s24+$0x0];
	_ =	sdelay $0x4  }
0x1d6: {  	v1 =	vshll.u32 v0, $0x3  }
0x1d7: {  	v0 =	vand.u32 $0x7F, v0;
	v1 =	vand.u32 $0xFFFFFC00, v1  }
0x1d8: {  	s28 =	simm.s32 $0x0;
	v0 =	vor.u32 v0, v1  }
0x1d9: {  	[tilespmem:s28+$0x3400] =	vst v0;
	v1 =	vadd.s32 $0xF42680, v0  }
0x1da: {  	v2 =	vadd.s32 $0xF42400, v0;
	[tilespmem:s28+$0x34D0] =	vst v1  }
0x1db: {  	v1 =	vadd.s32 $0xF42600, v0;
	[tilespmem:s28+$0x3480] =	vst v2  }
0x1dc: {  	v2 =	vadd.s32 $0xF42480, v0;
	[tilespmem:s28+$0x34C0] =	vst v1  }
0x1dd: {  	v1 =	vor.u32 $0x80, v0;
	[tilespmem:s28+$0x3490] =	vst v2  }
0x1de: {  	v2 =	vor.u32 $0x380, v0;
	[tilespmem:s28+$0x3410] =	vst v1  }
0x1df: {  	v1 =	vadd.s32 $0xF42700, v0;
	[tilespmem:s28+$0x3470] =	vst v2  }
0x1e0: {  	v2 =	vadd.s32 $0xF42780, v0;
	[tilespmem:s28+$0x34E0] =	vst v1  }
0x1e1: {  	v1 =	vadd.s32 $0xF42500, v0;
	[tilespmem:s28+$0x34F0] =	vst v2  }
0x1e2: {  	v2 =	vor.u32 $0x280, v0;
	[tilespmem:s28+$0x34A0] =	vst v1  }
0x1e3: {  	v1 =	vor.u32 $0x300, v0;
	[tilespmem:s28+$0x3450] =	vst v2  }
0x1e4: {  	v2 =	vor.u32 $0x200, v0;
	[tilespmem:s28+$0x3460] =	vst v1  }
0x1e5: {  	v1 =	vor.u32 $0x180, v0;
	[tilespmem:s28+$0x3440] =	vst v2  }
0x1e6: {  	v2 =	vadd.s32 $0xF42580, v0;
	[tilespmem:s28+$0x3430] =	vst v1  }
0x1e7: {  	v0 =	vor.u32 $0x100, v0;
	[tilespmem:s28+$0x34B0] =	vst v2  }
0x1e8: {  	s31 =	simm.s32 $0x380;
	[tilespmem:s28+$0x3420] =	vst v0  }
0x1e9: {  	v0 =	vld [tilespmem:s31+$0x0];
	_ =	sdelay $0x4  }
0x1ea: {  	v0 =	vadd.s32 $0xF4240, v0  }
0x1eb: {  	v1 =	vshll.u32 v0, $0x3  }
0x1ec: {  	v0 =	vand.u32 $0x7F, v0;
	v1 =	vand.u32 $0xFFFFFC00, v1  }
0x1ed: {  	v1 =	vor.u32 v0, v1  }
0x1ee: {  	[tilespmem:s28+$0x3500] =	vst v1;
	v0 =	vor.u32 $0x180, v1  }
0x1ef: {  	v2 =	vor.u32 $0x100, v1;
	[tilespmem:s28+$0x3530] =	vst v0  }
0x1f0: {  	v0 =	vor.u32 $0x300, v1;
	[tilespmem:s28+$0x3520] =	vst v2  }
0x1f1: {  	v2 =	vadd.s32 $0xF42680, v1;
	[tilespmem:s28+$0x3560] =	vst v0  }
0x1f2: {  	v0 =	vor.u32 $0x380, v1;
	[tilespmem:s28+$0x35D0] =	vst v2  }
0x1f3: {  	v2 =	vor.u32 $0x80, v1;
	[tilespmem:s28+$0x3570] =	vst v0  }
0x1f4: {  	v0 =	vadd.s32 $0xF42480, v1;
	[tilespmem:s28+$0x3510] =	vst v2  }
0x1f5: {  	v2 =	vadd.s32 $0xF42700, v1;
	[tilespmem:s28+$0x3590] =	vst v0  }
0x1f6: {  	v0 =	vadd.s32 $0xF42600, v1;
	[tilespmem:s28+$0x35E0] =	vst v2  }
0x1f7: {  	v2 =	vor.u32 $0x200, v1;
	[tilespmem:s28+$0x35C0] =	vst v0  }
0x1f8: {  	v0 =	vadd.s32 $0xF42780, v1;
	[tilespmem:s28+$0x3540] =	vst v2  }
0x1f9: {  	s29 =	simm.s32 $0x390;
	v2 =	vadd.s32 $0xF42580, v1;
	[tilespmem:s28+$0x35F0] =	vst v0  }
0x1fa: {  	s30 =	simm.s32 $0x800;
	s15 =	simm.s32 $0x1000;
	s16 =	simm.s32 $0x390;
	v0 =	vor.u32 $0x280, v1;
	[tilespmem:s28+$0x35B0] =	vst v2  }
0x1fb: {  	s1 =	simm.s32 $0x190;
	s0 =	simm.s32 $0x190;
	[tilespmem:s28+$0x3550] =	vst v0;
	v0 =	vadd.s32 $0xF42400, v1;
	v1 =	vadd.s32 $0xF42500, v1  }
.LBB2_8:
0x1fc: {  	p0 =	sne.s32 s15, $0x3800  }
0x1fd: {  	s1 =	sadd.s32 $0x10, s1;
	s16 =	sadd.s32 $0x10, s16;
	[tilespmem:s28+$0x35A0] =	vst v1;
	s5 =	smov.u32 s15  }
0x1fe: {  	s15 =	sadd.s32 $0x800, s15;
	s17 =	sadd.s32 $0x3400, s28;
	s18 =	sadd.s32 $0x7400, s28;
	[tilespmem:s28+$0x3580] =	vst v0  }
0x1ff: {  	[tilespmem:s18], [sflag:$0x4] =	stream.indirect.gather [hbm4b:s2+s14], $0x1, s17, s14, $0xb8;
	[tilespmem:$0x8600] =	vst v63  }
0x200: {  	s17 =	sadd.s32 $0x3480, s28;
	s18 =	sadd.s32 $0x7480, s28  }
0x201: {  	[tilespmem:s18], [sflag:$0x4] =	stream.indirect.gather [hbm4b:s2+s14], $0x1, s17, s14, $0xb8;
	[tilespmem:$0x8600] =	vst v63  }
0x202: {  	s17 =	sadd.s32 $0x3500, s28;
	s18 =	sadd.s32 $0x7500, s28  }
0x203: {  	[tilespmem:s18], [sflag:$0x4] =	stream.indirect.gather [hbm4b:s2+s14], $0x1, s17, s14, $0xb8;
	[tilespmem:$0x8600] =	vst v63  }
0x204: {  	s17 =	sadd.s32 $0x3580, s28;
	s18 =	sadd.s32 $0x7580, s28  }
0x205: {  	[tilespmem:s18], [sflag:$0x4] =	stream.indirect.gather [hbm4b:s2+s14], $0x1, s17, s14, $0xb8;
	[tilespmem:$0x8600] =	vst v63  }
0x206: {  	v0 =	vld [tilespmem:s0+$0x0];
	s0 =	smov.u32 s1;
	_ =	sdelay $0x4  }
0x207: {  	v1 =	vshll.u32 v0, $0x3  }
0x208: {  	v0 =	vand.u32 $0x7F, v0;
	v1 =	vand.u32 $0xFFFFFC00, v1  }
0x209: {  	s28 =	sshra.s32 s30, $0x2;
	s30 =	smov.u32 s5;
	v0 =	vor.u32 v0, v1  }
0x20a: {  	[tilespmem:s28+$0x3400] =	vst v0;
	v1 =	vor.u32 $0x300, v0;
	v2 =	vor.u32 $0x380, v0;
	v3 =	vadd.s32 $0xF42680, v0  }
0x20b: {  	v4 =	vor.u32 $0x80, v0;
	v5 =	vadd.s32 $0xF42400, v0;
	v6 =	vadd.s32 $0xF42600, v0;
	[tilespmem:s28+$0x34D0] =	vst v3  }
0x20c: {  	v3 =	vadd.s32 $0xF42500, v0;
	[tilespmem:s28+$0x3480] =	vst v5;
	v5 =	vadd.s32 $0xF42780, v0  }
0x20d: {  	v7 =	vadd.s32 $0xF42480, v0;
	[tilespmem:s28+$0x34C0] =	vst v6;
	v6 =	vadd.s32 $0xF42700, v0  }
0x20e: {  	v8 =	vor.u32 $0x180, v0;
	[tilespmem:s28+$0x3490] =	vst v7  }
0x20f: {  	[tilespmem:s28+$0x3410] =	vst v4;
	v4 =	vor.u32 $0x280, v0  }
0x210: {  	[tilespmem:s28+$0x3470] =	vst v2  }
0x211: {  	v2 =	vadd.s32 $0xF42580, v0;
	[tilespmem:s28+$0x34E0] =	vst v6  }
0x212: {  	[tilespmem:s28+$0x34F0] =	vst v5  }
0x213: {  	[tilespmem:s28+$0x34A0] =	vst v3  }
0x214: {  	v3 =	vor.u32 $0x100, v0;
	v0 =	vor.u32 $0x200, v0;
	[tilespmem:s28+$0x3450] =	vst v4  }
0x215: {  	[tilespmem:s28+$0x3460] =	vst v1  }
0x216: {  	[tilespmem:s28+$0x3440] =	vst v0  }
0x217: {  	[tilespmem:s28+$0x3430] =	vst v8  }
0x218: {  	[tilespmem:s28+$0x34B0] =	vst v2  }
0x219: {  	[tilespmem:s28+$0x3420] =	vst v3  }
0x21a: {  	v0 =	vld [tilespmem:s29+$0x0];
	s29 =	smov.u32 s16;
	_ =	sdelay $0x4  }
0x21b: {  	v0 =	vadd.s32 $0xF4240, v0  }
0x21c: {  	v1 =	vshll.u32 v0, $0x3  }
0x21d: {  	v0 =	vand.u32 $0x7F, v0;
	v1 =	vand.u32 $0xFFFFFC00, v1  }
0x21e: {  	v2 =	vor.u32 v0, v1  }
0x21f: {  	[tilespmem:s28+$0x3500] =	vst v2;
	v3 =	vor.u32 $0x80, v2;
	v4 =	vor.u32 $0x100, v2;
	v0 =	vor.u32 $0x180, v2  }
0x220: {  	v5 =	vor.u32 $0x200, v2;
	v6 =	vor.u32 $0x280, v2;
	[tilespmem:s28+$0x3530] =	vst v0;
	v0 =	vor.u32 $0x300, v2  }
0x221: {  	v7 =	vor.u32 $0x380, v2;
	v1 =	vadd.s32 $0xF42500, v2;
	[tilespmem:s28+$0x3560] =	vst v0;
	v0 =	vadd.s32 $0xF42400, v2  }
0x222: {  	v8 =	vadd.s32 $0xF42600, v2;
	[tilespmem:s28+$0x3570] =	vst v7;
	v7 =	vadd.s32 $0xF42480, v2  }
0x223: {  	v9 =	vadd.s32 $0xF42700, v2;
	[tilespmem:s28+$0x3520] =	vst v4;
	v4 =	vadd.s32 $0xF42680, v2  }
0x224: {  	[tilespmem:s28+$0x3590] =	vst v7  }
0x225: {  	[tilespmem:s28+$0x35D0] =	vst v4  }
0x226: {  	[tilespmem:s28+$0x35C0] =	vst v8  }
0x227: {  	[tilespmem:s28+$0x3510] =	vst v3;
	v3 =	vadd.s32 $0xF42780, v2  }
.Ltmp3:
0x228: {  	[tilespmem:s28+$0x35F0] =	vst v3;
	(pc) =	sbr.rel @p0 .LBB2_8-.Ltmp3, $4  }
0x229: {  	[tilespmem:s28+$0x35E0] =	vst v9  }
0x22a: {  	[tilespmem:s28+$0x3550] =	vst v6  }
0x22b: {  	v2 =	vadd.s32 $0xF42580, v2;
	[tilespmem:s28+$0x3540] =	vst v5  }
0x22c: {  	[tilespmem:s28+$0x35B0] =	vst v2  }
0x22d: {  	[tilespmem:s28+$0x35A0] =	vst v1  }
0x22e: {  	s1 =	sadd.s32 $0x3400, s28;
	[tilespmem:s28+$0x3580] =	vst v0;
	s5 =	sadd.s32 $0x7400, s28  }
0x22f: {  	[tilespmem:s5], [sflag:$0x4] =	stream.indirect.gather [hbm4b:s2+s14], $0x1, s1, s14, $0xb8;
	[tilespmem:$0x8600] =	vst v63  }
0x230: {  	s16 =	sadd.s32 $0x3480, s28;
	s17 =	sadd.s32 $0x7480, s28  }
0x231: {  	[tilespmem:s17], [sflag:$0x4] =	stream.indirect.gather [hbm4b:s2+s14], $0x1, s16, s14, $0xb8;
	[tilespmem:$0x8600] =	vst v63  }
0x232: {  	s18 =	sadd.s32 $0x3500, s28;
	s19 =	sadd.s32 $0x7500, s28  }
0x233: {  	[tilespmem:s19], [sflag:$0x4] =	stream.indirect.gather [hbm4b:s2+s14], $0x1, s18, s14, $0xb8;
	[tilespmem:$0x8600] =	vst v63  }
0x234: {  	s24 =	sadd.s32 $0x3580, s28;
	s31 =	sadd.s32 $0x7580, s28  }
0x235: {  	[tilespmem:s31], [sflag:$0x4] =	stream.indirect.gather [hbm4b:s2+s14], $0x1, s24, s14, $0xb8;
	[tilespmem:$0x8600] =	vst v63  }
0x236: {  	v0 =	vld [tilespmem:s0+$0x0];
	_ =	sdelay $0x4  }
0x237: {  	v1 =	vshll.u32 v0, $0x3  }
0x238: {  	v0 =	vand.u32 $0x7F, v0;
	v1 =	vand.u32 $0xFFFFFC00, v1  }
0x239: {  	s15 =	sshra.s32 s30, $0x2;
	v0 =	vor.u32 v0, v1  }
0x23a: {  	[tilespmem:s15+$0x3400] =	vst v0;
	v1 =	vadd.s32 $0xF42680, v0  }
0x23b: {  	v2 =	vadd.s32 $0xF42400, v0;
	[tilespmem:s15+$0x34D0] =	vst v1  }
0x23c: {  	v1 =	vadd.s32 $0xF42600, v0;
	[tilespmem:s15+$0x3480] =	vst v2  }
0x23d: {  	v2 =	vadd.s32 $0xF42480, v0;
	[tilespmem:s15+$0x34C0] =	vst v1  }
0x23e: {  	v1 =	vor.u32 $0x80, v0;
	[tilespmem:s15+$0x3490] =	vst v2  }
0x23f: {  	v2 =	vor.u32 $0x380, v0;
	[tilespmem:s15+$0x3410] =	vst v1  }
0x240: {  	v1 =	vadd.s32 $0xF42700, v0;
	[tilespmem:s15+$0x3470] =	vst v2  }
0x241: {  	v2 =	vadd.s32 $0xF42780, v0;
	[tilespmem:s15+$0x34E0] =	vst v1  }
0x242: {  	v1 =	vadd.s32 $0xF42500, v0;
	[tilespmem:s15+$0x34F0] =	vst v2  }
0x243: {  	v2 =	vor.u32 $0x280, v0;
	[tilespmem:s15+$0x34A0] =	vst v1  }
0x244: {  	v1 =	vor.u32 $0x300, v0;
	[tilespmem:s15+$0x3450] =	vst v2  }
0x245: {  	v2 =	vor.u32 $0x200, v0;
	[tilespmem:s15+$0x3460] =	vst v1  }
0x246: {  	v1 =	vor.u32 $0x180, v0;
	[tilespmem:s15+$0x3440] =	vst v2  }
0x247: {  	v2 =	vadd.s32 $0xF42580, v0;
	[tilespmem:s15+$0x3430] =	vst v1  }
0x248: {  	v0 =	vor.u32 $0x100, v0;
	[tilespmem:s15+$0x34B0] =	vst v2  }
0x249: {  	[tilespmem:s15+$0x3420] =	vst v0  }
0x24a: {  	v0 =	vld [tilespmem:s29+$0x0];
	_ =	sdelay $0x4  }
0x24b: {  	v0 =	vadd.s32 $0xF4240, v0  }
0x24c: {  	v1 =	vshll.u32 v0, $0x3  }
0x24d: {  	v0 =	vand.u32 $0x7F, v0;
	v1 =	vand.u32 $0xFFFFFC00, v1  }
0x24e: {  	v0 =	vor.u32 v0, v1  }
0x24f: {  	[tilespmem:s15+$0x3500] =	vst v0;
	v1 =	vor.u32 $0x180, v0  }
0x250: {  	v2 =	vor.u32 $0x100, v0;
	[tilespmem:s15+$0x3530] =	vst v1  }
0x251: {  	v1 =	vor.u32 $0x300, v0;
	[tilespmem:s15+$0x3520] =	vst v2  }
0x252: {  	v2 =	vadd.s32 $0xF42680, v0;
	[tilespmem:s15+$0x3560] =	vst v1  }
0x253: {  	v1 =	vor.u32 $0x380, v0;
	[tilespmem:s15+$0x35D0] =	vst v2  }
0x254: {  	v2 =	vor.u32 $0x80, v0;
	[tilespmem:s15+$0x3570] =	vst v1  }
0x255: {  	v1 =	vadd.s32 $0xF42480, v0;
	[tilespmem:s15+$0x3510] =	vst v2  }
0x256: {  	v2 =	vadd.s32 $0xF42700, v0;
	[tilespmem:s15+$0x3590] =	vst v1  }
0x257: {  	v1 =	vadd.s32 $0xF42600, v0;
	[tilespmem:s15+$0x35E0] =	vst v2  }
0x258: {  	v2 =	vor.u32 $0x200, v0;
	[tilespmem:s15+$0x35C0] =	vst v1  }
0x259: {  	v1 =	vadd.s32 $0xF42780, v0;
	[tilespmem:s15+$0x3540] =	vst v2  }
0x25a: {  	v2 =	vadd.s32 $0xF42500, v0;
	[tilespmem:s15+$0x35F0] =	vst v1  }
0x25b: {  	v1 =	vor.u32 $0x280, v0;
	[tilespmem:s15+$0x35A0] =	vst v2  }
0x25c: {  	[tilespmem:s15+$0x3550] =	vst v1;
	v1 =	vadd.s32 $0xF42580, v0  }
0x25d: {  	v0 =	vadd.s32 $0xF42400, v0;
	[tilespmem:s15+$0x35B0] =	vst v1  }
0x25e: {  	s16 =	sadd.s32 $0x3400, s15;
	s17 =	sadd.s32 $0x7400, s15;
	[tilespmem:s15+$0x3580] =	vst v0  }
0x25f: {  	[tilespmem:s17], [sflag:$0x4] =	stream.indirect.gather [hbm4b:s2+s14], $0x1, s16, s14, $0xb8;
	[tilespmem:$0x8600] =	vst v63  }
0x260: {  	s18 =	sadd.s32 $0x3480, s15;
	s19 =	sadd.s32 $0x7480, s15  }
0x261: {  	[tilespmem:s19], [sflag:$0x4] =	stream.indirect.gather [hbm4b:s2+s14], $0x1, s18, s14, $0xb8;
	[tilespmem:$0x8600] =	vst v63  }
0x262: {  	s30 =	sadd.s32 $0x7500, s15;
	s24 =	sadd.s32 $0x3500, s15  }
0x263: {  	[tilespmem:s30], [sflag:$0x4] =	stream.indirect.gather [hbm4b:s2+s14], $0x1, s24, s14, $0xb8;
	[tilespmem:$0x8600] =	vst v63  }
0x264: {  	s31 =	sadd.s32 $0x3580, s15;
	s0 =	sadd.s32 $0x7580, s15  }
0x265: {  	[tilespmem:s0], [sflag:$0x4] =	stream.indirect.gather [hbm4b:s2+s14], $0x1, s31, s14, $0xb8;
	[tilespmem:$0x8600] =	vst v63  }
0x266: {  	_ =	swait.ge [sflag:s20], $0x1000  }
0x267: {  	[sflag:s20] =	ssyncset.done $0x0  }
0x268: {  	s29 =	simm.s32 $0x4500;
	[sflag:s20] =	ssyncadd.s32 $0xFFFFF000  }
0x269: {  	v0 =	vld [tilespmem:s29+$0x0]  }
0x26a: {  	s28 =	simm.s32 $0x0;
	s0 =	simm.s32 $0x40;
	v1 =	vld [tilespmem:s29+$0xFFFFFF00]  }
.LBB2_10:
0x26b: {  	p0 =	sne.s32 s0, $0x1C0;
	v2 =	vld [tilespmem:s29+$0x10]  }
0x26c: {  	v3 =	vld [tilespmem:s29+$0xFFFFFF10]  }
0x26d: {  	v4 =	vld [tilespmem:s29+$0x20]  }
0x26e: {  	v5 =	vld [tilespmem:s29+$0xFFFFFF20]  }
0x26f: {  	v0 =	vmul.f32 v0, v1;
	v1 =	vld [tilespmem:s29+$0x30]  }
0x270: {  	v6 =	vld [tilespmem:s29+$0xFFFFFF30]  }
0x271: {  	v0 =	vadd.f32 $0.0e+00, v0;
	v2 =	vmul.f32 v2, v3;
	v3 =	vld [tilespmem:s29+$0x40]  }
0x272: {  	v7 =	vld [tilespmem:s29+$0xFFFFFF40]  }
0x273: {  	v0 =	vadd.f32 v2, v0;
	v2 =	vmul.f32 v4, v5;
	v4 =	vld [tilespmem:s29+$0x50]  }
0x274: {  	v5 =	vld [tilespmem:s29+$0xFFFFFF50]  }
0x275: {  	v0 =	vadd.f32 v2, v0;
	v1 =	vmul.f32 v1, v6;
	v2 =	vld [tilespmem:s29+$0x60]  }
0x276: {  	v6 =	vld [tilespmem:s29+$0xFFFFFF60]  }
0x277: {  	v0 =	vadd.f32 v1, v0;
	v1 =	vmul.f32 v3, v7;
	v3 =	vld [tilespmem:s29+$0x70]  }
0x278: {  	v7 =	vld [tilespmem:s29+$0xFFFFFF70]  }
0x279: {  	v0 =	vadd.f32 v1, v0;
	v1 =	vmul.f32 v4, v5;
	v4 =	vld [tilespmem:s29+$0x80]  }
0x27a: {  	v5 =	vld [tilespmem:s29+$0xFFFFFF80]  }
0x27b: {  	v0 =	vadd.f32 v1, v0;
	v1 =	vmul.f32 v2, v6;
	v2 =	vld [tilespmem:s29+$0x90]  }
0x27c: {  	v6 =	vld [tilespmem:s29+$0xFFFFFF90]  }
0x27d: {  	v0 =	vadd.f32 v1, v0;
	v1 =	vmul.f32 v3, v7;
	v3 =	vld [tilespmem:s29+$0xA0]  }
0x27e: {  	v7 =	vld [tilespmem:s29+$0xFFFFFFA0]  }
0x27f: {  	v0 =	vadd.f32 v1, v0;
	v1 =	vmul.f32 v4, v5;
	v4 =	vld [tilespmem:s29+$0xB0]  }
0x280: {  	v5 =	vld [tilespmem:s29+$0xFFFFFFB0]  }
0x281: {  	v0 =	vadd.f32 v1, v0;
	v1 =	vmul.f32 v2, v6;
	v2 =	vld [tilespmem:s29+$0xC0]  }
0x282: {  	v6 =	vld [tilespmem:s29+$0xFFFFFFC0]  }
0x283: {  	v0 =	vadd.f32 v1, v0;
	v1 =	vmul.f32 v3, v7;
	v3 =	vld [tilespmem:s29+$0xD0]  }
0x284: {  	v7 =	vld [tilespmem:s29+$0xFFFFFFD0]  }
0x285: {  	v0 =	vadd.f32 v1, v0;
	v1 =	vmul.f32 v4, v5;
	v4 =	vld [tilespmem:s29+$0xE0]  }
0x286: {  	v5 =	vld [tilespmem:s29+$0xFFFFFFE0]  }
0x287: {  	v0 =	vadd.f32 v1, v0;
	v1 =	vmul.f32 v2, v6;
	v2 =	vld [tilespmem:s29+$0xF0]  }
0x288: {  	v6 =	vld [tilespmem:s29+$0xFFFFFFF0]  }
0x289: {  	v0 =	vadd.f32 v1, v0;
	v1 =	vmul.f32 v3, v7;
	_ =	sdelay $0x1  }
0x28a: {  	v0 =	vadd.f32 v1, v0;
	v1 =	vmul.f32 v4, v5;
	_ =	sdelay $0x1  }
0x28b: {  	v0 =	vadd.f32 v1, v0;
	v1 =	vmul.f32 v2, v6;
	_ =	sdelay $0x1  }
0x28c: {  	v0 =	vadd.f32 v1, v0;
	_ =	sdelay $0x1  }
0x28d: {  	v1 =	vand.u32 $0x7FFFFFFF, v0  }
0x28e: {  	v1 =	vsub.f32 $0.0e+00, v1;
	_ =	sdelay $0x1  }
0x28f: {  	v1 =	vmul.f32 $1.442695020e+00, v1;
	_ =	sdelay $0x1  }
0x290: {  	(erf) = vpow2.f32 v1;
	_ =	sdelay $0x8  }
0x291: {  	v1 =	vpop (erf)  }
0x292: {  	v2 =	vadd.f32 $1.000000000e+00, v1;
	_ =	sdelay $0x1  }
0x293: {  	(erf) = vrcp.f32 v2;
	_ =	sdelay $0x8  }
0x294: {  	v2 =	vpop (erf)  }
0x295: {  	v1 =	vmul.f32 v2, v1  }
.Ltmp4:
0x296: {  	vm0 =	vge.f32 v0, $0.0e+00;
	(pc) =	sbr.rel @p0 .LBB2_10-.Ltmp4, $4  }
0x297: {  	s1 =	sshra.s32 s28, $0x2;
	s28 =	smov.u32 s0;
	v0 =	vsel vm0, v2, v1  }
0x298: {  	s29 =	sadd.s32 $0x200, s29;
	[tilespmem:s1+$0x8400] =	vst v0  }
0x299: {  	v0 =	vld [tilespmem:s29+$0x0]  }
0x29a: {  	s0 =	sadd.s32 $0x40, s0;
	v1 =	vld [tilespmem:s29+$0xFFFFFF00]  }
0x29b: {  	v2 =	vld [tilespmem:s29+$0x10]  }
0x29c: {  	v3 =	vld [tilespmem:s29+$0xFFFFFF10]  }
0x29d: {  	v4 =	vld [tilespmem:s29+$0x20]  }
0x29e: {  	v5 =	vld [tilespmem:s29+$0xFFFFFF20]  }
0x29f: {  	v6 =	vld [tilespmem:s29+$0xFFFFFF30];
	v0 =	vmul.f32 v0, v1  }
0x2a0: {  	v1 =	vld [tilespmem:s29+$0x30]  }
0x2a1: {  	v7 =	vld [tilespmem:s29+$0xFFFFFF40];
	v2 =	vmul.f32 v2, v3;
	v0 =	vadd.f32 $0.0e+00, v0  }
0x2a2: {  	v3 =	vld [tilespmem:s29+$0x40]  }
0x2a3: {  	v49 =	vld [tilespmem:s29+$0x50];
	v0 =	vadd.f32 v2, v0;
	v2 =	vmul.f32 v4, v5  }
0x2a4: {  	v50 =	vld [tilespmem:s29+$0xFFFFFF50]  }
0x2a5: {  	v51 =	vld [tilespmem:s29+$0xFFFFFF60];
	v1 =	vmul.f32 v1, v6;
	v0 =	vadd.f32 v2, v0  }
0x2a6: {  	v2 =	vld [tilespmem:s29+$0x60]  }
0x2a7: {  	v52 =	vld [tilespmem:s29+$0xFFFFFF70];
	v0 =	vadd.f32 v1, v0;
	v1 =	vmul.f32 v3, v7  }
0x2a8: {  	v3 =	vld [tilespmem:s29+$0x70]  }
0x2a9: {  	v53 =	vld [tilespmem:s29+$0x80];
	v0 =	vadd.f32 v1, v0;
	v1 =	vmul.f32 v49, v50  }
0x2aa: {  	v54 =	vld [tilespmem:s29+$0xFFFFFF80]  }
0x2ab: {  	v55 =	vld [tilespmem:s29+$0xFFFFFF90];
	v0 =	vadd.f32 v1, v0;
	v1 =	vmul.f32 v2, v51  }
0x2ac: {  	v2 =	vld [tilespmem:s29+$0x90]  }
0x2ad: {  	v56 =	vld [tilespmem:s29+$0xFFFFFFA0];
	v0 =	vadd.f32 v1, v0;
	v1 =	vmul.f32 v3, v52  }
0x2ae: {  	v3 =	vld [tilespmem:s29+$0xA0]  }
0x2af: {  	v57 =	vld [tilespmem:s29+$0xB0];
	v0 =	vadd.f32 v1, v0;
	v1 =	vmul.f32 v53, v54  }
0x2b0: {  	v58 =	vld [tilespmem:s29+$0xFFFFFFB0]  }
0x2b1: {  	v59 =	vld [tilespmem:s29+$0xFFFFFFC0];
	v0 =	vadd.f32 v1, v0;
	v1 =	vmul.f32 v2, v55  }
0x2b2: {  	v2 =	vld [tilespmem:s29+$0xC0]  }
0x2b3: {  	v60 =	vld [tilespmem:s29+$0xFFFFFFD0];
	v0 =	vadd.f32 v1, v0;
	v1 =	vmul.f32 v3, v56  }
0x2b4: {  	v3 =	vld [tilespmem:s29+$0xD0]  }
0x2b5: {  	v61 =	vld [tilespmem:s29+$0xE0];
	v0 =	vadd.f32 v1, v0;
	v1 =	vmul.f32 v57, v58  }
0x2b6: {  	v62 =	vld [tilespmem:s29+$0xFFFFFFE0]  }
0x2b7: {  	v63 =	vld [tilespmem:s29+$0xFFFFFFF0];
	v0 =	vadd.f32 v1, v0;
	v1 =	vmul.f32 v2, v59  }
0x2b8: {  	v2 =	vld [tilespmem:s29+$0xF0]  }
0x2b9: {  	v0 =	vadd.f32 v1, v0;
	v1 =	vmul.f32 v3, v60;
	_ =	sdelay $0x1  }
0x2ba: {  	v0 =	vadd.f32 v1, v0;
	v1 =	vmul.f32 v61, v62;
	_ =	sdelay $0x1  }
0x2bb: {  	v0 =	vadd.f32 v1, v0;
	v1 =	vmul.f32 v2, v63;
	_ =	sdelay $0x1  }
0x2bc: {  	v0 =	vadd.f32 v1, v0;
	_ =	sdelay $0x1  }
0x2bd: {  	v1 =	vand.u32 $0x7FFFFFFF, v0  }
0x2be: {  	v1 =	vsub.f32 $0.0e+00, v1;
	_ =	sdelay $0x1  }
0x2bf: {  	v1 =	vmul.f32 $1.442695020e+00, v1;
	_ =	sdelay $0x1  }
0x2c0: {  	(erf) = vpow2.f32 v1;
	_ =	sdelay $0x8  }
0x2c1: {  	v1 =	vpop (erf)  }
0x2c2: {  	v2 =	vadd.f32 $1.000000000e+00, v1;
	_ =	sdelay $0x1  }
0x2c3: {  	(erf) = vrcp.f32 v2;
	_ =	sdelay $0x8  }
0x2c4: {  	v2 =	vpop (erf)  }
0x2c5: {  	v1 =	vmul.f32 v2, v1  }
0x2c6: {  	vm0 =	vge.f32 v0, $0.0e+00  }
0x2c7: {  	s0 =	sshra.s32 s28, $0x2;
	v0 =	vsel vm0, v2, v1  }
0x2c8: {  	[tilespmem:s0+$0x8400] =	vst v0  }
0x2c9: {  	_ =	swait.ge [sflag:s21], $0x1000  }
0x2ca: {  	[sflag:s21] =	ssyncset.done $0x0  }
0x2cb: {  	s29 =	simm.s32 $0x55F0;
	[sflag:s21] =	ssyncadd.s32 $0xFFFFF000  }
0x2cc: {  	v0 =	vld [tilespmem:s29+$0xFFFFFF10]  }
0x2cd: {  	s28 =	simm.s32 $0x0;
	s0 =	simm.s32 $0x40;
	v1 =	vld [tilespmem:s29+$0xFFFFFE10]  }
.LBB2_12:
0x2ce: {  	p0 =	sne.s32 s0, $0x1C0;
	v2 =	vld [tilespmem:s29+$0xFFFFFF20]  }
0x2cf: {  	v3 =	vld [tilespmem:s29+$0xFFFFFE20]  }
0x2d0: {  	v4 =	vld [tilespmem:s29+$0xFFFFFF30]  }
0x2d1: {  	v5 =	vld [tilespmem:s29+$0xFFFFFE30]  }
0x2d2: {  	v0 =	vmul.f32 v0, v1;
	v1 =	vld [tilespmem:s29+$0xFFFFFF40]  }
0x2d3: {  	v6 =	vld [tilespmem:s29+$0xFFFFFE40]  }
0x2d4: {  	v0 =	vadd.f32 $0.0e+00, v0;
	v2 =	vmul.f32 v2, v3;
	v3 =	vld [tilespmem:s29+$0xFFFFFF50]  }
0x2d5: {  	v7 =	vld [tilespmem:s29+$0xFFFFFE50]  }
0x2d6: {  	v0 =	vadd.f32 v2, v0;
	v2 =	vmul.f32 v4, v5;
	v4 =	vld [tilespmem:s29+$0xFFFFFF60]  }
0x2d7: {  	v5 =	vld [tilespmem:s29+$0xFFFFFE60]  }
0x2d8: {  	v0 =	vadd.f32 v2, v0;
	v1 =	vmul.f32 v1, v6;
	v2 =	vld [tilespmem:s29+$0xFFFFFF70]  }
0x2d9: {  	v6 =	vld [tilespmem:s29+$0xFFFFFE70]  }
0x2da: {  	v0 =	vadd.f32 v1, v0;
	v1 =	vmul.f32 v3, v7;
	v3 =	vld [tilespmem:s29+$0xFFFFFF80]  }
0x2db: {  	v7 =	vld [tilespmem:s29+$0xFFFFFE80]  }
0x2dc: {  	v0 =	vadd.f32 v1, v0;
	v1 =	vmul.f32 v4, v5;
	v4 =	vld [tilespmem:s29+$0xFFFFFF90]  }
0x2dd: {  	v5 =	vld [tilespmem:s29+$0xFFFFFE90]  }
0x2de: {  	v0 =	vadd.f32 v1, v0;
	v1 =	vmul.f32 v2, v6;
	v2 =	vld [tilespmem:s29+$0xFFFFFFA0]  }
0x2df: {  	v6 =	vld [tilespmem:s29+$0xFFFFFEA0]  }
0x2e0: {  	v0 =	vadd.f32 v1, v0;
	v1 =	vmul.f32 v3, v7;
	v3 =	vld [tilespmem:s29+$0xFFFFFFB0]  }
0x2e1: {  	v7 =	vld [tilespmem:s29+$0xFFFFFEB0]  }
0x2e2: {  	v0 =	vadd.f32 v1, v0;
	v1 =	vmul.f32 v4, v5;
	v4 =	vld [tilespmem:s29+$0xFFFFFFC0]  }
0x2e3: {  	v5 =	vld [tilespmem:s29+$0xFFFFFEC0]  }
0x2e4: {  	v0 =	vadd.f32 v1, v0;
	v1 =	vmul.f32 v2, v6;
	v2 =	vld [tilespmem:s29+$0xFFFFFFD0]  }
0x2e5: {  	v6 =	vld [tilespmem:s29+$0xFFFFFED0]  }
0x2e6: {  	v0 =	vadd.f32 v1, v0;
	v1 =	vmul.f32 v3, v7;
	v3 =	vld [tilespmem:s29+$0xFFFFFFE0]  }
0x2e7: {  	v7 =	vld [tilespmem:s29+$0xFFFFFEE0]  }
0x2e8: {  	v0 =	vadd.f32 v1, v0;
	v1 =	vmul.f32 v4, v5;
	v4 =	vld [tilespmem:s29+$0xFFFFFFF0]  }
0x2e9: {  	v5 =	vld [tilespmem:s29+$0xFFFFFEF0]  }
0x2ea: {  	v0 =	vadd.f32 v1, v0;
	v1 =	vmul.f32 v2, v6;
	v2 =	vld [tilespmem:s29+$0x0]  }
0x2eb: {  	v6 =	vld [tilespmem:s29+$0xFFFFFF00]  }
0x2ec: {  	v0 =	vadd.f32 v1, v0;
	v1 =	vmul.f32 v3, v7;
	_ =	sdelay $0x1  }
0x2ed: {  	v0 =	vadd.f32 v1, v0;
	v1 =	vmul.f32 v4, v5;
	_ =	sdelay $0x1  }
0x2ee: {  	v0 =	vadd.f32 v1, v0;
	v1 =	vmul.f32 v2, v6;
	_ =	sdelay $0x1  }
0x2ef: {  	v0 =	vadd.f32 v1, v0;
	_ =	sdelay $0x1  }
0x2f0: {  	v1 =	vand.u32 $0x7FFFFFFF, v0  }
0x2f1: {  	v1 =	vsub.f32 $0.0e+00, v1;
	_ =	sdelay $0x1  }
0x2f2: {  	v1 =	vmul.f32 $1.442695020e+00, v1;
	_ =	sdelay $0x1  }
0x2f3: {  	(erf) = vpow2.f32 v1;
	_ =	sdelay $0x8  }
0x2f4: {  	v1 =	vpop (erf)  }
0x2f5: {  	v2 =	vadd.f32 $1.000000000e+00, v1;
	_ =	sdelay $0x1  }
0x2f6: {  	(erf) = vrcp.f32 v2;
	_ =	sdelay $0x8  }
0x2f7: {  	v2 =	vpop (erf)  }
0x2f8: {  	v1 =	vmul.f32 v2, v1  }
.Ltmp5:
0x2f9: {  	vm0 =	vge.f32 v0, $0.0e+00;
	(pc) =	sbr.rel @p0 .LBB2_12-.Ltmp5, $4  }
0x2fa: {  	s1 =	sshra.s32 s28, $0x2;
	s28 =	smov.u32 s0;
	v0 =	vsel vm0, v2, v1  }
0x2fb: {  	s29 =	sadd.s32 $0x200, s29;
	[tilespmem:s1+$0x8480] =	vst v0  }
0x2fc: {  	v0 =	vld [tilespmem:s29+$0xFFFFFF10]  }
0x2fd: {  	s0 =	sadd.s32 $0x40, s0;
	v1 =	vld [tilespmem:s29+$0xFFFFFE10]  }
0x2fe: {  	v2 =	vld [tilespmem:s29+$0xFFFFFF20]  }
0x2ff: {  	v3 =	vld [tilespmem:s29+$0xFFFFFE20]  }
0x300: {  	v4 =	vld [tilespmem:s29+$0xFFFFFF30]  }
0x301: {  	v5 =	vld [tilespmem:s29+$0xFFFFFE30]  }
0x302: {  	v6 =	vld [tilespmem:s29+$0xFFFFFE40];
	v0 =	vmul.f32 v0, v1  }
0x303: {  	v1 =	vld [tilespmem:s29+$0xFFFFFF40]  }
0x304: {  	v7 =	vld [tilespmem:s29+$0xFFFFFE50];
	v2 =	vmul.f32 v2, v3;
	v0 =	vadd.f32 $0.0e+00, v0  }
0x305: {  	v3 =	vld [tilespmem:s29+$0xFFFFFF50]  }
0x306: {  	v49 =	vld [tilespmem:s29+$0xFFFFFF60];
	v0 =	vadd.f32 v2, v0;
	v2 =	vmul.f32 v4, v5  }
0x307: {  	v50 =	vld [tilespmem:s29+$0xFFFFFE60]  }
0x308: {  	v51 =	vld [tilespmem:s29+$0xFFFFFE70];
	v1 =	vmul.f32 v1, v6;
	v0 =	vadd.f32 v2, v0  }
0x309: {  	v2 =	vld [tilespmem:s29+$0xFFFFFF70]  }
0x30a: {  	v52 =	vld [tilespmem:s29+$0xFFFFFE80];
	v0 =	vadd.f32 v1, v0;
	v1 =	vmul.f32 v3, v7  }
0x30b: {  	v3 =	vld [tilespmem:s29+$0xFFFFFF80]  }
0x30c: {  	v53 =	vld [tilespmem:s29+$0xFFFFFF90];
	v0 =	vadd.f32 v1, v0;
	v1 =	vmul.f32 v49, v50  }
0x30d: {  	v54 =	vld [tilespmem:s29+$0xFFFFFE90]  }
0x30e: {  	v55 =	vld [tilespmem:s29+$0xFFFFFEA0];
	v0 =	vadd.f32 v1, v0;
	v1 =	vmul.f32 v2, v51  }
0x30f: {  	v2 =	vld [tilespmem:s29+$0xFFFFFFA0]  }
0x310: {  	v56 =	vld [tilespmem:s29+$0xFFFFFEB0];
	v0 =	vadd.f32 v1, v0;
	v1 =	vmul.f32 v3, v52  }
0x311: {  	v3 =	vld [tilespmem:s29+$0xFFFFFFB0]  }
0x312: {  	v57 =	vld [tilespmem:s29+$0xFFFFFFC0];
	v0 =	vadd.f32 v1, v0;
	v1 =	vmul.f32 v53, v54  }
0x313: {  	v58 =	vld [tilespmem:s29+$0xFFFFFEC0]  }
0x314: {  	v59 =	vld [tilespmem:s29+$0xFFFFFED0];
	v0 =	vadd.f32 v1, v0;
	v1 =	vmul.f32 v2, v55  }
0x315: {  	v2 =	vld [tilespmem:s29+$0xFFFFFFD0]  }
0x316: {  	v60 =	vld [tilespmem:s29+$0xFFFFFEE0];
	v0 =	vadd.f32 v1, v0;
	v1 =	vmul.f32 v3, v56  }
0x317: {  	v3 =	vld [tilespmem:s29+$0xFFFFFFE0]  }
0x318: {  	v61 =	vld [tilespmem:s29+$0xFFFFFFF0];
	v0 =	vadd.f32 v1, v0;
	v1 =	vmul.f32 v57, v58  }
0x319: {  	v62 =	vld [tilespmem:s29+$0xFFFFFEF0]  }
0x31a: {  	v63 =	vld [tilespmem:s29+$0xFFFFFF00];
	v0 =	vadd.f32 v1, v0;
	v1 =	vmul.f32 v2, v59  }
0x31b: {  	v2 =	vld [tilespmem:s29+$0x0]  }
0x31c: {  	v0 =	vadd.f32 v1, v0;
	v1 =	vmul.f32 v3, v60;
	_ =	sdelay $0x1  }
0x31d: {  	v0 =	vadd.f32 v1, v0;
	v1 =	vmul.f32 v61, v62;
	_ =	sdelay $0x1  }
0x31e: {  	v0 =	vadd.f32 v1, v0;
	v1 =	vmul.f32 v2, v63;
	_ =	sdelay $0x1  }
0x31f: {  	v0 =	vadd.f32 v1, v0;
	_ =	sdelay $0x1  }
0x320: {  	v1 =	vand.u32 $0x7FFFFFFF, v0  }
0x321: {  	v1 =	vsub.f32 $0.0e+00, v1;
	_ =	sdelay $0x1  }
0x322: {  	v1 =	vmul.f32 $1.442695020e+00, v1;
	_ =	sdelay $0x1  }
0x323: {  	(erf) = vpow2.f32 v1;
	_ =	sdelay $0x8  }
0x324: {  	v1 =	vpop (erf)  }
0x325: {  	v2 =	vadd.f32 $1.000000000e+00, v1;
	_ =	sdelay $0x1  }
0x326: {  	(erf) = vrcp.f32 v2;
	_ =	sdelay $0x8  }
0x327: {  	v2 =	vpop (erf)  }
0x328: {  	v1 =	vmul.f32 v2, v1  }
0x329: {  	vm0 =	vge.f32 v0, $0.0e+00  }
0x32a: {  	s0 =	sshra.s32 s28, $0x2;
	v0 =	vsel vm0, v2, v1  }
0x32b: {  	[tilespmem:s0+$0x8480] =	vst v0  }
0x32c: {  	_ =	swait.ge [sflag:s22], $0x1000  }
0x32d: {  	[sflag:s22] =	ssyncset.done $0x0  }
0x32e: {  	s29 =	simm.s32 $0x65F0;
	[sflag:s22] =	ssyncadd.s32 $0xFFFFF000  }
0x32f: {  	v0 =	vld [tilespmem:s29+$0xFFFFFF10]  }
0x330: {  	s28 =	simm.s32 $0x0;
	s0 =	simm.s32 $0x40;
	v1 =	vld [tilespmem:s29+$0xFFFFFE10]  }
.LBB2_14:
0x331: {  	p0 =	sne.s32 s0, $0x1C0;
	v2 =	vld [tilespmem:s29+$0xFFFFFF20]  }
0x332: {  	v3 =	vld [tilespmem:s29+$0xFFFFFE20]  }
0x333: {  	v4 =	vld [tilespmem:s29+$0xFFFFFF30]  }
0x334: {  	v5 =	vld [tilespmem:s29+$0xFFFFFE30]  }
0x335: {  	v0 =	vmul.f32 v0, v1;
	v1 =	vld [tilespmem:s29+$0xFFFFFF40]  }
0x336: {  	v6 =	vld [tilespmem:s29+$0xFFFFFE40]  }
0x337: {  	v0 =	vadd.f32 $0.0e+00, v0;
	v2 =	vmul.f32 v2, v3;
	v3 =	vld [tilespmem:s29+$0xFFFFFF50]  }
0x338: {  	v7 =	vld [tilespmem:s29+$0xFFFFFE50]  }
0x339: {  	v0 =	vadd.f32 v2, v0;
	v2 =	vmul.f32 v4, v5;
	v4 =	vld [tilespmem:s29+$0xFFFFFF60]  }
0x33a: {  	v5 =	vld [tilespmem:s29+$0xFFFFFE60]  }
0x33b: {  	v0 =	vadd.f32 v2, v0;
	v1 =	vmul.f32 v1, v6;
	v2 =	vld [tilespmem:s29+$0xFFFFFF70]  }
0x33c: {  	v6 =	vld [tilespmem:s29+$0xFFFFFE70]  }
0x33d: {  	v0 =	vadd.f32 v1, v0;
	v1 =	vmul.f32 v3, v7;
	v3 =	vld [tilespmem:s29+$0xFFFFFF80]  }
0x33e: {  	v7 =	vld [tilespmem:s29+$0xFFFFFE80]  }
0x33f: {  	v0 =	vadd.f32 v1, v0;
	v1 =	vmul.f32 v4, v5;
	v4 =	vld [tilespmem:s29+$0xFFFFFF90]  }
0x340: {  	v5 =	vld [tilespmem:s29+$0xFFFFFE90]  }
0x341: {  	v0 =	vadd.f32 v1, v0;
	v1 =	vmul.f32 v2, v6;
	v2 =	vld [tilespmem:s29+$0xFFFFFFA0]  }
0x342: {  	v6 =	vld [tilespmem:s29+$0xFFFFFEA0]  }
0x343: {  	v0 =	vadd.f32 v1, v0;
	v1 =	vmul.f32 v3, v7;
	v3 =	vld [tilespmem:s29+$0xFFFFFFB0]  }
0x344: {  	v7 =	vld [tilespmem:s29+$0xFFFFFEB0]  }
0x345: {  	v0 =	vadd.f32 v1, v0;
	v1 =	vmul.f32 v4, v5;
	v4 =	vld [tilespmem:s29+$0xFFFFFFC0]  }
0x346: {  	v5 =	vld [tilespmem:s29+$0xFFFFFEC0]  }
0x347: {  	v0 =	vadd.f32 v1, v0;
	v1 =	vmul.f32 v2, v6;
	v2 =	vld [tilespmem:s29+$0xFFFFFFD0]  }
0x348: {  	v6 =	vld [tilespmem:s29+$0xFFFFFED0]  }
0x349: {  	v0 =	vadd.f32 v1, v0;
	v1 =	vmul.f32 v3, v7;
	v3 =	vld [tilespmem:s29+$0xFFFFFFE0]  }
0x34a: {  	v7 =	vld [tilespmem:s29+$0xFFFFFEE0]  }
0x34b: {  	v0 =	vadd.f32 v1, v0;
	v1 =	vmul.f32 v4, v5;
	v4 =	vld [tilespmem:s29+$0xFFFFFFF0]  }
0x34c: {  	v5 =	vld [tilespmem:s29+$0xFFFFFEF0]  }
0x34d: {  	v0 =	vadd.f32 v1, v0;
	v1 =	vmul.f32 v2, v6;
	v2 =	vld [tilespmem:s29+$0x0]  }
0x34e: {  	v6 =	vld [tilespmem:s29+$0xFFFFFF00]  }
0x34f: {  	v0 =	vadd.f32 v1, v0;
	v1 =	vmul.f32 v3, v7;
	_ =	sdelay $0x1  }
0x350: {  	v0 =	vadd.f32 v1, v0;
	v1 =	vmul.f32 v4, v5;
	_ =	sdelay $0x1  }
0x351: {  	v0 =	vadd.f32 v1, v0;
	v1 =	vmul.f32 v2, v6;
	_ =	sdelay $0x1  }
0x352: {  	v0 =	vadd.f32 v1, v0;
	_ =	sdelay $0x1  }
0x353: {  	v1 =	vand.u32 $0x7FFFFFFF, v0  }
0x354: {  	v1 =	vsub.f32 $0.0e+00, v1;
	_ =	sdelay $0x1  }
0x355: {  	v1 =	vmul.f32 $1.442695020e+00, v1;
	_ =	sdelay $0x1  }
0x356: {  	(erf) = vpow2.f32 v1;
	_ =	sdelay $0x8  }
0x357: {  	v1 =	vpop (erf)  }
0x358: {  	v2 =	vadd.f32 $1.000000000e+00, v1;
	_ =	sdelay $0x1  }
0x359: {  	(erf) = vrcp.f32 v2;
	_ =	sdelay $0x8  }
0x35a: {  	v2 =	vpop (erf)  }
0x35b: {  	v1 =	vmul.f32 v2, v1  }
.Ltmp6:
0x35c: {  	vm0 =	vge.f32 v0, $0.0e+00;
	(pc) =	sbr.rel @p0 .LBB2_14-.Ltmp6, $4  }
0x35d: {  	s1 =	sshra.s32 s28, $0x2;
	s28 =	smov.u32 s0;
	v0 =	vsel vm0, v2, v1  }
0x35e: {  	s29 =	sadd.s32 $0x200, s29;
	[tilespmem:s1+$0x8500] =	vst v0  }
0x35f: {  	v0 =	vld [tilespmem:s29+$0xFFFFFF10]  }
0x360: {  	s0 =	sadd.s32 $0x40, s0;
	v1 =	vld [tilespmem:s29+$0xFFFFFE10]  }
0x361: {  	v2 =	vld [tilespmem:s29+$0xFFFFFF20]  }
0x362: {  	v3 =	vld [tilespmem:s29+$0xFFFFFE20]  }
0x363: {  	v4 =	vld [tilespmem:s29+$0xFFFFFF30]  }
0x364: {  	v5 =	vld [tilespmem:s29+$0xFFFFFE30]  }
0x365: {  	v6 =	vld [tilespmem:s29+$0xFFFFFE40];
	v0 =	vmul.f32 v0, v1  }
0x366: {  	v1 =	vld [tilespmem:s29+$0xFFFFFF40]  }
0x367: {  	v7 =	vld [tilespmem:s29+$0xFFFFFE50];
	v2 =	vmul.f32 v2, v3;
	v0 =	vadd.f32 $0.0e+00, v0  }
0x368: {  	v3 =	vld [tilespmem:s29+$0xFFFFFF50]  }
0x369: {  	v49 =	vld [tilespmem:s29+$0xFFFFFF60];
	v0 =	vadd.f32 v2, v0;
	v2 =	vmul.f32 v4, v5  }
0x36a: {  	v50 =	vld [tilespmem:s29+$0xFFFFFE60]  }
0x36b: {  	v51 =	vld [tilespmem:s29+$0xFFFFFE70];
	v1 =	vmul.f32 v1, v6;
	v0 =	vadd.f32 v2, v0  }
0x36c: {  	v2 =	vld [tilespmem:s29+$0xFFFFFF70]  }
0x36d: {  	v52 =	vld [tilespmem:s29+$0xFFFFFE80];
	v0 =	vadd.f32 v1, v0;
	v1 =	vmul.f32 v3, v7  }
0x36e: {  	v3 =	vld [tilespmem:s29+$0xFFFFFF80]  }
0x36f: {  	v53 =	vld [tilespmem:s29+$0xFFFFFF90];
	v0 =	vadd.f32 v1, v0;
	v1 =	vmul.f32 v49, v50  }
0x370: {  	v54 =	vld [tilespmem:s29+$0xFFFFFE90]  }
0x371: {  	v55 =	vld [tilespmem:s29+$0xFFFFFEA0];
	v0 =	vadd.f32 v1, v0;
	v1 =	vmul.f32 v2, v51  }
0x372: {  	v2 =	vld [tilespmem:s29+$0xFFFFFFA0]  }
0x373: {  	v56 =	vld [tilespmem:s29+$0xFFFFFEB0];
	v0 =	vadd.f32 v1, v0;
	v1 =	vmul.f32 v3, v52  }
0x374: {  	v3 =	vld [tilespmem:s29+$0xFFFFFFB0]  }
0x375: {  	v57 =	vld [tilespmem:s29+$0xFFFFFFC0];
	v0 =	vadd.f32 v1, v0;
	v1 =	vmul.f32 v53, v54  }
0x376: {  	v58 =	vld [tilespmem:s29+$0xFFFFFEC0]  }
0x377: {  	v59 =	vld [tilespmem:s29+$0xFFFFFED0];
	v0 =	vadd.f32 v1, v0;
	v1 =	vmul.f32 v2, v55  }
0x378: {  	v2 =	vld [tilespmem:s29+$0xFFFFFFD0]  }
0x379: {  	v60 =	vld [tilespmem:s29+$0xFFFFFEE0];
	v0 =	vadd.f32 v1, v0;
	v1 =	vmul.f32 v3, v56  }
0x37a: {  	v3 =	vld [tilespmem:s29+$0xFFFFFFE0]  }
0x37b: {  	v61 =	vld [tilespmem:s29+$0xFFFFFFF0];
	v0 =	vadd.f32 v1, v0;
	v1 =	vmul.f32 v57, v58  }
0x37c: {  	v62 =	vld [tilespmem:s29+$0xFFFFFEF0]  }
0x37d: {  	v63 =	vld [tilespmem:s29+$0xFFFFFF00];
	v0 =	vadd.f32 v1, v0;
	v1 =	vmul.f32 v2, v59  }
0x37e: {  	v2 =	vld [tilespmem:s29+$0x0]  }
0x37f: {  	v0 =	vadd.f32 v1, v0;
	v1 =	vmul.f32 v3, v60;
	_ =	sdelay $0x1  }
0x380: {  	v0 =	vadd.f32 v1, v0;
	v1 =	vmul.f32 v61, v62;
	_ =	sdelay $0x1  }
0x381: {  	v0 =	vadd.f32 v1, v0;
	v1 =	vmul.f32 v2, v63;
	_ =	sdelay $0x1  }
0x382: {  	v0 =	vadd.f32 v1, v0;
	_ =	sdelay $0x1  }
0x383: {  	v1 =	vand.u32 $0x7FFFFFFF, v0  }
0x384: {  	v1 =	vsub.f32 $0.0e+00, v1;
	_ =	sdelay $0x1  }
0x385: {  	v1 =	vmul.f32 $1.442695020e+00, v1;
	_ =	sdelay $0x1  }
0x386: {  	(erf) = vpow2.f32 v1;
	_ =	sdelay $0x8  }
0x387: {  	v1 =	vpop (erf)  }
0x388: {  	v2 =	vadd.f32 $1.000000000e+00, v1;
	_ =	sdelay $0x1  }
0x389: {  	(erf) = vrcp.f32 v2;
	_ =	sdelay $0x8  }
0x38a: {  	v2 =	vpop (erf)  }
0x38b: {  	v1 =	vmul.f32 v2, v1  }
0x38c: {  	vm0 =	vge.f32 v0, $0.0e+00  }
0x38d: {  	s0 =	sshra.s32 s28, $0x2;
	v0 =	vsel vm0, v2, v1  }
0x38e: {  	[tilespmem:s0+$0x8500] =	vst v0  }
0x38f: {  	_ =	swait.ge [sflag:s23], $0x1000  }
0x390: {  	[sflag:s23] =	ssyncset.done $0x0  }
0x391: {  	s29 =	simm.s32 $0x75F0;
	[sflag:s23] =	ssyncadd.s32 $0xFFFFF000  }
0x392: {  	v0 =	vld [tilespmem:s29+$0xFFFFFF10]  }
0x393: {  	s28 =	simm.s32 $0x0;
	s0 =	simm.s32 $0x40;
	v1 =	vld [tilespmem:s29+$0xFFFFFE10]  }
.LBB2_16:
0x394: {  	p0 =	sne.s32 s0, $0x1C0;
	v2 =	vld [tilespmem:s29+$0xFFFFFF20]  }
0x395: {  	v3 =	vld [tilespmem:s29+$0xFFFFFE20]  }
0x396: {  	v4 =	vld [tilespmem:s29+$0xFFFFFF30]  }
0x397: {  	v5 =	vld [tilespmem:s29+$0xFFFFFE30]  }
0x398: {  	v0 =	vmul.f32 v0, v1;
	v1 =	vld [tilespmem:s29+$0xFFFFFF40]  }
0x399: {  	v6 =	vld [tilespmem:s29+$0xFFFFFE40]  }
0x39a: {  	v0 =	vadd.f32 $0.0e+00, v0;
	v2 =	vmul.f32 v2, v3;
	v3 =	vld [tilespmem:s29+$0xFFFFFF50]  }
0x39b: {  	v7 =	vld [tilespmem:s29+$0xFFFFFE50]  }
0x39c: {  	v0 =	vadd.f32 v2, v0;
	v2 =	vmul.f32 v4, v5;
	v4 =	vld [tilespmem:s29+$0xFFFFFF60]  }
0x39d: {  	v5 =	vld [tilespmem:s29+$0xFFFFFE60]  }
0x39e: {  	v0 =	vadd.f32 v2, v0;
	v1 =	vmul.f32 v1, v6;
	v2 =	vld [tilespmem:s29+$0xFFFFFF70]  }
0x39f: {  	v6 =	vld [tilespmem:s29+$0xFFFFFE70]  }
0x3a0: {  	v0 =	vadd.f32 v1, v0;
	v1 =	vmul.f32 v3, v7;
	v3 =	vld [tilespmem:s29+$0xFFFFFF80]  }
0x3a1: {  	v7 =	vld [tilespmem:s29+$0xFFFFFE80]  }
0x3a2: {  	v0 =	vadd.f32 v1, v0;
	v1 =	vmul.f32 v4, v5;
	v4 =	vld [tilespmem:s29+$0xFFFFFF90]  }
0x3a3: {  	v5 =	vld [tilespmem:s29+$0xFFFFFE90]  }
0x3a4: {  	v0 =	vadd.f32 v1, v0;
	v1 =	vmul.f32 v2, v6;
	v2 =	vld [tilespmem:s29+$0xFFFFFFA0]  }
0x3a5: {  	v6 =	vld [tilespmem:s29+$0xFFFFFEA0]  }
0x3a6: {  	v0 =	vadd.f32 v1, v0;
	v1 =	vmul.f32 v3, v7;
	v3 =	vld [tilespmem:s29+$0xFFFFFFB0]  }
0x3a7: {  	v7 =	vld [tilespmem:s29+$0xFFFFFEB0]  }
0x3a8: {  	v0 =	vadd.f32 v1, v0;
	v1 =	vmul.f32 v4, v5;
	v4 =	vld [tilespmem:s29+$0xFFFFFFC0]  }
0x3a9: {  	v5 =	vld [tilespmem:s29+$0xFFFFFEC0]  }
0x3aa: {  	v0 =	vadd.f32 v1, v0;
	v1 =	vmul.f32 v2, v6;
	v2 =	vld [tilespmem:s29+$0xFFFFFFD0]  }
0x3ab: {  	v6 =	vld [tilespmem:s29+$0xFFFFFED0]  }
0x3ac: {  	v0 =	vadd.f32 v1, v0;
	v1 =	vmul.f32 v3, v7;
	v3 =	vld [tilespmem:s29+$0xFFFFFFE0]  }
0x3ad: {  	v7 =	vld [tilespmem:s29+$0xFFFFFEE0]  }
0x3ae: {  	v0 =	vadd.f32 v1, v0;
	v1 =	vmul.f32 v4, v5;
	v4 =	vld [tilespmem:s29+$0xFFFFFFF0]  }
0x3af: {  	v5 =	vld [tilespmem:s29+$0xFFFFFEF0]  }
0x3b0: {  	v0 =	vadd.f32 v1, v0;
	v1 =	vmul.f32 v2, v6;
	v2 =	vld [tilespmem:s29+$0x0]  }
0x3b1: {  	v6 =	vld [tilespmem:s29+$0xFFFFFF00]  }
0x3b2: {  	v0 =	vadd.f32 v1, v0;
	v1 =	vmul.f32 v3, v7;
	_ =	sdelay $0x1  }
0x3b3: {  	v0 =	vadd.f32 v1, v0;
	v1 =	vmul.f32 v4, v5;
	_ =	sdelay $0x1  }
0x3b4: {  	v0 =	vadd.f32 v1, v0;
	v1 =	vmul.f32 v2, v6;
	_ =	sdelay $0x1  }
0x3b5: {  	v0 =	vadd.f32 v1, v0;
	_ =	sdelay $0x1  }
0x3b6: {  	v1 =	vand.u32 $0x7FFFFFFF, v0  }
0x3b7: {  	v1 =	vsub.f32 $0.0e+00, v1;
	_ =	sdelay $0x1  }
0x3b8: {  	v1 =	vmul.f32 $1.442695020e+00, v1;
	_ =	sdelay $0x1  }
0x3b9: {  	(erf) = vpow2.f32 v1;
	_ =	sdelay $0x8  }
0x3ba: {  	v1 =	vpop (erf)  }
0x3bb: {  	v2 =	vadd.f32 $1.000000000e+00, v1;
	_ =	sdelay $0x1  }
0x3bc: {  	(erf) = vrcp.f32 v2;
	_ =	sdelay $0x8  }
0x3bd: {  	v2 =	vpop (erf)  }
0x3be: {  	v1 =	vmul.f32 v2, v1  }
.Ltmp7:
0x3bf: {  	vm0 =	vge.f32 v0, $0.0e+00;
	(pc) =	sbr.rel @p0 .LBB2_16-.Ltmp7, $4  }
0x3c0: {  	s1 =	sshra.s32 s28, $0x2;
	s28 =	smov.u32 s0;
	v0 =	vsel vm0, v2, v1  }
0x3c1: {  	s29 =	sadd.s32 $0x200, s29;
	[tilespmem:s1+$0x8580] =	vst v0  }
0x3c2: {  	v0 =	vld [tilespmem:s29+$0xFFFFFF10]  }
0x3c3: {  	s0 =	sadd.s32 $0x40, s0;
	v1 =	vld [tilespmem:s29+$0xFFFFFE10]  }
0x3c4: {  	v2 =	vld [tilespmem:s29+$0xFFFFFF20]  }
0x3c5: {  	v3 =	vld [tilespmem:s29+$0xFFFFFE20]  }
0x3c6: {  	v4 =	vld [tilespmem:s29+$0xFFFFFF30]  }
0x3c7: {  	v5 =	vld [tilespmem:s29+$0xFFFFFE30]  }
0x3c8: {  	v26 =	vld [tilespmem:s29+$0xFFFFFF40];
	v0 =	vmul.f32 v0, v1  }
0x3c9: {  	v6 =	vld [tilespmem:s29+$0xFFFFFE40]  }
0x3ca: {  	v27 =	vld [tilespmem:s29+$0xFFFFFF50];
	v2 =	vmul.f32 v2, v3;
	v0 =	vadd.f32 $0.0e+00, v0  }
0x3cb: {  	v7 =	vld [tilespmem:s29+$0xFFFFFE50]  }
0x3cc: {  	v29 =	vld [tilespmem:s29+$0xFFFFFF60];
	v28 =	vmul.f32 v4, v5;
	v0 =	vadd.f32 v2, v0  }
0x3cd: {  	v30 =	vld [tilespmem:s29+$0xFFFFFE60]  }
0x3ce: {  	v31 =	vld [tilespmem:s29+$0xFFFFFF70];
	v1 =	vmul.f32 v26, v6;
	v0 =	vadd.f32 v28, v0  }
0x3cf: {  	v32 =	vld [tilespmem:s29+$0xFFFFFE70]  }
0x3d0: {  	v34 =	vld [tilespmem:s29+$0xFFFFFF80];
	v33 =	vmul.f32 v27, v7;
	v0 =	vadd.f32 v1, v0  }
0x3d1: {  	v35 =	vld [tilespmem:s29+$0xFFFFFE80]  }
0x3d2: {  	v37 =	vld [tilespmem:s29+$0xFFFFFF90];
	v36 =	vmul.f32 v29, v30;
	v0 =	vadd.f32 v33, v0  }
0x3d3: {  	v38 =	vld [tilespmem:s29+$0xFFFFFE90]  }
0x3d4: {  	v40 =	vld [tilespmem:s29+$0xFFFFFFA0];
	v39 =	vmul.f32 v31, v32;
	v0 =	vadd.f32 v36, v0  }
0x3d5: {  	v41 =	vld [tilespmem:s29+$0xFFFFFEA0]  }
0x3d6: {  	v43 =	vld [tilespmem:s29+$0xFFFFFFB0];
	v42 =	vmul.f32 v34, v35;
	v0 =	vadd.f32 v39, v0  }
0x3d7: {  	v44 =	vld [tilespmem:s29+$0xFFFFFEB0]  }
0x3d8: {  	v46 =	vld [tilespmem:s29+$0xFFFFFFC0];
	v45 =	vmul.f32 v37, v38;
	v0 =	vadd.f32 v42, v0  }
0x3d9: {  	v47 =	vld [tilespmem:s29+$0xFFFFFEC0]  }
0x3da: {  	v49 =	vld [tilespmem:s29+$0xFFFFFFD0];
	v48 =	vmul.f32 v40, v41;
	v0 =	vadd.f32 v45, v0  }
0x3db: {  	v50 =	vld [tilespmem:s29+$0xFFFFFED0]  }
0x3dc: {  	v52 =	vld [tilespmem:s29+$0xFFFFFFE0];
	v51 =	vmul.f32 v43, v44;
	v0 =	vadd.f32 v48, v0  }
0x3dd: {  	v53 =	vld [tilespmem:s29+$0xFFFFFEE0]  }
0x3de: {  	v55 =	vld [tilespmem:s29+$0xFFFFFFF0];
	v54 =	vmul.f32 v46, v47;
	v0 =	vadd.f32 v51, v0  }
0x3df: {  	v56 =	vld [tilespmem:s29+$0xFFFFFEF0]  }
0x3e0: {  	v58 =	vld [tilespmem:s29+$0x0];
	v57 =	vmul.f32 v49, v50;
	v0 =	vadd.f32 v54, v0  }
0x3e1: {  	v59 =	vld [tilespmem:s29+$0xFFFFFF00]  }
0x3e2: {  	v60 =	vmul.f32 v52, v53;
	v0 =	vadd.f32 v57, v0;
	_ =	sdelay $0x1  }
0x3e3: {  	v61 =	vmul.f32 v55, v56;
	v0 =	vadd.f32 v60, v0;
	_ =	sdelay $0x1  }
0x3e4: {  	v62 =	vmul.f32 v58, v59;
	v0 =	vadd.f32 v61, v0;
	_ =	sdelay $0x1  }
0x3e5: {  	v0 =	vadd.f32 v62, v0;
	_ =	sdelay $0x1  }
0x3e6: {  	v1 =	vand.u32 $0x7FFFFFFF, v0  }
0x3e7: {  	v1 =	vsub.f32 $0.0e+00, v1;
	_ =	sdelay $0x1  }
0x3e8: {  	v1 =	vmul.f32 $1.442695020e+00, v1;
	_ =	sdelay $0x1  }
0x3e9: {  	(erf) = vpow2.f32 v1;
	_ =	sdelay $0x8  }
0x3ea: {  	v1 =	vpop (erf)  }
0x3eb: {  	v63 =	vadd.f32 $1.000000000e+00, v1;
	_ =	sdelay $0x1  }
0x3ec: {  	(erf) = vrcp.f32 v63;
	_ =	sdelay $0x8  }
0x3ed: {  	v2 =	vpop (erf)  }
0x3ee: {  	v1 =	vmul.f32 v2, v1  }
0x3ef: {  	s26 =	sadd.s32 $0x1, s26;
	vm0 =	vge.f32 v0, $0.0e+00  }
0x3f0: {  	s0 =	sshra.s32 s28, $0x2;
	p0 =	sne.s32 s26, s13;
	v0 =	vsel vm0, v2, v1  }
.Ltmp8:
0x3f1: {  	s31 =	simm.s32 $0x8400;
	[tilespmem:s0+$0x8580] =	vst v0;
	(pc) =	sbr.rel @p0 .LBB2_1-.Ltmp8, $4  }
0x3f2: {  	[hbm4b:s12+s3] =	stream.linear.scatter [tilespmem:s31], [sflag:$0x5], $0x200, $0x38;
	[tilespmem:$0x8600] =	vst v63  }
0x3f3: {  	_ =	swait.ge [sflag:s25], $0x200  }
0x3f4: {  	[sflag:s25] =	ssyncset.done $0x0  }
0x3f5: {  	[sflag:s25] =	ssyncadd.s32 $0xFFFFFE00  }
0x3f6: {  	_ =	sfence.sel $0x180000  }
0x3f7: {  	[bflag:$0x0] =	sbarrier.arrive $0xFFFF  }
0x3f8: {  	_ =	strace $0x90000047  }
0x3f9: {  	s0 =	stileid.u32;
	[bflag:$0x2] =	sbarrier.arrive $0xFFFF  }
0x3fa: {  	p0 =	sne.s32 s0, $0x0;
	s0 =	rddreg [dreg:$0x3]  }
0x3fb: {  	s0 =	sadd.s32 @!p0 $0x100000, s0  }
0x3fc: {  	[sflag:s0] =	ssyncadd.tile.s32 @!p0 $0x1;
	_ =	shalt  }
.Lfunc_end2:
_tile_overlayer_lowered:
.L_overlay_start_2:
0x3fd: {  	(tag) =	ssettag $0x2  }
0x3fe: {  	s0 =	rddreg [dreg:$0x0];
	s2 =	stileid.u32  }
0x3ff: {  	s1 =	rddreg [dreg:$0x1];
	p0 =	sne.s32 s2, $0x0  }
0x400: {  	s3 =	rddreg [dreg:$0x2];
	[bflag:$0x3] =	sbarrier.arrive $0xFFFF;
	s2 =	simm.s32 @!p0 $0x1C05  }
0x401: {  	[timem:s3], [sflag:s2] =	dma.local @!p0 [hbm:s0], s1  }
0x402: {  	s0 =	simm.s32 @!p0 $0x5  }
0x403: {  	_ =	swait.ge @!p0 [sflag:s0], s1  }
0x404: {  	s1 =	ssub.s32 @!p0 $0x0, s1;
	[sflag:s0] =	ssyncset.done @!p0 $0x0  }
0x405: {  	[sflag:s0] =	ssyncadd.s32 @!p0 s1  }
0x406: {  	[bflag:$0x3] =	sbarrier.arrive $0xFFFF  }
0x407: {  	_ =	shalt  }

</sc_bundles>
